<compile_context>
chip_gen: v7x
topology: tpu7x:2x2x1
jax: 0.10.2.dev20260603
libtpu: 0.0.44.dev20260713+nightly
codegen_flags: <defaults>
</compile_context>

<pallas_src>
import jax
import jax.numpy as jnp
from jax import lax
from jax.experimental import pallas as pl
from jax.experimental.pallas import tpu as pltpu
from jax.experimental.pallas import tpu_sc as plsc

B, NV, NF, E = 2, 25000, 50000, 150000
DIM = 128
DCE = 64
NDC = 128

BN = B * NV
BNp = 50176
NFACE = B * NF
NP = 102400
VBLK = 512
NW = 32


def _k0_body(ce_ref, w_ref, t_ref):
    t_ref[0] = jax.lax.dot_general(
        ce_ref[...], w_ref[0], (((1,), (1,)), ((), ())),
        preferred_element_type=jnp.float32)


def _fuse_tables(coor_embed, W_in):
    w9 = W_in.reshape(DIM, 9, DCE).transpose(1, 0, 2)
    return pl.pallas_call(
        _k0_body,
        grid=(9,),
        in_specs=[
            pl.BlockSpec((NDC, DCE), lambda i: (0, 0)),
            pl.BlockSpec((1, DIM, DCE), lambda i: (i, 0, 0)),
        ],
        out_specs=pl.BlockSpec((1, NDC, DIM), lambda i: (i, 0, 0)),
        out_shape=jax.ShapeDtypeStruct((9, NDC, DIM), jnp.float32),
    )(coor_embed, w9)


def _k1_body(c0_ref, c1_ref, c2_ref, t_ref, u_ref):
    acc = jnp.zeros((VBLK, DIM), jnp.float32)
    for c, cref in enumerate((c0_ref, c1_ref, c2_ref)):
        code = cref[0, 0, :]
        onehot_t = (lax.broadcasted_iota(jnp.int32, (NDC, VBLK), 0)
                    == code[None, :]).astype(jnp.float32)
        acc = acc + jax.lax.dot_general(
            onehot_t, t_ref[c], (((0,), (0,)), ((), ())),
            preferred_element_type=jnp.float32)
    u_ref[0] = acc


def _vertex_embed(codes, tables):
    nblk = BNp // VBLK
    return pl.pallas_call(
        _k1_body,
        grid=(3, nblk),
        in_specs=[
            pl.BlockSpec((1, 1, VBLK), lambda s, i: (i, 0, 0)),
            pl.BlockSpec((1, 1, VBLK), lambda s, i: (i, 0, 0)),
            pl.BlockSpec((1, 1, VBLK), lambda s, i: (i, 0, 0)),
            pl.BlockSpec((3, NDC, DIM), lambda s, i: (s, 0, 0)),
        ],
        out_specs=pl.BlockSpec((1, VBLK, DIM), lambda s, i: (s, i, 0)),
        out_shape=jax.ShapeDtypeStruct((3, BNp, DIM), jnp.float32),
    )(codes[0], codes[1], codes[2], tables)


FB = 128
FCHUNK = NP // NW
NB2 = FCHUNK // FB


def _k2_body(u_hbm, f0_hbm, f1_hbm, f2_hbm, bias_hbm, x_hbm,
             f0_v, f1_v, f2_v, b0, b1, b2, outb, bias_v,
             sem0, sem1, sem2):
    wid = lax.axis_index("s") * 2 + lax.axis_index("c")
    base = wid * FCHUNK
    pltpu.sync_copy(f0_hbm.at[pl.ds(base, FCHUNK)], f0_v)
    pltpu.sync_copy(f1_hbm.at[pl.ds(base, FCHUNK)], f1_v)
    pltpu.sync_copy(f2_hbm.at[pl.ds(base, FCHUNK)], f2_v)
    pltpu.sync_copy(bias_hbm, bias_v)

    def batch(j, carry):
        off = j * FB
        cp0 = pltpu.async_copy(u_hbm.at[f0_v.at[pl.ds(off, FB)]], b0, sem0)
        cp1 = pltpu.async_copy(u_hbm.at[f1_v.at[pl.ds(off, FB)]], b1, sem1)
        cp2 = pltpu.async_copy(u_hbm.at[f2_v.at[pl.ds(off, FB)]], b2, sem2)
        cp0.wait()
        cp1.wait()
        cp2.wait()

        def row(r, carry2):
            for k in range(DIM // 16):
                sl = pl.ds(k * 16, 16)
                outb[r, sl] = (b0[r, sl] + b1[r, sl] + b2[r, sl]
                               + bias_v[sl])
            return carry2
        lax.fori_loop(0, FB, row, 0)
        pltpu.sync_copy(outb, x_hbm.at[pl.ds(base + off, FB)])
        return carry
    lax.fori_loop(0, NB2, batch, 0)


def _face_assemble(u_flat, fidx, b_in):
    mesh = plsc.VectorSubcoreMesh(core_axis_name="c", subcore_axis_name="s")
    kf = pl.kernel(
        _k2_body,
        out_type=jax.ShapeDtypeStruct((NP, DIM), jnp.float32),
        mesh=mesh,
        scratch_types=[
            pltpu.VMEM((FCHUNK,), jnp.int32),
            pltpu.VMEM((FCHUNK,), jnp.int32),
            pltpu.VMEM((FCHUNK,), jnp.int32),
            pltpu.VMEM((FB, DIM), jnp.float32),
            pltpu.VMEM((FB, DIM), jnp.float32),
            pltpu.VMEM((FB, DIM), jnp.float32),
            pltpu.VMEM((FB, DIM), jnp.float32),
            pltpu.VMEM((DIM,), jnp.float32),
            pltpu.SemaphoreType.DMA,
            pltpu.SemaphoreType.DMA,
            pltpu.SemaphoreType.DMA,
        ],
    )
    return kf(u_flat, fidx[0], fidx[1], fidx[2], b_in)


EP = 300032
SEG = 4688
NSEGF = EP // SEG
NVREG = SEG // 16
EB = 64
TRANGE = NP // NW
PBUCK = 10
BUCK = TRANGE // PBUCK
ACCR = BUCK + 8
CMPTRASH = SEG + EB
LCAP = EP + SEG + 16


def _k3a_body(src_hbm, dst_hbm, lsrc_hbm, ldst_hbm, lens_hbm,
              seg_src, seg_dst, cmp_src, cmp_dst, cur_v, sem):
    wid = lax.axis_index("s") * 2 + lax.axis_index("c")
    lo = wid * TRANGE

    def seg_body(g, cur):
        pltpu.sync_copy(src_hbm.at[pl.ds(pl.multiple_of(g * SEG, 16), SEG)], seg_src)
        pltpu.sync_copy(dst_hbm.at[pl.ds(pl.multiple_of(g * SEG, 16), SEG)], seg_dst)

        def cvreg(v, cnt_v):
            d = seg_dst[pl.ds(v * 16, 16)]
            s = seg_src[pl.ds(v * 16, 16)]
            m = (d >= lo) & (d < lo + TRANGE)
            pc = plsc.cumsum(m.astype(jnp.int32))
            pos = jnp.where(m, cnt_v + pc - 1, CMPTRASH)
            plsc.store_scatter(cmp_src, [pos], s)
            plsc.store_scatter(cmp_dst, [pos], d)
            return cnt_v + plsc.all_reduce_population_count(m)
        cnt_v = lax.fori_loop(0, NVREG, cvreg, jnp.zeros((16,), jnp.int32))
        cur_v[pl.ds(0, 16)] = cnt_v
        cnt_c = cur_v[pl.ds(0, 16)][0]
        cnt16 = ((cnt_c + 15) // 16) * 16

        def pad16(j, c):
            cmp_src[pl.ds(cnt16 + j * 16, 16)] = jnp.zeros((16,), jnp.int32)
            cmp_dst[pl.ds(cnt16 + j * 16, 16)] = jnp.full((16,), NP,
                                                          jnp.int32)
            return c
        lax.fori_loop(0, (SEG - cnt16) // 16 + 1, pad16, 0)
        cmp_dst[pl.ds(cnt_c, 16)] = jnp.full((16,), NP, jnp.int32)

        pltpu.sync_copy(cmp_src.at[pl.ds(0, SEG)],
                        lsrc_hbm.at[pl.ds(pl.multiple_of(wid * LCAP + cur, 16), SEG)])
        pltpu.sync_copy(cmp_dst.at[pl.ds(0, SEG)],
                        ldst_hbm.at[pl.ds(pl.multiple_of(wid * LCAP + cur, 16), SEG)])
        return cur + cnt16
    cur = lax.fori_loop(0, NSEGF, seg_body, jnp.int32(0))

    def inert(v, c):
        cmp_dst[pl.ds(v * 16, 16)] = jnp.full((16,), NP, jnp.int32)
        return c
    lax.fori_loop(0, NVREG, inert, 0)
    pltpu.sync_copy(cmp_dst.at[pl.ds(0, SEG)],
                    ldst_hbm.at[pl.ds(pl.multiple_of(wid * LCAP + cur, 16), SEG)])
    cur_v[pl.ds(0, 16)] = jnp.zeros((16,), jnp.int32) + cur
    pltpu.sync_copy(cur_v, lens_hbm.at[pl.ds(pl.multiple_of(wid * 16, 16), 16)])


def _partition(src, dst):
    mesh = plsc.VectorSubcoreMesh(core_axis_name="c", subcore_axis_name="s")
    kf = pl.kernel(
        _k3a_body,
        out_type=(jax.ShapeDtypeStruct((NW * LCAP,), jnp.int32),
                  jax.ShapeDtypeStruct((NW * LCAP,), jnp.int32),
                  jax.ShapeDtypeStruct((NW * 16,), jnp.int32)),
        mesh=mesh,
        scratch_types=[
            pltpu.VMEM((SEG,), jnp.int32),
            pltpu.VMEM((SEG,), jnp.int32),
            pltpu.VMEM((SEG + EB + 32,), jnp.int32),
            pltpu.VMEM((SEG + EB + 32,), jnp.int32),
            pltpu.VMEM((16,), jnp.int32),
            pltpu.SemaphoreType.DMA,
        ],
        compiler_params=pltpu.CompilerParams(needs_layout_passes=False),
    )
    return kf(src, dst)


def _k3b_body(h_hbm, lsrc_hbm, ldst_hbm, lens_hbm, agg_hbm, cnt_hbm,
              seg_src, seg_dst, cmp_src, cmp_off, rows_v, len_v, acc,
              acc_cnt, sem):
    wid = lax.axis_index("s") * 2 + lax.axis_index("c")
    base = wid * LCAP
    pltpu.sync_copy(lens_hbm.at[pl.ds(pl.multiple_of(wid * 16, 16), 16)], len_v)
    mylen = len_v[pl.ds(0, 16)][0]
    nseg = (mylen + SEG - 1) // SEG

    def bucket(p, c0):
        lo = wid * TRANGE + p * BUCK

        def zacc(i, c):
            for k in range(DIM // 16):
                acc[i, pl.ds(k * 16, 16)] = jnp.zeros((16,), jnp.float32)
            acc_cnt[i, :] = jnp.zeros((16,), jnp.float32)
            return c
        lax.fori_loop(0, ACCR, zacc, 0)

        def seg_body(g, c1):
            pltpu.sync_copy(lsrc_hbm.at[pl.ds(pl.multiple_of(base + g * SEG, 16), SEG)], seg_src)
            pltpu.sync_copy(ldst_hbm.at[pl.ds(pl.multiple_of(base + g * SEG, 16), SEG)], seg_dst)

            def cvreg(v, cnt_v):
                d = seg_dst[pl.ds(v * 16, 16)]
                s = seg_src[pl.ds(v * 16, 16)]
                m = (d >= lo) & (d < lo + BUCK)
                pc = plsc.cumsum(m.astype(jnp.int32))
                pos = jnp.where(m, cnt_v + pc - 1, CMPTRASH)
                plsc.store_scatter(cmp_src, [pos], s)
                plsc.store_scatter(cmp_off, [pos], d - lo)
                return cnt_v + plsc.all_reduce_population_count(m)
            cnt_v = lax.fori_loop(0, NVREG, cvreg,
                                  jnp.zeros((16,), jnp.int32))
            cmp_off[pl.ds(SEG + EB, 16)] = cnt_v
            cnt_c = cmp_off[pl.ds(SEG + EB, 16)][0]

            for j in range(EB // 16):
                cmp_src[pl.ds(cnt_c + j * 16, 16)] = jnp.zeros((16,),
                                                               jnp.int32)
                cmp_off[pl.ds(cnt_c + j * 16, 16)] = jnp.full((16,), BUCK,
                                                              jnp.int32)
            nb = (cnt_c + EB - 1) // EB

            def batch(j, c):
                o = j * EB
                pltpu.async_copy(h_hbm.at[cmp_src.at[pl.ds(o, EB)]], rows_v,
                                 sem).wait()

                def edge(r, c2):
                    off = cmp_off[pl.ds(o + r, 16)][0]
                    for k in range(DIM // 16):
                        sl = pl.ds(k * 16, 16)
                        acc[off, sl] = acc[off, sl] + rows_v[r, sl]
                    acc_cnt[off, :] = (acc_cnt[off, :]
                                       + jnp.full((16,), 1.0, jnp.float32))
                    return c2
                lax.fori_loop(0, EB, edge, 0)
                return c
            lax.fori_loop(0, nb, batch, 0)
            return c1
        lax.fori_loop(0, nseg, seg_body, 0)

        pltpu.sync_copy(acc.at[pl.ds(0, BUCK)], agg_hbm.at[pl.ds(lo, BUCK)])
        pltpu.sync_copy(acc_cnt.at[pl.ds(0, BUCK)],
                        cnt_hbm.at[pl.ds(lo, BUCK)])
        return c0
    lax.fori_loop(0, PBUCK, bucket, 0)


def _segment_sum(h, lsrc, ldst, lens):
    mesh = plsc.VectorSubcoreMesh(core_axis_name="c", subcore_axis_name="s")
    kf = pl.kernel(
        _k3b_body,
        out_type=(jax.ShapeDtypeStruct((NP, DIM), jnp.float32),
                  jax.ShapeDtypeStruct((NP, 16), jnp.float32)),
        mesh=mesh,
        scratch_types=[
            pltpu.VMEM((SEG,), jnp.int32),
            pltpu.VMEM((SEG,), jnp.int32),
            pltpu.VMEM((SEG + EB + 32,), jnp.int32),
            pltpu.VMEM((SEG + EB + 32,), jnp.int32),
            pltpu.VMEM((EB, DIM), jnp.float32),
            pltpu.VMEM((16,), jnp.int32),
            pltpu.VMEM((ACCR, DIM), jnp.float32),
            pltpu.VMEM((ACCR, 16), jnp.float32),
            pltpu.SemaphoreType.DMA,
        ],
        compiler_params=pltpu.CompilerParams(needs_layout_passes=False),
    )
    return kf(h, lsrc, ldst, lens)


KBLK = 512


def _k4_body(agg_ref, h_ref, cnt_ref, wl_ref, wr_ref, bias_ref, o_ref):
    i = pl.program_id(0)
    inv = 1.0 / jnp.maximum(cnt_ref[:, 0:1], 1.0)
    mean = agg_ref[...] * inv
    out = (jnp.dot(mean, wl_ref[...], preferred_element_type=jnp.float32)
           + jnp.dot(h_ref[...], wr_ref[...], preferred_element_type=jnp.float32)
           + bias_ref[...])
    rows = i * KBLK + lax.broadcasted_iota(jnp.int32, (KBLK, DIM), 0)
    o_ref[...] = jnp.where(rows < NFACE, out, 0.0)


def _dense(agg, h, cnt, wl_t, wr_t, bias):
    return pl.pallas_call(
        _k4_body,
        grid=(NP // KBLK,),
        in_specs=[
            pl.BlockSpec((KBLK, DIM), lambda i: (i, 0)),
            pl.BlockSpec((KBLK, DIM), lambda i: (i, 0)),
            pl.BlockSpec((KBLK, 16), lambda i: (i, 0)),
            pl.BlockSpec((DIM, DIM), lambda i: (0, 0)),
            pl.BlockSpec((DIM, DIM), lambda i: (0, 0)),
            pl.BlockSpec((1, DIM), lambda i: (0, 0)),
        ],
        out_specs=pl.BlockSpec((KBLK, DIM), lambda i: (i, 0)),
        out_shape=jax.ShapeDtypeStruct((NP, DIM), jnp.float32),
    )(agg, h, cnt, wl_t, wr_t, bias)


def kernel(vertices, faces, face_edges, face_edges_mask, coor_embed,
           W_in, b_in, Wl0, Wr0, bl0, Wl1, Wr1, bl1):
    codes = []
    for c in range(3):
        cc = vertices[:, :, c].reshape(BN)
        cc = jnp.pad(cc, (0, BNp - BN))
        codes.append(cc.reshape(BNp // VBLK, 1, VBLK))
    vert_off = jnp.repeat(jnp.arange(B, dtype=jnp.int32) * NV, NF)
    fidx = []
    for s in range(3):
        fs = faces[:, :, s].reshape(NFACE) + vert_off + s * BNp
        fs = jnp.pad(fs, (0, NP - NFACE), constant_values=s * BNp)
        fidx.append(fs)

    tables = _fuse_tables(coor_embed, W_in)
    u = _vertex_embed(codes, tables)
    u_flat = u.reshape(3 * BNp, DIM)
    x = _face_assemble(u_flat, fidx, b_in)

    eoff = (jnp.arange(B, dtype=jnp.int32) * NF)[:, None, None]
    edges = face_edges + eoff
    src = jnp.pad(edges[:, 0, :].reshape(B * E), (0, EP - B * E),
                  constant_values=NFACE)
    dst = jnp.pad(edges[:, 1, :].reshape(B * E), (0, EP - B * E),
                  constant_values=NFACE)

    lsrc, ldst, lens = _partition(src, dst)
    agg0, cnt = _segment_sum(x, lsrc, ldst, lens)
    h1 = _dense(agg0, x, cnt, Wl0.T, Wr0.T, bl0.reshape(1, DIM))
    agg1, _ = _segment_sum(h1, lsrc, ldst, lens)
    h2 = _dense(agg1, h1, cnt, Wl1.T, Wr1.T, bl1.reshape(1, DIM))
    return h2[:NFACE].reshape(B, NF, DIM)

# --- scband reference (transcript-rebuilt; emitter-appended) ---
"""Pipeline reference for scband-mesh-autoencoder-56968446214232 (READ-ONLY COPY).

The authoritative reference and input builder live on the scoring server;
editing this copy changes nothing except your own understanding.
"""

import jax, jax.numpy as jnp
import numpy as np

B, NV, NF, E = 2, 25000, 50000, 150000
DIM = 128
DCE = 64
NDC = 128

def setup_inputs(seed: int = 0) -> dict:
    key = jax.random.key(seed)
    ks = jax.random.split(key, 12)
    vertices = jax.random.randint(ks[0], (B, NV, 3), 0, NDC, dtype=jnp.int32)
    faces = jax.random.randint(ks[1], (B, NF, 3), 0, NV, dtype=jnp.int32)
    face_edges = jax.random.randint(ks[2], (B, 2, E), 0, NF, dtype=jnp.int32)
    face_edges_mask = jnp.ones((B, E), dtype=bool)
    coor_embed = jax.random.normal(ks[3], (NDC, DCE), dtype=jnp.float32) * 0.02
    W_in = jax.random.normal(ks[4], (DIM, DCE * 9), dtype=jnp.float32) * 0.02
    b_in = jnp.zeros((DIM,), dtype=jnp.float32)
    Wl0 = jax.random.normal(ks[5], (DIM, DIM), dtype=jnp.float32) * 0.02
    Wr0 = jax.random.normal(ks[6], (DIM, DIM), dtype=jnp.float32) * 0.02
    bl0 = jnp.zeros((DIM,), dtype=jnp.float32)
    Wl1 = jax.random.normal(ks[7], (DIM, DIM), dtype=jnp.float32) * 0.02
    Wr1 = jax.random.normal(ks[8], (DIM, DIM), dtype=jnp.float32) * 0.02
    bl1 = jnp.zeros((DIM,), dtype=jnp.float32)
    return {"vertices": vertices, "faces": faces, "face_edges": face_edges,
            "face_edges_mask": face_edges_mask, "coor_embed": coor_embed,
            "W_in": W_in, "b_in": b_in, "Wl0": Wl0, "Wr0": Wr0, "bl0": bl0,
            "Wl1": Wl1, "Wr1": Wr1, "bl1": bl1}

def reference(vertices, faces, face_edges, face_edges_mask, coor_embed,
              W_in, b_in, Wl0, Wr0, bl0, Wl1, Wr1, bl1):
    b, nf = faces.shape[0], faces.shape[1]
    batch_idx = jnp.arange(b)[:, None, None]
    # gather face coordinates: [b, nf, 3(verts), 3(coords)]
    face_coords = vertices[batch_idx, faces]
    face_coords = face_coords.reshape(b, nf, 9)
    # coordinate embedding lookup [b, nf, 9, dce] -> [b, nf, 9*dce]
    fe = coor_embed[face_coords]
    fe = fe.reshape(b, nf, 9 * coor_embed.shape[-1])
    # project_in
    fe = fe @ W_in.T + b_in
    x = fe.reshape(b * nf, -1)
    # pad node (sink for masked edges)
    pad_node_id = b * nf
    x = jnp.concatenate([x, jnp.zeros((1, x.shape[-1]), x.dtype)], axis=0)
    # batch-offset edges and mask-fill
    offs = (jnp.arange(b) * nf)[:, None, None]
    edges = face_edges + offs
    edges = jnp.where(face_edges_mask[:, None, :], edges, pad_node_id)
    edges = edges.transpose(1, 0, 2).reshape(2, -1)
    src, dst = edges[0], edges[1]
    N = b * nf + 1
    def sage_conv(h, Wl, Wr, bias):
        msgs = h[src]
        sums = jax.ops.segment_sum(msgs, dst, num_segments=N)
        cnt = jax.ops.segment_sum(jnp.ones((src.shape[0],), h.dtype), dst, num_segments=N)
        mean = sums / jnp.clip(cnt, 1.0, None)[:, None]
        return mean @ Wl.T + h @ Wr.T + bias
    x = sage_conv(x, Wl0, Wr0, bl0)
    x = sage_conv(x, Wl1, Wr1, bl1)
    x = x[:-1].reshape(b, nf, -1)
    return x

if __name__ == "__main__":
    import jax
    _d = setup_inputs()
    print(jax.jit(kernel)(*tuple(_d.values())))

</pallas_src>

<mosaic_0001>
#map = affine_map<(d0, d1) -> (0)>
module attributes {stable_mosaic.version = 14 : i64} {
  func.func @_k3a_body(%arg0: i32, %arg1: i32, %arg2: memref<300032xi32, #tpu.memory_space<hbm>>, %arg3: memref<300032xi32, #tpu.memory_space<hbm>>, %arg4: memref<9751552xi32, #tpu.memory_space<hbm>>, %arg5: memref<9751552xi32, #tpu.memory_space<hbm>>, %arg6: memref<512xi32, #tpu.memory_space<hbm>>, %arg7: memref<4688xi32, #tpu.memory_space<vmem>>, %arg8: memref<4688xi32, #tpu.memory_space<vmem>>, %arg9: memref<4784xi32, #tpu.memory_space<vmem>>, %arg10: memref<4784xi32, #tpu.memory_space<vmem>>, %arg11: memref<16xi32, #tpu.memory_space<vmem>>, %arg12: memref<!tpu.dma_semaphore, #tpu.memory_space<semaphore_mem>>) attributes {dimension_semantics = [#tpu.dimension_semantics<core_parallel>, #tpu.dimension_semantics<subcore_parallel>], iteration_bounds = array<i64: 2, 16>, scalar_prefetch = 0 : i64, scratch_operands = 6 : i64, tpu.core_type = #tpu.core_type<sc_vector_subcore>, window_params = [{transform_indices = #map}, {transform_indices = #map}, {transform_indices = #map}, {transform_indices = #map}, {transform_indices = #map}]} {
    %mul3A = arith.constant 2 : i32
    %mul3A_0 = arith.muli %arg1, %mul3A : i32
    %add3A = arith.addi %mul3A_0, %arg0 : i32
    %mul3A_1 = arith.constant 3200 : i32
    %mul3A_2 = arith.muli %add3A, %mul3A_1 : i32
    %scan3A = arith.constant 0 : i32
    %scan3A_3 = arith.constant 0 : i32
    %scan3A_4 = arith.constant 64 : i32
    %scan3A_5 = arith.addi %scan3A_3, %scan3A_4 : i32
    %scan3A_6 = arith.constant 1 : i32
    %scan3A_7 = scf.for %scan3A_25 = %scan3A_3 to %scan3A_5 step %scan3A_6 iter_args(%scan3A_26 = %scan3A) -> (i32)  : i32 {
      %mul3A_27 = arith.constant 4688 : i32
      %mul3A_28 = arith.muli %scan3A_25, %mul3A_27 : i32
      %multiple_of3A_29 = tpu.assume_multiple %mul3A_28, 16 : i32
      "tpu.region"() ({
        %run_scoped3A = tpu.sem_alloc : memref<!tpu.dma_semaphore, #tpu.memory_space<semaphore_mem>>
        %dma_start3A = tpu.memref_slice %arg2[%multiple_of3A_29] : memref<300032xi32, #tpu.memory_space<hbm>> -> memref<4688xi32, #tpu.memory_space<hbm>>
        %dma_start3A_114 = tpu.memref_slice %arg2[%multiple_of3A_29] : memref<300032xi32, #tpu.memory_space<hbm>> -> memref<4688xi32, #tpu.memory_space<hbm>>
        tpu.enqueue_dma source(%dma_start3A_114 : memref<4688xi32, #tpu.memory_space<hbm>>) target(%arg7 : memref<4688xi32, #tpu.memory_space<vmem>>) target_semaphore(%run_scoped3A : memref<!tpu.dma_semaphore, #tpu.memory_space<semaphore_mem>>)
        %dma_wait3A = tpu.memref_slice %arg2[%multiple_of3A_29] : memref<300032xi32, #tpu.memory_space<hbm>> -> memref<4688xi32, #tpu.memory_space<hbm>>
        %dma_wait3A_115 = tpu.memref_slice %arg2[%multiple_of3A_29] : memref<300032xi32, #tpu.memory_space<hbm>> -> memref<4688xi32, #tpu.memory_space<hbm>>
        tpu.wait_dma2 semaphore(%run_scoped3A : memref<!tpu.dma_semaphore, #tpu.memory_space<semaphore_mem>>) src(%dma_wait3A_115 : memref<4688xi32, #tpu.memory_space<hbm>>) dst(%arg7 : memref<4688xi32, #tpu.memory_space<vmem>>)
        tpu.yield
      }) : () -> ()
      %mul3A_30 = arith.constant 4688 : i32
      %mul3A_31 = arith.muli %scan3A_25, %mul3A_30 : i32
      %multiple_of3A_32 = tpu.assume_multiple %mul3A_31, 16 : i32
      "tpu.region"() ({
        %run_scoped3A = tpu.sem_alloc : memref<!tpu.dma_semaphore, #tpu.memory_space<semaphore_mem>>
        %dma_start3A = tpu.memref_slice %arg3[%multiple_of3A_32] : memref<300032xi32, #tpu.memory_space<hbm>> -> memref<4688xi32, #tpu.memory_space<hbm>>
        %dma_start3A_114 = tpu.memref_slice %arg3[%multiple_of3A_32] : memref<300032xi32, #tpu.memory_space<hbm>> -> memref<4688xi32, #tpu.memory_space<hbm>>
        tpu.enqueue_dma source(%dma_start3A_114 : memref<4688xi32, #tpu.memory_space<hbm>>) target(%arg8 : memref<4688xi32, #tpu.memory_space<vmem>>) target_semaphore(%run_scoped3A : memref<!tpu.dma_semaphore, #tpu.memory_space<semaphore_mem>>)
        %dma_wait3A = tpu.memref_slice %arg3[%multiple_of3A_32] : memref<300032xi32, #tpu.memory_space<hbm>> -> memref<4688xi32, #tpu.memory_space<hbm>>
        %dma_wait3A_115 = tpu.memref_slice %arg3[%multiple_of3A_32] : memref<300032xi32, #tpu.memory_space<hbm>> -> memref<4688xi32, #tpu.memory_space<hbm>>
        tpu.wait_dma2 semaphore(%run_scoped3A : memref<!tpu.dma_semaphore, #tpu.memory_space<semaphore_mem>>) src(%dma_wait3A_115 : memref<4688xi32, #tpu.memory_space<hbm>>) dst(%arg8 : memref<4688xi32, #tpu.memory_space<vmem>>)
        tpu.yield
      }) : () -> ()
      %broadcast_in_dim3A_33 = arith.constant 0 : i32
      %broadcast_in_dim3A_34 = vector.broadcast %broadcast_in_dim3A_33 : i32 to vector<16xi32>
      %scan3A_35 = arith.constant 0 : i32
      %scan3A_36 = arith.constant 293 : i32
      %scan3A_37 = arith.addi %scan3A_35, %scan3A_36 : i32
      %scan3A_38 = arith.constant 1 : i32
      %scan3A_39 = scf.for %scan3A_114 = %scan3A_35 to %scan3A_37 step %scan3A_38 iter_args(%scan3A_115 = %broadcast_in_dim3A_34) -> (vector<16xi32>)  : i32 {
        %mul3A_116 = arith.constant 16 : i32
        %mul3A_117 = arith.muli %scan3A_114, %mul3A_116 : i32
        %get3A_118 = arith.index_cast %mul3A_117 : i32 to index
        %get3A_119 = tpu.vector_load %arg8[%get3A_118] {strides = array<i32>} : memref<4688xi32, #tpu.memory_space<vmem>>, vector<16xi32>,
        %mul3A_120 = arith.constant 16 : i32
        %mul3A_121 = arith.muli %scan3A_114, %mul3A_120 : i32
        %get3A_122 = arith.index_cast %mul3A_121 : i32 to index
        %get3A_123 = tpu.vector_load %arg7[%get3A_122] {strides = array<i32>} : memref<4688xi32, #tpu.memory_space<vmem>>, vector<16xi32>,
        %ge3A = vector.broadcast %mul3A_2 : i32 to vector<16xi32>
        %ge3A_124 = arith.cmpi sge, %get3A_119, %ge3A : vector<16xi32>
        %add3A_125 = arith.constant 3200 : i32
        %add3A_126 = arith.addi %mul3A_2, %add3A_125 : i32
        %lt3A = vector.broadcast %add3A_126 : i32 to vector<16xi32>
        %lt3A_127 = arith.cmpi slt, %get3A_119, %lt3A : vector<16xi32>
        %and3A_128 = arith.andi %ge3A_124, %lt3A_127 : vector<16xi1>
        %convert_element_type3A = arith.extui %and3A_128 : vector<16xi1> to vector<16xi32>
        %broadcast_in_dim3A_129 = arith.constant true
        %broadcast_in_dim3A_130 = vector.broadcast %broadcast_in_dim3A_129 : i1 to vector<16xi1>
        %masked_cumsum3A = tpu.scan <sum>, %convert_element_type3A masked %broadcast_in_dim3A_130 : vector<16xi32>, vector<16xi1> -> vector<16xi32>
        %add3A_131 = arith.addi %scan3A_115, %masked_cumsum3A : vector<16xi32>
        %sub3A_132 = arith.constant 1 : i32
        %sub3A_133 = vector.broadcast %sub3A_132 : i32 to vector<16xi32>
        %sub3A_134 = arith.subi %add3A_131, %sub3A_133 : vector<16xi32>
        %jit3A_135 = arith.constant 4752 : i32
        %broadcast_in_dim3A_136 = vector.broadcast %jit3A_135 : i32 to vector<16xi32>
        %select_n3A_137 = arith.select %and3A_128, %sub3A_134, %broadcast_in_dim3A_136 : vector<16xi1>, vector<16xi32>
        tpu.vector_store_idx %arg9[%select_n3A_137], %get3A_123 : memref<4784xi32, #tpu.memory_space<vmem>>[vector<16xi32>], vector<16xi32>,
        tpu.vector_store_idx %arg10[%select_n3A_137], %get3A_119 : memref<4784xi32, #tpu.memory_space<vmem>>[vector<16xi32>], vector<16xi32>,
        %all_reduce_population_count3A = tpu.all_reduce %and3A_128 {dim = 0 : i64, kind = #tpu.reduction_kind<sum>} : vector<16xi1> -> vector<16xi32>
        %add3A_138 = arith.addi %scan3A_115, %all_reduce_population_count3A : vector<16xi32>
        scf.yield %add3A_138 : vector<16xi32>
      }
      %scan3A_40 = arith.constant 293 : i32
      %swap3A_41 = arith.constant 0 : index
      %swap3A_42 = tpu.vector_load %arg11[%swap3A_41] {strides = array<i32>} : memref<16xi32, #tpu.memory_space<vmem>>, vector<16xi32>,
      tpu.vector_store %arg11[%swap3A_41], %scan3A_39 {strides = array<i32>} : memref<16xi32, #tpu.memory_space<vmem>>, vector<16xi32>,
      %get3A = arith.constant 0 : index
      %get3A_43 = tpu.vector_load %arg11[%get3A] {strides = array<i32>} : memref<16xi32, #tpu.memory_space<vmem>>, vector<16xi32>,
      %slice3A = vector.extract_strided_slice %get3A_43 {offsets = [0], sizes = [1], strides = [1]} : vector<16xi32> to vector<1xi32>
      %squeeze3A = vector.extract %slice3A[0] : i32 from vector<1xi32>
      %add3A_44 = arith.constant 15 : i32
      %add3A_45 = arith.addi %squeeze3A, %add3A_44 : i32
      %jit3A = arith.constant 16 : i32
      %div3A = arith.divsi %add3A_45, %jit3A : i32
      %sign3A = arith.constant 0 : i32
      %sign3A_46 = arith.cmpi sgt, %add3A_45, %sign3A : i32
      %sign3A_47 = arith.extui %sign3A_46 : i1 to i32
      %sign3A_48 = arith.constant 0 : i32
      %sign3A_49 = arith.cmpi slt, %add3A_45, %sign3A_48 : i32
      %sign3A_50 = arith.extui %sign3A_49 : i1 to i32
      %sign3A_51 = arith.subi %sign3A_47, %sign3A_50 : i32
      %sign3A_52 = arith.constant 0 : i32
      %sign3A_53 = arith.cmpi sgt, %jit3A, %sign3A_52 : i32
      %sign3A_54 = arith.extui %sign3A_53 : i1 to i32
      %sign3A_55 = arith.constant 0 : i32
      %sign3A_56 = arith.cmpi slt, %jit3A, %sign3A_55 : i32
      %sign3A_57 = arith.extui %sign3A_56 : i1 to i32
      %sign3A_58 = arith.subi %sign3A_54, %sign3A_57 : i32
      %ne3A = arith.cmpi ne, %sign3A_51, %sign3A_58 : i32
      %rem3A = arith.remsi %add3A_45, %jit3A : i32
      %ne3A_59 = arith.constant 0 : i32
      %ne3A_60 = arith.cmpi ne, %rem3A, %ne3A_59 : i32
      %and3A = arith.andi %ne3A, %ne3A_60 : i1
      %sub3A = arith.constant 1 : i32
      %sub3A_61 = arith.subi %div3A, %sub3A : i32
      %select_n3A = arith.select %and3A, %sub3A_61, %div3A : i32
      %mul3A_62 = arith.constant 16 : i32
      %mul3A_63 = arith.muli %select_n3A, %mul3A_62 : i32
      %sub3A_64 = arith.constant 4688 : i32
      %sub3A_65 = arith.subi %sub3A_64, %mul3A_63 : i32
      %jit3A_66 = arith.constant 16 : i32
      %div3A_67 = arith.divsi %sub3A_65, %jit3A_66 : i32
      %sign3A_68 = arith.constant 0 : i32
      %sign3A_69 = arith.cmpi sgt, %sub3A_65, %sign3A_68 : i32
      %sign3A_70 = arith.extui %sign3A_69 : i1 to i32
      %sign3A_71 = arith.constant 0 : i32
      %sign3A_72 = arith.cmpi slt, %sub3A_65, %sign3A_71 : i32
      %sign3A_73 = arith.extui %sign3A_72 : i1 to i32
      %sign3A_74 = arith.subi %sign3A_70, %sign3A_73 : i32
      %sign3A_75 = arith.constant 0 : i32
      %sign3A_76 = arith.cmpi sgt, %jit3A_66, %sign3A_75 : i32
      %sign3A_77 = arith.extui %sign3A_76 : i1 to i32
      %sign3A_78 = arith.constant 0 : i32
      %sign3A_79 = arith.cmpi slt, %jit3A_66, %sign3A_78 : i32
      %sign3A_80 = arith.extui %sign3A_79 : i1 to i32
      %sign3A_81 = arith.subi %sign3A_77, %sign3A_80 : i32
      %ne3A_82 = arith.cmpi ne, %sign3A_74, %sign3A_81 : i32
      %rem3A_83 = arith.remsi %sub3A_65, %jit3A_66 : i32
      %ne3A_84 = arith.constant 0 : i32
      %ne3A_85 = arith.cmpi ne, %rem3A_83, %ne3A_84 : i32
      %and3A_86 = arith.andi %ne3A_82, %ne3A_85 : i1
      %sub3A_87 = arith.constant 1 : i32
      %sub3A_88 = arith.subi %div3A_67, %sub3A_87 : i32
      %select_n3A_89 = arith.select %and3A_86, %sub3A_88, %div3A_67 : i32
      %add3A_90 = arith.constant 1 : i32
      %add3A_91 = arith.addi %select_n3A_89, %add3A_90 : i32
      %while3A = arith.constant 0 : i32
      %while3A_92 = arith.constant 0 : i32
      %while3A_93 = arith.subi %add3A_91, %while3A_92 : i32
      %while3A_94 = arith.addi %while3A_92, %while3A_93 : i32
      %while3A_95 = arith.constant 1 : i32
      %while3A_96 = arith.divsi %while3A_93, %while3A_95 : i32
      %while3A_97 = arith.muli %while3A_96, %while3A_95 : i32
      %while3A_98 = arith.addi %while3A_92, %while3A_97 : i32
      %while3A_99 = arith.constant 1 : i32
      scf.for %while3A_114 = %while3A_92 to %while3A_98 step %while3A_99  : i32 {
        %broadcast_in_dim3A_115 = arith.constant 0 : i32
        %broadcast_in_dim3A_116 = vector.broadcast %broadcast_in_dim3A_115 : i32 to vector<16xi32>
        %mul3A_117 = arith.constant 16 : i32
        %mul3A_118 = arith.muli %while3A_114, %mul3A_117 : i32
        %add3A_119 = arith.addi %mul3A_63, %mul3A_118 : i32
        %swap3A_120 = arith.index_cast %add3A_119 : i32 to index
        %swap3A_121 = tpu.vector_load %arg9[%swap3A_120] {strides = array<i32>} : memref<4784xi32, #tpu.memory_space<vmem>>, vector<16xi32>,
        tpu.vector_store %arg9[%swap3A_120], %broadcast_in_dim3A_116 {strides = array<i32>} : memref<4784xi32, #tpu.memory_space<vmem>>, vector<16xi32>,
        %broadcast_in_dim3A_122 = arith.constant 102400 : i32
        %broadcast_in_dim3A_123 = vector.broadcast %broadcast_in_dim3A_122 : i32 to vector<16xi32>
        %mul3A_124 = arith.constant 16 : i32
        %mul3A_125 = arith.muli %while3A_114, %mul3A_124 : i32
        %add3A_126 = arith.addi %mul3A_63, %mul3A_125 : i32
        %swap3A_127 = arith.index_cast %add3A_126 : i32 to index
        %swap3A_128 = tpu.vector_load %arg10[%swap3A_127] {strides = array<i32>} : memref<4784xi32, #tpu.memory_space<vmem>>, vector<16xi32>,
        tpu.vector_store %arg10[%swap3A_127], %broadcast_in_dim3A_123 {strides = array<i32>} : memref<4784xi32, #tpu.memory_space<vmem>>, vector<16xi32>,
      }
      %while3A_100 = arith.constant 1 : i32
      scf.for %while3A_114 = %while3A_98 to %while3A_94 step %while3A_100  : i32 {
        %broadcast_in_dim3A_115 = arith.constant 0 : i32
        %broadcast_in_dim3A_116 = vector.broadcast %broadcast_in_dim3A_115 : i32 to vector<16xi32>
        %mul3A_117 = arith.constant 16 : i32
        %mul3A_118 = arith.muli %while3A_114, %mul3A_117 : i32
        %add3A_119 = arith.addi %mul3A_63, %mul3A_118 : i32
        %swap3A_120 = arith.index_cast %add3A_119 : i32 to index
        %swap3A_121 = tpu.vector_load %arg9[%swap3A_120] {strides = array<i32>} : memref<4784xi32, #tpu.memory_space<vmem>>, vector<16xi32>,
        tpu.vector_store %arg9[%swap3A_120], %broadcast_in_dim3A_116 {strides = array<i32>} : memref<4784xi32, #tpu.memory_space<vmem>>, vector<16xi32>,
        %broadcast_in_dim3A_122 = arith.constant 102400 : i32
        %broadcast_in_dim3A_123 = vector.broadcast %broadcast_in_dim3A_122 : i32 to vector<16xi32>
        %mul3A_124 = arith.constant 16 : i32
        %mul3A_125 = arith.muli %while3A_114, %mul3A_124 : i32
        %add3A_126 = arith.addi %mul3A_63, %mul3A_125 : i32
        %swap3A_127 = arith.index_cast %add3A_126 : i32 to index
        %swap3A_128 = tpu.vector_load %arg10[%swap3A_127] {strides = array<i32>} : memref<4784xi32, #tpu.memory_space<vmem>>, vector<16xi32>,
        tpu.vector_store %arg10[%swap3A_127], %broadcast_in_dim3A_123 {strides = array<i32>} : memref<4784xi32, #tpu.memory_space<vmem>>, vector<16xi32>,
      }
      %broadcast_in_dim3A_101 = arith.constant 102400 : i32
      %broadcast_in_dim3A_102 = vector.broadcast %broadcast_in_dim3A_101 : i32 to vector<16xi32>
      %swap3A_103 = arith.index_cast %squeeze3A : i32 to index
      %swap3A_104 = tpu.vector_load %arg10[%swap3A_103] {strides = array<i32>} : memref<4784xi32, #tpu.memory_space<vmem>>, vector<16xi32>,
      tpu.vector_store %arg10[%swap3A_103], %broadcast_in_dim3A_102 {strides = array<i32>} : memref<4784xi32, #tpu.memory_space<vmem>>, vector<16xi32>,
      %mul3A_105 = arith.constant 304736 : i32
      %mul3A_106 = arith.muli %add3A, %mul3A_105 : i32
      %add3A_107 = arith.addi %mul3A_106, %scan3A_26 : i32
      %multiple_of3A_108 = tpu.assume_multiple %add3A_107, 16 : i32
      "tpu.region"() ({
        %run_scoped3A = tpu.sem_alloc : memref<!tpu.dma_semaphore, #tpu.memory_space<semaphore_mem>>
        %dma_start3A = arith.constant 0 : i32
        %dma_start3A_114 = tpu.memref_slice %arg9[%dma_start3A] : memref<4784xi32, #tpu.memory_space<vmem>> -> memref<4688xi32, #tpu.memory_space<vmem>>
        %dma_start3A_115 = tpu.memref_slice %arg4[%multiple_of3A_108] : memref<9751552xi32, #tpu.memory_space<hbm>> -> memref<4688xi32, #tpu.memory_space<hbm>>
        %dma_start3A_116 = tpu.memref_slice %arg4[%multiple_of3A_108] : memref<9751552xi32, #tpu.memory_space<hbm>> -> memref<4688xi32, #tpu.memory_space<hbm>>
        %dma_start3A_117 = arith.constant 0 : i32
        %dma_start3A_118 = tpu.memref_slice %arg9[%dma_start3A_117] : memref<4784xi32, #tpu.memory_space<vmem>> -> memref<4688xi32, #tpu.memory_space<vmem>>
        tpu.enqueue_dma source(%dma_start3A_118 : memref<4688xi32, #tpu.memory_space<vmem>>) target(%dma_start3A_116 : memref<4688xi32, #tpu.memory_space<hbm>>) target_semaphore(%run_scoped3A : memref<!tpu.dma_semaphore, #tpu.memory_space<semaphore_mem>>)
        %dma_wait3A = arith.constant 0 : i32
        %dma_wait3A_119 = tpu.memref_slice %arg9[%dma_wait3A] : memref<4784xi32, #tpu.memory_space<vmem>> -> memref<4688xi32, #tpu.memory_space<vmem>>
        %dma_wait3A_120 = tpu.memref_slice %arg4[%multiple_of3A_108] : memref<9751552xi32, #tpu.memory_space<hbm>> -> memref<4688xi32, #tpu.memory_space<hbm>>
        %dma_wait3A_121 = tpu.memref_slice %arg4[%multiple_of3A_108] : memref<9751552xi32, #tpu.memory_space<hbm>> -> memref<4688xi32, #tpu.memory_space<hbm>>
        %dma_wait3A_122 = arith.constant 0 : i32
        %dma_wait3A_123 = tpu.memref_slice %arg9[%dma_wait3A_122] : memref<4784xi32, #tpu.memory_space<vmem>> -> memref<4688xi32, #tpu.memory_space<vmem>>
        tpu.wait_dma2 semaphore(%run_scoped3A : memref<!tpu.dma_semaphore, #tpu.memory_space<semaphore_mem>>) src(%dma_wait3A_123 : memref<4688xi32, #tpu.memory_space<vmem>>) dst(%dma_wait3A_121 : memref<4688xi32, #tpu.memory_space<hbm>>)
        tpu.yield
      }) : () -> ()
      %mul3A_109 = arith.constant 304736 : i32
      %mul3A_110 = arith.muli %add3A, %mul3A_109 : i32
      %add3A_111 = arith.addi %mul3A_110, %scan3A_26 : i32
      %multiple_of3A_112 = tpu.assume_multiple %add3A_111, 16 : i32
      "tpu.region"() ({
        %run_scoped3A = tpu.sem_alloc : memref<!tpu.dma_semaphore, #tpu.memory_space<semaphore_mem>>
        %dma_start3A = arith.constant 0 : i32
        %dma_start3A_114 = tpu.memref_slice %arg10[%dma_start3A] : memref<4784xi32, #tpu.memory_space<vmem>> -> memref<4688xi32, #tpu.memory_space<vmem>>
        %dma_start3A_115 = tpu.memref_slice %arg5[%multiple_of3A_112] : memref<9751552xi32, #tpu.memory_space<hbm>> -> memref<4688xi32, #tpu.memory_space<hbm>>
        %dma_start3A_116 = tpu.memref_slice %arg5[%multiple_of3A_112] : memref<9751552xi32, #tpu.memory_space<hbm>> -> memref<4688xi32, #tpu.memory_space<hbm>>
        %dma_start3A_117 = arith.constant 0 : i32
        %dma_start3A_118 = tpu.memref_slice %arg10[%dma_start3A_117] : memref<4784xi32, #tpu.memory_space<vmem>> -> memref<4688xi32, #tpu.memory_space<vmem>>
        tpu.enqueue_dma source(%dma_start3A_118 : memref<4688xi32, #tpu.memory_space<vmem>>) target(%dma_start3A_116 : memref<4688xi32, #tpu.memory_space<hbm>>) target_semaphore(%run_scoped3A : memref<!tpu.dma_semaphore, #tpu.memory_space<semaphore_mem>>)
        %dma_wait3A = arith.constant 0 : i32
        %dma_wait3A_119 = tpu.memref_slice %arg10[%dma_wait3A] : memref<4784xi32, #tpu.memory_space<vmem>> -> memref<4688xi32, #tpu.memory_space<vmem>>
        %dma_wait3A_120 = tpu.memref_slice %arg5[%multiple_of3A_112] : memref<9751552xi32, #tpu.memory_space<hbm>> -> memref<4688xi32, #tpu.memory_space<hbm>>
        %dma_wait3A_121 = tpu.memref_slice %arg5[%multiple_of3A_112] : memref<9751552xi32, #tpu.memory_space<hbm>> -> memref<4688xi32, #tpu.memory_space<hbm>>
        %dma_wait3A_122 = arith.constant 0 : i32
        %dma_wait3A_123 = tpu.memref_slice %arg10[%dma_wait3A_122] : memref<4784xi32, #tpu.memory_space<vmem>> -> memref<4688xi32, #tpu.memory_space<vmem>>
        tpu.wait_dma2 semaphore(%run_scoped3A : memref<!tpu.dma_semaphore, #tpu.memory_space<semaphore_mem>>) src(%dma_wait3A_123 : memref<4688xi32, #tpu.memory_space<vmem>>) dst(%dma_wait3A_121 : memref<4688xi32, #tpu.memory_space<hbm>>)
        tpu.yield
      }) : () -> ()
      %add3A_113 = arith.addi %scan3A_26, %mul3A_63 : i32
      scf.yield %add3A_113 : i32
    }
    %scan3A_8 = arith.constant 64 : i32
    %scan3A_9 = arith.constant 0 : i32
    %scan3A_10 = arith.constant 0 : i32
    %scan3A_11 = arith.constant 293 : i32
    %scan3A_12 = arith.addi %scan3A_10, %scan3A_11 : i32
    %scan3A_13 = arith.constant 1 : i32
    scf.for %scan3A_25 = %scan3A_10 to %scan3A_12 step %scan3A_13  : i32 {
      %broadcast_in_dim3A_26 = arith.constant 102400 : i32
      %broadcast_in_dim3A_27 = vector.broadcast %broadcast_in_dim3A_26 : i32 to vector<16xi32>
      %mul3A_28 = arith.constant 16 : i32
      %mul3A_29 = arith.muli %scan3A_25, %mul3A_28 : i32
      %swap3A_30 = arith.index_cast %mul3A_29 : i32 to index
      %swap3A_31 = tpu.vector_load %arg10[%swap3A_30] {strides = array<i32>} : memref<4784xi32, #tpu.memory_space<vmem>>, vector<16xi32>,
      tpu.vector_store %arg10[%swap3A_30], %broadcast_in_dim3A_27 {strides = array<i32>} : memref<4784xi32, #tpu.memory_space<vmem>>, vector<16xi32>,
    }
    %scan3A_14 = arith.constant 293 : i32
    %mul3A_15 = arith.constant 304736 : i32
    %mul3A_16 = arith.muli %add3A, %mul3A_15 : i32
    %add3A_17 = arith.addi %mul3A_16, %scan3A_7 : i32
    %multiple_of3A = tpu.assume_multiple %add3A_17, 16 : i32
    "tpu.region"() ({
      %run_scoped3A = tpu.sem_alloc : memref<!tpu.dma_semaphore, #tpu.memory_space<semaphore_mem>>
      %dma_start3A = arith.constant 0 : i32
      %dma_start3A_25 = tpu.memref_slice %arg10[%dma_start3A] : memref<4784xi32, #tpu.memory_space<vmem>> -> memref<4688xi32, #tpu.memory_space<vmem>>
      %dma_start3A_26 = tpu.memref_slice %arg5[%multiple_of3A] : memref<9751552xi32, #tpu.memory_space<hbm>> -> memref<4688xi32, #tpu.memory_space<hbm>>
      %dma_start3A_27 = tpu.memref_slice %arg5[%multiple_of3A] : memref<9751552xi32, #tpu.memory_space<hbm>> -> memref<4688xi32, #tpu.memory_space<hbm>>
      %dma_start3A_28 = arith.constant 0 : i32
      %dma_start3A_29 = tpu.memref_slice %arg10[%dma_start3A_28] : memref<4784xi32, #tpu.memory_space<vmem>> -> memref<4688xi32, #tpu.memory_space<vmem>>
      tpu.enqueue_dma source(%dma_start3A_29 : memref<4688xi32, #tpu.memory_space<vmem>>) target(%dma_start3A_27 : memref<4688xi32, #tpu.memory_space<hbm>>) target_semaphore(%run_scoped3A : memref<!tpu.dma_semaphore, #tpu.memory_space<semaphore_mem>>)
      %dma_wait3A = arith.constant 0 : i32
      %dma_wait3A_30 = tpu.memref_slice %arg10[%dma_wait3A] : memref<4784xi32, #tpu.memory_space<vmem>> -> memref<4688xi32, #tpu.memory_space<vmem>>
      %dma_wait3A_31 = tpu.memref_slice %arg5[%multiple_of3A] : memref<9751552xi32, #tpu.memory_space<hbm>> -> memref<4688xi32, #tpu.memory_space<hbm>>
      %dma_wait3A_32 = tpu.memref_slice %arg5[%multiple_of3A] : memref<9751552xi32, #tpu.memory_space<hbm>> -> memref<4688xi32, #tpu.memory_space<hbm>>
      %dma_wait3A_33 = arith.constant 0 : i32
      %dma_wait3A_34 = tpu.memref_slice %arg10[%dma_wait3A_33] : memref<4784xi32, #tpu.memory_space<vmem>> -> memref<4688xi32, #tpu.memory_space<vmem>>
      tpu.wait_dma2 semaphore(%run_scoped3A : memref<!tpu.dma_semaphore, #tpu.memory_space<semaphore_mem>>) src(%dma_wait3A_34 : memref<4688xi32, #tpu.memory_space<vmem>>) dst(%dma_wait3A_32 : memref<4688xi32, #tpu.memory_space<hbm>>)
      tpu.yield
    }) : () -> ()
    %broadcast_in_dim3A = arith.constant 0 : i32
    %broadcast_in_dim3A_18 = vector.broadcast %broadcast_in_dim3A : i32 to vector<16xi32>
    %add3A_19 = vector.broadcast %scan3A_7 : i32 to vector<16xi32>
    %add3A_20 = arith.addi %broadcast_in_dim3A_18, %add3A_19 : vector<16xi32>
    %swap3A = arith.constant 0 : index
    %swap3A_21 = tpu.vector_load %arg11[%swap3A] {strides = array<i32>} : memref<16xi32, #tpu.memory_space<vmem>>, vector<16xi32>,
    tpu.vector_store %arg11[%swap3A], %add3A_20 {strides = array<i32>} : memref<16xi32, #tpu.memory_space<vmem>>, vector<16xi32>,
    %mul3A_22 = arith.constant 16 : i32
    %mul3A_23 = arith.muli %add3A, %mul3A_22 : i32
    %multiple_of3A_24 = tpu.assume_multiple %mul3A_23, 16 : i32
    "tpu.region"() ({
      %run_scoped3A = tpu.sem_alloc : memref<!tpu.dma_semaphore, #tpu.memory_space<semaphore_mem>>
      %dma_start3A = tpu.memref_slice %arg6[%multiple_of3A_24] : memref<512xi32, #tpu.memory_space<hbm>> -> memref<16xi32, #tpu.memory_space<hbm>>
      %dma_start3A_25 = tpu.memref_slice %arg6[%multiple_of3A_24] : memref<512xi32, #tpu.memory_space<hbm>> -> memref<16xi32, #tpu.memory_space<hbm>>
      tpu.enqueue_dma source(%arg11 : memref<16xi32, #tpu.memory_space<vmem>>) target(%dma_start3A_25 : memref<16xi32, #tpu.memory_space<hbm>>) target_semaphore(%run_scoped3A : memref<!tpu.dma_semaphore, #tpu.memory_space<semaphore_mem>>)
      %dma_wait3A = tpu.memref_slice %arg6[%multiple_of3A_24] : memref<512xi32, #tpu.memory_space<hbm>> -> memref<16xi32, #tpu.memory_space<hbm>>
      %dma_wait3A_26 = tpu.memref_slice %arg6[%multiple_of3A_24] : memref<512xi32, #tpu.memory_space<hbm>> -> memref<16xi32, #tpu.memory_space<hbm>>
      tpu.wait_dma2 semaphore(%run_scoped3A : memref<!tpu.dma_semaphore, #tpu.memory_space<semaphore_mem>>) src(%arg11 : memref<16xi32, #tpu.memory_space<vmem>>) dst(%dma_wait3A_26 : memref<16xi32, #tpu.memory_space<hbm>>)
      tpu.yield
    }) : () -> ()
    return
  }
}

#map = affine_map<(d0, d1) -> (0, 0)>
#map1 = affine_map<(d0, d1) -> (0)>
module attributes {stable_mosaic.version = 14 : i64} {
  func.func @_k2_body(%arg0: i32, %arg1: i32, %arg2: memref<150528x128xf32, #tpu.memory_space<hbm>>, %arg3: memref<102400xi32, #tpu.memory_space<hbm>>, %arg4: memref<102400xi32, #tpu.memory_space<hbm>>, %arg5: memref<102400xi32, #tpu.memory_space<hbm>>, %arg6: memref<128xf32, #tpu.memory_space<hbm>>, %arg7: memref<102400x128xf32, #tpu.memory_space<hbm>>, %arg8: memref<3200xi32, #tpu.memory_space<vmem>>, %arg9: memref<3200xi32, #tpu.memory_space<vmem>>, %arg10: memref<3200xi32, #tpu.memory_space<vmem>>, %arg11: memref<128x128xf32, #tpu.memory_space<vmem>>, %arg12: memref<128x128xf32, #tpu.memory_space<vmem>>, %arg13: memref<128x128xf32, #tpu.memory_space<vmem>>, %arg14: memref<128x128xf32, #tpu.memory_space<vmem>>, %arg15: memref<128xf32, #tpu.memory_space<vmem>>, %arg16: memref<!tpu.dma_semaphore, #tpu.memory_space<semaphore_mem>>, %arg17: memref<!tpu.dma_semaphore, #tpu.memory_space<semaphore_mem>>, %arg18: memref<!tpu.dma_semaphore, #tpu.memory_space<semaphore_mem>>) attributes {dimension_semantics = [#tpu.dimension_semantics<core_parallel>, #tpu.dimension_semantics<subcore_parallel>], iteration_bounds = array<i64: 2, 16>, scalar_prefetch = 0 : i64, scratch_operands = 11 : i64, tpu.core_type = #tpu.core_type<sc_vector_subcore>, window_params = [{transform_indices = #map}, {transform_indices = #map1}, {transform_indices = #map1}, {transform_indices = #map1}, {transform_indices = #map1}, {transform_indices = #map}]} {
    %mul3A = arith.constant 2 : i32
    %mul3A_0 = arith.muli %arg1, %mul3A : i32
    %add3A = arith.addi %mul3A_0, %arg0 : i32
    %mul3A_1 = arith.constant 3200 : i32
    %mul3A_2 = arith.muli %add3A, %mul3A_1 : i32
    "tpu.region"() ({
      %run_scoped3A = tpu.sem_alloc : memref<!tpu.dma_semaphore, #tpu.memory_space<semaphore_mem>>
      %dma_start3A = tpu.memref_slice %arg3[%mul3A_2] : memref<102400xi32, #tpu.memory_space<hbm>> -> memref<3200xi32, #tpu.memory_space<hbm>>
      %dma_start3A_8 = tpu.memref_slice %arg3[%mul3A_2] : memref<102400xi32, #tpu.memory_space<hbm>> -> memref<3200xi32, #tpu.memory_space<hbm>>
      tpu.enqueue_dma source(%dma_start3A_8 : memref<3200xi32, #tpu.memory_space<hbm>>) target(%arg8 : memref<3200xi32, #tpu.memory_space<vmem>>) target_semaphore(%run_scoped3A : memref<!tpu.dma_semaphore, #tpu.memory_space<semaphore_mem>>)
      %dma_wait3A = tpu.memref_slice %arg3[%mul3A_2] : memref<102400xi32, #tpu.memory_space<hbm>> -> memref<3200xi32, #tpu.memory_space<hbm>>
      %dma_wait3A_9 = tpu.memref_slice %arg3[%mul3A_2] : memref<102400xi32, #tpu.memory_space<hbm>> -> memref<3200xi32, #tpu.memory_space<hbm>>
      tpu.wait_dma2 semaphore(%run_scoped3A : memref<!tpu.dma_semaphore, #tpu.memory_space<semaphore_mem>>) src(%dma_wait3A_9 : memref<3200xi32, #tpu.memory_space<hbm>>) dst(%arg8 : memref<3200xi32, #tpu.memory_space<vmem>>)
      tpu.yield
    }) : () -> ()
    "tpu.region"() ({
      %run_scoped3A = tpu.sem_alloc : memref<!tpu.dma_semaphore, #tpu.memory_space<semaphore_mem>>
      %dma_start3A = tpu.memref_slice %arg4[%mul3A_2] : memref<102400xi32, #tpu.memory_space<hbm>> -> memref<3200xi32, #tpu.memory_space<hbm>>
      %dma_start3A_8 = tpu.memref_slice %arg4[%mul3A_2] : memref<102400xi32, #tpu.memory_space<hbm>> -> memref<3200xi32, #tpu.memory_space<hbm>>
      tpu.enqueue_dma source(%dma_start3A_8 : memref<3200xi32, #tpu.memory_space<hbm>>) target(%arg9 : memref<3200xi32, #tpu.memory_space<vmem>>) target_semaphore(%run_scoped3A : memref<!tpu.dma_semaphore, #tpu.memory_space<semaphore_mem>>)
      %dma_wait3A = tpu.memref_slice %arg4[%mul3A_2] : memref<102400xi32, #tpu.memory_space<hbm>> -> memref<3200xi32, #tpu.memory_space<hbm>>
      %dma_wait3A_9 = tpu.memref_slice %arg4[%mul3A_2] : memref<102400xi32, #tpu.memory_space<hbm>> -> memref<3200xi32, #tpu.memory_space<hbm>>
      tpu.wait_dma2 semaphore(%run_scoped3A : memref<!tpu.dma_semaphore, #tpu.memory_space<semaphore_mem>>) src(%dma_wait3A_9 : memref<3200xi32, #tpu.memory_space<hbm>>) dst(%arg9 : memref<3200xi32, #tpu.memory_space<vmem>>)
      tpu.yield
    }) : () -> ()
    "tpu.region"() ({
      %run_scoped3A = tpu.sem_alloc : memref<!tpu.dma_semaphore, #tpu.memory_space<semaphore_mem>>
      %dma_start3A = tpu.memref_slice %arg5[%mul3A_2] : memref<102400xi32, #tpu.memory_space<hbm>> -> memref<3200xi32, #tpu.memory_space<hbm>>
      %dma_start3A_8 = tpu.memref_slice %arg5[%mul3A_2] : memref<102400xi32, #tpu.memory_space<hbm>> -> memref<3200xi32, #tpu.memory_space<hbm>>
      tpu.enqueue_dma source(%dma_start3A_8 : memref<3200xi32, #tpu.memory_space<hbm>>) target(%arg10 : memref<3200xi32, #tpu.memory_space<vmem>>) target_semaphore(%run_scoped3A : memref<!tpu.dma_semaphore, #tpu.memory_space<semaphore_mem>>)
      %dma_wait3A = tpu.memref_slice %arg5[%mul3A_2] : memref<102400xi32, #tpu.memory_space<hbm>> -> memref<3200xi32, #tpu.memory_space<hbm>>
      %dma_wait3A_9 = tpu.memref_slice %arg5[%mul3A_2] : memref<102400xi32, #tpu.memory_space<hbm>> -> memref<3200xi32, #tpu.memory_space<hbm>>
      tpu.wait_dma2 semaphore(%run_scoped3A : memref<!tpu.dma_semaphore, #tpu.memory_space<semaphore_mem>>) src(%dma_wait3A_9 : memref<3200xi32, #tpu.memory_space<hbm>>) dst(%arg10 : memref<3200xi32, #tpu.memory_space<vmem>>)
      tpu.yield
    }) : () -> ()
    "tpu.region"() ({
      %run_scoped3A = tpu.sem_alloc : memref<!tpu.dma_semaphore, #tpu.memory_space<semaphore_mem>>
      tpu.enqueue_dma source(%arg6 : memref<128xf32, #tpu.memory_space<hbm>>) target(%arg15 : memref<128xf32, #tpu.memory_space<vmem>>) target_semaphore(%run_scoped3A : memref<!tpu.dma_semaphore, #tpu.memory_space<semaphore_mem>>)
      tpu.wait_dma2 semaphore(%run_scoped3A : memref<!tpu.dma_semaphore, #tpu.memory_space<semaphore_mem>>) src(%arg6 : memref<128xf32, #tpu.memory_space<hbm>>) dst(%arg15 : memref<128xf32, #tpu.memory_space<vmem>>)
      tpu.yield
    }) : () -> ()
    %scan3A = arith.constant 0 : i32
    %scan3A_3 = arith.constant 0 : i32
    %scan3A_4 = arith.constant 25 : i32
    %scan3A_5 = arith.addi %scan3A_3, %scan3A_4 : i32
    %scan3A_6 = arith.constant 1 : i32
    scf.for %scan3A_8 = %scan3A_3 to %scan3A_5 step %scan3A_6  : i32 {
      %mul3A_9 = arith.constant 128 : i32
      %mul3A_10 = arith.muli %scan3A_8, %mul3A_9 : i32
      %dma_start3A = tpu.memref_slice %arg8[%mul3A_10] : memref<3200xi32, #tpu.memory_space<vmem>> -> memref<128xi32, #tpu.memory_space<vmem>>
      %dma_start3A_11 = arith.constant 0 : i32
      %dma_start3A_12 = arith.constant 0 : i32
      %dma_start3A_13 = tpu.memref_slice %arg2[%dma_start3A_11, %dma_start3A_12] : memref<150528x128xf32, #tpu.memory_space<hbm>> -> memref<150528x128xf32, #tpu.memory_space<hbm>>
      tpu.enqueue_indirect_dma source(%dma_start3A_13 : memref<150528x128xf32, #tpu.memory_space<hbm>>) target(%arg11 : memref<128x128xf32, #tpu.memory_space<vmem>>) offsets(%dma_start3A : memref<128xi32, #tpu.memory_space<vmem>>) semaphore(%arg16 : memref<!tpu.dma_semaphore, #tpu.memory_space<semaphore_mem>>)
      %dma_start3A_14 = tpu.memref_slice %arg9[%mul3A_10] : memref<3200xi32, #tpu.memory_space<vmem>> -> memref<128xi32, #tpu.memory_space<vmem>>
      %dma_start3A_15 = arith.constant 0 : i32
      %dma_start3A_16 = arith.constant 0 : i32
      %dma_start3A_17 = tpu.memref_slice %arg2[%dma_start3A_15, %dma_start3A_16] : memref<150528x128xf32, #tpu.memory_space<hbm>> -> memref<150528x128xf32, #tpu.memory_space<hbm>>
      tpu.enqueue_indirect_dma source(%dma_start3A_17 : memref<150528x128xf32, #tpu.memory_space<hbm>>) target(%arg12 : memref<128x128xf32, #tpu.memory_space<vmem>>) offsets(%dma_start3A_14 : memref<128xi32, #tpu.memory_space<vmem>>) semaphore(%arg17 : memref<!tpu.dma_semaphore, #tpu.memory_space<semaphore_mem>>)
      %dma_start3A_18 = tpu.memref_slice %arg10[%mul3A_10] : memref<3200xi32, #tpu.memory_space<vmem>> -> memref<128xi32, #tpu.memory_space<vmem>>
      %dma_start3A_19 = arith.constant 0 : i32
      %dma_start3A_20 = arith.constant 0 : i32
      %dma_start3A_21 = tpu.memref_slice %arg2[%dma_start3A_19, %dma_start3A_20] : memref<150528x128xf32, #tpu.memory_space<hbm>> -> memref<150528x128xf32, #tpu.memory_space<hbm>>
      tpu.enqueue_indirect_dma source(%dma_start3A_21 : memref<150528x128xf32, #tpu.memory_space<hbm>>) target(%arg13 : memref<128x128xf32, #tpu.memory_space<vmem>>) offsets(%dma_start3A_18 : memref<128xi32, #tpu.memory_space<vmem>>) semaphore(%arg18 : memref<!tpu.dma_semaphore, #tpu.memory_space<semaphore_mem>>)
      %dma_wait3A = tpu.memref_slice %arg8[%mul3A_10] : memref<3200xi32, #tpu.memory_space<vmem>> -> memref<128xi32, #tpu.memory_space<vmem>>
      %dma_wait3A_22 = arith.constant 0 : i32
      %dma_wait3A_23 = arith.constant 0 : i32
      %dma_wait3A_24 = tpu.memref_slice %arg2[%dma_wait3A_22, %dma_wait3A_23] : memref<150528x128xf32, #tpu.memory_space<hbm>> -> memref<150528x128xf32, #tpu.memory_space<hbm>>
      tpu.wait_indirect_dma semaphore(%arg16 : memref<!tpu.dma_semaphore, #tpu.memory_space<semaphore_mem>>) src(%dma_wait3A_24 : memref<150528x128xf32, #tpu.memory_space<hbm>>) dst(%arg11 : memref<128x128xf32, #tpu.memory_space<vmem>>)
      %dma_wait3A_25 = tpu.memref_slice %arg9[%mul3A_10] : memref<3200xi32, #tpu.memory_space<vmem>> -> memref<128xi32, #tpu.memory_space<vmem>>
      %dma_wait3A_26 = arith.constant 0 : i32
      %dma_wait3A_27 = arith.constant 0 : i32
      %dma_wait3A_28 = tpu.memref_slice %arg2[%dma_wait3A_26, %dma_wait3A_27] : memref<150528x128xf32, #tpu.memory_space<hbm>> -> memref<150528x128xf32, #tpu.memory_space<hbm>>
      tpu.wait_indirect_dma semaphore(%arg17 : memref<!tpu.dma_semaphore, #tpu.memory_space<semaphore_mem>>) src(%dma_wait3A_28 : memref<150528x128xf32, #tpu.memory_space<hbm>>) dst(%arg12 : memref<128x128xf32, #tpu.memory_space<vmem>>)
      %dma_wait3A_29 = tpu.memref_slice %arg10[%mul3A_10] : memref<3200xi32, #tpu.memory_space<vmem>> -> memref<128xi32, #tpu.memory_space<vmem>>
      %dma_wait3A_30 = arith.constant 0 : i32
      %dma_wait3A_31 = arith.constant 0 : i32
      %dma_wait3A_32 = tpu.memref_slice %arg2[%dma_wait3A_30, %dma_wait3A_31] : memref<150528x128xf32, #tpu.memory_space<hbm>> -> memref<150528x128xf32, #tpu.memory_space<hbm>>
      tpu.wait_indirect_dma semaphore(%arg18 : memref<!tpu.dma_semaphore, #tpu.memory_space<semaphore_mem>>) src(%dma_wait3A_32 : memref<150528x128xf32, #tpu.memory_space<hbm>>) dst(%arg13 : memref<128x128xf32, #tpu.memory_space<vmem>>)
      %scan3A_33 = arith.constant 0 : i32
      %scan3A_34 = arith.constant 0 : i32
      %scan3A_35 = arith.constant 128 : i32
      %scan3A_36 = arith.addi %scan3A_34, %scan3A_35 : i32
      %scan3A_37 = arith.constant 1 : i32
      scf.for %scan3A_40 = %scan3A_34 to %scan3A_36 step %scan3A_37  : i32 {
        %get3A = arith.index_cast %scan3A_40 : i32 to index
        %get3A_41 = arith.constant 0 : index
        %get3A_42 = tpu.vector_load %arg11[%get3A, %get3A_41] {strides = array<i32>} : memref<128x128xf32, #tpu.memory_space<vmem>>, vector<1x16xf32>,
        %get3A_43 = vector.shape_cast %get3A_42 : vector<1x16xf32> to vector<16xf32>
        %get3A_44 = arith.index_cast %scan3A_40 : i32 to index
        %get3A_45 = arith.constant 0 : index
        %get3A_46 = tpu.vector_load %arg12[%get3A_44, %get3A_45] {strides = array<i32>} : memref<128x128xf32, #tpu.memory_space<vmem>>, vector<1x16xf32>,
        %get3A_47 = vector.shape_cast %get3A_46 : vector<1x16xf32> to vector<16xf32>
        %add3A_48 = arith.addf %get3A_43, %get3A_47 : vector<16xf32>
        %get3A_49 = arith.index_cast %scan3A_40 : i32 to index
        %get3A_50 = arith.constant 0 : index
        %get3A_51 = tpu.vector_load %arg13[%get3A_49, %get3A_50] {strides = array<i32>} : memref<128x128xf32, #tpu.memory_space<vmem>>, vector<1x16xf32>,
        %get3A_52 = vector.shape_cast %get3A_51 : vector<1x16xf32> to vector<16xf32>
        %add3A_53 = arith.addf %add3A_48, %get3A_52 : vector<16xf32>
        %get3A_54 = arith.constant 0 : index
        %get3A_55 = tpu.vector_load %arg15[%get3A_54] {strides = array<i32>} : memref<128xf32, #tpu.memory_space<vmem>>, vector<16xf32>,
        %get3A_56 = vector.shape_cast %get3A_55 : vector<16xf32> to vector<16xf32>
        %add3A_57 = arith.addf %add3A_53, %get3A_56 : vector<16xf32>
        %swap3A = arith.index_cast %scan3A_40 : i32 to index
        %swap3A_58 = arith.constant 0 : index
        %swap3A_59 = tpu.vector_load %arg14[%swap3A, %swap3A_58] {strides = array<i32>} : memref<128x128xf32, #tpu.memory_space<vmem>>, vector<1x16xf32>,
        %swap3A_60 = vector.shape_cast %swap3A_59 : vector<1x16xf32> to vector<16xf32>
        %swap3A_61 = vector.shape_cast %add3A_57 : vector<16xf32> to vector<1x16xf32>
        tpu.vector_store %arg14[%swap3A, %swap3A_58], %swap3A_61 {strides = array<i32>} : memref<128x128xf32, #tpu.memory_space<vmem>>, vector<1x16xf32>,
        %get3A_62 = arith.index_cast %scan3A_40 : i32 to index
        %get3A_63 = arith.constant 16 : index
        %get3A_64 = tpu.vector_load %arg11[%get3A_62, %get3A_63] {strides = array<i32>} : memref<128x128xf32, #tpu.memory_space<vmem>>, vector<1x16xf32>,
        %get3A_65 = vector.shape_cast %get3A_64 : vector<1x16xf32> to vector<16xf32>
        %get3A_66 = arith.index_cast %scan3A_40 : i32 to index
        %get3A_67 = arith.constant 16 : index
        %get3A_68 = tpu.vector_load %arg12[%get3A_66, %get3A_67] {strides = array<i32>} : memref<128x128xf32, #tpu.memory_space<vmem>>, vector<1x16xf32>,
        %get3A_69 = vector.shape_cast %get3A_68 : vector<1x16xf32> to vector<16xf32>
        %add3A_70 = arith.addf %get3A_65, %get3A_69 : vector<16xf32>
        %get3A_71 = arith.index_cast %scan3A_40 : i32 to index
        %get3A_72 = arith.constant 16 : index
        %get3A_73 = tpu.vector_load %arg13[%get3A_71, %get3A_72] {strides = array<i32>} : memref<128x128xf32, #tpu.memory_space<vmem>>, vector<1x16xf32>,
        %get3A_74 = vector.shape_cast %get3A_73 : vector<1x16xf32> to vector<16xf32>
        %add3A_75 = arith.addf %add3A_70, %get3A_74 : vector<16xf32>
        %get3A_76 = arith.constant 16 : index
        %get3A_77 = tpu.vector_load %arg15[%get3A_76] {strides = array<i32>} : memref<128xf32, #tpu.memory_space<vmem>>, vector<16xf32>,
        %get3A_78 = vector.shape_cast %get3A_77 : vector<16xf32> to vector<16xf32>
        %add3A_79 = arith.addf %add3A_75, %get3A_78 : vector<16xf32>
        %swap3A_80 = arith.index_cast %scan3A_40 : i32 to index
        %swap3A_81 = arith.constant 16 : index
        %swap3A_82 = tpu.vector_load %arg14[%swap3A_80, %swap3A_81] {strides = array<i32>} : memref<128x128xf32, #tpu.memory_space<vmem>>, vector<1x16xf32>,
        %swap3A_83 = vector.shape_cast %swap3A_82 : vector<1x16xf32> to vector<16xf32>
        %swap3A_84 = vector.shape_cast %add3A_79 : vector<16xf32> to vector<1x16xf32>
        tpu.vector_store %arg14[%swap3A_80, %swap3A_81], %swap3A_84 {strides = array<i32>} : memref<128x128xf32, #tpu.memory_space<vmem>>, vector<1x16xf32>,
        %get3A_85 = arith.index_cast %scan3A_40 : i32 to index
        %get3A_86 = arith.constant 32 : index
        %get3A_87 = tpu.vector_load %arg11[%get3A_85, %get3A_86] {strides = array<i32>} : memref<128x128xf32, #tpu.memory_space<vmem>>, vector<1x16xf32>,
        %get3A_88 = vector.shape_cast %get3A_87 : vector<1x16xf32> to vector<16xf32>
        %get3A_89 = arith.index_cast %scan3A_40 : i32 to index
        %get3A_90 = arith.constant 32 : index
        %get3A_91 = tpu.vector_load %arg12[%get3A_89, %get3A_90] {strides = array<i32>} : memref<128x128xf32, #tpu.memory_space<vmem>>, vector<1x16xf32>,
        %get3A_92 = vector.shape_cast %get3A_91 : vector<1x16xf32> to vector<16xf32>
        %add3A_93 = arith.addf %get3A_88, %get3A_92 : vector<16xf32>
        %get3A_94 = arith.index_cast %scan3A_40 : i32 to index
        %get3A_95 = arith.constant 32 : index
        %get3A_96 = tpu.vector_load %arg13[%get3A_94, %get3A_95] {strides = array<i32>} : memref<128x128xf32, #tpu.memory_space<vmem>>, vector<1x16xf32>,
        %get3A_97 = vector.shape_cast %get3A_96 : vector<1x16xf32> to vector<16xf32>
        %add3A_98 = arith.addf %add3A_93, %get3A_97 : vector<16xf32>
        %get3A_99 = arith.constant 32 : index
        %get3A_100 = tpu.vector_load %arg15[%get3A_99] {strides = array<i32>} : memref<128xf32, #tpu.memory_space<vmem>>, vector<16xf32>,
        %get3A_101 = vector.shape_cast %get3A_100 : vector<16xf32> to vector<16xf32>
        %add3A_102 = arith.addf %add3A_98, %get3A_101 : vector<16xf32>
        %swap3A_103 = arith.index_cast %scan3A_40 : i32 to index
        %swap3A_104 = arith.constant 32 : index
        %swap3A_105 = tpu.vector_load %arg14[%swap3A_103, %swap3A_104] {strides = array<i32>} : memref<128x128xf32, #tpu.memory_space<vmem>>, vector<1x16xf32>,
        %swap3A_106 = vector.shape_cast %swap3A_105 : vector<1x16xf32> to vector<16xf32>
        %swap3A_107 = vector.shape_cast %add3A_102 : vector<16xf32> to vector<1x16xf32>
        tpu.vector_store %arg14[%swap3A_103, %swap3A_104], %swap3A_107 {strides = array<i32>} : memref<128x128xf32, #tpu.memory_space<vmem>>, vector<1x16xf32>,
        %get3A_108 = arith.index_cast %scan3A_40 : i32 to index
        %get3A_109 = arith.constant 48 : index
        %get3A_110 = tpu.vector_load %arg11[%get3A_108, %get3A_109] {strides = array<i32>} : memref<128x128xf32, #tpu.memory_space<vmem>>, vector<1x16xf32>,
        %get3A_111 = vector.shape_cast %get3A_110 : vector<1x16xf32> to vector<16xf32>
        %get3A_112 = arith.index_cast %scan3A_40 : i32 to index
        %get3A_113 = arith.constant 48 : index
        %get3A_114 = tpu.vector_load %arg12[%get3A_112, %get3A_113] {strides = array<i32>} : memref<128x128xf32, #tpu.memory_space<vmem>>, vector<1x16xf32>,
        %get3A_115 = vector.shape_cast %get3A_114 : vector<1x16xf32> to vector<16xf32>
        %add3A_116 = arith.addf %get3A_111, %get3A_115 : vector<16xf32>
        %get3A_117 = arith.index_cast %scan3A_40 : i32 to index
        %get3A_118 = arith.constant 48 : index
        %get3A_119 = tpu.vector_load %arg13[%get3A_117, %get3A_118] {strides = array<i32>} : memref<128x128xf32, #tpu.memory_space<vmem>>, vector<1x16xf32>,
        %get3A_120 = vector.shape_cast %get3A_119 : vector<1x16xf32> to vector<16xf32>
        %add3A_121 = arith.addf %add3A_116, %get3A_120 : vector<16xf32>
        %get3A_122 = arith.constant 48 : index
        %get3A_123 = tpu.vector_load %arg15[%get3A_122] {strides = array<i32>} : memref<128xf32, #tpu.memory_space<vmem>>, vector<16xf32>,
        %get3A_124 = vector.shape_cast %get3A_123 : vector<16xf32> to vector<16xf32>
        %add3A_125 = arith.addf %add3A_121, %get3A_124 : vector<16xf32>
        %swap3A_126 = arith.index_cast %scan3A_40 : i32 to index
        %swap3A_127 = arith.constant 48 : index
        %swap3A_128 = tpu.vector_load %arg14[%swap3A_126, %swap3A_127] {strides = array<i32>} : memref<128x128xf32, #tpu.memory_space<vmem>>, vector<1x16xf32>,
        %swap3A_129 = vector.shape_cast %swap3A_128 : vector<1x16xf32> to vector<16xf32>
        %swap3A_130 = vector.shape_cast %add3A_125 : vector<16xf32> to vector<1x16xf32>
        tpu.vector_store %arg14[%swap3A_126, %swap3A_127], %swap3A_130 {strides = array<i32>} : memref<128x128xf32, #tpu.memory_space<vmem>>, vector<1x16xf32>,
        %get3A_131 = arith.index_cast %scan3A_40 : i32 to index
        %get3A_132 = arith.constant 64 : index
        %get3A_133 = tpu.vector_load %arg11[%get3A_131, %get3A_132] {strides = array<i32>} : memref<128x128xf32, #tpu.memory_space<vmem>>, vector<1x16xf32>,
        %get3A_134 = vector.shape_cast %get3A_133 : vector<1x16xf32> to vector<16xf32>
        %get3A_135 = arith.index_cast %scan3A_40 : i32 to index
        %get3A_136 = arith.constant 64 : index
        %get3A_137 = tpu.vector_load %arg12[%get3A_135, %get3A_136] {strides = array<i32>} : memref<128x128xf32, #tpu.memory_space<vmem>>, vector<1x16xf32>,
        %get3A_138 = vector.shape_cast %get3A_137 : vector<1x16xf32> to vector<16xf32>
        %add3A_139 = arith.addf %get3A_134, %get3A_138 : vector<16xf32>
        %get3A_140 = arith.index_cast %scan3A_40 : i32 to index
        %get3A_141 = arith.constant 64 : index
        %get3A_142 = tpu.vector_load %arg13[%get3A_140, %get3A_141] {strides = array<i32>} : memref<128x128xf32, #tpu.memory_space<vmem>>, vector<1x16xf32>,
        %get3A_143 = vector.shape_cast %get3A_142 : vector<1x16xf32> to vector<16xf32>
        %add3A_144 = arith.addf %add3A_139, %get3A_143 : vector<16xf32>
        %get3A_145 = arith.constant 64 : index
        %get3A_146 = tpu.vector_load %arg15[%get3A_145] {strides = array<i32>} : memref<128xf32, #tpu.memory_space<vmem>>, vector<16xf32>,
        %get3A_147 = vector.shape_cast %get3A_146 : vector<16xf32> to vector<16xf32>
        %add3A_148 = arith.addf %add3A_144, %get3A_147 : vector<16xf32>
        %swap3A_149 = arith.index_cast %scan3A_40 : i32 to index
        %swap3A_150 = arith.constant 64 : index
        %swap3A_151 = tpu.vector_load %arg14[%swap3A_149, %swap3A_150] {strides = array<i32>} : memref<128x128xf32, #tpu.memory_space<vmem>>, vector<1x16xf32>,
        %swap3A_152 = vector.shape_cast %swap3A_151 : vector<1x16xf32> to vector<16xf32>
        %swap3A_153 = vector.shape_cast %add3A_148 : vector<16xf32> to vector<1x16xf32>
        tpu.vector_store %arg14[%swap3A_149, %swap3A_150], %swap3A_153 {strides = array<i32>} : memref<128x128xf32, #tpu.memory_space<vmem>>, vector<1x16xf32>,
        %get3A_154 = arith.index_cast %scan3A_40 : i32 to index
        %get3A_155 = arith.constant 80 : index
        %get3A_156 = tpu.vector_load %arg11[%get3A_154, %get3A_155] {strides = array<i32>} : memref<128x128xf32, #tpu.memory_space<vmem>>, vector<1x16xf32>,
        %get3A_157 = vector.shape_cast %get3A_156 : vector<1x16xf32> to vector<16xf32>
        %get3A_158 = arith.index_cast %scan3A_40 : i32 to index
        %get3A_159 = arith.constant 80 : index
        %get3A_160 = tpu.vector_load %arg12[%get3A_158, %get3A_159] {strides = array<i32>} : memref<128x128xf32, #tpu.memory_space<vmem>>, vector<1x16xf32>,
        %get3A_161 = vector.shape_cast %get3A_160 : vector<1x16xf32> to vector<16xf32>
        %add3A_162 = arith.addf %get3A_157, %get3A_161 : vector<16xf32>
        %get3A_163 = arith.index_cast %scan3A_40 : i32 to index
        %get3A_164 = arith.constant 80 : index
        %get3A_165 = tpu.vector_load %arg13[%get3A_163, %get3A_164] {strides = array<i32>} : memref<128x128xf32, #tpu.memory_space<vmem>>, vector<1x16xf32>,
        %get3A_166 = vector.shape_cast %get3A_165 : vector<1x16xf32> to vector<16xf32>
        %add3A_167 = arith.addf %add3A_162, %get3A_166 : vector<16xf32>
        %get3A_168 = arith.constant 80 : index
        %get3A_169 = tpu.vector_load %arg15[%get3A_168] {strides = array<i32>} : memref<128xf32, #tpu.memory_space<vmem>>, vector<16xf32>,
        %get3A_170 = vector.shape_cast %get3A_169 : vector<16xf32> to vector<16xf32>
        %add3A_171 = arith.addf %add3A_167, %get3A_170 : vector<16xf32>
        %swap3A_172 = arith.index_cast %scan3A_40 : i32 to index
        %swap3A_173 = arith.constant 80 : index
        %swap3A_174 = tpu.vector_load %arg14[%swap3A_172, %swap3A_173] {strides = array<i32>} : memref<128x128xf32, #tpu.memory_space<vmem>>, vector<1x16xf32>,
        %swap3A_175 = vector.shape_cast %swap3A_174 : vector<1x16xf32> to vector<16xf32>
        %swap3A_176 = vector.shape_cast %add3A_171 : vector<16xf32> to vector<1x16xf32>
        tpu.vector_store %arg14[%swap3A_172, %swap3A_173], %swap3A_176 {strides = array<i32>} : memref<128x128xf32, #tpu.memory_space<vmem>>, vector<1x16xf32>,
        %get3A_177 = arith.index_cast %scan3A_40 : i32 to index
        %get3A_178 = arith.constant 96 : index
        %get3A_179 = tpu.vector_load %arg11[%get3A_177, %get3A_178] {strides = array<i32>} : memref<128x128xf32, #tpu.memory_space<vmem>>, vector<1x16xf32>,
        %get3A_180 = vector.shape_cast %get3A_179 : vector<1x16xf32> to vector<16xf32>
        %get3A_181 = arith.index_cast %scan3A_40 : i32 to index
        %get3A_182 = arith.constant 96 : index
        %get3A_183 = tpu.vector_load %arg12[%get3A_181, %get3A_182] {strides = array<i32>} : memref<128x128xf32, #tpu.memory_space<vmem>>, vector<1x16xf32>,
        %get3A_184 = vector.shape_cast %get3A_183 : vector<1x16xf32> to vector<16xf32>
        %add3A_185 = arith.addf %get3A_180, %get3A_184 : vector<16xf32>
        %get3A_186 = arith.index_cast %scan3A_40 : i32 to index
        %get3A_187 = arith.constant 96 : index
        %get3A_188 = tpu.vector_load %arg13[%get3A_186, %get3A_187] {strides = array<i32>} : memref<128x128xf32, #tpu.memory_space<vmem>>, vector<1x16xf32>,
        %get3A_189 = vector.shape_cast %get3A_188 : vector<1x16xf32> to vector<16xf32>
        %add3A_190 = arith.addf %add3A_185, %get3A_189 : vector<16xf32>
        %get3A_191 = arith.constant 96 : index
        %get3A_192 = tpu.vector_load %arg15[%get3A_191] {strides = array<i32>} : memref<128xf32, #tpu.memory_space<vmem>>, vector<16xf32>,
        %get3A_193 = vector.shape_cast %get3A_192 : vector<16xf32> to vector<16xf32>
        %add3A_194 = arith.addf %add3A_190, %get3A_193 : vector<16xf32>
        %swap3A_195 = arith.index_cast %scan3A_40 : i32 to index
        %swap3A_196 = arith.constant 96 : index
        %swap3A_197 = tpu.vector_load %arg14[%swap3A_195, %swap3A_196] {strides = array<i32>} : memref<128x128xf32, #tpu.memory_space<vmem>>, vector<1x16xf32>,
        %swap3A_198 = vector.shape_cast %swap3A_197 : vector<1x16xf32> to vector<16xf32>
        %swap3A_199 = vector.shape_cast %add3A_194 : vector<16xf32> to vector<1x16xf32>
        tpu.vector_store %arg14[%swap3A_195, %swap3A_196], %swap3A_199 {strides = array<i32>} : memref<128x128xf32, #tpu.memory_space<vmem>>, vector<1x16xf32>,
        %get3A_200 = arith.index_cast %scan3A_40 : i32 to index
        %get3A_201 = arith.constant 112 : index
        %get3A_202 = tpu.vector_load %arg11[%get3A_200, %get3A_201] {strides = array<i32>} : memref<128x128xf32, #tpu.memory_space<vmem>>, vector<1x16xf32>,
        %get3A_203 = vector.shape_cast %get3A_202 : vector<1x16xf32> to vector<16xf32>
        %get3A_204 = arith.index_cast %scan3A_40 : i32 to index
        %get3A_205 = arith.constant 112 : index
        %get3A_206 = tpu.vector_load %arg12[%get3A_204, %get3A_205] {strides = array<i32>} : memref<128x128xf32, #tpu.memory_space<vmem>>, vector<1x16xf32>,
        %get3A_207 = vector.shape_cast %get3A_206 : vector<1x16xf32> to vector<16xf32>
        %add3A_208 = arith.addf %get3A_203, %get3A_207 : vector<16xf32>
        %get3A_209 = arith.index_cast %scan3A_40 : i32 to index
        %get3A_210 = arith.constant 112 : index
        %get3A_211 = tpu.vector_load %arg13[%get3A_209, %get3A_210] {strides = array<i32>} : memref<128x128xf32, #tpu.memory_space<vmem>>, vector<1x16xf32>,
        %get3A_212 = vector.shape_cast %get3A_211 : vector<1x16xf32> to vector<16xf32>
        %add3A_213 = arith.addf %add3A_208, %get3A_212 : vector<16xf32>
        %get3A_214 = arith.constant 112 : index
        %get3A_215 = tpu.vector_load %arg15[%get3A_214] {strides = array<i32>} : memref<128xf32, #tpu.memory_space<vmem>>, vector<16xf32>,
        %get3A_216 = vector.shape_cast %get3A_215 : vector<16xf32> to vector<16xf32>
        %add3A_217 = arith.addf %add3A_213, %get3A_216 : vector<16xf32>
        %swap3A_218 = arith.index_cast %scan3A_40 : i32 to index
        %swap3A_219 = arith.constant 112 : index
        %swap3A_220 = tpu.vector_load %arg14[%swap3A_218, %swap3A_219] {strides = array<i32>} : memref<128x128xf32, #tpu.memory_space<vmem>>, vector<1x16xf32>,
        %swap3A_221 = vector.shape_cast %swap3A_220 : vector<1x16xf32> to vector<16xf32>
        %swap3A_222 = vector.shape_cast %add3A_217 : vector<16xf32> to vector<1x16xf32>
        tpu.vector_store %arg14[%swap3A_218, %swap3A_219], %swap3A_222 {strides = array<i32>} : memref<128x128xf32, #tpu.memory_space<vmem>>, vector<1x16xf32>,
      }
      %scan3A_38 = arith.constant 128 : i32
      %add3A_39 = arith.addi %mul3A_2, %mul3A_10 : i32
      "tpu.region"() ({
        %run_scoped3A = tpu.sem_alloc : memref<!tpu.dma_semaphore, #tpu.memory_space<semaphore_mem>>
        %dma_start3A_40 = arith.constant 0 : i32
        %dma_start3A_41 = tpu.memref_slice %arg7[%add3A_39, %dma_start3A_40] : memref<102400x128xf32, #tpu.memory_space<hbm>> -> memref<128x128xf32, #tpu.memory_space<hbm>>
        %dma_start3A_42 = arith.constant 0 : i32
        %dma_start3A_43 = tpu.memref_slice %arg7[%add3A_39, %dma_start3A_42] : memref<102400x128xf32, #tpu.memory_space<hbm>> -> memref<128x128xf32, #tpu.memory_space<hbm>>
        tpu.enqueue_dma source(%arg14 : memref<128x128xf32, #tpu.memory_space<vmem>>) target(%dma_start3A_43 : memref<128x128xf32, #tpu.memory_space<hbm>>) target_semaphore(%run_scoped3A : memref<!tpu.dma_semaphore, #tpu.memory_space<semaphore_mem>>)
        %dma_wait3A_44 = arith.constant 0 : i32
        %dma_wait3A_45 = tpu.memref_slice %arg7[%add3A_39, %dma_wait3A_44] : memref<102400x128xf32, #tpu.memory_space<hbm>> -> memref<128x128xf32, #tpu.memory_space<hbm>>
        %dma_wait3A_46 = arith.constant 0 : i32
        %dma_wait3A_47 = tpu.memref_slice %arg7[%add3A_39, %dma_wait3A_46] : memref<102400x128xf32, #tpu.memory_space<hbm>> -> memref<128x128xf32, #tpu.memory_space<hbm>>
        tpu.wait_dma2 semaphore(%run_scoped3A : memref<!tpu.dma_semaphore, #tpu.memory_space<semaphore_mem>>) src(%arg14 : memref<128x128xf32, #tpu.memory_space<vmem>>) dst(%dma_wait3A_47 : memref<128x128xf32, #tpu.memory_space<hbm>>)
        tpu.yield
      }) : () -> ()
    }
    %scan3A_7 = arith.constant 25 : i32
    return
  }
}

#map = affine_map<(d0, d1) -> (0, 0)>
#map1 = affine_map<(d0, d1) -> (0)>
module attributes {stable_mosaic.version = 14 : i64} {
  func.func @_k3b_body(%arg0: i32, %arg1: i32, %arg2: memref<102400x128xf32, #tpu.memory_space<hbm>>, %arg3: memref<9751552xi32, #tpu.memory_space<hbm>>, %arg4: memref<9751552xi32, #tpu.memory_space<hbm>>, %arg5: memref<512xi32, #tpu.memory_space<hbm>>, %arg6: memref<102400x128xf32, #tpu.memory_space<hbm>>, %arg7: memref<102400x16xf32, #tpu.memory_space<hbm>>, %arg8: memref<4688xi32, #tpu.memory_space<vmem>>, %arg9: memref<4688xi32, #tpu.memory_space<vmem>>, %arg10: memref<4784xi32, #tpu.memory_space<vmem>>, %arg11: memref<4784xi32, #tpu.memory_space<vmem>>, %arg12: memref<64x128xf32, #tpu.memory_space<vmem>>, %arg13: memref<16xi32, #tpu.memory_space<vmem>>, %arg14: memref<328x128xf32, #tpu.memory_space<vmem>>, %arg15: memref<328x16xf32, #tpu.memory_space<vmem>>, %arg16: memref<!tpu.dma_semaphore, #tpu.memory_space<semaphore_mem>>) attributes {dimension_semantics = [#tpu.dimension_semantics<core_parallel>, #tpu.dimension_semantics<subcore_parallel>], iteration_bounds = array<i64: 2, 16>, scalar_prefetch = 0 : i64, scratch_operands = 9 : i64, tpu.core_type = #tpu.core_type<sc_vector_subcore>, window_params = [{transform_indices = #map}, {transform_indices = #map1}, {transform_indices = #map1}, {transform_indices = #map1}, {transform_indices = #map}, {transform_indices = #map}]} {
    %mul3A = arith.constant 2 : i32
    %mul3A_0 = arith.muli %arg1, %mul3A : i32
    %add3A = arith.addi %mul3A_0, %arg0 : i32
    %mul3A_1 = arith.constant 304736 : i32
    %mul3A_2 = arith.muli %add3A, %mul3A_1 : i32
    %mul3A_3 = arith.constant 16 : i32
    %mul3A_4 = arith.muli %add3A, %mul3A_3 : i32
    %multiple_of3A = tpu.assume_multiple %mul3A_4, 16 : i32
    "tpu.region"() ({
      %run_scoped3A = tpu.sem_alloc : memref<!tpu.dma_semaphore, #tpu.memory_space<semaphore_mem>>
      %dma_start3A = tpu.memref_slice %arg5[%multiple_of3A] : memref<512xi32, #tpu.memory_space<hbm>> -> memref<16xi32, #tpu.memory_space<hbm>>
      %dma_start3A_31 = tpu.memref_slice %arg5[%multiple_of3A] : memref<512xi32, #tpu.memory_space<hbm>> -> memref<16xi32, #tpu.memory_space<hbm>>
      tpu.enqueue_dma source(%dma_start3A_31 : memref<16xi32, #tpu.memory_space<hbm>>) target(%arg13 : memref<16xi32, #tpu.memory_space<vmem>>) target_semaphore(%run_scoped3A : memref<!tpu.dma_semaphore, #tpu.memory_space<semaphore_mem>>)
      %dma_wait3A = tpu.memref_slice %arg5[%multiple_of3A] : memref<512xi32, #tpu.memory_space<hbm>> -> memref<16xi32, #tpu.memory_space<hbm>>
      %dma_wait3A_32 = tpu.memref_slice %arg5[%multiple_of3A] : memref<512xi32, #tpu.memory_space<hbm>> -> memref<16xi32, #tpu.memory_space<hbm>>
      tpu.wait_dma2 semaphore(%run_scoped3A : memref<!tpu.dma_semaphore, #tpu.memory_space<semaphore_mem>>) src(%dma_wait3A_32 : memref<16xi32, #tpu.memory_space<hbm>>) dst(%arg13 : memref<16xi32, #tpu.memory_space<vmem>>)
      tpu.yield
    }) : () -> ()
    %get3A = arith.constant 0 : index
    %get3A_5 = tpu.vector_load %arg13[%get3A] {strides = array<i32>} : memref<16xi32, #tpu.memory_space<vmem>>, vector<16xi32>,
    %slice3A = vector.extract_strided_slice %get3A_5 {offsets = [0], sizes = [1], strides = [1]} : vector<16xi32> to vector<1xi32>
    %squeeze3A = vector.extract %slice3A[0] : i32 from vector<1xi32>
    %add3A_6 = arith.constant 4688 : i32
    %add3A_7 = arith.addi %squeeze3A, %add3A_6 : i32
    %sub3A = arith.constant 1 : i32
    %sub3A_8 = arith.subi %add3A_7, %sub3A : i32
    %jit3A = arith.constant 4688 : i32
    %div3A = arith.divsi %sub3A_8, %jit3A : i32
    %sign3A = arith.constant 0 : i32
    %sign3A_9 = arith.cmpi sgt, %sub3A_8, %sign3A : i32
    %sign3A_10 = arith.extui %sign3A_9 : i1 to i32
    %sign3A_11 = arith.constant 0 : i32
    %sign3A_12 = arith.cmpi slt, %sub3A_8, %sign3A_11 : i32
    %sign3A_13 = arith.extui %sign3A_12 : i1 to i32
    %sign3A_14 = arith.subi %sign3A_10, %sign3A_13 : i32
    %sign3A_15 = arith.constant 0 : i32
    %sign3A_16 = arith.cmpi sgt, %jit3A, %sign3A_15 : i32
    %sign3A_17 = arith.extui %sign3A_16 : i1 to i32
    %sign3A_18 = arith.constant 0 : i32
    %sign3A_19 = arith.cmpi slt, %jit3A, %sign3A_18 : i32
    %sign3A_20 = arith.extui %sign3A_19 : i1 to i32
    %sign3A_21 = arith.subi %sign3A_17, %sign3A_20 : i32
    %ne3A = arith.cmpi ne, %sign3A_14, %sign3A_21 : i32
    %rem3A = arith.remsi %sub3A_8, %jit3A : i32
    %ne3A_22 = arith.constant 0 : i32
    %ne3A_23 = arith.cmpi ne, %rem3A, %ne3A_22 : i32
    %and3A = arith.andi %ne3A, %ne3A_23 : i1
    %sub3A_24 = arith.constant 1 : i32
    %sub3A_25 = arith.subi %div3A, %sub3A_24 : i32
    %select_n3A = arith.select %and3A, %sub3A_25, %div3A : i32
    %scan3A = arith.constant 0 : i32
    %scan3A_26 = arith.constant 0 : i32
    %scan3A_27 = arith.constant 10 : i32
    %scan3A_28 = arith.addi %scan3A_26, %scan3A_27 : i32
    %scan3A_29 = arith.constant 1 : i32
    scf.for %scan3A_31 = %scan3A_26 to %scan3A_28 step %scan3A_29  : i32 {
      %mul3A_32 = arith.constant 3200 : i32
      %mul3A_33 = arith.muli %add3A, %mul3A_32 : i32
      %mul3A_34 = arith.constant 320 : i32
      %mul3A_35 = arith.muli %scan3A_31, %mul3A_34 : i32
      %add3A_36 = arith.addi %mul3A_33, %mul3A_35 : i32
      %scan3A_37 = arith.constant 0 : i32
      %scan3A_38 = arith.constant 0 : i32
      %scan3A_39 = arith.constant 328 : i32
      %scan3A_40 = arith.addi %scan3A_38, %scan3A_39 : i32
      %scan3A_41 = arith.constant 1 : i32
      scf.for %scan3A_52 = %scan3A_38 to %scan3A_40 step %scan3A_41  : i32 {
        %broadcast_in_dim3A = arith.constant 0.000000e+00 : f32
        %broadcast_in_dim3A_53 = vector.broadcast %broadcast_in_dim3A : f32 to vector<16xf32>
        %swap3A = arith.index_cast %scan3A_52 : i32 to index
        %swap3A_54 = arith.constant 0 : index
        %swap3A_55 = tpu.vector_load %arg14[%swap3A, %swap3A_54] {strides = array<i32>} : memref<328x128xf32, #tpu.memory_space<vmem>>, vector<16xf32>,
        tpu.vector_store %arg14[%swap3A, %swap3A_54], %broadcast_in_dim3A_53 {strides = array<i32>} : memref<328x128xf32, #tpu.memory_space<vmem>>, vector<16xf32>,
        %broadcast_in_dim3A_56 = arith.constant 0.000000e+00 : f32
        %broadcast_in_dim3A_57 = vector.broadcast %broadcast_in_dim3A_56 : f32 to vector<16xf32>
        %swap3A_58 = arith.index_cast %scan3A_52 : i32 to index
        %swap3A_59 = arith.constant 16 : index
        %swap3A_60 = tpu.vector_load %arg14[%swap3A_58, %swap3A_59] {strides = array<i32>} : memref<328x128xf32, #tpu.memory_space<vmem>>, vector<16xf32>,
        tpu.vector_store %arg14[%swap3A_58, %swap3A_59], %broadcast_in_dim3A_57 {strides = array<i32>} : memref<328x128xf32, #tpu.memory_space<vmem>>, vector<16xf32>,
        %broadcast_in_dim3A_61 = arith.constant 0.000000e+00 : f32
        %broadcast_in_dim3A_62 = vector.broadcast %broadcast_in_dim3A_61 : f32 to vector<16xf32>
        %swap3A_63 = arith.index_cast %scan3A_52 : i32 to index
        %swap3A_64 = arith.constant 32 : index
        %swap3A_65 = tpu.vector_load %arg14[%swap3A_63, %swap3A_64] {strides = array<i32>} : memref<328x128xf32, #tpu.memory_space<vmem>>, vector<16xf32>,
        tpu.vector_store %arg14[%swap3A_63, %swap3A_64], %broadcast_in_dim3A_62 {strides = array<i32>} : memref<328x128xf32, #tpu.memory_space<vmem>>, vector<16xf32>,
        %broadcast_in_dim3A_66 = arith.constant 0.000000e+00 : f32
        %broadcast_in_dim3A_67 = vector.broadcast %broadcast_in_dim3A_66 : f32 to vector<16xf32>
        %swap3A_68 = arith.index_cast %scan3A_52 : i32 to index
        %swap3A_69 = arith.constant 48 : index
        %swap3A_70 = tpu.vector_load %arg14[%swap3A_68, %swap3A_69] {strides = array<i32>} : memref<328x128xf32, #tpu.memory_space<vmem>>, vector<16xf32>,
        tpu.vector_store %arg14[%swap3A_68, %swap3A_69], %broadcast_in_dim3A_67 {strides = array<i32>} : memref<328x128xf32, #tpu.memory_space<vmem>>, vector<16xf32>,
        %broadcast_in_dim3A_71 = arith.constant 0.000000e+00 : f32
        %broadcast_in_dim3A_72 = vector.broadcast %broadcast_in_dim3A_71 : f32 to vector<16xf32>
        %swap3A_73 = arith.index_cast %scan3A_52 : i32 to index
        %swap3A_74 = arith.constant 64 : index
        %swap3A_75 = tpu.vector_load %arg14[%swap3A_73, %swap3A_74] {strides = array<i32>} : memref<328x128xf32, #tpu.memory_space<vmem>>, vector<16xf32>,
        tpu.vector_store %arg14[%swap3A_73, %swap3A_74], %broadcast_in_dim3A_72 {strides = array<i32>} : memref<328x128xf32, #tpu.memory_space<vmem>>, vector<16xf32>,
        %broadcast_in_dim3A_76 = arith.constant 0.000000e+00 : f32
        %broadcast_in_dim3A_77 = vector.broadcast %broadcast_in_dim3A_76 : f32 to vector<16xf32>
        %swap3A_78 = arith.index_cast %scan3A_52 : i32 to index
        %swap3A_79 = arith.constant 80 : index
        %swap3A_80 = tpu.vector_load %arg14[%swap3A_78, %swap3A_79] {strides = array<i32>} : memref<328x128xf32, #tpu.memory_space<vmem>>, vector<16xf32>,
        tpu.vector_store %arg14[%swap3A_78, %swap3A_79], %broadcast_in_dim3A_77 {strides = array<i32>} : memref<328x128xf32, #tpu.memory_space<vmem>>, vector<16xf32>,
        %broadcast_in_dim3A_81 = arith.constant 0.000000e+00 : f32
        %broadcast_in_dim3A_82 = vector.broadcast %broadcast_in_dim3A_81 : f32 to vector<16xf32>
        %swap3A_83 = arith.index_cast %scan3A_52 : i32 to index
        %swap3A_84 = arith.constant 96 : index
        %swap3A_85 = tpu.vector_load %arg14[%swap3A_83, %swap3A_84] {strides = array<i32>} : memref<328x128xf32, #tpu.memory_space<vmem>>, vector<16xf32>,
        tpu.vector_store %arg14[%swap3A_83, %swap3A_84], %broadcast_in_dim3A_82 {strides = array<i32>} : memref<328x128xf32, #tpu.memory_space<vmem>>, vector<16xf32>,
        %broadcast_in_dim3A_86 = arith.constant 0.000000e+00 : f32
        %broadcast_in_dim3A_87 = vector.broadcast %broadcast_in_dim3A_86 : f32 to vector<16xf32>
        %swap3A_88 = arith.index_cast %scan3A_52 : i32 to index
        %swap3A_89 = arith.constant 112 : index
        %swap3A_90 = tpu.vector_load %arg14[%swap3A_88, %swap3A_89] {strides = array<i32>} : memref<328x128xf32, #tpu.memory_space<vmem>>, vector<16xf32>,
        tpu.vector_store %arg14[%swap3A_88, %swap3A_89], %broadcast_in_dim3A_87 {strides = array<i32>} : memref<328x128xf32, #tpu.memory_space<vmem>>, vector<16xf32>,
        %broadcast_in_dim3A_91 = arith.constant 0.000000e+00 : f32
        %broadcast_in_dim3A_92 = vector.broadcast %broadcast_in_dim3A_91 : f32 to vector<16xf32>
        %swap3A_93 = arith.index_cast %scan3A_52 : i32 to index
        %swap3A_94 = arith.constant 0 : index
        %swap3A_95 = tpu.vector_load %arg15[%swap3A_93, %swap3A_94] {strides = array<i32>} : memref<328x16xf32, #tpu.memory_space<vmem>>, vector<16xf32>,
        tpu.vector_store %arg15[%swap3A_93, %swap3A_94], %broadcast_in_dim3A_92 {strides = array<i32>} : memref<328x16xf32, #tpu.memory_space<vmem>>, vector<16xf32>,
      }
      %scan3A_42 = arith.constant 328 : i32
      %while3A = arith.constant 0 : i32
      %while3A_43 = arith.constant 0 : i32
      %while3A_44 = arith.subi %select_n3A, %while3A_43 : i32
      %while3A_45 = arith.addi %while3A_43, %while3A_44 : i32
      %while3A_46 = arith.constant 1 : i32
      %while3A_47 = arith.divsi %while3A_44, %while3A_46 : i32
      %while3A_48 = arith.muli %while3A_47, %while3A_46 : i32
      %while3A_49 = arith.addi %while3A_43, %while3A_48 : i32
      %while3A_50 = arith.constant 1 : i32
      scf.for %while3A_52 = %while3A_43 to %while3A_49 step %while3A_50  : i32 {
        %mul3A_53 = arith.constant 4688 : i32
        %mul3A_54 = arith.muli %while3A_52, %mul3A_53 : i32
        %add3A_55 = arith.addi %mul3A_2, %mul3A_54 : i32
        %multiple_of3A_56 = tpu.assume_multiple %add3A_55, 16 : i32
        "tpu.region"() ({
          %run_scoped3A = tpu.sem_alloc : memref<!tpu.dma_semaphore, #tpu.memory_space<semaphore_mem>>
          %dma_start3A = tpu.memref_slice %arg3[%multiple_of3A_56] : memref<9751552xi32, #tpu.memory_space<hbm>> -> memref<4688xi32, #tpu.memory_space<hbm>>
          %dma_start3A_159 = tpu.memref_slice %arg3[%multiple_of3A_56] : memref<9751552xi32, #tpu.memory_space<hbm>> -> memref<4688xi32, #tpu.memory_space<hbm>>
          tpu.enqueue_dma source(%dma_start3A_159 : memref<4688xi32, #tpu.memory_space<hbm>>) target(%arg8 : memref<4688xi32, #tpu.memory_space<vmem>>) target_semaphore(%run_scoped3A : memref<!tpu.dma_semaphore, #tpu.memory_space<semaphore_mem>>)
          %dma_wait3A = tpu.memref_slice %arg3[%multiple_of3A_56] : memref<9751552xi32, #tpu.memory_space<hbm>> -> memref<4688xi32, #tpu.memory_space<hbm>>
          %dma_wait3A_160 = tpu.memref_slice %arg3[%multiple_of3A_56] : memref<9751552xi32, #tpu.memory_space<hbm>> -> memref<4688xi32, #tpu.memory_space<hbm>>
          tpu.wait_dma2 semaphore(%run_scoped3A : memref<!tpu.dma_semaphore, #tpu.memory_space<semaphore_mem>>) src(%dma_wait3A_160 : memref<4688xi32, #tpu.memory_space<hbm>>) dst(%arg8 : memref<4688xi32, #tpu.memory_space<vmem>>)
          tpu.yield
        }) : () -> ()
        %mul3A_57 = arith.constant 4688 : i32
        %mul3A_58 = arith.muli %while3A_52, %mul3A_57 : i32
        %add3A_59 = arith.addi %mul3A_2, %mul3A_58 : i32
        %multiple_of3A_60 = tpu.assume_multiple %add3A_59, 16 : i32
        "tpu.region"() ({
          %run_scoped3A = tpu.sem_alloc : memref<!tpu.dma_semaphore, #tpu.memory_space<semaphore_mem>>
          %dma_start3A = tpu.memref_slice %arg4[%multiple_of3A_60] : memref<9751552xi32, #tpu.memory_space<hbm>> -> memref<4688xi32, #tpu.memory_space<hbm>>
          %dma_start3A_159 = tpu.memref_slice %arg4[%multiple_of3A_60] : memref<9751552xi32, #tpu.memory_space<hbm>> -> memref<4688xi32, #tpu.memory_space<hbm>>
          tpu.enqueue_dma source(%dma_start3A_159 : memref<4688xi32, #tpu.memory_space<hbm>>) target(%arg9 : memref<4688xi32, #tpu.memory_space<vmem>>) target_semaphore(%run_scoped3A : memref<!tpu.dma_semaphore, #tpu.memory_space<semaphore_mem>>)
          %dma_wait3A = tpu.memref_slice %arg4[%multiple_of3A_60] : memref<9751552xi32, #tpu.memory_space<hbm>> -> memref<4688xi32, #tpu.memory_space<hbm>>
          %dma_wait3A_160 = tpu.memref_slice %arg4[%multiple_of3A_60] : memref<9751552xi32, #tpu.memory_space<hbm>> -> memref<4688xi32, #tpu.memory_space<hbm>>
          tpu.wait_dma2 semaphore(%run_scoped3A : memref<!tpu.dma_semaphore, #tpu.memory_space<semaphore_mem>>) src(%dma_wait3A_160 : memref<4688xi32, #tpu.memory_space<hbm>>) dst(%arg9 : memref<4688xi32, #tpu.memory_space<vmem>>)
          tpu.yield
        }) : () -> ()
        %broadcast_in_dim3A = arith.constant 0 : i32
        %broadcast_in_dim3A_61 = vector.broadcast %broadcast_in_dim3A : i32 to vector<16xi32>
        %scan3A_62 = arith.constant 0 : i32
        %scan3A_63 = arith.constant 293 : i32
        %scan3A_64 = arith.addi %scan3A_62, %scan3A_63 : i32
        %scan3A_65 = arith.constant 1 : i32
        %scan3A_66 = scf.for %scan3A_159 = %scan3A_62 to %scan3A_64 step %scan3A_65 iter_args(%scan3A_160 = %broadcast_in_dim3A_61) -> (vector<16xi32>)  : i32 {
          %mul3A_161 = arith.constant 16 : i32
          %mul3A_162 = arith.muli %scan3A_159, %mul3A_161 : i32
          %get3A_163 = arith.index_cast %mul3A_162 : i32 to index
          %get3A_164 = tpu.vector_load %arg9[%get3A_163] {strides = array<i32>} : memref<4688xi32, #tpu.memory_space<vmem>>, vector<16xi32>,
          %mul3A_165 = arith.constant 16 : i32
          %mul3A_166 = arith.muli %scan3A_159, %mul3A_165 : i32
          %get3A_167 = arith.index_cast %mul3A_166 : i32 to index
          %get3A_168 = tpu.vector_load %arg8[%get3A_167] {strides = array<i32>} : memref<4688xi32, #tpu.memory_space<vmem>>, vector<16xi32>,
          %ge3A = vector.broadcast %add3A_36 : i32 to vector<16xi32>
          %ge3A_169 = arith.cmpi sge, %get3A_164, %ge3A : vector<16xi32>
          %add3A_170 = arith.constant 320 : i32
          %add3A_171 = arith.addi %add3A_36, %add3A_170 : i32
          %lt3A = vector.broadcast %add3A_171 : i32 to vector<16xi32>
          %lt3A_172 = arith.cmpi slt, %get3A_164, %lt3A : vector<16xi32>
          %and3A_173 = arith.andi %ge3A_169, %lt3A_172 : vector<16xi1>
          %convert_element_type3A = arith.extui %and3A_173 : vector<16xi1> to vector<16xi32>
          %broadcast_in_dim3A_174 = arith.constant true
          %broadcast_in_dim3A_175 = vector.broadcast %broadcast_in_dim3A_174 : i1 to vector<16xi1>
          %masked_cumsum3A = tpu.scan <sum>, %convert_element_type3A masked %broadcast_in_dim3A_175 : vector<16xi32>, vector<16xi1> -> vector<16xi32>
          %add3A_176 = arith.addi %scan3A_160, %masked_cumsum3A : vector<16xi32>
          %sub3A_177 = arith.constant 1 : i32
          %sub3A_178 = vector.broadcast %sub3A_177 : i32 to vector<16xi32>
          %sub3A_179 = arith.subi %add3A_176, %sub3A_178 : vector<16xi32>
          %jit3A_180 = arith.constant 4752 : i32
          %broadcast_in_dim3A_181 = vector.broadcast %jit3A_180 : i32 to vector<16xi32>
          %select_n3A_182 = arith.select %and3A_173, %sub3A_179, %broadcast_in_dim3A_181 : vector<16xi1>, vector<16xi32>
          tpu.vector_store_idx %arg10[%select_n3A_182], %get3A_168 : memref<4784xi32, #tpu.memory_space<vmem>>[vector<16xi32>], vector<16xi32>,
          %sub3A_183 = vector.broadcast %add3A_36 : i32 to vector<16xi32>
          %sub3A_184 = arith.subi %get3A_164, %sub3A_183 : vector<16xi32>
          tpu.vector_store_idx %arg11[%select_n3A_182], %sub3A_184 : memref<4784xi32, #tpu.memory_space<vmem>>[vector<16xi32>], vector<16xi32>,
          %all_reduce_population_count3A = tpu.all_reduce %and3A_173 {dim = 0 : i64, kind = #tpu.reduction_kind<sum>} : vector<16xi1> -> vector<16xi32>
          %add3A_185 = arith.addi %scan3A_160, %all_reduce_population_count3A : vector<16xi32>
          scf.yield %add3A_185 : vector<16xi32>
        }
        %scan3A_67 = arith.constant 293 : i32
        %swap3A = arith.constant 4752 : index
        %swap3A_68 = tpu.vector_load %arg11[%swap3A] {strides = array<i32>} : memref<4784xi32, #tpu.memory_space<vmem>>, vector<16xi32>,
        tpu.vector_store %arg11[%swap3A], %scan3A_66 {strides = array<i32>} : memref<4784xi32, #tpu.memory_space<vmem>>, vector<16xi32>,
        %get3A_69 = arith.constant 4752 : index
        %get3A_70 = tpu.vector_load %arg11[%get3A_69] {strides = array<i32>} : memref<4784xi32, #tpu.memory_space<vmem>>, vector<16xi32>,
        %slice3A_71 = vector.extract_strided_slice %get3A_70 {offsets = [0], sizes = [1], strides = [1]} : vector<16xi32> to vector<1xi32>
        %squeeze3A_72 = vector.extract %slice3A_71[0] : i32 from vector<1xi32>
        %broadcast_in_dim3A_73 = arith.constant 0 : i32
        %broadcast_in_dim3A_74 = vector.broadcast %broadcast_in_dim3A_73 : i32 to vector<16xi32>
        %add3A_75 = arith.constant 0 : i32
        %add3A_76 = arith.addi %squeeze3A_72, %add3A_75 : i32
        %swap3A_77 = arith.index_cast %add3A_76 : i32 to index
        %swap3A_78 = tpu.vector_load %arg10[%swap3A_77] {strides = array<i32>} : memref<4784xi32, #tpu.memory_space<vmem>>, vector<16xi32>,
        tpu.vector_store %arg10[%swap3A_77], %broadcast_in_dim3A_74 {strides = array<i32>} : memref<4784xi32, #tpu.memory_space<vmem>>, vector<16xi32>,
        %broadcast_in_dim3A_79 = arith.constant 320 : i32
        %broadcast_in_dim3A_80 = vector.broadcast %broadcast_in_dim3A_79 : i32 to vector<16xi32>
        %add3A_81 = arith.constant 0 : i32
        %add3A_82 = arith.addi %squeeze3A_72, %add3A_81 : i32
        %swap3A_83 = arith.index_cast %add3A_82 : i32 to index
        %swap3A_84 = tpu.vector_load %arg11[%swap3A_83] {strides = array<i32>} : memref<4784xi32, #tpu.memory_space<vmem>>, vector<16xi32>,
        tpu.vector_store %arg11[%swap3A_83], %broadcast_in_dim3A_80 {strides = array<i32>} : memref<4784xi32, #tpu.memory_space<vmem>>, vector<16xi32>,
        %broadcast_in_dim3A_85 = arith.constant 0 : i32
        %broadcast_in_dim3A_86 = vector.broadcast %broadcast_in_dim3A_85 : i32 to vector<16xi32>
        %add3A_87 = arith.constant 16 : i32
        %add3A_88 = arith.addi %squeeze3A_72, %add3A_87 : i32
        %swap3A_89 = arith.index_cast %add3A_88 : i32 to index
        %swap3A_90 = tpu.vector_load %arg10[%swap3A_89] {strides = array<i32>} : memref<4784xi32, #tpu.memory_space<vmem>>, vector<16xi32>,
        tpu.vector_store %arg10[%swap3A_89], %broadcast_in_dim3A_86 {strides = array<i32>} : memref<4784xi32, #tpu.memory_space<vmem>>, vector<16xi32>,
        %broadcast_in_dim3A_91 = arith.constant 320 : i32
        %broadcast_in_dim3A_92 = vector.broadcast %broadcast_in_dim3A_91 : i32 to vector<16xi32>
        %add3A_93 = arith.constant 16 : i32
        %add3A_94 = arith.addi %squeeze3A_72, %add3A_93 : i32
        %swap3A_95 = arith.index_cast %add3A_94 : i32 to index
        %swap3A_96 = tpu.vector_load %arg11[%swap3A_95] {strides = array<i32>} : memref<4784xi32, #tpu.memory_space<vmem>>, vector<16xi32>,
        tpu.vector_store %arg11[%swap3A_95], %broadcast_in_dim3A_92 {strides = array<i32>} : memref<4784xi32, #tpu.memory_space<vmem>>, vector<16xi32>,
        %broadcast_in_dim3A_97 = arith.constant 0 : i32
        %broadcast_in_dim3A_98 = vector.broadcast %broadcast_in_dim3A_97 : i32 to vector<16xi32>
        %add3A_99 = arith.constant 32 : i32
        %add3A_100 = arith.addi %squeeze3A_72, %add3A_99 : i32
        %swap3A_101 = arith.index_cast %add3A_100 : i32 to index
        %swap3A_102 = tpu.vector_load %arg10[%swap3A_101] {strides = array<i32>} : memref<4784xi32, #tpu.memory_space<vmem>>, vector<16xi32>,
        tpu.vector_store %arg10[%swap3A_101], %broadcast_in_dim3A_98 {strides = array<i32>} : memref<4784xi32, #tpu.memory_space<vmem>>, vector<16xi32>,
        %broadcast_in_dim3A_103 = arith.constant 320 : i32
        %broadcast_in_dim3A_104 = vector.broadcast %broadcast_in_dim3A_103 : i32 to vector<16xi32>
        %add3A_105 = arith.constant 32 : i32
        %add3A_106 = arith.addi %squeeze3A_72, %add3A_105 : i32
        %swap3A_107 = arith.index_cast %add3A_106 : i32 to index
        %swap3A_108 = tpu.vector_load %arg11[%swap3A_107] {strides = array<i32>} : memref<4784xi32, #tpu.memory_space<vmem>>, vector<16xi32>,
        tpu.vector_store %arg11[%swap3A_107], %broadcast_in_dim3A_104 {strides = array<i32>} : memref<4784xi32, #tpu.memory_space<vmem>>, vector<16xi32>,
        %broadcast_in_dim3A_109 = arith.constant 0 : i32
        %broadcast_in_dim3A_110 = vector.broadcast %broadcast_in_dim3A_109 : i32 to vector<16xi32>
        %add3A_111 = arith.constant 48 : i32
        %add3A_112 = arith.addi %squeeze3A_72, %add3A_111 : i32
        %swap3A_113 = arith.index_cast %add3A_112 : i32 to index
        %swap3A_114 = tpu.vector_load %arg10[%swap3A_113] {strides = array<i32>} : memref<4784xi32, #tpu.memory_space<vmem>>, vector<16xi32>,
        tpu.vector_store %arg10[%swap3A_113], %broadcast_in_dim3A_110 {strides = array<i32>} : memref<4784xi32, #tpu.memory_space<vmem>>, vector<16xi32>,
        %broadcast_in_dim3A_115 = arith.constant 320 : i32
        %broadcast_in_dim3A_116 = vector.broadcast %broadcast_in_dim3A_115 : i32 to vector<16xi32>
        %add3A_117 = arith.constant 48 : i32
        %add3A_118 = arith.addi %squeeze3A_72, %add3A_117 : i32
        %swap3A_119 = arith.index_cast %add3A_118 : i32 to index
        %swap3A_120 = tpu.vector_load %arg11[%swap3A_119] {strides = array<i32>} : memref<4784xi32, #tpu.memory_space<vmem>>, vector<16xi32>,
        tpu.vector_store %arg11[%swap3A_119], %broadcast_in_dim3A_116 {strides = array<i32>} : memref<4784xi32, #tpu.memory_space<vmem>>, vector<16xi32>,
        %add3A_121 = arith.constant 64 : i32
        %add3A_122 = arith.addi %squeeze3A_72, %add3A_121 : i32
        %sub3A_123 = arith.constant 1 : i32
        %sub3A_124 = arith.subi %add3A_122, %sub3A_123 : i32
        %jit3A_125 = arith.constant 64 : i32
        %div3A_126 = arith.divsi %sub3A_124, %jit3A_125 : i32
        %sign3A_127 = arith.constant 0 : i32
        %sign3A_128 = arith.cmpi sgt, %sub3A_124, %sign3A_127 : i32
        %sign3A_129 = arith.extui %sign3A_128 : i1 to i32
        %sign3A_130 = arith.constant 0 : i32
        %sign3A_131 = arith.cmpi slt, %sub3A_124, %sign3A_130 : i32
        %sign3A_132 = arith.extui %sign3A_131 : i1 to i32
        %sign3A_133 = arith.subi %sign3A_129, %sign3A_132 : i32
        %sign3A_134 = arith.constant 0 : i32
        %sign3A_135 = arith.cmpi sgt, %jit3A_125, %sign3A_134 : i32
        %sign3A_136 = arith.extui %sign3A_135 : i1 to i32
        %sign3A_137 = arith.constant 0 : i32
        %sign3A_138 = arith.cmpi slt, %jit3A_125, %sign3A_137 : i32
        %sign3A_139 = arith.extui %sign3A_138 : i1 to i32
        %sign3A_140 = arith.subi %sign3A_136, %sign3A_139 : i32
        %ne3A_141 = arith.cmpi ne, %sign3A_133, %sign3A_140 : i32
        %rem3A_142 = arith.remsi %sub3A_124, %jit3A_125 : i32
        %ne3A_143 = arith.constant 0 : i32
        %ne3A_144 = arith.cmpi ne, %rem3A_142, %ne3A_143 : i32
        %and3A_145 = arith.andi %ne3A_141, %ne3A_144 : i1
        %sub3A_146 = arith.constant 1 : i32
        %sub3A_147 = arith.subi %div3A_126, %sub3A_146 : i32
        %select_n3A_148 = arith.select %and3A_145, %sub3A_147, %div3A_126 : i32
        %while3A_149 = arith.constant 0 : i32
        %while3A_150 = arith.constant 0 : i32
        %while3A_151 = arith.subi %select_n3A_148, %while3A_150 : i32
        %while3A_152 = arith.addi %while3A_150, %while3A_151 : i32
        %while3A_153 = arith.constant 1 : i32
        %while3A_154 = arith.divsi %while3A_151, %while3A_153 : i32
        %while3A_155 = arith.muli %while3A_154, %while3A_153 : i32
        %while3A_156 = arith.addi %while3A_150, %while3A_155 : i32
        %while3A_157 = arith.constant 1 : i32
        scf.for %while3A_159 = %while3A_150 to %while3A_156 step %while3A_157  : i32 {
          %mul3A_160 = arith.constant 64 : i32
          %mul3A_161 = arith.muli %while3A_159, %mul3A_160 : i32
          %dma_start3A = tpu.memref_slice %arg10[%mul3A_161] : memref<4784xi32, #tpu.memory_space<vmem>> -> memref<64xi32, #tpu.memory_space<vmem>>
          %dma_start3A_162 = arith.constant 0 : i32
          %dma_start3A_163 = arith.constant 0 : i32
          %dma_start3A_164 = tpu.memref_slice %arg2[%dma_start3A_162, %dma_start3A_163] : memref<102400x128xf32, #tpu.memory_space<hbm>> -> memref<102400x128xf32, #tpu.memory_space<hbm>>
          tpu.enqueue_indirect_dma source(%dma_start3A_164 : memref<102400x128xf32, #tpu.memory_space<hbm>>) target(%arg12 : memref<64x128xf32, #tpu.memory_space<vmem>>) offsets(%dma_start3A : memref<64xi32, #tpu.memory_space<vmem>>) semaphore(%arg16 : memref<!tpu.dma_semaphore, #tpu.memory_space<semaphore_mem>>)
          %dma_wait3A = tpu.memref_slice %arg10[%mul3A_161] : memref<4784xi32, #tpu.memory_space<vmem>> -> memref<64xi32, #tpu.memory_space<vmem>>
          %dma_wait3A_165 = arith.constant 0 : i32
          %dma_wait3A_166 = arith.constant 0 : i32
          %dma_wait3A_167 = tpu.memref_slice %arg2[%dma_wait3A_165, %dma_wait3A_166] : memref<102400x128xf32, #tpu.memory_space<hbm>> -> memref<102400x128xf32, #tpu.memory_space<hbm>>
          tpu.wait_indirect_dma semaphore(%arg16 : memref<!tpu.dma_semaphore, #tpu.memory_space<semaphore_mem>>) src(%dma_wait3A_167 : memref<102400x128xf32, #tpu.memory_space<hbm>>) dst(%arg12 : memref<64x128xf32, #tpu.memory_space<vmem>>)
          %scan3A_168 = arith.constant 0 : i32
          %scan3A_169 = arith.constant 0 : i32
          %scan3A_170 = arith.constant 64 : i32
          %scan3A_171 = arith.addi %scan3A_169, %scan3A_170 : i32
          %scan3A_172 = arith.constant 1 : i32
          scf.for %scan3A_174 = %scan3A_169 to %scan3A_171 step %scan3A_172  : i32 {
            %add3A_175 = arith.addi %mul3A_161, %scan3A_174 : i32
            %get3A_176 = arith.index_cast %add3A_175 : i32 to index
            %get3A_177 = tpu.vector_load %arg11[%get3A_176] {strides = array<i32>} : memref<4784xi32, #tpu.memory_space<vmem>>, vector<16xi32>,
            %slice3A_178 = vector.extract_strided_slice %get3A_177 {offsets = [0], sizes = [1], strides = [1]} : vector<16xi32> to vector<1xi32>
            %squeeze3A_179 = vector.extract %slice3A_178[0] : i32 from vector<1xi32>
            %get3A_180 = arith.index_cast %squeeze3A_179 : i32 to index
            %get3A_181 = arith.constant 0 : index
            %get3A_182 = tpu.vector_load %arg14[%get3A_180, %get3A_181] {strides = array<i32>} : memref<328x128xf32, #tpu.memory_space<vmem>>, vector<16xf32>,
            %get3A_183 = arith.index_cast %scan3A_174 : i32 to index
            %get3A_184 = arith.constant 0 : index
            %get3A_185 = tpu.vector_load %arg12[%get3A_183, %get3A_184] {strides = array<i32>} : memref<64x128xf32, #tpu.memory_space<vmem>>, vector<16xf32>,
            %add3A_186 = arith.addf %get3A_182, %get3A_185 : vector<16xf32>
            %swap3A_187 = arith.index_cast %squeeze3A_179 : i32 to index
            %swap3A_188 = arith.constant 0 : index
            %swap3A_189 = tpu.vector_load %arg14[%swap3A_187, %swap3A_188] {strides = array<i32>} : memref<328x128xf32, #tpu.memory_space<vmem>>, vector<16xf32>,
            tpu.vector_store %arg14[%swap3A_187, %swap3A_188], %add3A_186 {strides = array<i32>} : memref<328x128xf32, #tpu.memory_space<vmem>>, vector<16xf32>,
            %get3A_190 = arith.index_cast %squeeze3A_179 : i32 to index
            %get3A_191 = arith.constant 16 : index
            %get3A_192 = tpu.vector_load %arg14[%get3A_190, %get3A_191] {strides = array<i32>} : memref<328x128xf32, #tpu.memory_space<vmem>>, vector<16xf32>,
            %get3A_193 = arith.index_cast %scan3A_174 : i32 to index
            %get3A_194 = arith.constant 16 : index
            %get3A_195 = tpu.vector_load %arg12[%get3A_193, %get3A_194] {strides = array<i32>} : memref<64x128xf32, #tpu.memory_space<vmem>>, vector<16xf32>,
            %add3A_196 = arith.addf %get3A_192, %get3A_195 : vector<16xf32>
            %swap3A_197 = arith.index_cast %squeeze3A_179 : i32 to index
            %swap3A_198 = arith.constant 16 : index
            %swap3A_199 = tpu.vector_load %arg14[%swap3A_197, %swap3A_198] {strides = array<i32>} : memref<328x128xf32, #tpu.memory_space<vmem>>, vector<16xf32>,
            tpu.vector_store %arg14[%swap3A_197, %swap3A_198], %add3A_196 {strides = array<i32>} : memref<328x128xf32, #tpu.memory_space<vmem>>, vector<16xf32>,
            %get3A_200 = arith.index_cast %squeeze3A_179 : i32 to index
            %get3A_201 = arith.constant 32 : index
            %get3A_202 = tpu.vector_load %arg14[%get3A_200, %get3A_201] {strides = array<i32>} : memref<328x128xf32, #tpu.memory_space<vmem>>, vector<16xf32>,
            %get3A_203 = arith.index_cast %scan3A_174 : i32 to index
            %get3A_204 = arith.constant 32 : index
            %get3A_205 = tpu.vector_load %arg12[%get3A_203, %get3A_204] {strides = array<i32>} : memref<64x128xf32, #tpu.memory_space<vmem>>, vector<16xf32>,
            %add3A_206 = arith.addf %get3A_202, %get3A_205 : vector<16xf32>
            %swap3A_207 = arith.index_cast %squeeze3A_179 : i32 to index
            %swap3A_208 = arith.constant 32 : index
            %swap3A_209 = tpu.vector_load %arg14[%swap3A_207, %swap3A_208] {strides = array<i32>} : memref<328x128xf32, #tpu.memory_space<vmem>>, vector<16xf32>,
            tpu.vector_store %arg14[%swap3A_207, %swap3A_208], %add3A_206 {strides = array<i32>} : memref<328x128xf32, #tpu.memory_space<vmem>>, vector<16xf32>,
            %get3A_210 = arith.index_cast %squeeze3A_179 : i32 to index
            %get3A_211 = arith.constant 48 : index
            %get3A_212 = tpu.vector_load %arg14[%get3A_210, %get3A_211] {strides = array<i32>} : memref<328x128xf32, #tpu.memory_space<vmem>>, vector<16xf32>,
            %get3A_213 = arith.index_cast %scan3A_174 : i32 to index
            %get3A_214 = arith.constant 48 : index
            %get3A_215 = tpu.vector_load %arg12[%get3A_213, %get3A_214] {strides = array<i32>} : memref<64x128xf32, #tpu.memory_space<vmem>>, vector<16xf32>,
            %add3A_216 = arith.addf %get3A_212, %get3A_215 : vector<16xf32>
            %swap3A_217 = arith.index_cast %squeeze3A_179 : i32 to index
            %swap3A_218 = arith.constant 48 : index
            %swap3A_219 = tpu.vector_load %arg14[%swap3A_217, %swap3A_218] {strides = array<i32>} : memref<328x128xf32, #tpu.memory_space<vmem>>, vector<16xf32>,
            tpu.vector_store %arg14[%swap3A_217, %swap3A_218], %add3A_216 {strides = array<i32>} : memref<328x128xf32, #tpu.memory_space<vmem>>, vector<16xf32>,
            %get3A_220 = arith.index_cast %squeeze3A_179 : i32 to index
            %get3A_221 = arith.constant 64 : index
            %get3A_222 = tpu.vector_load %arg14[%get3A_220, %get3A_221] {strides = array<i32>} : memref<328x128xf32, #tpu.memory_space<vmem>>, vector<16xf32>,
            %get3A_223 = arith.index_cast %scan3A_174 : i32 to index
            %get3A_224 = arith.constant 64 : index
            %get3A_225 = tpu.vector_load %arg12[%get3A_223, %get3A_224] {strides = array<i32>} : memref<64x128xf32, #tpu.memory_space<vmem>>, vector<16xf32>,
            %add3A_226 = arith.addf %get3A_222, %get3A_225 : vector<16xf32>
            %swap3A_227 = arith.index_cast %squeeze3A_179 : i32 to index
            %swap3A_228 = arith.constant 64 : index
            %swap3A_229 = tpu.vector_load %arg14[%swap3A_227, %swap3A_228] {strides = array<i32>} : memref<328x128xf32, #tpu.memory_space<vmem>>, vector<16xf32>,
            tpu.vector_store %arg14[%swap3A_227, %swap3A_228], %add3A_226 {strides = array<i32>} : memref<328x128xf32, #tpu.memory_space<vmem>>, vector<16xf32>,
            %get3A_230 = arith.index_cast %squeeze3A_179 : i32 to index
            %get3A_231 = arith.constant 80 : index
            %get3A_232 = tpu.vector_load %arg14[%get3A_230, %get3A_231] {strides = array<i32>} : memref<328x128xf32, #tpu.memory_space<vmem>>, vector<16xf32>,
            %get3A_233 = arith.index_cast %scan3A_174 : i32 to index
            %get3A_234 = arith.constant 80 : index
            %get3A_235 = tpu.vector_load %arg12[%get3A_233, %get3A_234] {strides = array<i32>} : memref<64x128xf32, #tpu.memory_space<vmem>>, vector<16xf32>,
            %add3A_236 = arith.addf %get3A_232, %get3A_235 : vector<16xf32>
            %swap3A_237 = arith.index_cast %squeeze3A_179 : i32 to index
            %swap3A_238 = arith.constant 80 : index
            %swap3A_239 = tpu.vector_load %arg14[%swap3A_237, %swap3A_238] {strides = array<i32>} : memref<328x128xf32, #tpu.memory_space<vmem>>, vector<16xf32>,
            tpu.vector_store %arg14[%swap3A_237, %swap3A_238], %add3A_236 {strides = array<i32>} : memref<328x128xf32, #tpu.memory_space<vmem>>, vector<16xf32>,
            %get3A_240 = arith.index_cast %squeeze3A_179 : i32 to index
            %get3A_241 = arith.constant 96 : index
            %get3A_242 = tpu.vector_load %arg14[%get3A_240, %get3A_241] {strides = array<i32>} : memref<328x128xf32, #tpu.memory_space<vmem>>, vector<16xf32>,
            %get3A_243 = arith.index_cast %scan3A_174 : i32 to index
            %get3A_244 = arith.constant 96 : index
            %get3A_245 = tpu.vector_load %arg12[%get3A_243, %get3A_244] {strides = array<i32>} : memref<64x128xf32, #tpu.memory_space<vmem>>, vector<16xf32>,
            %add3A_246 = arith.addf %get3A_242, %get3A_245 : vector<16xf32>
            %swap3A_247 = arith.index_cast %squeeze3A_179 : i32 to index
            %swap3A_248 = arith.constant 96 : index
            %swap3A_249 = tpu.vector_load %arg14[%swap3A_247, %swap3A_248] {strides = array<i32>} : memref<328x128xf32, #tpu.memory_space<vmem>>, vector<16xf32>,
            tpu.vector_store %arg14[%swap3A_247, %swap3A_248], %add3A_246 {strides = array<i32>} : memref<328x128xf32, #tpu.memory_space<vmem>>, vector<16xf32>,
            %get3A_250 = arith.index_cast %squeeze3A_179 : i32 to index
            %get3A_251 = arith.constant 112 : index
            %get3A_252 = tpu.vector_load %arg14[%get3A_250, %get3A_251] {strides = array<i32>} : memref<328x128xf32, #tpu.memory_space<vmem>>, vector<16xf32>,
            %get3A_253 = arith.index_cast %scan3A_174 : i32 to index
            %get3A_254 = arith.constant 112 : index
            %get3A_255 = tpu.vector_load %arg12[%get3A_253, %get3A_254] {strides = array<i32>} : memref<64x128xf32, #tpu.memory_space<vmem>>, vector<16xf32>,
            %add3A_256 = arith.addf %get3A_252, %get3A_255 : vector<16xf32>
            %swap3A_257 = arith.index_cast %squeeze3A_179 : i32 to index
            %swap3A_258 = arith.constant 112 : index
            %swap3A_259 = tpu.vector_load %arg14[%swap3A_257, %swap3A_258] {strides = array<i32>} : memref<328x128xf32, #tpu.memory_space<vmem>>, vector<16xf32>,
            tpu.vector_store %arg14[%swap3A_257, %swap3A_258], %add3A_256 {strides = array<i32>} : memref<328x128xf32, #tpu.memory_space<vmem>>, vector<16xf32>,
            %get3A_260 = arith.index_cast %squeeze3A_179 : i32 to index
            %get3A_261 = arith.constant 0 : index
            %get3A_262 = tpu.vector_load %arg15[%get3A_260, %get3A_261] {strides = array<i32>} : memref<328x16xf32, #tpu.memory_space<vmem>>, vector<16xf32>,
            %broadcast_in_dim3A_263 = arith.constant 1.000000e+00 : f32
            %broadcast_in_dim3A_264 = vector.broadcast %broadcast_in_dim3A_263 : f32 to vector<16xf32>
            %add3A_265 = arith.addf %get3A_262, %broadcast_in_dim3A_264 : vector<16xf32>
            %swap3A_266 = arith.index_cast %squeeze3A_179 : i32 to index
            %swap3A_267 = arith.constant 0 : index
            %swap3A_268 = tpu.vector_load %arg15[%swap3A_266, %swap3A_267] {strides = array<i32>} : memref<328x16xf32, #tpu.memory_space<vmem>>, vector<16xf32>,
            tpu.vector_store %arg15[%swap3A_266, %swap3A_267], %add3A_265 {strides = array<i32>} : memref<328x16xf32, #tpu.memory_space<vmem>>, vector<16xf32>,
          }
          %scan3A_173 = arith.constant 64 : i32
        }
        %while3A_158 = arith.constant 1 : i32
        scf.for %while3A_159 = %while3A_156 to %while3A_152 step %while3A_158  : i32 {
          %mul3A_160 = arith.constant 64 : i32
          %mul3A_161 = arith.muli %while3A_159, %mul3A_160 : i32
          %dma_start3A = tpu.memref_slice %arg10[%mul3A_161] : memref<4784xi32, #tpu.memory_space<vmem>> -> memref<64xi32, #tpu.memory_space<vmem>>
          %dma_start3A_162 = arith.constant 0 : i32
          %dma_start3A_163 = arith.constant 0 : i32
          %dma_start3A_164 = tpu.memref_slice %arg2[%dma_start3A_162, %dma_start3A_163] : memref<102400x128xf32, #tpu.memory_space<hbm>> -> memref<102400x128xf32, #tpu.memory_space<hbm>>
          tpu.enqueue_indirect_dma source(%dma_start3A_164 : memref<102400x128xf32, #tpu.memory_space<hbm>>) target(%arg12 : memref<64x128xf32, #tpu.memory_space<vmem>>) offsets(%dma_start3A : memref<64xi32, #tpu.memory_space<vmem>>) semaphore(%arg16 : memref<!tpu.dma_semaphore, #tpu.memory_space<semaphore_mem>>)
          %dma_wait3A = tpu.memref_slice %arg10[%mul3A_161] : memref<4784xi32, #tpu.memory_space<vmem>> -> memref<64xi32, #tpu.memory_space<vmem>>
          %dma_wait3A_165 = arith.constant 0 : i32
          %dma_wait3A_166 = arith.constant 0 : i32
          %dma_wait3A_167 = tpu.memref_slice %arg2[%dma_wait3A_165, %dma_wait3A_166] : memref<102400x128xf32, #tpu.memory_space<hbm>> -> memref<102400x128xf32, #tpu.memory_space<hbm>>
          tpu.wait_indirect_dma semaphore(%arg16 : memref<!tpu.dma_semaphore, #tpu.memory_space<semaphore_mem>>) src(%dma_wait3A_167 : memref<102400x128xf32, #tpu.memory_space<hbm>>) dst(%arg12 : memref<64x128xf32, #tpu.memory_space<vmem>>)
          %scan3A_168 = arith.constant 0 : i32
          %scan3A_169 = arith.constant 0 : i32
          %scan3A_170 = arith.constant 64 : i32
          %scan3A_171 = arith.addi %scan3A_169, %scan3A_170 : i32
          %scan3A_172 = arith.constant 1 : i32
          scf.for %scan3A_174 = %scan3A_169 to %scan3A_171 step %scan3A_172  : i32 {
            %add3A_175 = arith.addi %mul3A_161, %scan3A_174 : i32
            %get3A_176 = arith.index_cast %add3A_175 : i32 to index
            %get3A_177 = tpu.vector_load %arg11[%get3A_176] {strides = array<i32>} : memref<4784xi32, #tpu.memory_space<vmem>>, vector<16xi32>,
            %slice3A_178 = vector.extract_strided_slice %get3A_177 {offsets = [0], sizes = [1], strides = [1]} : vector<16xi32> to vector<1xi32>
            %squeeze3A_179 = vector.extract %slice3A_178[0] : i32 from vector<1xi32>
            %get3A_180 = arith.index_cast %squeeze3A_179 : i32 to index
            %get3A_181 = arith.constant 0 : index
            %get3A_182 = tpu.vector_load %arg14[%get3A_180, %get3A_181] {strides = array<i32>} : memref<328x128xf32, #tpu.memory_space<vmem>>, vector<16xf32>,
            %get3A_183 = arith.index_cast %scan3A_174 : i32 to index
            %get3A_184 = arith.constant 0 : index
            %get3A_185 = tpu.vector_load %arg12[%get3A_183, %get3A_184] {strides = array<i32>} : memref<64x128xf32, #tpu.memory_space<vmem>>, vector<16xf32>,
            %add3A_186 = arith.addf %get3A_182, %get3A_185 : vector<16xf32>
            %swap3A_187 = arith.index_cast %squeeze3A_179 : i32 to index
            %swap3A_188 = arith.constant 0 : index
            %swap3A_189 = tpu.vector_load %arg14[%swap3A_187, %swap3A_188] {strides = array<i32>} : memref<328x128xf32, #tpu.memory_space<vmem>>, vector<16xf32>,
            tpu.vector_store %arg14[%swap3A_187, %swap3A_188], %add3A_186 {strides = array<i32>} : memref<328x128xf32, #tpu.memory_space<vmem>>, vector<16xf32>,
            %get3A_190 = arith.index_cast %squeeze3A_179 : i32 to index
            %get3A_191 = arith.constant 16 : index
            %get3A_192 = tpu.vector_load %arg14[%get3A_190, %get3A_191] {strides = array<i32>} : memref<328x128xf32, #tpu.memory_space<vmem>>, vector<16xf32>,
            %get3A_193 = arith.index_cast %scan3A_174 : i32 to index
            %get3A_194 = arith.constant 16 : index
            %get3A_195 = tpu.vector_load %arg12[%get3A_193, %get3A_194] {strides = array<i32>} : memref<64x128xf32, #tpu.memory_space<vmem>>, vector<16xf32>,
            %add3A_196 = arith.addf %get3A_192, %get3A_195 : vector<16xf32>
            %swap3A_197 = arith.index_cast %squeeze3A_179 : i32 to index
            %swap3A_198 = arith.constant 16 : index
            %swap3A_199 = tpu.vector_load %arg14[%swap3A_197, %swap3A_198] {strides = array<i32>} : memref<328x128xf32, #tpu.memory_space<vmem>>, vector<16xf32>,
            tpu.vector_store %arg14[%swap3A_197, %swap3A_198], %add3A_196 {strides = array<i32>} : memref<328x128xf32, #tpu.memory_space<vmem>>, vector<16xf32>,
            %get3A_200 = arith.index_cast %squeeze3A_179 : i32 to index
            %get3A_201 = arith.constant 32 : index
            %get3A_202 = tpu.vector_load %arg14[%get3A_200, %get3A_201] {strides = array<i32>} : memref<328x128xf32, #tpu.memory_space<vmem>>, vector<16xf32>,
            %get3A_203 = arith.index_cast %scan3A_174 : i32 to index
            %get3A_204 = arith.constant 32 : index
            %get3A_205 = tpu.vector_load %arg12[%get3A_203, %get3A_204] {strides = array<i32>} : memref<64x128xf32, #tpu.memory_space<vmem>>, vector<16xf32>,
            %add3A_206 = arith.addf %get3A_202, %get3A_205 : vector<16xf32>
            %swap3A_207 = arith.index_cast %squeeze3A_179 : i32 to index
            %swap3A_208 = arith.constant 32 : index
            %swap3A_209 = tpu.vector_load %arg14[%swap3A_207, %swap3A_208] {strides = array<i32>} : memref<328x128xf32, #tpu.memory_space<vmem>>, vector<16xf32>,
            tpu.vector_store %arg14[%swap3A_207, %swap3A_208], %add3A_206 {strides = array<i32>} : memref<328x128xf32, #tpu.memory_space<vmem>>, vector<16xf32>,
            %get3A_210 = arith.index_cast %squeeze3A_179 : i32 to index
            %get3A_211 = arith.constant 48 : index
            %get3A_212 = tpu.vector_load %arg14[%get3A_210, %get3A_211] {strides = array<i32>} : memref<328x128xf32, #tpu.memory_space<vmem>>, vector<16xf32>,
            %get3A_213 = arith.index_cast %scan3A_174 : i32 to index
            %get3A_214 = arith.constant 48 : index
            %get3A_215 = tpu.vector_load %arg12[%get3A_213, %get3A_214] {strides = array<i32>} : memref<64x128xf32, #tpu.memory_space<vmem>>, vector<16xf32>,
            %add3A_216 = arith.addf %get3A_212, %get3A_215 : vector<16xf32>
            %swap3A_217 = arith.index_cast %squeeze3A_179 : i32 to index
            %swap3A_218 = arith.constant 48 : index
            %swap3A_219 = tpu.vector_load %arg14[%swap3A_217, %swap3A_218] {strides = array<i32>} : memref<328x128xf32, #tpu.memory_space<vmem>>, vector<16xf32>,
            tpu.vector_store %arg14[%swap3A_217, %swap3A_218], %add3A_216 {strides = array<i32>} : memref<328x128xf32, #tpu.memory_space<vmem>>, vector<16xf32>,
            %get3A_220 = arith.index_cast %squeeze3A_179 : i32 to index
            %get3A_221 = arith.constant 64 : index
            %get3A_222 = tpu.vector_load %arg14[%get3A_220, %get3A_221] {strides = array<i32>} : memref<328x128xf32, #tpu.memory_space<vmem>>, vector<16xf32>,
            %get3A_223 = arith.index_cast %scan3A_174 : i32 to index
            %get3A_224 = arith.constant 64 : index
            %get3A_225 = tpu.vector_load %arg12[%get3A_223, %get3A_224] {strides = array<i32>} : memref<64x128xf32, #tpu.memory_space<vmem>>, vector<16xf32>,
            %add3A_226 = arith.addf %get3A_222, %get3A_225 : vector<16xf32>
            %swap3A_227 = arith.index_cast %squeeze3A_179 : i32 to index
            %swap3A_228 = arith.constant 64 : index
            %swap3A_229 = tpu.vector_load %arg14[%swap3A_227, %swap3A_228] {strides = array<i32>} : memref<328x128xf32, #tpu.memory_space<vmem>>, vector<16xf32>,
            tpu.vector_store %arg14[%swap3A_227, %swap3A_228], %add3A_226 {strides = array<i32>} : memref<328x128xf32, #tpu.memory_space<vmem>>, vector<16xf32>,
            %get3A_230 = arith.index_cast %squeeze3A_179 : i32 to index
            %get3A_231 = arith.constant 80 : index
            %get3A_232 = tpu.vector_load %arg14[%get3A_230, %get3A_231] {strides = array<i32>} : memref<328x128xf32, #tpu.memory_space<vmem>>, vector<16xf32>,
            %get3A_233 = arith.index_cast %scan3A_174 : i32 to index
            %get3A_234 = arith.constant 80 : index
            %get3A_235 = tpu.vector_load %arg12[%get3A_233, %get3A_234] {strides = array<i32>} : memref<64x128xf32, #tpu.memory_space<vmem>>, vector<16xf32>,
            %add3A_236 = arith.addf %get3A_232, %get3A_235 : vector<16xf32>
            %swap3A_237 = arith.index_cast %squeeze3A_179 : i32 to index
            %swap3A_238 = arith.constant 80 : index
            %swap3A_239 = tpu.vector_load %arg14[%swap3A_237, %swap3A_238] {strides = array<i32>} : memref<328x128xf32, #tpu.memory_space<vmem>>, vector<16xf32>,
            tpu.vector_store %arg14[%swap3A_237, %swap3A_238], %add3A_236 {strides = array<i32>} : memref<328x128xf32, #tpu.memory_space<vmem>>, vector<16xf32>,
            %get3A_240 = arith.index_cast %squeeze3A_179 : i32 to index
            %get3A_241 = arith.constant 96 : index
            %get3A_242 = tpu.vector_load %arg14[%get3A_240, %get3A_241] {strides = array<i32>} : memref<328x128xf32, #tpu.memory_space<vmem>>, vector<16xf32>,
            %get3A_243 = arith.index_cast %scan3A_174 : i32 to index
            %get3A_244 = arith.constant 96 : index
            %get3A_245 = tpu.vector_load %arg12[%get3A_243, %get3A_244] {strides = array<i32>} : memref<64x128xf32, #tpu.memory_space<vmem>>, vector<16xf32>,
            %add3A_246 = arith.addf %get3A_242, %get3A_245 : vector<16xf32>
            %swap3A_247 = arith.index_cast %squeeze3A_179 : i32 to index
            %swap3A_248 = arith.constant 96 : index
            %swap3A_249 = tpu.vector_load %arg14[%swap3A_247, %swap3A_248] {strides = array<i32>} : memref<328x128xf32, #tpu.memory_space<vmem>>, vector<16xf32>,
            tpu.vector_store %arg14[%swap3A_247, %swap3A_248], %add3A_246 {strides = array<i32>} : memref<328x128xf32, #tpu.memory_space<vmem>>, vector<16xf32>,
            %get3A_250 = arith.index_cast %squeeze3A_179 : i32 to index
            %get3A_251 = arith.constant 112 : index
            %get3A_252 = tpu.vector_load %arg14[%get3A_250, %get3A_251] {strides = array<i32>} : memref<328x128xf32, #tpu.memory_space<vmem>>, vector<16xf32>,
            %get3A_253 = arith.index_cast %scan3A_174 : i32 to index
            %get3A_254 = arith.constant 112 : index
            %get3A_255 = tpu.vector_load %arg12[%get3A_253, %get3A_254] {strides = array<i32>} : memref<64x128xf32, #tpu.memory_space<vmem>>, vector<16xf32>,
            %add3A_256 = arith.addf %get3A_252, %get3A_255 : vector<16xf32>
            %swap3A_257 = arith.index_cast %squeeze3A_179 : i32 to index
            %swap3A_258 = arith.constant 112 : index
            %swap3A_259 = tpu.vector_load %arg14[%swap3A_257, %swap3A_258] {strides = array<i32>} : memref<328x128xf32, #tpu.memory_space<vmem>>, vector<16xf32>,
            tpu.vector_store %arg14[%swap3A_257, %swap3A_258], %add3A_256 {strides = array<i32>} : memref<328x128xf32, #tpu.memory_space<vmem>>, vector<16xf32>,
            %get3A_260 = arith.index_cast %squeeze3A_179 : i32 to index
            %get3A_261 = arith.constant 0 : index
            %get3A_262 = tpu.vector_load %arg15[%get3A_260, %get3A_261] {strides = array<i32>} : memref<328x16xf32, #tpu.memory_space<vmem>>, vector<16xf32>,
            %broadcast_in_dim3A_263 = arith.constant 1.000000e+00 : f32
            %broadcast_in_dim3A_264 = vector.broadcast %broadcast_in_dim3A_263 : f32 to vector<16xf32>
            %add3A_265 = arith.addf %get3A_262, %broadcast_in_dim3A_264 : vector<16xf32>
            %swap3A_266 = arith.index_cast %squeeze3A_179 : i32 to index
            %swap3A_267 = arith.constant 0 : index
            %swap3A_268 = tpu.vector_load %arg15[%swap3A_266, %swap3A_267] {strides = array<i32>} : memref<328x16xf32, #tpu.memory_space<vmem>>, vector<16xf32>,
            tpu.vector_store %arg15[%swap3A_266, %swap3A_267], %add3A_265 {strides = array<i32>} : memref<328x16xf32, #tpu.memory_space<vmem>>, vector<16xf32>,
          }
          %scan3A_173 = arith.constant 64 : i32
        }
      }
      %while3A_51 = arith.constant 1 : i32
      scf.for %while3A_52 = %while3A_49 to %while3A_45 step %while3A_51  : i32 {
        %mul3A_53 = arith.constant 4688 : i32
        %mul3A_54 = arith.muli %while3A_52, %mul3A_53 : i32
        %add3A_55 = arith.addi %mul3A_2, %mul3A_54 : i32
        %multiple_of3A_56 = tpu.assume_multiple %add3A_55, 16 : i32
        "tpu.region"() ({
          %run_scoped3A = tpu.sem_alloc : memref<!tpu.dma_semaphore, #tpu.memory_space<semaphore_mem>>
          %dma_start3A = tpu.memref_slice %arg3[%multiple_of3A_56] : memref<9751552xi32, #tpu.memory_space<hbm>> -> memref<4688xi32, #tpu.memory_space<hbm>>
          %dma_start3A_159 = tpu.memref_slice %arg3[%multiple_of3A_56] : memref<9751552xi32, #tpu.memory_space<hbm>> -> memref<4688xi32, #tpu.memory_space<hbm>>
          tpu.enqueue_dma source(%dma_start3A_159 : memref<4688xi32, #tpu.memory_space<hbm>>) target(%arg8 : memref<4688xi32, #tpu.memory_space<vmem>>) target_semaphore(%run_scoped3A : memref<!tpu.dma_semaphore, #tpu.memory_space<semaphore_mem>>)
          %dma_wait3A = tpu.memref_slice %arg3[%multiple_of3A_56] : memref<9751552xi32, #tpu.memory_space<hbm>> -> memref<4688xi32, #tpu.memory_space<hbm>>
          %dma_wait3A_160 = tpu.memref_slice %arg3[%multiple_of3A_56] : memref<9751552xi32, #tpu.memory_space<hbm>> -> memref<4688xi32, #tpu.memory_space<hbm>>
          tpu.wait_dma2 semaphore(%run_scoped3A : memref<!tpu.dma_semaphore, #tpu.memory_space<semaphore_mem>>) src(%dma_wait3A_160 : memref<4688xi32, #tpu.memory_space<hbm>>) dst(%arg8 : memref<4688xi32, #tpu.memory_space<vmem>>)
          tpu.yield
        }) : () -> ()
        %mul3A_57 = arith.constant 4688 : i32
        %mul3A_58 = arith.muli %while3A_52, %mul3A_57 : i32
        %add3A_59 = arith.addi %mul3A_2, %mul3A_58 : i32
        %multiple_of3A_60 = tpu.assume_multiple %add3A_59, 16 : i32
        "tpu.region"() ({
          %run_scoped3A = tpu.sem_alloc : memref<!tpu.dma_semaphore, #tpu.memory_space<semaphore_mem>>
          %dma_start3A = tpu.memref_slice %arg4[%multiple_of3A_60] : memref<9751552xi32, #tpu.memory_space<hbm>> -> memref<4688xi32, #tpu.memory_space<hbm>>
          %dma_start3A_159 = tpu.memref_slice %arg4[%multiple_of3A_60] : memref<9751552xi32, #tpu.memory_space<hbm>> -> memref<4688xi32, #tpu.memory_space<hbm>>
          tpu.enqueue_dma source(%dma_start3A_159 : memref<4688xi32, #tpu.memory_space<hbm>>) target(%arg9 : memref<4688xi32, #tpu.memory_space<vmem>>) target_semaphore(%run_scoped3A : memref<!tpu.dma_semaphore, #tpu.memory_space<semaphore_mem>>)
          %dma_wait3A = tpu.memref_slice %arg4[%multiple_of3A_60] : memref<9751552xi32, #tpu.memory_space<hbm>> -> memref<4688xi32, #tpu.memory_space<hbm>>
          %dma_wait3A_160 = tpu.memref_slice %arg4[%multiple_of3A_60] : memref<9751552xi32, #tpu.memory_space<hbm>> -> memref<4688xi32, #tpu.memory_space<hbm>>
          tpu.wait_dma2 semaphore(%run_scoped3A : memref<!tpu.dma_semaphore, #tpu.memory_space<semaphore_mem>>) src(%dma_wait3A_160 : memref<4688xi32, #tpu.memory_space<hbm>>) dst(%arg9 : memref<4688xi32, #tpu.memory_space<vmem>>)
          tpu.yield
        }) : () -> ()
        %broadcast_in_dim3A = arith.constant 0 : i32
        %broadcast_in_dim3A_61 = vector.broadcast %broadcast_in_dim3A : i32 to vector<16xi32>
        %scan3A_62 = arith.constant 0 : i32
        %scan3A_63 = arith.constant 293 : i32
        %scan3A_64 = arith.addi %scan3A_62, %scan3A_63 : i32
        %scan3A_65 = arith.constant 1 : i32
        %scan3A_66 = scf.for %scan3A_159 = %scan3A_62 to %scan3A_64 step %scan3A_65 iter_args(%scan3A_160 = %broadcast_in_dim3A_61) -> (vector<16xi32>)  : i32 {
          %mul3A_161 = arith.constant 16 : i32
          %mul3A_162 = arith.muli %scan3A_159, %mul3A_161 : i32
          %get3A_163 = arith.index_cast %mul3A_162 : i32 to index
          %get3A_164 = tpu.vector_load %arg9[%get3A_163] {strides = array<i32>} : memref<4688xi32, #tpu.memory_space<vmem>>, vector<16xi32>,
          %mul3A_165 = arith.constant 16 : i32
          %mul3A_166 = arith.muli %scan3A_159, %mul3A_165 : i32
          %get3A_167 = arith.index_cast %mul3A_166 : i32 to index
          %get3A_168 = tpu.vector_load %arg8[%get3A_167] {strides = array<i32>} : memref<4688xi32, #tpu.memory_space<vmem>>, vector<16xi32>,
          %ge3A = vector.broadcast %add3A_36 : i32 to vector<16xi32>
          %ge3A_169 = arith.cmpi sge, %get3A_164, %ge3A : vector<16xi32>
          %add3A_170 = arith.constant 320 : i32
          %add3A_171 = arith.addi %add3A_36, %add3A_170 : i32
          %lt3A = vector.broadcast %add3A_171 : i32 to vector<16xi32>
          %lt3A_172 = arith.cmpi slt, %get3A_164, %lt3A : vector<16xi32>
          %and3A_173 = arith.andi %ge3A_169, %lt3A_172 : vector<16xi1>
          %convert_element_type3A = arith.extui %and3A_173 : vector<16xi1> to vector<16xi32>
          %broadcast_in_dim3A_174 = arith.constant true
          %broadcast_in_dim3A_175 = vector.broadcast %broadcast_in_dim3A_174 : i1 to vector<16xi1>
          %masked_cumsum3A = tpu.scan <sum>, %convert_element_type3A masked %broadcast_in_dim3A_175 : vector<16xi32>, vector<16xi1> -> vector<16xi32>
          %add3A_176 = arith.addi %scan3A_160, %masked_cumsum3A : vector<16xi32>
          %sub3A_177 = arith.constant 1 : i32
          %sub3A_178 = vector.broadcast %sub3A_177 : i32 to vector<16xi32>
          %sub3A_179 = arith.subi %add3A_176, %sub3A_178 : vector<16xi32>
          %jit3A_180 = arith.constant 4752 : i32
          %broadcast_in_dim3A_181 = vector.broadcast %jit3A_180 : i32 to vector<16xi32>
          %select_n3A_182 = arith.select %and3A_173, %sub3A_179, %broadcast_in_dim3A_181 : vector<16xi1>, vector<16xi32>
          tpu.vector_store_idx %arg10[%select_n3A_182], %get3A_168 : memref<4784xi32, #tpu.memory_space<vmem>>[vector<16xi32>], vector<16xi32>,
          %sub3A_183 = vector.broadcast %add3A_36 : i32 to vector<16xi32>
          %sub3A_184 = arith.subi %get3A_164, %sub3A_183 : vector<16xi32>
          tpu.vector_store_idx %arg11[%select_n3A_182], %sub3A_184 : memref<4784xi32, #tpu.memory_space<vmem>>[vector<16xi32>], vector<16xi32>,
          %all_reduce_population_count3A = tpu.all_reduce %and3A_173 {dim = 0 : i64, kind = #tpu.reduction_kind<sum>} : vector<16xi1> -> vector<16xi32>
          %add3A_185 = arith.addi %scan3A_160, %all_reduce_population_count3A : vector<16xi32>
          scf.yield %add3A_185 : vector<16xi32>
        }
        %scan3A_67 = arith.constant 293 : i32
        %swap3A = arith.constant 4752 : index
        %swap3A_68 = tpu.vector_load %arg11[%swap3A] {strides = array<i32>} : memref<4784xi32, #tpu.memory_space<vmem>>, vector<16xi32>,
        tpu.vector_store %arg11[%swap3A], %scan3A_66 {strides = array<i32>} : memref<4784xi32, #tpu.memory_space<vmem>>, vector<16xi32>,
        %get3A_69 = arith.constant 4752 : index
        %get3A_70 = tpu.vector_load %arg11[%get3A_69] {strides = array<i32>} : memref<4784xi32, #tpu.memory_space<vmem>>, vector<16xi32>,
        %slice3A_71 = vector.extract_strided_slice %get3A_70 {offsets = [0], sizes = [1], strides = [1]} : vector<16xi32> to vector<1xi32>
        %squeeze3A_72 = vector.extract %slice3A_71[0] : i32 from vector<1xi32>
        %broadcast_in_dim3A_73 = arith.constant 0 : i32
        %broadcast_in_dim3A_74 = vector.broadcast %broadcast_in_dim3A_73 : i32 to vector<16xi32>
        %add3A_75 = arith.constant 0 : i32
        %add3A_76 = arith.addi %squeeze3A_72, %add3A_75 : i32
        %swap3A_77 = arith.index_cast %add3A_76 : i32 to index
        %swap3A_78 = tpu.vector_load %arg10[%swap3A_77] {strides = array<i32>} : memref<4784xi32, #tpu.memory_space<vmem>>, vector<16xi32>,
        tpu.vector_store %arg10[%swap3A_77], %broadcast_in_dim3A_74 {strides = array<i32>} : memref<4784xi32, #tpu.memory_space<vmem>>, vector<16xi32>,
        %broadcast_in_dim3A_79 = arith.constant 320 : i32
        %broadcast_in_dim3A_80 = vector.broadcast %broadcast_in_dim3A_79 : i32 to vector<16xi32>
        %add3A_81 = arith.constant 0 : i32
        %add3A_82 = arith.addi %squeeze3A_72, %add3A_81 : i32
        %swap3A_83 = arith.index_cast %add3A_82 : i32 to index
        %swap3A_84 = tpu.vector_load %arg11[%swap3A_83] {strides = array<i32>} : memref<4784xi32, #tpu.memory_space<vmem>>, vector<16xi32>,
        tpu.vector_store %arg11[%swap3A_83], %broadcast_in_dim3A_80 {strides = array<i32>} : memref<4784xi32, #tpu.memory_space<vmem>>, vector<16xi32>,
        %broadcast_in_dim3A_85 = arith.constant 0 : i32
        %broadcast_in_dim3A_86 = vector.broadcast %broadcast_in_dim3A_85 : i32 to vector<16xi32>
        %add3A_87 = arith.constant 16 : i32
        %add3A_88 = arith.addi %squeeze3A_72, %add3A_87 : i32
        %swap3A_89 = arith.index_cast %add3A_88 : i32 to index
        %swap3A_90 = tpu.vector_load %arg10[%swap3A_89] {strides = array<i32>} : memref<4784xi32, #tpu.memory_space<vmem>>, vector<16xi32>,
        tpu.vector_store %arg10[%swap3A_89], %broadcast_in_dim3A_86 {strides = array<i32>} : memref<4784xi32, #tpu.memory_space<vmem>>, vector<16xi32>,
        %broadcast_in_dim3A_91 = arith.constant 320 : i32
        %broadcast_in_dim3A_92 = vector.broadcast %broadcast_in_dim3A_91 : i32 to vector<16xi32>
        %add3A_93 = arith.constant 16 : i32
        %add3A_94 = arith.addi %squeeze3A_72, %add3A_93 : i32
        %swap3A_95 = arith.index_cast %add3A_94 : i32 to index
        %swap3A_96 = tpu.vector_load %arg11[%swap3A_95] {strides = array<i32>} : memref<4784xi32, #tpu.memory_space<vmem>>, vector<16xi32>,
        tpu.vector_store %arg11[%swap3A_95], %broadcast_in_dim3A_92 {strides = array<i32>} : memref<4784xi32, #tpu.memory_space<vmem>>, vector<16xi32>,
        %broadcast_in_dim3A_97 = arith.constant 0 : i32
        %broadcast_in_dim3A_98 = vector.broadcast %broadcast_in_dim3A_97 : i32 to vector<16xi32>
        %add3A_99 = arith.constant 32 : i32
        %add3A_100 = arith.addi %squeeze3A_72, %add3A_99 : i32
        %swap3A_101 = arith.index_cast %add3A_100 : i32 to index
        %swap3A_102 = tpu.vector_load %arg10[%swap3A_101] {strides = array<i32>} : memref<4784xi32, #tpu.memory_space<vmem>>, vector<16xi32>,
        tpu.vector_store %arg10[%swap3A_101], %broadcast_in_dim3A_98 {strides = array<i32>} : memref<4784xi32, #tpu.memory_space<vmem>>, vector<16xi32>,
        %broadcast_in_dim3A_103 = arith.constant 320 : i32
        %broadcast_in_dim3A_104 = vector.broadcast %broadcast_in_dim3A_103 : i32 to vector<16xi32>
        %add3A_105 = arith.constant 32 : i32
        %add3A_106 = arith.addi %squeeze3A_72, %add3A_105 : i32
        %swap3A_107 = arith.index_cast %add3A_106 : i32 to index
        %swap3A_108 = tpu.vector_load %arg11[%swap3A_107] {strides = array<i32>} : memref<4784xi32, #tpu.memory_space<vmem>>, vector<16xi32>,
        tpu.vector_store %arg11[%swap3A_107], %broadcast_in_dim3A_104 {strides = array<i32>} : memref<4784xi32, #tpu.memory_space<vmem>>, vector<16xi32>,
        %broadcast_in_dim3A_109 = arith.constant 0 : i32
        %broadcast_in_dim3A_110 = vector.broadcast %broadcast_in_dim3A_109 : i32 to vector<16xi32>
        %add3A_111 = arith.constant 48 : i32
        %add3A_112 = arith.addi %squeeze3A_72, %add3A_111 : i32
        %swap3A_113 = arith.index_cast %add3A_112 : i32 to index
        %swap3A_114 = tpu.vector_load %arg10[%swap3A_113] {strides = array<i32>} : memref<4784xi32, #tpu.memory_space<vmem>>, vector<16xi32>,
        tpu.vector_store %arg10[%swap3A_113], %broadcast_in_dim3A_110 {strides = array<i32>} : memref<4784xi32, #tpu.memory_space<vmem>>, vector<16xi32>,
        %broadcast_in_dim3A_115 = arith.constant 320 : i32
        %broadcast_in_dim3A_116 = vector.broadcast %broadcast_in_dim3A_115 : i32 to vector<16xi32>
        %add3A_117 = arith.constant 48 : i32
        %add3A_118 = arith.addi %squeeze3A_72, %add3A_117 : i32
        %swap3A_119 = arith.index_cast %add3A_118 : i32 to index
        %swap3A_120 = tpu.vector_load %arg11[%swap3A_119] {strides = array<i32>} : memref<4784xi32, #tpu.memory_space<vmem>>, vector<16xi32>,
        tpu.vector_store %arg11[%swap3A_119], %broadcast_in_dim3A_116 {strides = array<i32>} : memref<4784xi32, #tpu.memory_space<vmem>>, vector<16xi32>,
        %add3A_121 = arith.constant 64 : i32
        %add3A_122 = arith.addi %squeeze3A_72, %add3A_121 : i32
        %sub3A_123 = arith.constant 1 : i32
        %sub3A_124 = arith.subi %add3A_122, %sub3A_123 : i32
        %jit3A_125 = arith.constant 64 : i32
        %div3A_126 = arith.divsi %sub3A_124, %jit3A_125 : i32
        %sign3A_127 = arith.constant 0 : i32
        %sign3A_128 = arith.cmpi sgt, %sub3A_124, %sign3A_127 : i32
        %sign3A_129 = arith.extui %sign3A_128 : i1 to i32
        %sign3A_130 = arith.constant 0 : i32
        %sign3A_131 = arith.cmpi slt, %sub3A_124, %sign3A_130 : i32
        %sign3A_132 = arith.extui %sign3A_131 : i1 to i32
        %sign3A_133 = arith.subi %sign3A_129, %sign3A_132 : i32
        %sign3A_134 = arith.constant 0 : i32
        %sign3A_135 = arith.cmpi sgt, %jit3A_125, %sign3A_134 : i32
        %sign3A_136 = arith.extui %sign3A_135 : i1 to i32
        %sign3A_137 = arith.constant 0 : i32
        %sign3A_138 = arith.cmpi slt, %jit3A_125, %sign3A_137 : i32
        %sign3A_139 = arith.extui %sign3A_138 : i1 to i32
        %sign3A_140 = arith.subi %sign3A_136, %sign3A_139 : i32
        %ne3A_141 = arith.cmpi ne, %sign3A_133, %sign3A_140 : i32
        %rem3A_142 = arith.remsi %sub3A_124, %jit3A_125 : i32
        %ne3A_143 = arith.constant 0 : i32
        %ne3A_144 = arith.cmpi ne, %rem3A_142, %ne3A_143 : i32
        %and3A_145 = arith.andi %ne3A_141, %ne3A_144 : i1
        %sub3A_146 = arith.constant 1 : i32
        %sub3A_147 = arith.subi %div3A_126, %sub3A_146 : i32
        %select_n3A_148 = arith.select %and3A_145, %sub3A_147, %div3A_126 : i32
        %while3A_149 = arith.constant 0 : i32
        %while3A_150 = arith.constant 0 : i32
        %while3A_151 = arith.subi %select_n3A_148, %while3A_150 : i32
        %while3A_152 = arith.addi %while3A_150, %while3A_151 : i32
        %while3A_153 = arith.constant 1 : i32
        %while3A_154 = arith.divsi %while3A_151, %while3A_153 : i32
        %while3A_155 = arith.muli %while3A_154, %while3A_153 : i32
        %while3A_156 = arith.addi %while3A_150, %while3A_155 : i32
        %while3A_157 = arith.constant 1 : i32
        scf.for %while3A_159 = %while3A_150 to %while3A_156 step %while3A_157  : i32 {
          %mul3A_160 = arith.constant 64 : i32
          %mul3A_161 = arith.muli %while3A_159, %mul3A_160 : i32
          %dma_start3A = tpu.memref_slice %arg10[%mul3A_161] : memref<4784xi32, #tpu.memory_space<vmem>> -> memref<64xi32, #tpu.memory_space<vmem>>
          %dma_start3A_162 = arith.constant 0 : i32
          %dma_start3A_163 = arith.constant 0 : i32
          %dma_start3A_164 = tpu.memref_slice %arg2[%dma_start3A_162, %dma_start3A_163] : memref<102400x128xf32, #tpu.memory_space<hbm>> -> memref<102400x128xf32, #tpu.memory_space<hbm>>
          tpu.enqueue_indirect_dma source(%dma_start3A_164 : memref<102400x128xf32, #tpu.memory_space<hbm>>) target(%arg12 : memref<64x128xf32, #tpu.memory_space<vmem>>) offsets(%dma_start3A : memref<64xi32, #tpu.memory_space<vmem>>) semaphore(%arg16 : memref<!tpu.dma_semaphore, #tpu.memory_space<semaphore_mem>>)
          %dma_wait3A = tpu.memref_slice %arg10[%mul3A_161] : memref<4784xi32, #tpu.memory_space<vmem>> -> memref<64xi32, #tpu.memory_space<vmem>>
          %dma_wait3A_165 = arith.constant 0 : i32
          %dma_wait3A_166 = arith.constant 0 : i32
          %dma_wait3A_167 = tpu.memref_slice %arg2[%dma_wait3A_165, %dma_wait3A_166] : memref<102400x128xf32, #tpu.memory_space<hbm>> -> memref<102400x128xf32, #tpu.memory_space<hbm>>
          tpu.wait_indirect_dma semaphore(%arg16 : memref<!tpu.dma_semaphore, #tpu.memory_space<semaphore_mem>>) src(%dma_wait3A_167 : memref<102400x128xf32, #tpu.memory_space<hbm>>) dst(%arg12 : memref<64x128xf32, #tpu.memory_space<vmem>>)
          %scan3A_168 = arith.constant 0 : i32
          %scan3A_169 = arith.constant 0 : i32
          %scan3A_170 = arith.constant 64 : i32
          %scan3A_171 = arith.addi %scan3A_169, %scan3A_170 : i32
          %scan3A_172 = arith.constant 1 : i32
          scf.for %scan3A_174 = %scan3A_169 to %scan3A_171 step %scan3A_172  : i32 {
            %add3A_175 = arith.addi %mul3A_161, %scan3A_174 : i32
            %get3A_176 = arith.index_cast %add3A_175 : i32 to index
            %get3A_177 = tpu.vector_load %arg11[%get3A_176] {strides = array<i32>} : memref<4784xi32, #tpu.memory_space<vmem>>, vector<16xi32>,
            %slice3A_178 = vector.extract_strided_slice %get3A_177 {offsets = [0], sizes = [1], strides = [1]} : vector<16xi32> to vector<1xi32>
            %squeeze3A_179 = vector.extract %slice3A_178[0] : i32 from vector<1xi32>
            %get3A_180 = arith.index_cast %squeeze3A_179 : i32 to index
            %get3A_181 = arith.constant 0 : index
            %get3A_182 = tpu.vector_load %arg14[%get3A_180, %get3A_181] {strides = array<i32>} : memref<328x128xf32, #tpu.memory_space<vmem>>, vector<16xf32>,
            %get3A_183 = arith.index_cast %scan3A_174 : i32 to index
            %get3A_184 = arith.constant 0 : index
            %get3A_185 = tpu.vector_load %arg12[%get3A_183, %get3A_184] {strides = array<i32>} : memref<64x128xf32, #tpu.memory_space<vmem>>, vector<16xf32>,
            %add3A_186 = arith.addf %get3A_182, %get3A_185 : vector<16xf32>
            %swap3A_187 = arith.index_cast %squeeze3A_179 : i32 to index
            %swap3A_188 = arith.constant 0 : index
            %swap3A_189 = tpu.vector_load %arg14[%swap3A_187, %swap3A_188] {strides = array<i32>} : memref<328x128xf32, #tpu.memory_space<vmem>>, vector<16xf32>,
            tpu.vector_store %arg14[%swap3A_187, %swap3A_188], %add3A_186 {strides = array<i32>} : memref<328x128xf32, #tpu.memory_space<vmem>>, vector<16xf32>,
            %get3A_190 = arith.index_cast %squeeze3A_179 : i32 to index
            %get3A_191 = arith.constant 16 : index
            %get3A_192 = tpu.vector_load %arg14[%get3A_190, %get3A_191] {strides = array<i32>} : memref<328x128xf32, #tpu.memory_space<vmem>>, vector<16xf32>,
            %get3A_193 = arith.index_cast %scan3A_174 : i32 to index
            %get3A_194 = arith.constant 16 : index
            %get3A_195 = tpu.vector_load %arg12[%get3A_193, %get3A_194] {strides = array<i32>} : memref<64x128xf32, #tpu.memory_space<vmem>>, vector<16xf32>,
            %add3A_196 = arith.addf %get3A_192, %get3A_195 : vector<16xf32>
            %swap3A_197 = arith.index_cast %squeeze3A_179 : i32 to index
            %swap3A_198 = arith.constant 16 : index
            %swap3A_199 = tpu.vector_load %arg14[%swap3A_197, %swap3A_198] {strides = array<i32>} : memref<328x128xf32, #tpu.memory_space<vmem>>, vector<16xf32>,
            tpu.vector_store %arg14[%swap3A_197, %swap3A_198], %add3A_196 {strides = array<i32>} : memref<328x128xf32, #tpu.memory_space<vmem>>, vector<16xf32>,
            %get3A_200 = arith.index_cast %squeeze3A_179 : i32 to index
            %get3A_201 = arith.constant 32 : index
            %get3A_202 = tpu.vector_load %arg14[%get3A_200, %get3A_201] {strides = array<i32>} : memref<328x128xf32, #tpu.memory_space<vmem>>, vector<16xf32>,
            %get3A_203 = arith.index_cast %scan3A_174 : i32 to index
            %get3A_204 = arith.constant 32 : index
            %get3A_205 = tpu.vector_load %arg12[%get3A_203, %get3A_204] {strides = array<i32>} : memref<64x128xf32, #tpu.memory_space<vmem>>, vector<16xf32>,
            %add3A_206 = arith.addf %get3A_202, %get3A_205 : vector<16xf32>
            %swap3A_207 = arith.index_cast %squeeze3A_179 : i32 to index
            %swap3A_208 = arith.constant 32 : index
            %swap3A_209 = tpu.vector_load %arg14[%swap3A_207, %swap3A_208] {strides = array<i32>} : memref<328x128xf32, #tpu.memory_space<vmem>>, vector<16xf32>,
            tpu.vector_store %arg14[%swap3A_207, %swap3A_208], %add3A_206 {strides = array<i32>} : memref<328x128xf32, #tpu.memory_space<vmem>>, vector<16xf32>,
            %get3A_210 = arith.index_cast %squeeze3A_179 : i32 to index
            %get3A_211 = arith.constant 48 : index
            %get3A_212 = tpu.vector_load %arg14[%get3A_210, %get3A_211] {strides = array<i32>} : memref<328x128xf32, #tpu.memory_space<vmem>>, vector<16xf32>,
            %get3A_213 = arith.index_cast %scan3A_174 : i32 to index
            %get3A_214 = arith.constant 48 : index
            %get3A_215 = tpu.vector_load %arg12[%get3A_213, %get3A_214] {strides = array<i32>} : memref<64x128xf32, #tpu.memory_space<vmem>>, vector<16xf32>,
            %add3A_216 = arith.addf %get3A_212, %get3A_215 : vector<16xf32>
            %swap3A_217 = arith.index_cast %squeeze3A_179 : i32 to index
            %swap3A_218 = arith.constant 48 : index
            %swap3A_219 = tpu.vector_load %arg14[%swap3A_217, %swap3A_218] {strides = array<i32>} : memref<328x128xf32, #tpu.memory_space<vmem>>, vector<16xf32>,
            tpu.vector_store %arg14[%swap3A_217, %swap3A_218], %add3A_216 {strides = array<i32>} : memref<328x128xf32, #tpu.memory_space<vmem>>, vector<16xf32>,
            %get3A_220 = arith.index_cast %squeeze3A_179 : i32 to index
            %get3A_221 = arith.constant 64 : index
            %get3A_222 = tpu.vector_load %arg14[%get3A_220, %get3A_221] {strides = array<i32>} : memref<328x128xf32, #tpu.memory_space<vmem>>, vector<16xf32>,
            %get3A_223 = arith.index_cast %scan3A_174 : i32 to index
            %get3A_224 = arith.constant 64 : index
            %get3A_225 = tpu.vector_load %arg12[%get3A_223, %get3A_224] {strides = array<i32>} : memref<64x128xf32, #tpu.memory_space<vmem>>, vector<16xf32>,
            %add3A_226 = arith.addf %get3A_222, %get3A_225 : vector<16xf32>
            %swap3A_227 = arith.index_cast %squeeze3A_179 : i32 to index
            %swap3A_228 = arith.constant 64 : index
            %swap3A_229 = tpu.vector_load %arg14[%swap3A_227, %swap3A_228] {strides = array<i32>} : memref<328x128xf32, #tpu.memory_space<vmem>>, vector<16xf32>,
            tpu.vector_store %arg14[%swap3A_227, %swap3A_228], %add3A_226 {strides = array<i32>} : memref<328x128xf32, #tpu.memory_space<vmem>>, vector<16xf32>,
            %get3A_230 = arith.index_cast %squeeze3A_179 : i32 to index
            %get3A_231 = arith.constant 80 : index
            %get3A_232 = tpu.vector_load %arg14[%get3A_230, %get3A_231] {strides = array<i32>} : memref<328x128xf32, #tpu.memory_space<vmem>>, vector<16xf32>,
            %get3A_233 = arith.index_cast %scan3A_174 : i32 to index
            %get3A_234 = arith.constant 80 : index
            %get3A_235 = tpu.vector_load %arg12[%get3A_233, %get3A_234] {strides = array<i32>} : memref<64x128xf32, #tpu.memory_space<vmem>>, vector<16xf32>,
            %add3A_236 = arith.addf %get3A_232, %get3A_235 : vector<16xf32>
            %swap3A_237 = arith.index_cast %squeeze3A_179 : i32 to index
            %swap3A_238 = arith.constant 80 : index
            %swap3A_239 = tpu.vector_load %arg14[%swap3A_237, %swap3A_238] {strides = array<i32>} : memref<328x128xf32, #tpu.memory_space<vmem>>, vector<16xf32>,
            tpu.vector_store %arg14[%swap3A_237, %swap3A_238], %add3A_236 {strides = array<i32>} : memref<328x128xf32, #tpu.memory_space<vmem>>, vector<16xf32>,
            %get3A_240 = arith.index_cast %squeeze3A_179 : i32 to index
            %get3A_241 = arith.constant 96 : index
            %get3A_242 = tpu.vector_load %arg14[%get3A_240, %get3A_241] {strides = array<i32>} : memref<328x128xf32, #tpu.memory_space<vmem>>, vector<16xf32>,
            %get3A_243 = arith.index_cast %scan3A_174 : i32 to index
            %get3A_244 = arith.constant 96 : index
            %get3A_245 = tpu.vector_load %arg12[%get3A_243, %get3A_244] {strides = array<i32>} : memref<64x128xf32, #tpu.memory_space<vmem>>, vector<16xf32>,
            %add3A_246 = arith.addf %get3A_242, %get3A_245 : vector<16xf32>
            %swap3A_247 = arith.index_cast %squeeze3A_179 : i32 to index
            %swap3A_248 = arith.constant 96 : index
            %swap3A_249 = tpu.vector_load %arg14[%swap3A_247, %swap3A_248] {strides = array<i32>} : memref<328x128xf32, #tpu.memory_space<vmem>>, vector<16xf32>,
            tpu.vector_store %arg14[%swap3A_247, %swap3A_248], %add3A_246 {strides = array<i32>} : memref<328x128xf32, #tpu.memory_space<vmem>>, vector<16xf32>,
            %get3A_250 = arith.index_cast %squeeze3A_179 : i32 to index
            %get3A_251 = arith.constant 112 : index
            %get3A_252 = tpu.vector_load %arg14[%get3A_250, %get3A_251] {strides = array<i32>} : memref<328x128xf32, #tpu.memory_space<vmem>>, vector<16xf32>,
            %get3A_253 = arith.index_cast %scan3A_174 : i32 to index
            %get3A_254 = arith.constant 112 : index
            %get3A_255 = tpu.vector_load %arg12[%get3A_253, %get3A_254] {strides = array<i32>} : memref<64x128xf32, #tpu.memory_space<vmem>>, vector<16xf32>,
            %add3A_256 = arith.addf %get3A_252, %get3A_255 : vector<16xf32>
            %swap3A_257 = arith.index_cast %squeeze3A_179 : i32 to index
            %swap3A_258 = arith.constant 112 : index
            %swap3A_259 = tpu.vector_load %arg14[%swap3A_257, %swap3A_258] {strides = array<i32>} : memref<328x128xf32, #tpu.memory_space<vmem>>, vector<16xf32>,
            tpu.vector_store %arg14[%swap3A_257, %swap3A_258], %add3A_256 {strides = array<i32>} : memref<328x128xf32, #tpu.memory_space<vmem>>, vector<16xf32>,
            %get3A_260 = arith.index_cast %squeeze3A_179 : i32 to index
            %get3A_261 = arith.constant 0 : index
            %get3A_262 = tpu.vector_load %arg15[%get3A_260, %get3A_261] {strides = array<i32>} : memref<328x16xf32, #tpu.memory_space<vmem>>, vector<16xf32>,
            %broadcast_in_dim3A_263 = arith.constant 1.000000e+00 : f32
            %broadcast_in_dim3A_264 = vector.broadcast %broadcast_in_dim3A_263 : f32 to vector<16xf32>
            %add3A_265 = arith.addf %get3A_262, %broadcast_in_dim3A_264 : vector<16xf32>
            %swap3A_266 = arith.index_cast %squeeze3A_179 : i32 to index
            %swap3A_267 = arith.constant 0 : index
            %swap3A_268 = tpu.vector_load %arg15[%swap3A_266, %swap3A_267] {strides = array<i32>} : memref<328x16xf32, #tpu.memory_space<vmem>>, vector<16xf32>,
            tpu.vector_store %arg15[%swap3A_266, %swap3A_267], %add3A_265 {strides = array<i32>} : memref<328x16xf32, #tpu.memory_space<vmem>>, vector<16xf32>,
          }
          %scan3A_173 = arith.constant 64 : i32
        }
        %while3A_158 = arith.constant 1 : i32
        scf.for %while3A_159 = %while3A_156 to %while3A_152 step %while3A_158  : i32 {
          %mul3A_160 = arith.constant 64 : i32
          %mul3A_161 = arith.muli %while3A_159, %mul3A_160 : i32
          %dma_start3A = tpu.memref_slice %arg10[%mul3A_161] : memref<4784xi32, #tpu.memory_space<vmem>> -> memref<64xi32, #tpu.memory_space<vmem>>
          %dma_start3A_162 = arith.constant 0 : i32
          %dma_start3A_163 = arith.constant 0 : i32
          %dma_start3A_164 = tpu.memref_slice %arg2[%dma_start3A_162, %dma_start3A_163] : memref<102400x128xf32, #tpu.memory_space<hbm>> -> memref<102400x128xf32, #tpu.memory_space<hbm>>
          tpu.enqueue_indirect_dma source(%dma_start3A_164 : memref<102400x128xf32, #tpu.memory_space<hbm>>) target(%arg12 : memref<64x128xf32, #tpu.memory_space<vmem>>) offsets(%dma_start3A : memref<64xi32, #tpu.memory_space<vmem>>) semaphore(%arg16 : memref<!tpu.dma_semaphore, #tpu.memory_space<semaphore_mem>>)
          %dma_wait3A = tpu.memref_slice %arg10[%mul3A_161] : memref<4784xi32, #tpu.memory_space<vmem>> -> memref<64xi32, #tpu.memory_space<vmem>>
          %dma_wait3A_165 = arith.constant 0 : i32
          %dma_wait3A_166 = arith.constant 0 : i32
          %dma_wait3A_167 = tpu.memref_slice %arg2[%dma_wait3A_165, %dma_wait3A_166] : memref<102400x128xf32, #tpu.memory_space<hbm>> -> memref<102400x128xf32, #tpu.memory_space<hbm>>
          tpu.wait_indirect_dma semaphore(%arg16 : memref<!tpu.dma_semaphore, #tpu.memory_space<semaphore_mem>>) src(%dma_wait3A_167 : memref<102400x128xf32, #tpu.memory_space<hbm>>) dst(%arg12 : memref<64x128xf32, #tpu.memory_space<vmem>>)
          %scan3A_168 = arith.constant 0 : i32
          %scan3A_169 = arith.constant 0 : i32
          %scan3A_170 = arith.constant 64 : i32
          %scan3A_171 = arith.addi %scan3A_169, %scan3A_170 : i32
          %scan3A_172 = arith.constant 1 : i32
          scf.for %scan3A_174 = %scan3A_169 to %scan3A_171 step %scan3A_172  : i32 {
            %add3A_175 = arith.addi %mul3A_161, %scan3A_174 : i32
            %get3A_176 = arith.index_cast %add3A_175 : i32 to index
            %get3A_177 = tpu.vector_load %arg11[%get3A_176] {strides = array<i32>} : memref<4784xi32, #tpu.memory_space<vmem>>, vector<16xi32>,
            %slice3A_178 = vector.extract_strided_slice %get3A_177 {offsets = [0], sizes = [1], strides = [1]} : vector<16xi32> to vector<1xi32>
            %squeeze3A_179 = vector.extract %slice3A_178[0] : i32 from vector<1xi32>
            %get3A_180 = arith.index_cast %squeeze3A_179 : i32 to index
            %get3A_181 = arith.constant 0 : index
            %get3A_182 = tpu.vector_load %arg14[%get3A_180, %get3A_181] {strides = array<i32>} : memref<328x128xf32, #tpu.memory_space<vmem>>, vector<16xf32>,
            %get3A_183 = arith.index_cast %scan3A_174 : i32 to index
            %get3A_184 = arith.constant 0 : index
            %get3A_185 = tpu.vector_load %arg12[%get3A_183, %get3A_184] {strides = array<i32>} : memref<64x128xf32, #tpu.memory_space<vmem>>, vector<16xf32>,
            %add3A_186 = arith.addf %get3A_182, %get3A_185 : vector<16xf32>
            %swap3A_187 = arith.index_cast %squeeze3A_179 : i32 to index
            %swap3A_188 = arith.constant 0 : index
            %swap3A_189 = tpu.vector_load %arg14[%swap3A_187, %swap3A_188] {strides = array<i32>} : memref<328x128xf32, #tpu.memory_space<vmem>>, vector<16xf32>,
            tpu.vector_store %arg14[%swap3A_187, %swap3A_188], %add3A_186 {strides = array<i32>} : memref<328x128xf32, #tpu.memory_space<vmem>>, vector<16xf32>,
            %get3A_190 = arith.index_cast %squeeze3A_179 : i32 to index
            %get3A_191 = arith.constant 16 : index
            %get3A_192 = tpu.vector_load %arg14[%get3A_190, %get3A_191] {strides = array<i32>} : memref<328x128xf32, #tpu.memory_space<vmem>>, vector<16xf32>,
            %get3A_193 = arith.index_cast %scan3A_174 : i32 to index
            %get3A_194 = arith.constant 16 : index
            %get3A_195 = tpu.vector_load %arg12[%get3A_193, %get3A_194] {strides = array<i32>} : memref<64x128xf32, #tpu.memory_space<vmem>>, vector<16xf32>,
            %add3A_196 = arith.addf %get3A_192, %get3A_195 : vector<16xf32>
            %swap3A_197 = arith.index_cast %squeeze3A_179 : i32 to index
            %swap3A_198 = arith.constant 16 : index
            %swap3A_199 = tpu.vector_load %arg14[%swap3A_197, %swap3A_198] {strides = array<i32>} : memref<328x128xf32, #tpu.memory_space<vmem>>, vector<16xf32>,
            tpu.vector_store %arg14[%swap3A_197, %swap3A_198], %add3A_196 {strides = array<i32>} : memref<328x128xf32, #tpu.memory_space<vmem>>, vector<16xf32>,
            %get3A_200 = arith.index_cast %squeeze3A_179 : i32 to index
            %get3A_201 = arith.constant 32 : index
            %get3A_202 = tpu.vector_load %arg14[%get3A_200, %get3A_201] {strides = array<i32>} : memref<328x128xf32, #tpu.memory_space<vmem>>, vector<16xf32>,
            %get3A_203 = arith.index_cast %scan3A_174 : i32 to index
            %get3A_204 = arith.constant 32 : index
            %get3A_205 = tpu.vector_load %arg12[%get3A_203, %get3A_204] {strides = array<i32>} : memref<64x128xf32, #tpu.memory_space<vmem>>, vector<16xf32>,
            %add3A_206 = arith.addf %get3A_202, %get3A_205 : vector<16xf32>
            %swap3A_207 = arith.index_cast %squeeze3A_179 : i32 to index
            %swap3A_208 = arith.constant 32 : index
            %swap3A_209 = tpu.vector_load %arg14[%swap3A_207, %swap3A_208] {strides = array<i32>} : memref<328x128xf32, #tpu.memory_space<vmem>>, vector<16xf32>,
            tpu.vector_store %arg14[%swap3A_207, %swap3A_208], %add3A_206 {strides = array<i32>} : memref<328x128xf32, #tpu.memory_space<vmem>>, vector<16xf32>,
            %get3A_210 = arith.index_cast %squeeze3A_179 : i32 to index
            %get3A_211 = arith.constant 48 : index
            %get3A_212 = tpu.vector_load %arg14[%get3A_210, %get3A_211] {strides = array<i32>} : memref<328x128xf32, #tpu.memory_space<vmem>>, vector<16xf32>,
            %get3A_213 = arith.index_cast %scan3A_174 : i32 to index
            %get3A_214 = arith.constant 48 : index
            %get3A_215 = tpu.vector_load %arg12[%get3A_213, %get3A_214] {strides = array<i32>} : memref<64x128xf32, #tpu.memory_space<vmem>>, vector<16xf32>,
            %add3A_216 = arith.addf %get3A_212, %get3A_215 : vector<16xf32>
            %swap3A_217 = arith.index_cast %squeeze3A_179 : i32 to index
            %swap3A_218 = arith.constant 48 : index
            %swap3A_219 = tpu.vector_load %arg14[%swap3A_217, %swap3A_218] {strides = array<i32>} : memref<328x128xf32, #tpu.memory_space<vmem>>, vector<16xf32>,
            tpu.vector_store %arg14[%swap3A_217, %swap3A_218], %add3A_216 {strides = array<i32>} : memref<328x128xf32, #tpu.memory_space<vmem>>, vector<16xf32>,
            %get3A_220 = arith.index_cast %squeeze3A_179 : i32 to index
            %get3A_221 = arith.constant 64 : index
            %get3A_222 = tpu.vector_load %arg14[%get3A_220, %get3A_221] {strides = array<i32>} : memref<328x128xf32, #tpu.memory_space<vmem>>, vector<16xf32>,
            %get3A_223 = arith.index_cast %scan3A_174 : i32 to index
            %get3A_224 = arith.constant 64 : index
            %get3A_225 = tpu.vector_load %arg12[%get3A_223, %get3A_224] {strides = array<i32>} : memref<64x128xf32, #tpu.memory_space<vmem>>, vector<16xf32>,
            %add3A_226 = arith.addf %get3A_222, %get3A_225 : vector<16xf32>
            %swap3A_227 = arith.index_cast %squeeze3A_179 : i32 to index
            %swap3A_228 = arith.constant 64 : index
            %swap3A_229 = tpu.vector_load %arg14[%swap3A_227, %swap3A_228] {strides = array<i32>} : memref<328x128xf32, #tpu.memory_space<vmem>>, vector<16xf32>,
            tpu.vector_store %arg14[%swap3A_227, %swap3A_228], %add3A_226 {strides = array<i32>} : memref<328x128xf32, #tpu.memory_space<vmem>>, vector<16xf32>,
            %get3A_230 = arith.index_cast %squeeze3A_179 : i32 to index
            %get3A_231 = arith.constant 80 : index
            %get3A_232 = tpu.vector_load %arg14[%get3A_230, %get3A_231] {strides = array<i32>} : memref<328x128xf32, #tpu.memory_space<vmem>>, vector<16xf32>,
            %get3A_233 = arith.index_cast %scan3A_174 : i32 to index
            %get3A_234 = arith.constant 80 : index
            %get3A_235 = tpu.vector_load %arg12[%get3A_233, %get3A_234] {strides = array<i32>} : memref<64x128xf32, #tpu.memory_space<vmem>>, vector<16xf32>,
            %add3A_236 = arith.addf %get3A_232, %get3A_235 : vector<16xf32>
            %swap3A_237 = arith.index_cast %squeeze3A_179 : i32 to index
            %swap3A_238 = arith.constant 80 : index
            %swap3A_239 = tpu.vector_load %arg14[%swap3A_237, %swap3A_238] {strides = array<i32>} : memref<328x128xf32, #tpu.memory_space<vmem>>, vector<16xf32>,
            tpu.vector_store %arg14[%swap3A_237, %swap3A_238], %add3A_236 {strides = array<i32>} : memref<328x128xf32, #tpu.memory_space<vmem>>, vector<16xf32>,
            %get3A_240 = arith.index_cast %squeeze3A_179 : i32 to index
            %get3A_241 = arith.constant 96 : index
            %get3A_242 = tpu.vector_load %arg14[%get3A_240, %get3A_241] {strides = array<i32>} : memref<328x128xf32, #tpu.memory_space<vmem>>, vector<16xf32>,
            %get3A_243 = arith.index_cast %scan3A_174 : i32 to index
            %get3A_244 = arith.constant 96 : index
            %get3A_245 = tpu.vector_load %arg12[%get3A_243, %get3A_244] {strides = array<i32>} : memref<64x128xf32, #tpu.memory_space<vmem>>, vector<16xf32>,
            %add3A_246 = arith.addf %get3A_242, %get3A_245 : vector<16xf32>
            %swap3A_247 = arith.index_cast %squeeze3A_179 : i32 to index
            %swap3A_248 = arith.constant 96 : index
            %swap3A_249 = tpu.vector_load %arg14[%swap3A_247, %swap3A_248] {strides = array<i32>} : memref<328x128xf32, #tpu.memory_space<vmem>>, vector<16xf32>,
            tpu.vector_store %arg14[%swap3A_247, %swap3A_248], %add3A_246 {strides = array<i32>} : memref<328x128xf32, #tpu.memory_space<vmem>>, vector<16xf32>,
            %get3A_250 = arith.index_cast %squeeze3A_179 : i32 to index
            %get3A_251 = arith.constant 112 : index
            %get3A_252 = tpu.vector_load %arg14[%get3A_250, %get3A_251] {strides = array<i32>} : memref<328x128xf32, #tpu.memory_space<vmem>>, vector<16xf32>,
            %get3A_253 = arith.index_cast %scan3A_174 : i32 to index
            %get3A_254 = arith.constant 112 : index
            %get3A_255 = tpu.vector_load %arg12[%get3A_253, %get3A_254] {strides = array<i32>} : memref<64x128xf32, #tpu.memory_space<vmem>>, vector<16xf32>,
            %add3A_256 = arith.addf %get3A_252, %get3A_255 : vector<16xf32>
            %swap3A_257 = arith.index_cast %squeeze3A_179 : i32 to index
            %swap3A_258 = arith.constant 112 : index
            %swap3A_259 = tpu.vector_load %arg14[%swap3A_257, %swap3A_258] {strides = array<i32>} : memref<328x128xf32, #tpu.memory_space<vmem>>, vector<16xf32>,
            tpu.vector_store %arg14[%swap3A_257, %swap3A_258], %add3A_256 {strides = array<i32>} : memref<328x128xf32, #tpu.memory_space<vmem>>, vector<16xf32>,
            %get3A_260 = arith.index_cast %squeeze3A_179 : i32 to index
            %get3A_261 = arith.constant 0 : index
            %get3A_262 = tpu.vector_load %arg15[%get3A_260, %get3A_261] {strides = array<i32>} : memref<328x16xf32, #tpu.memory_space<vmem>>, vector<16xf32>,
            %broadcast_in_dim3A_263 = arith.constant 1.000000e+00 : f32
            %broadcast_in_dim3A_264 = vector.broadcast %broadcast_in_dim3A_263 : f32 to vector<16xf32>
            %add3A_265 = arith.addf %get3A_262, %broadcast_in_dim3A_264 : vector<16xf32>
            %swap3A_266 = arith.index_cast %squeeze3A_179 : i32 to index
            %swap3A_267 = arith.constant 0 : index
            %swap3A_268 = tpu.vector_load %arg15[%swap3A_266, %swap3A_267] {strides = array<i32>} : memref<328x16xf32, #tpu.memory_space<vmem>>, vector<16xf32>,
            tpu.vector_store %arg15[%swap3A_266, %swap3A_267], %add3A_265 {strides = array<i32>} : memref<328x16xf32, #tpu.memory_space<vmem>>, vector<16xf32>,
          }
          %scan3A_173 = arith.constant 64 : i32
        }
      }
      "tpu.region"() ({
        %run_scoped3A = tpu.sem_alloc : memref<!tpu.dma_semaphore, #tpu.memory_space<semaphore_mem>>
        %dma_start3A = arith.constant 0 : i32
        %dma_start3A_52 = arith.constant 0 : i32
        %dma_start3A_53 = tpu.memref_slice %arg14[%dma_start3A, %dma_start3A_52] : memref<328x128xf32, #tpu.memory_space<vmem>> -> memref<320x128xf32, #tpu.memory_space<vmem>>
        %dma_start3A_54 = arith.constant 0 : i32
        %dma_start3A_55 = tpu.memref_slice %arg6[%add3A_36, %dma_start3A_54] : memref<102400x128xf32, #tpu.memory_space<hbm>> -> memref<320x128xf32, #tpu.memory_space<hbm>>
        %dma_start3A_56 = arith.constant 0 : i32
        %dma_start3A_57 = tpu.memref_slice %arg6[%add3A_36, %dma_start3A_56] : memref<102400x128xf32, #tpu.memory_space<hbm>> -> memref<320x128xf32, #tpu.memory_space<hbm>>
        %dma_start3A_58 = arith.constant 0 : i32
        %dma_start3A_59 = arith.constant 0 : i32
        %dma_start3A_60 = tpu.memref_slice %arg14[%dma_start3A_58, %dma_start3A_59] : memref<328x128xf32, #tpu.memory_space<vmem>> -> memref<320x128xf32, #tpu.memory_space<vmem>>
        tpu.enqueue_dma source(%dma_start3A_60 : memref<320x128xf32, #tpu.memory_space<vmem>>) target(%dma_start3A_57 : memref<320x128xf32, #tpu.memory_space<hbm>>) target_semaphore(%run_scoped3A : memref<!tpu.dma_semaphore, #tpu.memory_space<semaphore_mem>>)
        %dma_wait3A = arith.constant 0 : i32
        %dma_wait3A_61 = arith.constant 0 : i32
        %dma_wait3A_62 = tpu.memref_slice %arg14[%dma_wait3A, %dma_wait3A_61] : memref<328x128xf32, #tpu.memory_space<vmem>> -> memref<320x128xf32, #tpu.memory_space<vmem>>
        %dma_wait3A_63 = arith.constant 0 : i32
        %dma_wait3A_64 = tpu.memref_slice %arg6[%add3A_36, %dma_wait3A_63] : memref<102400x128xf32, #tpu.memory_space<hbm>> -> memref<320x128xf32, #tpu.memory_space<hbm>>
        %dma_wait3A_65 = arith.constant 0 : i32
        %dma_wait3A_66 = tpu.memref_slice %arg6[%add3A_36, %dma_wait3A_65] : memref<102400x128xf32, #tpu.memory_space<hbm>> -> memref<320x128xf32, #tpu.memory_space<hbm>>
        %dma_wait3A_67 = arith.constant 0 : i32
        %dma_wait3A_68 = arith.constant 0 : i32
        %dma_wait3A_69 = tpu.memref_slice %arg14[%dma_wait3A_67, %dma_wait3A_68] : memref<328x128xf32, #tpu.memory_space<vmem>> -> memref<320x128xf32, #tpu.memory_space<vmem>>
        tpu.wait_dma2 semaphore(%run_scoped3A : memref<!tpu.dma_semaphore, #tpu.memory_space<semaphore_mem>>) src(%dma_wait3A_69 : memref<320x128xf32, #tpu.memory_space<vmem>>) dst(%dma_wait3A_66 : memref<320x128xf32, #tpu.memory_space<hbm>>)
        tpu.yield
      }) : () -> ()
      "tpu.region"() ({
        %run_scoped3A = tpu.sem_alloc : memref<!tpu.dma_semaphore, #tpu.memory_space<semaphore_mem>>
        %dma_start3A = arith.constant 0 : i32
        %dma_start3A_52 = arith.constant 0 : i32
        %dma_start3A_53 = tpu.memref_slice %arg15[%dma_start3A, %dma_start3A_52] : memref<328x16xf32, #tpu.memory_space<vmem>> -> memref<320x16xf32, #tpu.memory_space<vmem>>
        %dma_start3A_54 = arith.constant 0 : i32
        %dma_start3A_55 = tpu.memref_slice %arg7[%add3A_36, %dma_start3A_54] : memref<102400x16xf32, #tpu.memory_space<hbm>> -> memref<320x16xf32, #tpu.memory_space<hbm>>
        %dma_start3A_56 = arith.constant 0 : i32
        %dma_start3A_57 = tpu.memref_slice %arg7[%add3A_36, %dma_start3A_56] : memref<102400x16xf32, #tpu.memory_space<hbm>> -> memref<320x16xf32, #tpu.memory_space<hbm>>
        %dma_start3A_58 = arith.constant 0 : i32
        %dma_start3A_59 = arith.constant 0 : i32
        %dma_start3A_60 = tpu.memref_slice %arg15[%dma_start3A_58, %dma_start3A_59] : memref<328x16xf32, #tpu.memory_space<vmem>> -> memref<320x16xf32, #tpu.memory_space<vmem>>
        tpu.enqueue_dma source(%dma_start3A_60 : memref<320x16xf32, #tpu.memory_space<vmem>>) target(%dma_start3A_57 : memref<320x16xf32, #tpu.memory_space<hbm>>) target_semaphore(%run_scoped3A : memref<!tpu.dma_semaphore, #tpu.memory_space<semaphore_mem>>)
        %dma_wait3A = arith.constant 0 : i32
        %dma_wait3A_61 = arith.constant 0 : i32
        %dma_wait3A_62 = tpu.memref_slice %arg15[%dma_wait3A, %dma_wait3A_61] : memref<328x16xf32, #tpu.memory_space<vmem>> -> memref<320x16xf32, #tpu.memory_space<vmem>>
        %dma_wait3A_63 = arith.constant 0 : i32
        %dma_wait3A_64 = tpu.memref_slice %arg7[%add3A_36, %dma_wait3A_63] : memref<102400x16xf32, #tpu.memory_space<hbm>> -> memref<320x16xf32, #tpu.memory_space<hbm>>
        %dma_wait3A_65 = arith.constant 0 : i32
        %dma_wait3A_66 = tpu.memref_slice %arg7[%add3A_36, %dma_wait3A_65] : memref<102400x16xf32, #tpu.memory_space<hbm>> -> memref<320x16xf32, #tpu.memory_space<hbm>>
        %dma_wait3A_67 = arith.constant 0 : i32
        %dma_wait3A_68 = arith.constant 0 : i32
        %dma_wait3A_69 = tpu.memref_slice %arg15[%dma_wait3A_67, %dma_wait3A_68] : memref<328x16xf32, #tpu.memory_space<vmem>> -> memref<320x16xf32, #tpu.memory_space<vmem>>
        tpu.wait_dma2 semaphore(%run_scoped3A : memref<!tpu.dma_semaphore, #tpu.memory_space<semaphore_mem>>) src(%dma_wait3A_69 : memref<320x16xf32, #tpu.memory_space<vmem>>) dst(%dma_wait3A_66 : memref<320x16xf32, #tpu.memory_space<hbm>>)
        tpu.yield
      }) : () -> ()
    }
    %scan3A_30 = arith.constant 10 : i32
    return
  }
}

#map = affine_map<(d0, d1) -> (0, 0)>
#map1 = affine_map<(d0, d1) -> (0)>
module attributes {stable_mosaic.version = 14 : i64} {
  func.func @_k3b_body(%arg0: i32, %arg1: i32, %arg2: memref<102400x128xf32, #tpu.memory_space<hbm>>, %arg3: memref<9751552xi32, #tpu.memory_space<hbm>>, %arg4: memref<9751552xi32, #tpu.memory_space<hbm>>, %arg5: memref<512xi32, #tpu.memory_space<hbm>>, %arg6: memref<102400x128xf32, #tpu.memory_space<hbm>>, %arg7: memref<102400x16xf32, #tpu.memory_space<hbm>>, %arg8: memref<4688xi32, #tpu.memory_space<vmem>>, %arg9: memref<4688xi32, #tpu.memory_space<vmem>>, %arg10: memref<4784xi32, #tpu.memory_space<vmem>>, %arg11: memref<4784xi32, #tpu.memory_space<vmem>>, %arg12: memref<64x128xf32, #tpu.memory_space<vmem>>, %arg13: memref<16xi32, #tpu.memory_space<vmem>>, %arg14: memref<328x128xf32, #tpu.memory_space<vmem>>, %arg15: memref<328x16xf32, #tpu.memory_space<vmem>>, %arg16: memref<!tpu.dma_semaphore, #tpu.memory_space<semaphore_mem>>) attributes {dimension_semantics = [#tpu.dimension_semantics<core_parallel>, #tpu.dimension_semantics<subcore_parallel>], iteration_bounds = array<i64: 2, 16>, scalar_prefetch = 0 : i64, scratch_operands = 9 : i64, tpu.core_type = #tpu.core_type<sc_vector_subcore>, window_params = [{transform_indices = #map}, {transform_indices = #map1}, {transform_indices = #map1}, {transform_indices = #map1}, {transform_indices = #map}, {transform_indices = #map}]} {
    %mul3A = arith.constant 2 : i32
    %mul3A_0 = arith.muli %arg1, %mul3A : i32
    %add3A = arith.addi %mul3A_0, %arg0 : i32
    %mul3A_1 = arith.constant 304736 : i32
    %mul3A_2 = arith.muli %add3A, %mul3A_1 : i32
    %mul3A_3 = arith.constant 16 : i32
    %mul3A_4 = arith.muli %add3A, %mul3A_3 : i32
    %multiple_of3A = tpu.assume_multiple %mul3A_4, 16 : i32
    "tpu.region"() ({
      %run_scoped3A = tpu.sem_alloc : memref<!tpu.dma_semaphore, #tpu.memory_space<semaphore_mem>>
      %dma_start3A = tpu.memref_slice %arg5[%multiple_of3A] : memref<512xi32, #tpu.memory_space<hbm>> -> memref<16xi32, #tpu.memory_space<hbm>>
      %dma_start3A_31 = tpu.memref_slice %arg5[%multiple_of3A] : memref<512xi32, #tpu.memory_space<hbm>> -> memref<16xi32, #tpu.memory_space<hbm>>
      tpu.enqueue_dma source(%dma_start3A_31 : memref<16xi32, #tpu.memory_space<hbm>>) target(%arg13 : memref<16xi32, #tpu.memory_space<vmem>>) target_semaphore(%run_scoped3A : memref<!tpu.dma_semaphore, #tpu.memory_space<semaphore_mem>>)
      %dma_wait3A = tpu.memref_slice %arg5[%multiple_of3A] : memref<512xi32, #tpu.memory_space<hbm>> -> memref<16xi32, #tpu.memory_space<hbm>>
      %dma_wait3A_32 = tpu.memref_slice %arg5[%multiple_of3A] : memref<512xi32, #tpu.memory_space<hbm>> -> memref<16xi32, #tpu.memory_space<hbm>>
      tpu.wait_dma2 semaphore(%run_scoped3A : memref<!tpu.dma_semaphore, #tpu.memory_space<semaphore_mem>>) src(%dma_wait3A_32 : memref<16xi32, #tpu.memory_space<hbm>>) dst(%arg13 : memref<16xi32, #tpu.memory_space<vmem>>)
      tpu.yield
    }) : () -> ()
    %get3A = arith.constant 0 : index
    %get3A_5 = tpu.vector_load %arg13[%get3A] {strides = array<i32>} : memref<16xi32, #tpu.memory_space<vmem>>, vector<16xi32>,
    %slice3A = vector.extract_strided_slice %get3A_5 {offsets = [0], sizes = [1], strides = [1]} : vector<16xi32> to vector<1xi32>
    %squeeze3A = vector.extract %slice3A[0] : i32 from vector<1xi32>
    %add3A_6 = arith.constant 4688 : i32
    %add3A_7 = arith.addi %squeeze3A, %add3A_6 : i32
    %sub3A = arith.constant 1 : i32
    %sub3A_8 = arith.subi %add3A_7, %sub3A : i32
    %jit3A = arith.constant 4688 : i32
    %div3A = arith.divsi %sub3A_8, %jit3A : i32
    %sign3A = arith.constant 0 : i32
    %sign3A_9 = arith.cmpi sgt, %sub3A_8, %sign3A : i32
    %sign3A_10 = arith.extui %sign3A_9 : i1 to i32
    %sign3A_11 = arith.constant 0 : i32
    %sign3A_12 = arith.cmpi slt, %sub3A_8, %sign3A_11 : i32
    %sign3A_13 = arith.extui %sign3A_12 : i1 to i32
    %sign3A_14 = arith.subi %sign3A_10, %sign3A_13 : i32
    %sign3A_15 = arith.constant 0 : i32
    %sign3A_16 = arith.cmpi sgt, %jit3A, %sign3A_15 : i32
    %sign3A_17 = arith.extui %sign3A_16 : i1 to i32
    %sign3A_18 = arith.constant 0 : i32
    %sign3A_19 = arith.cmpi slt, %jit3A, %sign3A_18 : i32
    %sign3A_20 = arith.extui %sign3A_19 : i1 to i32
    %sign3A_21 = arith.subi %sign3A_17, %sign3A_20 : i32
    %ne3A = arith.cmpi ne, %sign3A_14, %sign3A_21 : i32
    %rem3A = arith.remsi %sub3A_8, %jit3A : i32
    %ne3A_22 = arith.constant 0 : i32
    %ne3A_23 = arith.cmpi ne, %rem3A, %ne3A_22 : i32
    %and3A = arith.andi %ne3A, %ne3A_23 : i1
    %sub3A_24 = arith.constant 1 : i32
    %sub3A_25 = arith.subi %div3A, %sub3A_24 : i32
    %select_n3A = arith.select %and3A, %sub3A_25, %div3A : i32
    %scan3A = arith.constant 0 : i32
    %scan3A_26 = arith.constant 0 : i32
    %scan3A_27 = arith.constant 10 : i32
    %scan3A_28 = arith.addi %scan3A_26, %scan3A_27 : i32
    %scan3A_29 = arith.constant 1 : i32
    scf.for %scan3A_31 = %scan3A_26 to %scan3A_28 step %scan3A_29  : i32 {
      %mul3A_32 = arith.constant 3200 : i32
      %mul3A_33 = arith.muli %add3A, %mul3A_32 : i32
      %mul3A_34 = arith.constant 320 : i32
      %mul3A_35 = arith.muli %scan3A_31, %mul3A_34 : i32
      %add3A_36 = arith.addi %mul3A_33, %mul3A_35 : i32
      %scan3A_37 = arith.constant 0 : i32
      %scan3A_38 = arith.constant 0 : i32
      %scan3A_39 = arith.constant 328 : i32
      %scan3A_40 = arith.addi %scan3A_38, %scan3A_39 : i32
      %scan3A_41 = arith.constant 1 : i32
      scf.for %scan3A_52 = %scan3A_38 to %scan3A_40 step %scan3A_41  : i32 {
        %broadcast_in_dim3A = arith.constant 0.000000e+00 : f32
        %broadcast_in_dim3A_53 = vector.broadcast %broadcast_in_dim3A : f32 to vector<16xf32>
        %swap3A = arith.index_cast %scan3A_52 : i32 to index
        %swap3A_54 = arith.constant 0 : index
        %swap3A_55 = tpu.vector_load %arg14[%swap3A, %swap3A_54] {strides = array<i32>} : memref<328x128xf32, #tpu.memory_space<vmem>>, vector<16xf32>,
        tpu.vector_store %arg14[%swap3A, %swap3A_54], %broadcast_in_dim3A_53 {strides = array<i32>} : memref<328x128xf32, #tpu.memory_space<vmem>>, vector<16xf32>,
        %broadcast_in_dim3A_56 = arith.constant 0.000000e+00 : f32
        %broadcast_in_dim3A_57 = vector.broadcast %broadcast_in_dim3A_56 : f32 to vector<16xf32>
        %swap3A_58 = arith.index_cast %scan3A_52 : i32 to index
        %swap3A_59 = arith.constant 16 : index
        %swap3A_60 = tpu.vector_load %arg14[%swap3A_58, %swap3A_59] {strides = array<i32>} : memref<328x128xf32, #tpu.memory_space<vmem>>, vector<16xf32>,
        tpu.vector_store %arg14[%swap3A_58, %swap3A_59], %broadcast_in_dim3A_57 {strides = array<i32>} : memref<328x128xf32, #tpu.memory_space<vmem>>, vector<16xf32>,
        %broadcast_in_dim3A_61 = arith.constant 0.000000e+00 : f32
        %broadcast_in_dim3A_62 = vector.broadcast %broadcast_in_dim3A_61 : f32 to vector<16xf32>
        %swap3A_63 = arith.index_cast %scan3A_52 : i32 to index
        %swap3A_64 = arith.constant 32 : index
        %swap3A_65 = tpu.vector_load %arg14[%swap3A_63, %swap3A_64] {strides = array<i32>} : memref<328x128xf32, #tpu.memory_space<vmem>>, vector<16xf32>,
        tpu.vector_store %arg14[%swap3A_63, %swap3A_64], %broadcast_in_dim3A_62 {strides = array<i32>} : memref<328x128xf32, #tpu.memory_space<vmem>>, vector<16xf32>,
        %broadcast_in_dim3A_66 = arith.constant 0.000000e+00 : f32
        %broadcast_in_dim3A_67 = vector.broadcast %broadcast_in_dim3A_66 : f32 to vector<16xf32>
        %swap3A_68 = arith.index_cast %scan3A_52 : i32 to index
        %swap3A_69 = arith.constant 48 : index
        %swap3A_70 = tpu.vector_load %arg14[%swap3A_68, %swap3A_69] {strides = array<i32>} : memref<328x128xf32, #tpu.memory_space<vmem>>, vector<16xf32>,
        tpu.vector_store %arg14[%swap3A_68, %swap3A_69], %broadcast_in_dim3A_67 {strides = array<i32>} : memref<328x128xf32, #tpu.memory_space<vmem>>, vector<16xf32>,
        %broadcast_in_dim3A_71 = arith.constant 0.000000e+00 : f32
        %broadcast_in_dim3A_72 = vector.broadcast %broadcast_in_dim3A_71 : f32 to vector<16xf32>
        %swap3A_73 = arith.index_cast %scan3A_52 : i32 to index
        %swap3A_74 = arith.constant 64 : index
        %swap3A_75 = tpu.vector_load %arg14[%swap3A_73, %swap3A_74] {strides = array<i32>} : memref<328x128xf32, #tpu.memory_space<vmem>>, vector<16xf32>,
        tpu.vector_store %arg14[%swap3A_73, %swap3A_74], %broadcast_in_dim3A_72 {strides = array<i32>} : memref<328x128xf32, #tpu.memory_space<vmem>>, vector<16xf32>,
        %broadcast_in_dim3A_76 = arith.constant 0.000000e+00 : f32
        %broadcast_in_dim3A_77 = vector.broadcast %broadcast_in_dim3A_76 : f32 to vector<16xf32>
        %swap3A_78 = arith.index_cast %scan3A_52 : i32 to index
        %swap3A_79 = arith.constant 80 : index
        %swap3A_80 = tpu.vector_load %arg14[%swap3A_78, %swap3A_79] {strides = array<i32>} : memref<328x128xf32, #tpu.memory_space<vmem>>, vector<16xf32>,
        tpu.vector_store %arg14[%swap3A_78, %swap3A_79], %broadcast_in_dim3A_77 {strides = array<i32>} : memref<328x128xf32, #tpu.memory_space<vmem>>, vector<16xf32>,
        %broadcast_in_dim3A_81 = arith.constant 0.000000e+00 : f32
        %broadcast_in_dim3A_82 = vector.broadcast %broadcast_in_dim3A_81 : f32 to vector<16xf32>
        %swap3A_83 = arith.index_cast %scan3A_52 : i32 to index
        %swap3A_84 = arith.constant 96 : index
        %swap3A_85 = tpu.vector_load %arg14[%swap3A_83, %swap3A_84] {strides = array<i32>} : memref<328x128xf32, #tpu.memory_space<vmem>>, vector<16xf32>,
        tpu.vector_store %arg14[%swap3A_83, %swap3A_84], %broadcast_in_dim3A_82 {strides = array<i32>} : memref<328x128xf32, #tpu.memory_space<vmem>>, vector<16xf32>,
        %broadcast_in_dim3A_86 = arith.constant 0.000000e+00 : f32
        %broadcast_in_dim3A_87 = vector.broadcast %broadcast_in_dim3A_86 : f32 to vector<16xf32>
        %swap3A_88 = arith.index_cast %scan3A_52 : i32 to index
        %swap3A_89 = arith.constant 112 : index
        %swap3A_90 = tpu.vector_load %arg14[%swap3A_88, %swap3A_89] {strides = array<i32>} : memref<328x128xf32, #tpu.memory_space<vmem>>, vector<16xf32>,
        tpu.vector_store %arg14[%swap3A_88, %swap3A_89], %broadcast_in_dim3A_87 {strides = array<i32>} : memref<328x128xf32, #tpu.memory_space<vmem>>, vector<16xf32>,
        %broadcast_in_dim3A_91 = arith.constant 0.000000e+00 : f32
        %broadcast_in_dim3A_92 = vector.broadcast %broadcast_in_dim3A_91 : f32 to vector<16xf32>
        %swap3A_93 = arith.index_cast %scan3A_52 : i32 to index
        %swap3A_94 = arith.constant 0 : index
        %swap3A_95 = tpu.vector_load %arg15[%swap3A_93, %swap3A_94] {strides = array<i32>} : memref<328x16xf32, #tpu.memory_space<vmem>>, vector<16xf32>,
        tpu.vector_store %arg15[%swap3A_93, %swap3A_94], %broadcast_in_dim3A_92 {strides = array<i32>} : memref<328x16xf32, #tpu.memory_space<vmem>>, vector<16xf32>,
      }
      %scan3A_42 = arith.constant 328 : i32
      %while3A = arith.constant 0 : i32
      %while3A_43 = arith.constant 0 : i32
      %while3A_44 = arith.subi %select_n3A, %while3A_43 : i32
      %while3A_45 = arith.addi %while3A_43, %while3A_44 : i32
      %while3A_46 = arith.constant 1 : i32
      %while3A_47 = arith.divsi %while3A_44, %while3A_46 : i32
      %while3A_48 = arith.muli %while3A_47, %while3A_46 : i32
      %while3A_49 = arith.addi %while3A_43, %while3A_48 : i32
      %while3A_50 = arith.constant 1 : i32
      scf.for %while3A_52 = %while3A_43 to %while3A_49 step %while3A_50  : i32 {
        %mul3A_53 = arith.constant 4688 : i32
        %mul3A_54 = arith.muli %while3A_52, %mul3A_53 : i32
        %add3A_55 = arith.addi %mul3A_2, %mul3A_54 : i32
        %multiple_of3A_56 = tpu.assume_multiple %add3A_55, 16 : i32
        "tpu.region"() ({
          %run_scoped3A = tpu.sem_alloc : memref<!tpu.dma_semaphore, #tpu.memory_space<semaphore_mem>>
          %dma_start3A = tpu.memref_slice %arg3[%multiple_of3A_56] : memref<9751552xi32, #tpu.memory_space<hbm>> -> memref<4688xi32, #tpu.memory_space<hbm>>
          %dma_start3A_159 = tpu.memref_slice %arg3[%multiple_of3A_56] : memref<9751552xi32, #tpu.memory_space<hbm>> -> memref<4688xi32, #tpu.memory_space<hbm>>
          tpu.enqueue_dma source(%dma_start3A_159 : memref<4688xi32, #tpu.memory_space<hbm>>) target(%arg8 : memref<4688xi32, #tpu.memory_space<vmem>>) target_semaphore(%run_scoped3A : memref<!tpu.dma_semaphore, #tpu.memory_space<semaphore_mem>>)
          %dma_wait3A = tpu.memref_slice %arg3[%multiple_of3A_56] : memref<9751552xi32, #tpu.memory_space<hbm>> -> memref<4688xi32, #tpu.memory_space<hbm>>
          %dma_wait3A_160 = tpu.memref_slice %arg3[%multiple_of3A_56] : memref<9751552xi32, #tpu.memory_space<hbm>> -> memref<4688xi32, #tpu.memory_space<hbm>>
          tpu.wait_dma2 semaphore(%run_scoped3A : memref<!tpu.dma_semaphore, #tpu.memory_space<semaphore_mem>>) src(%dma_wait3A_160 : memref<4688xi32, #tpu.memory_space<hbm>>) dst(%arg8 : memref<4688xi32, #tpu.memory_space<vmem>>)
          tpu.yield
        }) : () -> ()
        %mul3A_57 = arith.constant 4688 : i32
        %mul3A_58 = arith.muli %while3A_52, %mul3A_57 : i32
        %add3A_59 = arith.addi %mul3A_2, %mul3A_58 : i32
        %multiple_of3A_60 = tpu.assume_multiple %add3A_59, 16 : i32
        "tpu.region"() ({
          %run_scoped3A = tpu.sem_alloc : memref<!tpu.dma_semaphore, #tpu.memory_space<semaphore_mem>>
          %dma_start3A = tpu.memref_slice %arg4[%multiple_of3A_60] : memref<9751552xi32, #tpu.memory_space<hbm>> -> memref<4688xi32, #tpu.memory_space<hbm>>
          %dma_start3A_159 = tpu.memref_slice %arg4[%multiple_of3A_60] : memref<9751552xi32, #tpu.memory_space<hbm>> -> memref<4688xi32, #tpu.memory_space<hbm>>
          tpu.enqueue_dma source(%dma_start3A_159 : memref<4688xi32, #tpu.memory_space<hbm>>) target(%arg9 : memref<4688xi32, #tpu.memory_space<vmem>>) target_semaphore(%run_scoped3A : memref<!tpu.dma_semaphore, #tpu.memory_space<semaphore_mem>>)
          %dma_wait3A = tpu.memref_slice %arg4[%multiple_of3A_60] : memref<9751552xi32, #tpu.memory_space<hbm>> -> memref<4688xi32, #tpu.memory_space<hbm>>
          %dma_wait3A_160 = tpu.memref_slice %arg4[%multiple_of3A_60] : memref<9751552xi32, #tpu.memory_space<hbm>> -> memref<4688xi32, #tpu.memory_space<hbm>>
          tpu.wait_dma2 semaphore(%run_scoped3A : memref<!tpu.dma_semaphore, #tpu.memory_space<semaphore_mem>>) src(%dma_wait3A_160 : memref<4688xi32, #tpu.memory_space<hbm>>) dst(%arg9 : memref<4688xi32, #tpu.memory_space<vmem>>)
          tpu.yield
        }) : () -> ()
        %broadcast_in_dim3A = arith.constant 0 : i32
        %broadcast_in_dim3A_61 = vector.broadcast %broadcast_in_dim3A : i32 to vector<16xi32>
        %scan3A_62 = arith.constant 0 : i32
        %scan3A_63 = arith.constant 293 : i32
        %scan3A_64 = arith.addi %scan3A_62, %scan3A_63 : i32
        %scan3A_65 = arith.constant 1 : i32
        %scan3A_66 = scf.for %scan3A_159 = %scan3A_62 to %scan3A_64 step %scan3A_65 iter_args(%scan3A_160 = %broadcast_in_dim3A_61) -> (vector<16xi32>)  : i32 {
          %mul3A_161 = arith.constant 16 : i32
          %mul3A_162 = arith.muli %scan3A_159, %mul3A_161 : i32
          %get3A_163 = arith.index_cast %mul3A_162 : i32 to index
          %get3A_164 = tpu.vector_load %arg9[%get3A_163] {strides = array<i32>} : memref<4688xi32, #tpu.memory_space<vmem>>, vector<16xi32>,
          %mul3A_165 = arith.constant 16 : i32
          %mul3A_166 = arith.muli %scan3A_159, %mul3A_165 : i32
          %get3A_167 = arith.index_cast %mul3A_166 : i32 to index
          %get3A_168 = tpu.vector_load %arg8[%get3A_167] {strides = array<i32>} : memref<4688xi32, #tpu.memory_space<vmem>>, vector<16xi32>,
          %ge3A = vector.broadcast %add3A_36 : i32 to vector<16xi32>
          %ge3A_169 = arith.cmpi sge, %get3A_164, %ge3A : vector<16xi32>
          %add3A_170 = arith.constant 320 : i32
          %add3A_171 = arith.addi %add3A_36, %add3A_170 : i32
          %lt3A = vector.broadcast %add3A_171 : i32 to vector<16xi32>
          %lt3A_172 = arith.cmpi slt, %get3A_164, %lt3A : vector<16xi32>
          %and3A_173 = arith.andi %ge3A_169, %lt3A_172 : vector<16xi1>
          %convert_element_type3A = arith.extui %and3A_173 : vector<16xi1> to vector<16xi32>
          %broadcast_in_dim3A_174 = arith.constant true
          %broadcast_in_dim3A_175 = vector.broadcast %broadcast_in_dim3A_174 : i1 to vector<16xi1>
          %masked_cumsum3A = tpu.scan <sum>, %convert_element_type3A masked %broadcast_in_dim3A_175 : vector<16xi32>, vector<16xi1> -> vector<16xi32>
          %add3A_176 = arith.addi %scan3A_160, %masked_cumsum3A : vector<16xi32>
          %sub3A_177 = arith.constant 1 : i32
          %sub3A_178 = vector.broadcast %sub3A_177 : i32 to vector<16xi32>
          %sub3A_179 = arith.subi %add3A_176, %sub3A_178 : vector<16xi32>
          %jit3A_180 = arith.constant 4752 : i32
          %broadcast_in_dim3A_181 = vector.broadcast %jit3A_180 : i32 to vector<16xi32>
          %select_n3A_182 = arith.select %and3A_173, %sub3A_179, %broadcast_in_dim3A_181 : vector<16xi1>, vector<16xi32>
          tpu.vector_store_idx %arg10[%select_n3A_182], %get3A_168 : memref<4784xi32, #tpu.memory_space<vmem>>[vector<16xi32>], vector<16xi32>,
          %sub3A_183 = vector.broadcast %add3A_36 : i32 to vector<16xi32>
          %sub3A_184 = arith.subi %get3A_164, %sub3A_183 : vector<16xi32>
          tpu.vector_store_idx %arg11[%select_n3A_182], %sub3A_184 : memref<4784xi32, #tpu.memory_space<vmem>>[vector<16xi32>], vector<16xi32>,
          %all_reduce_population_count3A = tpu.all_reduce %and3A_173 {dim = 0 : i64, kind = #tpu.reduction_kind<sum>} : vector<16xi1> -> vector<16xi32>
          %add3A_185 = arith.addi %scan3A_160, %all_reduce_population_count3A : vector<16xi32>
          scf.yield %add3A_185 : vector<16xi32>
        }
        %scan3A_67 = arith.constant 293 : i32
        %swap3A = arith.constant 4752 : index
        %swap3A_68 = tpu.vector_load %arg11[%swap3A] {strides = array<i32>} : memref<4784xi32, #tpu.memory_space<vmem>>, vector<16xi32>,
        tpu.vector_store %arg11[%swap3A], %scan3A_66 {strides = array<i32>} : memref<4784xi32, #tpu.memory_space<vmem>>, vector<16xi32>,
        %get3A_69 = arith.constant 4752 : index
        %get3A_70 = tpu.vector_load %arg11[%get3A_69] {strides = array<i32>} : memref<4784xi32, #tpu.memory_space<vmem>>, vector<16xi32>,
        %slice3A_71 = vector.extract_strided_slice %get3A_70 {offsets = [0], sizes = [1], strides = [1]} : vector<16xi32> to vector<1xi32>
        %squeeze3A_72 = vector.extract %slice3A_71[0] : i32 from vector<1xi32>
        %broadcast_in_dim3A_73 = arith.constant 0 : i32
        %broadcast_in_dim3A_74 = vector.broadcast %broadcast_in_dim3A_73 : i32 to vector<16xi32>
        %add3A_75 = arith.constant 0 : i32
        %add3A_76 = arith.addi %squeeze3A_72, %add3A_75 : i32
        %swap3A_77 = arith.index_cast %add3A_76 : i32 to index
        %swap3A_78 = tpu.vector_load %arg10[%swap3A_77] {strides = array<i32>} : memref<4784xi32, #tpu.memory_space<vmem>>, vector<16xi32>,
        tpu.vector_store %arg10[%swap3A_77], %broadcast_in_dim3A_74 {strides = array<i32>} : memref<4784xi32, #tpu.memory_space<vmem>>, vector<16xi32>,
        %broadcast_in_dim3A_79 = arith.constant 320 : i32
        %broadcast_in_dim3A_80 = vector.broadcast %broadcast_in_dim3A_79 : i32 to vector<16xi32>
        %add3A_81 = arith.constant 0 : i32
        %add3A_82 = arith.addi %squeeze3A_72, %add3A_81 : i32
        %swap3A_83 = arith.index_cast %add3A_82 : i32 to index
        %swap3A_84 = tpu.vector_load %arg11[%swap3A_83] {strides = array<i32>} : memref<4784xi32, #tpu.memory_space<vmem>>, vector<16xi32>,
        tpu.vector_store %arg11[%swap3A_83], %broadcast_in_dim3A_80 {strides = array<i32>} : memref<4784xi32, #tpu.memory_space<vmem>>, vector<16xi32>,
        %broadcast_in_dim3A_85 = arith.constant 0 : i32
        %broadcast_in_dim3A_86 = vector.broadcast %broadcast_in_dim3A_85 : i32 to vector<16xi32>
        %add3A_87 = arith.constant 16 : i32
        %add3A_88 = arith.addi %squeeze3A_72, %add3A_87 : i32
        %swap3A_89 = arith.index_cast %add3A_88 : i32 to index
        %swap3A_90 = tpu.vector_load %arg10[%swap3A_89] {strides = array<i32>} : memref<4784xi32, #tpu.memory_space<vmem>>, vector<16xi32>,
        tpu.vector_store %arg10[%swap3A_89], %broadcast_in_dim3A_86 {strides = array<i32>} : memref<4784xi32, #tpu.memory_space<vmem>>, vector<16xi32>,
        %broadcast_in_dim3A_91 = arith.constant 320 : i32
        %broadcast_in_dim3A_92 = vector.broadcast %broadcast_in_dim3A_91 : i32 to vector<16xi32>
        %add3A_93 = arith.constant 16 : i32
        %add3A_94 = arith.addi %squeeze3A_72, %add3A_93 : i32
        %swap3A_95 = arith.index_cast %add3A_94 : i32 to index
        %swap3A_96 = tpu.vector_load %arg11[%swap3A_95] {strides = array<i32>} : memref<4784xi32, #tpu.memory_space<vmem>>, vector<16xi32>,
        tpu.vector_store %arg11[%swap3A_95], %broadcast_in_dim3A_92 {strides = array<i32>} : memref<4784xi32, #tpu.memory_space<vmem>>, vector<16xi32>,
        %broadcast_in_dim3A_97 = arith.constant 0 : i32
        %broadcast_in_dim3A_98 = vector.broadcast %broadcast_in_dim3A_97 : i32 to vector<16xi32>
        %add3A_99 = arith.constant 32 : i32
        %add3A_100 = arith.addi %squeeze3A_72, %add3A_99 : i32
        %swap3A_101 = arith.index_cast %add3A_100 : i32 to index
        %swap3A_102 = tpu.vector_load %arg10[%swap3A_101] {strides = array<i32>} : memref<4784xi32, #tpu.memory_space<vmem>>, vector<16xi32>,
        tpu.vector_store %arg10[%swap3A_101], %broadcast_in_dim3A_98 {strides = array<i32>} : memref<4784xi32, #tpu.memory_space<vmem>>, vector<16xi32>,
        %broadcast_in_dim3A_103 = arith.constant 320 : i32
        %broadcast_in_dim3A_104 = vector.broadcast %broadcast_in_dim3A_103 : i32 to vector<16xi32>
        %add3A_105 = arith.constant 32 : i32
        %add3A_106 = arith.addi %squeeze3A_72, %add3A_105 : i32
        %swap3A_107 = arith.index_cast %add3A_106 : i32 to index
        %swap3A_108 = tpu.vector_load %arg11[%swap3A_107] {strides = array<i32>} : memref<4784xi32, #tpu.memory_space<vmem>>, vector<16xi32>,
        tpu.vector_store %arg11[%swap3A_107], %broadcast_in_dim3A_104 {strides = array<i32>} : memref<4784xi32, #tpu.memory_space<vmem>>, vector<16xi32>,
        %broadcast_in_dim3A_109 = arith.constant 0 : i32
        %broadcast_in_dim3A_110 = vector.broadcast %broadcast_in_dim3A_109 : i32 to vector<16xi32>
        %add3A_111 = arith.constant 48 : i32
        %add3A_112 = arith.addi %squeeze3A_72, %add3A_111 : i32
        %swap3A_113 = arith.index_cast %add3A_112 : i32 to index
        %swap3A_114 = tpu.vector_load %arg10[%swap3A_113] {strides = array<i32>} : memref<4784xi32, #tpu.memory_space<vmem>>, vector<16xi32>,
        tpu.vector_store %arg10[%swap3A_113], %broadcast_in_dim3A_110 {strides = array<i32>} : memref<4784xi32, #tpu.memory_space<vmem>>, vector<16xi32>,
        %broadcast_in_dim3A_115 = arith.constant 320 : i32
        %broadcast_in_dim3A_116 = vector.broadcast %broadcast_in_dim3A_115 : i32 to vector<16xi32>
        %add3A_117 = arith.constant 48 : i32
        %add3A_118 = arith.addi %squeeze3A_72, %add3A_117 : i32
        %swap3A_119 = arith.index_cast %add3A_118 : i32 to index
        %swap3A_120 = tpu.vector_load %arg11[%swap3A_119] {strides = array<i32>} : memref<4784xi32, #tpu.memory_space<vmem>>, vector<16xi32>,
        tpu.vector_store %arg11[%swap3A_119], %broadcast_in_dim3A_116 {strides = array<i32>} : memref<4784xi32, #tpu.memory_space<vmem>>, vector<16xi32>,
        %add3A_121 = arith.constant 64 : i32
        %add3A_122 = arith.addi %squeeze3A_72, %add3A_121 : i32
        %sub3A_123 = arith.constant 1 : i32
        %sub3A_124 = arith.subi %add3A_122, %sub3A_123 : i32
        %jit3A_125 = arith.constant 64 : i32
        %div3A_126 = arith.divsi %sub3A_124, %jit3A_125 : i32
        %sign3A_127 = arith.constant 0 : i32
        %sign3A_128 = arith.cmpi sgt, %sub3A_124, %sign3A_127 : i32
        %sign3A_129 = arith.extui %sign3A_128 : i1 to i32
        %sign3A_130 = arith.constant 0 : i32
        %sign3A_131 = arith.cmpi slt, %sub3A_124, %sign3A_130 : i32
        %sign3A_132 = arith.extui %sign3A_131 : i1 to i32
        %sign3A_133 = arith.subi %sign3A_129, %sign3A_132 : i32
        %sign3A_134 = arith.constant 0 : i32
        %sign3A_135 = arith.cmpi sgt, %jit3A_125, %sign3A_134 : i32
        %sign3A_136 = arith.extui %sign3A_135 : i1 to i32
        %sign3A_137 = arith.constant 0 : i32
        %sign3A_138 = arith.cmpi slt, %jit3A_125, %sign3A_137 : i32
        %sign3A_139 = arith.extui %sign3A_138 : i1 to i32
        %sign3A_140 = arith.subi %sign3A_136, %sign3A_139 : i32
        %ne3A_141 = arith.cmpi ne, %sign3A_133, %sign3A_140 : i32
        %rem3A_142 = arith.remsi %sub3A_124, %jit3A_125 : i32
        %ne3A_143 = arith.constant 0 : i32
        %ne3A_144 = arith.cmpi ne, %rem3A_142, %ne3A_143 : i32
        %and3A_145 = arith.andi %ne3A_141, %ne3A_144 : i1
        %sub3A_146 = arith.constant 1 : i32
        %sub3A_147 = arith.subi %div3A_126, %sub3A_146 : i32
        %select_n3A_148 = arith.select %and3A_145, %sub3A_147, %div3A_126 : i32
        %while3A_149 = arith.constant 0 : i32
        %while3A_150 = arith.constant 0 : i32
        %while3A_151 = arith.subi %select_n3A_148, %while3A_150 : i32
        %while3A_152 = arith.addi %while3A_150, %while3A_151 : i32
        %while3A_153 = arith.constant 1 : i32
        %while3A_154 = arith.divsi %while3A_151, %while3A_153 : i32
        %while3A_155 = arith.muli %while3A_154, %while3A_153 : i32
        %while3A_156 = arith.addi %while3A_150, %while3A_155 : i32
        %while3A_157 = arith.constant 1 : i32
        scf.for %while3A_159 = %while3A_150 to %while3A_156 step %while3A_157  : i32 {
          %mul3A_160 = arith.constant 64 : i32
          %mul3A_161 = arith.muli %while3A_159, %mul3A_160 : i32
          %dma_start3A = tpu.memref_slice %arg10[%mul3A_161] : memref<4784xi32, #tpu.memory_space<vmem>> -> memref<64xi32, #tpu.memory_space<vmem>>
          %dma_start3A_162 = arith.constant 0 : i32
          %dma_start3A_163 = arith.constant 0 : i32
          %dma_start3A_164 = tpu.memref_slice %arg2[%dma_start3A_162, %dma_start3A_163] : memref<102400x128xf32, #tpu.memory_space<hbm>> -> memref<102400x128xf32, #tpu.memory_space<hbm>>
          tpu.enqueue_indirect_dma source(%dma_start3A_164 : memref<102400x128xf32, #tpu.memory_space<hbm>>) target(%arg12 : memref<64x128xf32, #tpu.memory_space<vmem>>) offsets(%dma_start3A : memref<64xi32, #tpu.memory_space<vmem>>) semaphore(%arg16 : memref<!tpu.dma_semaphore, #tpu.memory_space<semaphore_mem>>)
          %dma_wait3A = tpu.memref_slice %arg10[%mul3A_161] : memref<4784xi32, #tpu.memory_space<vmem>> -> memref<64xi32, #tpu.memory_space<vmem>>
          %dma_wait3A_165 = arith.constant 0 : i32
          %dma_wait3A_166 = arith.constant 0 : i32
          %dma_wait3A_167 = tpu.memref_slice %arg2[%dma_wait3A_165, %dma_wait3A_166] : memref<102400x128xf32, #tpu.memory_space<hbm>> -> memref<102400x128xf32, #tpu.memory_space<hbm>>
          tpu.wait_indirect_dma semaphore(%arg16 : memref<!tpu.dma_semaphore, #tpu.memory_space<semaphore_mem>>) src(%dma_wait3A_167 : memref<102400x128xf32, #tpu.memory_space<hbm>>) dst(%arg12 : memref<64x128xf32, #tpu.memory_space<vmem>>)
          %scan3A_168 = arith.constant 0 : i32
          %scan3A_169 = arith.constant 0 : i32
          %scan3A_170 = arith.constant 64 : i32
          %scan3A_171 = arith.addi %scan3A_169, %scan3A_170 : i32
          %scan3A_172 = arith.constant 1 : i32
          scf.for %scan3A_174 = %scan3A_169 to %scan3A_171 step %scan3A_172  : i32 {
            %add3A_175 = arith.addi %mul3A_161, %scan3A_174 : i32
            %get3A_176 = arith.index_cast %add3A_175 : i32 to index
            %get3A_177 = tpu.vector_load %arg11[%get3A_176] {strides = array<i32>} : memref<4784xi32, #tpu.memory_space<vmem>>, vector<16xi32>,
            %slice3A_178 = vector.extract_strided_slice %get3A_177 {offsets = [0], sizes = [1], strides = [1]} : vector<16xi32> to vector<1xi32>
            %squeeze3A_179 = vector.extract %slice3A_178[0] : i32 from vector<1xi32>
            %get3A_180 = arith.index_cast %squeeze3A_179 : i32 to index
            %get3A_181 = arith.constant 0 : index
            %get3A_182 = tpu.vector_load %arg14[%get3A_180, %get3A_181] {strides = array<i32>} : memref<328x128xf32, #tpu.memory_space<vmem>>, vector<16xf32>,
            %get3A_183 = arith.index_cast %scan3A_174 : i32 to index
            %get3A_184 = arith.constant 0 : index
            %get3A_185 = tpu.vector_load %arg12[%get3A_183, %get3A_184] {strides = array<i32>} : memref<64x128xf32, #tpu.memory_space<vmem>>, vector<16xf32>,
            %add3A_186 = arith.addf %get3A_182, %get3A_185 : vector<16xf32>
            %swap3A_187 = arith.index_cast %squeeze3A_179 : i32 to index
            %swap3A_188 = arith.constant 0 : index
            %swap3A_189 = tpu.vector_load %arg14[%swap3A_187, %swap3A_188] {strides = array<i32>} : memref<328x128xf32, #tpu.memory_space<vmem>>, vector<16xf32>,
            tpu.vector_store %arg14[%swap3A_187, %swap3A_188], %add3A_186 {strides = array<i32>} : memref<328x128xf32, #tpu.memory_space<vmem>>, vector<16xf32>,
            %get3A_190 = arith.index_cast %squeeze3A_179 : i32 to index
            %get3A_191 = arith.constant 16 : index
            %get3A_192 = tpu.vector_load %arg14[%get3A_190, %get3A_191] {strides = array<i32>} : memref<328x128xf32, #tpu.memory_space<vmem>>, vector<16xf32>,
            %get3A_193 = arith.index_cast %scan3A_174 : i32 to index
            %get3A_194 = arith.constant 16 : index
            %get3A_195 = tpu.vector_load %arg12[%get3A_193, %get3A_194] {strides = array<i32>} : memref<64x128xf32, #tpu.memory_space<vmem>>, vector<16xf32>,
            %add3A_196 = arith.addf %get3A_192, %get3A_195 : vector<16xf32>
            %swap3A_197 = arith.index_cast %squeeze3A_179 : i32 to index
            %swap3A_198 = arith.constant 16 : index
            %swap3A_199 = tpu.vector_load %arg14[%swap3A_197, %swap3A_198] {strides = array<i32>} : memref<328x128xf32, #tpu.memory_space<vmem>>, vector<16xf32>,
            tpu.vector_store %arg14[%swap3A_197, %swap3A_198], %add3A_196 {strides = array<i32>} : memref<328x128xf32, #tpu.memory_space<vmem>>, vector<16xf32>,
            %get3A_200 = arith.index_cast %squeeze3A_179 : i32 to index
            %get3A_201 = arith.constant 32 : index
            %get3A_202 = tpu.vector_load %arg14[%get3A_200, %get3A_201] {strides = array<i32>} : memref<328x128xf32, #tpu.memory_space<vmem>>, vector<16xf32>,
            %get3A_203 = arith.index_cast %scan3A_174 : i32 to index
            %get3A_204 = arith.constant 32 : index
            %get3A_205 = tpu.vector_load %arg12[%get3A_203, %get3A_204] {strides = array<i32>} : memref<64x128xf32, #tpu.memory_space<vmem>>, vector<16xf32>,
            %add3A_206 = arith.addf %get3A_202, %get3A_205 : vector<16xf32>
            %swap3A_207 = arith.index_cast %squeeze3A_179 : i32 to index
            %swap3A_208 = arith.constant 32 : index
            %swap3A_209 = tpu.vector_load %arg14[%swap3A_207, %swap3A_208] {strides = array<i32>} : memref<328x128xf32, #tpu.memory_space<vmem>>, vector<16xf32>,
            tpu.vector_store %arg14[%swap3A_207, %swap3A_208], %add3A_206 {strides = array<i32>} : memref<328x128xf32, #tpu.memory_space<vmem>>, vector<16xf32>,
            %get3A_210 = arith.index_cast %squeeze3A_179 : i32 to index
            %get3A_211 = arith.constant 48 : index
            %get3A_212 = tpu.vector_load %arg14[%get3A_210, %get3A_211] {strides = array<i32>} : memref<328x128xf32, #tpu.memory_space<vmem>>, vector<16xf32>,
            %get3A_213 = arith.index_cast %scan3A_174 : i32 to index
            %get3A_214 = arith.constant 48 : index
            %get3A_215 = tpu.vector_load %arg12[%get3A_213, %get3A_214] {strides = array<i32>} : memref<64x128xf32, #tpu.memory_space<vmem>>, vector<16xf32>,
            %add3A_216 = arith.addf %get3A_212, %get3A_215 : vector<16xf32>
            %swap3A_217 = arith.index_cast %squeeze3A_179 : i32 to index
            %swap3A_218 = arith.constant 48 : index
            %swap3A_219 = tpu.vector_load %arg14[%swap3A_217, %swap3A_218] {strides = array<i32>} : memref<328x128xf32, #tpu.memory_space<vmem>>, vector<16xf32>,
            tpu.vector_store %arg14[%swap3A_217, %swap3A_218], %add3A_216 {strides = array<i32>} : memref<328x128xf32, #tpu.memory_space<vmem>>, vector<16xf32>,
            %get3A_220 = arith.index_cast %squeeze3A_179 : i32 to index
            %get3A_221 = arith.constant 64 : index
            %get3A_222 = tpu.vector_load %arg14[%get3A_220, %get3A_221] {strides = array<i32>} : memref<328x128xf32, #tpu.memory_space<vmem>>, vector<16xf32>,
            %get3A_223 = arith.index_cast %scan3A_174 : i32 to index
            %get3A_224 = arith.constant 64 : index
            %get3A_225 = tpu.vector_load %arg12[%get3A_223, %get3A_224] {strides = array<i32>} : memref<64x128xf32, #tpu.memory_space<vmem>>, vector<16xf32>,
            %add3A_226 = arith.addf %get3A_222, %get3A_225 : vector<16xf32>
            %swap3A_227 = arith.index_cast %squeeze3A_179 : i32 to index
            %swap3A_228 = arith.constant 64 : index
            %swap3A_229 = tpu.vector_load %arg14[%swap3A_227, %swap3A_228] {strides = array<i32>} : memref<328x128xf32, #tpu.memory_space<vmem>>, vector<16xf32>,
            tpu.vector_store %arg14[%swap3A_227, %swap3A_228], %add3A_226 {strides = array<i32>} : memref<328x128xf32, #tpu.memory_space<vmem>>, vector<16xf32>,
            %get3A_230 = arith.index_cast %squeeze3A_179 : i32 to index
            %get3A_231 = arith.constant 80 : index
            %get3A_232 = tpu.vector_load %arg14[%get3A_230, %get3A_231] {strides = array<i32>} : memref<328x128xf32, #tpu.memory_space<vmem>>, vector<16xf32>,
            %get3A_233 = arith.index_cast %scan3A_174 : i32 to index
            %get3A_234 = arith.constant 80 : index
            %get3A_235 = tpu.vector_load %arg12[%get3A_233, %get3A_234] {strides = array<i32>} : memref<64x128xf32, #tpu.memory_space<vmem>>, vector<16xf32>,
            %add3A_236 = arith.addf %get3A_232, %get3A_235 : vector<16xf32>
            %swap3A_237 = arith.index_cast %squeeze3A_179 : i32 to index
            %swap3A_238 = arith.constant 80 : index
            %swap3A_239 = tpu.vector_load %arg14[%swap3A_237, %swap3A_238] {strides = array<i32>} : memref<328x128xf32, #tpu.memory_space<vmem>>, vector<16xf32>,
            tpu.vector_store %arg14[%swap3A_237, %swap3A_238], %add3A_236 {strides = array<i32>} : memref<328x128xf32, #tpu.memory_space<vmem>>, vector<16xf32>,
            %get3A_240 = arith.index_cast %squeeze3A_179 : i32 to index
            %get3A_241 = arith.constant 96 : index
            %get3A_242 = tpu.vector_load %arg14[%get3A_240, %get3A_241] {strides = array<i32>} : memref<328x128xf32, #tpu.memory_space<vmem>>, vector<16xf32>,
            %get3A_243 = arith.index_cast %scan3A_174 : i32 to index
            %get3A_244 = arith.constant 96 : index
            %get3A_245 = tpu.vector_load %arg12[%get3A_243, %get3A_244] {strides = array<i32>} : memref<64x128xf32, #tpu.memory_space<vmem>>, vector<16xf32>,
            %add3A_246 = arith.addf %get3A_242, %get3A_245 : vector<16xf32>
            %swap3A_247 = arith.index_cast %squeeze3A_179 : i32 to index
            %swap3A_248 = arith.constant 96 : index
            %swap3A_249 = tpu.vector_load %arg14[%swap3A_247, %swap3A_248] {strides = array<i32>} : memref<328x128xf32, #tpu.memory_space<vmem>>, vector<16xf32>,
            tpu.vector_store %arg14[%swap3A_247, %swap3A_248], %add3A_246 {strides = array<i32>} : memref<328x128xf32, #tpu.memory_space<vmem>>, vector<16xf32>,
            %get3A_250 = arith.index_cast %squeeze3A_179 : i32 to index
            %get3A_251 = arith.constant 112 : index
            %get3A_252 = tpu.vector_load %arg14[%get3A_250, %get3A_251] {strides = array<i32>} : memref<328x128xf32, #tpu.memory_space<vmem>>, vector<16xf32>,
            %get3A_253 = arith.index_cast %scan3A_174 : i32 to index
            %get3A_254 = arith.constant 112 : index
            %get3A_255 = tpu.vector_load %arg12[%get3A_253, %get3A_254] {strides = array<i32>} : memref<64x128xf32, #tpu.memory_space<vmem>>, vector<16xf32>,
            %add3A_256 = arith.addf %get3A_252, %get3A_255 : vector<16xf32>
            %swap3A_257 = arith.index_cast %squeeze3A_179 : i32 to index
            %swap3A_258 = arith.constant 112 : index
            %swap3A_259 = tpu.vector_load %arg14[%swap3A_257, %swap3A_258] {strides = array<i32>} : memref<328x128xf32, #tpu.memory_space<vmem>>, vector<16xf32>,
            tpu.vector_store %arg14[%swap3A_257, %swap3A_258], %add3A_256 {strides = array<i32>} : memref<328x128xf32, #tpu.memory_space<vmem>>, vector<16xf32>,
            %get3A_260 = arith.index_cast %squeeze3A_179 : i32 to index
            %get3A_261 = arith.constant 0 : index
            %get3A_262 = tpu.vector_load %arg15[%get3A_260, %get3A_261] {strides = array<i32>} : memref<328x16xf32, #tpu.memory_space<vmem>>, vector<16xf32>,
            %broadcast_in_dim3A_263 = arith.constant 1.000000e+00 : f32
            %broadcast_in_dim3A_264 = vector.broadcast %broadcast_in_dim3A_263 : f32 to vector<16xf32>
            %add3A_265 = arith.addf %get3A_262, %broadcast_in_dim3A_264 : vector<16xf32>
            %swap3A_266 = arith.index_cast %squeeze3A_179 : i32 to index
            %swap3A_267 = arith.constant 0 : index
            %swap3A_268 = tpu.vector_load %arg15[%swap3A_266, %swap3A_267] {strides = array<i32>} : memref<328x16xf32, #tpu.memory_space<vmem>>, vector<16xf32>,
            tpu.vector_store %arg15[%swap3A_266, %swap3A_267], %add3A_265 {strides = array<i32>} : memref<328x16xf32, #tpu.memory_space<vmem>>, vector<16xf32>,
          }
          %scan3A_173 = arith.constant 64 : i32
        }
        %while3A_158 = arith.constant 1 : i32
        scf.for %while3A_159 = %while3A_156 to %while3A_152 step %while3A_158  : i32 {
          %mul3A_160 = arith.constant 64 : i32
          %mul3A_161 = arith.muli %while3A_159, %mul3A_160 : i32
          %dma_start3A = tpu.memref_slice %arg10[%mul3A_161] : memref<4784xi32, #tpu.memory_space<vmem>> -> memref<64xi32, #tpu.memory_space<vmem>>
          %dma_start3A_162 = arith.constant 0 : i32
          %dma_start3A_163 = arith.constant 0 : i32
          %dma_start3A_164 = tpu.memref_slice %arg2[%dma_start3A_162, %dma_start3A_163] : memref<102400x128xf32, #tpu.memory_space<hbm>> -> memref<102400x128xf32, #tpu.memory_space<hbm>>
          tpu.enqueue_indirect_dma source(%dma_start3A_164 : memref<102400x128xf32, #tpu.memory_space<hbm>>) target(%arg12 : memref<64x128xf32, #tpu.memory_space<vmem>>) offsets(%dma_start3A : memref<64xi32, #tpu.memory_space<vmem>>) semaphore(%arg16 : memref<!tpu.dma_semaphore, #tpu.memory_space<semaphore_mem>>)
          %dma_wait3A = tpu.memref_slice %arg10[%mul3A_161] : memref<4784xi32, #tpu.memory_space<vmem>> -> memref<64xi32, #tpu.memory_space<vmem>>
          %dma_wait3A_165 = arith.constant 0 : i32
          %dma_wait3A_166 = arith.constant 0 : i32
          %dma_wait3A_167 = tpu.memref_slice %arg2[%dma_wait3A_165, %dma_wait3A_166] : memref<102400x128xf32, #tpu.memory_space<hbm>> -> memref<102400x128xf32, #tpu.memory_space<hbm>>
          tpu.wait_indirect_dma semaphore(%arg16 : memref<!tpu.dma_semaphore, #tpu.memory_space<semaphore_mem>>) src(%dma_wait3A_167 : memref<102400x128xf32, #tpu.memory_space<hbm>>) dst(%arg12 : memref<64x128xf32, #tpu.memory_space<vmem>>)
          %scan3A_168 = arith.constant 0 : i32
          %scan3A_169 = arith.constant 0 : i32
          %scan3A_170 = arith.constant 64 : i32
          %scan3A_171 = arith.addi %scan3A_169, %scan3A_170 : i32
          %scan3A_172 = arith.constant 1 : i32
          scf.for %scan3A_174 = %scan3A_169 to %scan3A_171 step %scan3A_172  : i32 {
            %add3A_175 = arith.addi %mul3A_161, %scan3A_174 : i32
            %get3A_176 = arith.index_cast %add3A_175 : i32 to index
            %get3A_177 = tpu.vector_load %arg11[%get3A_176] {strides = array<i32>} : memref<4784xi32, #tpu.memory_space<vmem>>, vector<16xi32>,
            %slice3A_178 = vector.extract_strided_slice %get3A_177 {offsets = [0], sizes = [1], strides = [1]} : vector<16xi32> to vector<1xi32>
            %squeeze3A_179 = vector.extract %slice3A_178[0] : i32 from vector<1xi32>
            %get3A_180 = arith.index_cast %squeeze3A_179 : i32 to index
            %get3A_181 = arith.constant 0 : index
            %get3A_182 = tpu.vector_load %arg14[%get3A_180, %get3A_181] {strides = array<i32>} : memref<328x128xf32, #tpu.memory_space<vmem>>, vector<16xf32>,
            %get3A_183 = arith.index_cast %scan3A_174 : i32 to index
            %get3A_184 = arith.constant 0 : index
            %get3A_185 = tpu.vector_load %arg12[%get3A_183, %get3A_184] {strides = array<i32>} : memref<64x128xf32, #tpu.memory_space<vmem>>, vector<16xf32>,
            %add3A_186 = arith.addf %get3A_182, %get3A_185 : vector<16xf32>
            %swap3A_187 = arith.index_cast %squeeze3A_179 : i32 to index
            %swap3A_188 = arith.constant 0 : index
            %swap3A_189 = tpu.vector_load %arg14[%swap3A_187, %swap3A_188] {strides = array<i32>} : memref<328x128xf32, #tpu.memory_space<vmem>>, vector<16xf32>,
            tpu.vector_store %arg14[%swap3A_187, %swap3A_188], %add3A_186 {strides = array<i32>} : memref<328x128xf32, #tpu.memory_space<vmem>>, vector<16xf32>,
            %get3A_190 = arith.index_cast %squeeze3A_179 : i32 to index
            %get3A_191 = arith.constant 16 : index
            %get3A_192 = tpu.vector_load %arg14[%get3A_190, %get3A_191] {strides = array<i32>} : memref<328x128xf32, #tpu.memory_space<vmem>>, vector<16xf32>,
            %get3A_193 = arith.index_cast %scan3A_174 : i32 to index
            %get3A_194 = arith.constant 16 : index
            %get3A_195 = tpu.vector_load %arg12[%get3A_193, %get3A_194] {strides = array<i32>} : memref<64x128xf32, #tpu.memory_space<vmem>>, vector<16xf32>,
            %add3A_196 = arith.addf %get3A_192, %get3A_195 : vector<16xf32>
            %swap3A_197 = arith.index_cast %squeeze3A_179 : i32 to index
            %swap3A_198 = arith.constant 16 : index
            %swap3A_199 = tpu.vector_load %arg14[%swap3A_197, %swap3A_198] {strides = array<i32>} : memref<328x128xf32, #tpu.memory_space<vmem>>, vector<16xf32>,
            tpu.vector_store %arg14[%swap3A_197, %swap3A_198], %add3A_196 {strides = array<i32>} : memref<328x128xf32, #tpu.memory_space<vmem>>, vector<16xf32>,
            %get3A_200 = arith.index_cast %squeeze3A_179 : i32 to index
            %get3A_201 = arith.constant 32 : index
            %get3A_202 = tpu.vector_load %arg14[%get3A_200, %get3A_201] {strides = array<i32>} : memref<328x128xf32, #tpu.memory_space<vmem>>, vector<16xf32>,
            %get3A_203 = arith.index_cast %scan3A_174 : i32 to index
            %get3A_204 = arith.constant 32 : index
            %get3A_205 = tpu.vector_load %arg12[%get3A_203, %get3A_204] {strides = array<i32>} : memref<64x128xf32, #tpu.memory_space<vmem>>, vector<16xf32>,
            %add3A_206 = arith.addf %get3A_202, %get3A_205 : vector<16xf32>
            %swap3A_207 = arith.index_cast %squeeze3A_179 : i32 to index
            %swap3A_208 = arith.constant 32 : index
            %swap3A_209 = tpu.vector_load %arg14[%swap3A_207, %swap3A_208] {strides = array<i32>} : memref<328x128xf32, #tpu.memory_space<vmem>>, vector<16xf32>,
            tpu.vector_store %arg14[%swap3A_207, %swap3A_208], %add3A_206 {strides = array<i32>} : memref<328x128xf32, #tpu.memory_space<vmem>>, vector<16xf32>,
            %get3A_210 = arith.index_cast %squeeze3A_179 : i32 to index
            %get3A_211 = arith.constant 48 : index
            %get3A_212 = tpu.vector_load %arg14[%get3A_210, %get3A_211] {strides = array<i32>} : memref<328x128xf32, #tpu.memory_space<vmem>>, vector<16xf32>,
            %get3A_213 = arith.index_cast %scan3A_174 : i32 to index
            %get3A_214 = arith.constant 48 : index
            %get3A_215 = tpu.vector_load %arg12[%get3A_213, %get3A_214] {strides = array<i32>} : memref<64x128xf32, #tpu.memory_space<vmem>>, vector<16xf32>,
            %add3A_216 = arith.addf %get3A_212, %get3A_215 : vector<16xf32>
            %swap3A_217 = arith.index_cast %squeeze3A_179 : i32 to index
            %swap3A_218 = arith.constant 48 : index
            %swap3A_219 = tpu.vector_load %arg14[%swap3A_217, %swap3A_218] {strides = array<i32>} : memref<328x128xf32, #tpu.memory_space<vmem>>, vector<16xf32>,
            tpu.vector_store %arg14[%swap3A_217, %swap3A_218], %add3A_216 {strides = array<i32>} : memref<328x128xf32, #tpu.memory_space<vmem>>, vector<16xf32>,
            %get3A_220 = arith.index_cast %squeeze3A_179 : i32 to index
            %get3A_221 = arith.constant 64 : index
            %get3A_222 = tpu.vector_load %arg14[%get3A_220, %get3A_221] {strides = array<i32>} : memref<328x128xf32, #tpu.memory_space<vmem>>, vector<16xf32>,
            %get3A_223 = arith.index_cast %scan3A_174 : i32 to index
            %get3A_224 = arith.constant 64 : index
            %get3A_225 = tpu.vector_load %arg12[%get3A_223, %get3A_224] {strides = array<i32>} : memref<64x128xf32, #tpu.memory_space<vmem>>, vector<16xf32>,
            %add3A_226 = arith.addf %get3A_222, %get3A_225 : vector<16xf32>
            %swap3A_227 = arith.index_cast %squeeze3A_179 : i32 to index
            %swap3A_228 = arith.constant 64 : index
            %swap3A_229 = tpu.vector_load %arg14[%swap3A_227, %swap3A_228] {strides = array<i32>} : memref<328x128xf32, #tpu.memory_space<vmem>>, vector<16xf32>,
            tpu.vector_store %arg14[%swap3A_227, %swap3A_228], %add3A_226 {strides = array<i32>} : memref<328x128xf32, #tpu.memory_space<vmem>>, vector<16xf32>,
            %get3A_230 = arith.index_cast %squeeze3A_179 : i32 to index
            %get3A_231 = arith.constant 80 : index
            %get3A_232 = tpu.vector_load %arg14[%get3A_230, %get3A_231] {strides = array<i32>} : memref<328x128xf32, #tpu.memory_space<vmem>>, vector<16xf32>,
            %get3A_233 = arith.index_cast %scan3A_174 : i32 to index
            %get3A_234 = arith.constant 80 : index
            %get3A_235 = tpu.vector_load %arg12[%get3A_233, %get3A_234] {strides = array<i32>} : memref<64x128xf32, #tpu.memory_space<vmem>>, vector<16xf32>,
            %add3A_236 = arith.addf %get3A_232, %get3A_235 : vector<16xf32>
            %swap3A_237 = arith.index_cast %squeeze3A_179 : i32 to index
            %swap3A_238 = arith.constant 80 : index
            %swap3A_239 = tpu.vector_load %arg14[%swap3A_237, %swap3A_238] {strides = array<i32>} : memref<328x128xf32, #tpu.memory_space<vmem>>, vector<16xf32>,
            tpu.vector_store %arg14[%swap3A_237, %swap3A_238], %add3A_236 {strides = array<i32>} : memref<328x128xf32, #tpu.memory_space<vmem>>, vector<16xf32>,
            %get3A_240 = arith.index_cast %squeeze3A_179 : i32 to index
            %get3A_241 = arith.constant 96 : index
            %get3A_242 = tpu.vector_load %arg14[%get3A_240, %get3A_241] {strides = array<i32>} : memref<328x128xf32, #tpu.memory_space<vmem>>, vector<16xf32>,
            %get3A_243 = arith.index_cast %scan3A_174 : i32 to index
            %get3A_244 = arith.constant 96 : index
            %get3A_245 = tpu.vector_load %arg12[%get3A_243, %get3A_244] {strides = array<i32>} : memref<64x128xf32, #tpu.memory_space<vmem>>, vector<16xf32>,
            %add3A_246 = arith.addf %get3A_242, %get3A_245 : vector<16xf32>
            %swap3A_247 = arith.index_cast %squeeze3A_179 : i32 to index
            %swap3A_248 = arith.constant 96 : index
            %swap3A_249 = tpu.vector_load %arg14[%swap3A_247, %swap3A_248] {strides = array<i32>} : memref<328x128xf32, #tpu.memory_space<vmem>>, vector<16xf32>,
            tpu.vector_store %arg14[%swap3A_247, %swap3A_248], %add3A_246 {strides = array<i32>} : memref<328x128xf32, #tpu.memory_space<vmem>>, vector<16xf32>,
            %get3A_250 = arith.index_cast %squeeze3A_179 : i32 to index
            %get3A_251 = arith.constant 112 : index
            %get3A_252 = tpu.vector_load %arg14[%get3A_250, %get3A_251] {strides = array<i32>} : memref<328x128xf32, #tpu.memory_space<vmem>>, vector<16xf32>,
            %get3A_253 = arith.index_cast %scan3A_174 : i32 to index
            %get3A_254 = arith.constant 112 : index
            %get3A_255 = tpu.vector_load %arg12[%get3A_253, %get3A_254] {strides = array<i32>} : memref<64x128xf32, #tpu.memory_space<vmem>>, vector<16xf32>,
            %add3A_256 = arith.addf %get3A_252, %get3A_255 : vector<16xf32>
            %swap3A_257 = arith.index_cast %squeeze3A_179 : i32 to index
            %swap3A_258 = arith.constant 112 : index
            %swap3A_259 = tpu.vector_load %arg14[%swap3A_257, %swap3A_258] {strides = array<i32>} : memref<328x128xf32, #tpu.memory_space<vmem>>, vector<16xf32>,
            tpu.vector_store %arg14[%swap3A_257, %swap3A_258], %add3A_256 {strides = array<i32>} : memref<328x128xf32, #tpu.memory_space<vmem>>, vector<16xf32>,
            %get3A_260 = arith.index_cast %squeeze3A_179 : i32 to index
            %get3A_261 = arith.constant 0 : index
            %get3A_262 = tpu.vector_load %arg15[%get3A_260, %get3A_261] {strides = array<i32>} : memref<328x16xf32, #tpu.memory_space<vmem>>, vector<16xf32>,
            %broadcast_in_dim3A_263 = arith.constant 1.000000e+00 : f32
            %broadcast_in_dim3A_264 = vector.broadcast %broadcast_in_dim3A_263 : f32 to vector<16xf32>
            %add3A_265 = arith.addf %get3A_262, %broadcast_in_dim3A_264 : vector<16xf32>
            %swap3A_266 = arith.index_cast %squeeze3A_179 : i32 to index
            %swap3A_267 = arith.constant 0 : index
            %swap3A_268 = tpu.vector_load %arg15[%swap3A_266, %swap3A_267] {strides = array<i32>} : memref<328x16xf32, #tpu.memory_space<vmem>>, vector<16xf32>,
            tpu.vector_store %arg15[%swap3A_266, %swap3A_267], %add3A_265 {strides = array<i32>} : memref<328x16xf32, #tpu.memory_space<vmem>>, vector<16xf32>,
          }
          %scan3A_173 = arith.constant 64 : i32
        }
      }
      %while3A_51 = arith.constant 1 : i32
      scf.for %while3A_52 = %while3A_49 to %while3A_45 step %while3A_51  : i32 {
        %mul3A_53 = arith.constant 4688 : i32
        %mul3A_54 = arith.muli %while3A_52, %mul3A_53 : i32
        %add3A_55 = arith.addi %mul3A_2, %mul3A_54 : i32
        %multiple_of3A_56 = tpu.assume_multiple %add3A_55, 16 : i32
        "tpu.region"() ({
          %run_scoped3A = tpu.sem_alloc : memref<!tpu.dma_semaphore, #tpu.memory_space<semaphore_mem>>
          %dma_start3A = tpu.memref_slice %arg3[%multiple_of3A_56] : memref<9751552xi32, #tpu.memory_space<hbm>> -> memref<4688xi32, #tpu.memory_space<hbm>>
          %dma_start3A_159 = tpu.memref_slice %arg3[%multiple_of3A_56] : memref<9751552xi32, #tpu.memory_space<hbm>> -> memref<4688xi32, #tpu.memory_space<hbm>>
          tpu.enqueue_dma source(%dma_start3A_159 : memref<4688xi32, #tpu.memory_space<hbm>>) target(%arg8 : memref<4688xi32, #tpu.memory_space<vmem>>) target_semaphore(%run_scoped3A : memref<!tpu.dma_semaphore, #tpu.memory_space<semaphore_mem>>)
          %dma_wait3A = tpu.memref_slice %arg3[%multiple_of3A_56] : memref<9751552xi32, #tpu.memory_space<hbm>> -> memref<4688xi32, #tpu.memory_space<hbm>>
          %dma_wait3A_160 = tpu.memref_slice %arg3[%multiple_of3A_56] : memref<9751552xi32, #tpu.memory_space<hbm>> -> memref<4688xi32, #tpu.memory_space<hbm>>
          tpu.wait_dma2 semaphore(%run_scoped3A : memref<!tpu.dma_semaphore, #tpu.memory_space<semaphore_mem>>) src(%dma_wait3A_160 : memref<4688xi32, #tpu.memory_space<hbm>>) dst(%arg8 : memref<4688xi32, #tpu.memory_space<vmem>>)
          tpu.yield
        }) : () -> ()
        %mul3A_57 = arith.constant 4688 : i32
        %mul3A_58 = arith.muli %while3A_52, %mul3A_57 : i32
        %add3A_59 = arith.addi %mul3A_2, %mul3A_58 : i32
        %multiple_of3A_60 = tpu.assume_multiple %add3A_59, 16 : i32
        "tpu.region"() ({
          %run_scoped3A = tpu.sem_alloc : memref<!tpu.dma_semaphore, #tpu.memory_space<semaphore_mem>>
          %dma_start3A = tpu.memref_slice %arg4[%multiple_of3A_60] : memref<9751552xi32, #tpu.memory_space<hbm>> -> memref<4688xi32, #tpu.memory_space<hbm>>
          %dma_start3A_159 = tpu.memref_slice %arg4[%multiple_of3A_60] : memref<9751552xi32, #tpu.memory_space<hbm>> -> memref<4688xi32, #tpu.memory_space<hbm>>
          tpu.enqueue_dma source(%dma_start3A_159 : memref<4688xi32, #tpu.memory_space<hbm>>) target(%arg9 : memref<4688xi32, #tpu.memory_space<vmem>>) target_semaphore(%run_scoped3A : memref<!tpu.dma_semaphore, #tpu.memory_space<semaphore_mem>>)
          %dma_wait3A = tpu.memref_slice %arg4[%multiple_of3A_60] : memref<9751552xi32, #tpu.memory_space<hbm>> -> memref<4688xi32, #tpu.memory_space<hbm>>
          %dma_wait3A_160 = tpu.memref_slice %arg4[%multiple_of3A_60] : memref<9751552xi32, #tpu.memory_space<hbm>> -> memref<4688xi32, #tpu.memory_space<hbm>>
          tpu.wait_dma2 semaphore(%run_scoped3A : memref<!tpu.dma_semaphore, #tpu.memory_space<semaphore_mem>>) src(%dma_wait3A_160 : memref<4688xi32, #tpu.memory_space<hbm>>) dst(%arg9 : memref<4688xi32, #tpu.memory_space<vmem>>)
          tpu.yield
        }) : () -> ()
        %broadcast_in_dim3A = arith.constant 0 : i32
        %broadcast_in_dim3A_61 = vector.broadcast %broadcast_in_dim3A : i32 to vector<16xi32>
        %scan3A_62 = arith.constant 0 : i32
        %scan3A_63 = arith.constant 293 : i32
        %scan3A_64 = arith.addi %scan3A_62, %scan3A_63 : i32
        %scan3A_65 = arith.constant 1 : i32
        %scan3A_66 = scf.for %scan3A_159 = %scan3A_62 to %scan3A_64 step %scan3A_65 iter_args(%scan3A_160 = %broadcast_in_dim3A_61) -> (vector<16xi32>)  : i32 {
          %mul3A_161 = arith.constant 16 : i32
          %mul3A_162 = arith.muli %scan3A_159, %mul3A_161 : i32
          %get3A_163 = arith.index_cast %mul3A_162 : i32 to index
          %get3A_164 = tpu.vector_load %arg9[%get3A_163] {strides = array<i32>} : memref<4688xi32, #tpu.memory_space<vmem>>, vector<16xi32>,
          %mul3A_165 = arith.constant 16 : i32
          %mul3A_166 = arith.muli %scan3A_159, %mul3A_165 : i32
          %get3A_167 = arith.index_cast %mul3A_166 : i32 to index
          %get3A_168 = tpu.vector_load %arg8[%get3A_167] {strides = array<i32>} : memref<4688xi32, #tpu.memory_space<vmem>>, vector<16xi32>,
          %ge3A = vector.broadcast %add3A_36 : i32 to vector<16xi32>
          %ge3A_169 = arith.cmpi sge, %get3A_164, %ge3A : vector<16xi32>
          %add3A_170 = arith.constant 320 : i32
          %add3A_171 = arith.addi %add3A_36, %add3A_170 : i32
          %lt3A = vector.broadcast %add3A_171 : i32 to vector<16xi32>
          %lt3A_172 = arith.cmpi slt, %get3A_164, %lt3A : vector<16xi32>
          %and3A_173 = arith.andi %ge3A_169, %lt3A_172 : vector<16xi1>
          %convert_element_type3A = arith.extui %and3A_173 : vector<16xi1> to vector<16xi32>
          %broadcast_in_dim3A_174 = arith.constant true
          %broadcast_in_dim3A_175 = vector.broadcast %broadcast_in_dim3A_174 : i1 to vector<16xi1>
          %masked_cumsum3A = tpu.scan <sum>, %convert_element_type3A masked %broadcast_in_dim3A_175 : vector<16xi32>, vector<16xi1> -> vector<16xi32>
          %add3A_176 = arith.addi %scan3A_160, %masked_cumsum3A : vector<16xi32>
          %sub3A_177 = arith.constant 1 : i32
          %sub3A_178 = vector.broadcast %sub3A_177 : i32 to vector<16xi32>
          %sub3A_179 = arith.subi %add3A_176, %sub3A_178 : vector<16xi32>
          %jit3A_180 = arith.constant 4752 : i32
          %broadcast_in_dim3A_181 = vector.broadcast %jit3A_180 : i32 to vector<16xi32>
          %select_n3A_182 = arith.select %and3A_173, %sub3A_179, %broadcast_in_dim3A_181 : vector<16xi1>, vector<16xi32>
          tpu.vector_store_idx %arg10[%select_n3A_182], %get3A_168 : memref<4784xi32, #tpu.memory_space<vmem>>[vector<16xi32>], vector<16xi32>,
          %sub3A_183 = vector.broadcast %add3A_36 : i32 to vector<16xi32>
          %sub3A_184 = arith.subi %get3A_164, %sub3A_183 : vector<16xi32>
          tpu.vector_store_idx %arg11[%select_n3A_182], %sub3A_184 : memref<4784xi32, #tpu.memory_space<vmem>>[vector<16xi32>], vector<16xi32>,
          %all_reduce_population_count3A = tpu.all_reduce %and3A_173 {dim = 0 : i64, kind = #tpu.reduction_kind<sum>} : vector<16xi1> -> vector<16xi32>
          %add3A_185 = arith.addi %scan3A_160, %all_reduce_population_count3A : vector<16xi32>
          scf.yield %add3A_185 : vector<16xi32>
        }
        %scan3A_67 = arith.constant 293 : i32
        %swap3A = arith.constant 4752 : index
        %swap3A_68 = tpu.vector_load %arg11[%swap3A] {strides = array<i32>} : memref<4784xi32, #tpu.memory_space<vmem>>, vector<16xi32>,
        tpu.vector_store %arg11[%swap3A], %scan3A_66 {strides = array<i32>} : memref<4784xi32, #tpu.memory_space<vmem>>, vector<16xi32>,
        %get3A_69 = arith.constant 4752 : index
        %get3A_70 = tpu.vector_load %arg11[%get3A_69] {strides = array<i32>} : memref<4784xi32, #tpu.memory_space<vmem>>, vector<16xi32>,
        %slice3A_71 = vector.extract_strided_slice %get3A_70 {offsets = [0], sizes = [1], strides = [1]} : vector<16xi32> to vector<1xi32>
        %squeeze3A_72 = vector.extract %slice3A_71[0] : i32 from vector<1xi32>
        %broadcast_in_dim3A_73 = arith.constant 0 : i32
        %broadcast_in_dim3A_74 = vector.broadcast %broadcast_in_dim3A_73 : i32 to vector<16xi32>
        %add3A_75 = arith.constant 0 : i32
        %add3A_76 = arith.addi %squeeze3A_72, %add3A_75 : i32
        %swap3A_77 = arith.index_cast %add3A_76 : i32 to index
        %swap3A_78 = tpu.vector_load %arg10[%swap3A_77] {strides = array<i32>} : memref<4784xi32, #tpu.memory_space<vmem>>, vector<16xi32>,
        tpu.vector_store %arg10[%swap3A_77], %broadcast_in_dim3A_74 {strides = array<i32>} : memref<4784xi32, #tpu.memory_space<vmem>>, vector<16xi32>,
        %broadcast_in_dim3A_79 = arith.constant 320 : i32
        %broadcast_in_dim3A_80 = vector.broadcast %broadcast_in_dim3A_79 : i32 to vector<16xi32>
        %add3A_81 = arith.constant 0 : i32
        %add3A_82 = arith.addi %squeeze3A_72, %add3A_81 : i32
        %swap3A_83 = arith.index_cast %add3A_82 : i32 to index
        %swap3A_84 = tpu.vector_load %arg11[%swap3A_83] {strides = array<i32>} : memref<4784xi32, #tpu.memory_space<vmem>>, vector<16xi32>,
        tpu.vector_store %arg11[%swap3A_83], %broadcast_in_dim3A_80 {strides = array<i32>} : memref<4784xi32, #tpu.memory_space<vmem>>, vector<16xi32>,
        %broadcast_in_dim3A_85 = arith.constant 0 : i32
        %broadcast_in_dim3A_86 = vector.broadcast %broadcast_in_dim3A_85 : i32 to vector<16xi32>
        %add3A_87 = arith.constant 16 : i32
        %add3A_88 = arith.addi %squeeze3A_72, %add3A_87 : i32
        %swap3A_89 = arith.index_cast %add3A_88 : i32 to index
        %swap3A_90 = tpu.vector_load %arg10[%swap3A_89] {strides = array<i32>} : memref<4784xi32, #tpu.memory_space<vmem>>, vector<16xi32>,
        tpu.vector_store %arg10[%swap3A_89], %broadcast_in_dim3A_86 {strides = array<i32>} : memref<4784xi32, #tpu.memory_space<vmem>>, vector<16xi32>,
        %broadcast_in_dim3A_91 = arith.constant 320 : i32
        %broadcast_in_dim3A_92 = vector.broadcast %broadcast_in_dim3A_91 : i32 to vector<16xi32>
        %add3A_93 = arith.constant 16 : i32
        %add3A_94 = arith.addi %squeeze3A_72, %add3A_93 : i32
        %swap3A_95 = arith.index_cast %add3A_94 : i32 to index
        %swap3A_96 = tpu.vector_load %arg11[%swap3A_95] {strides = array<i32>} : memref<4784xi32, #tpu.memory_space<vmem>>, vector<16xi32>,
        tpu.vector_store %arg11[%swap3A_95], %broadcast_in_dim3A_92 {strides = array<i32>} : memref<4784xi32, #tpu.memory_space<vmem>>, vector<16xi32>,
        %broadcast_in_dim3A_97 = arith.constant 0 : i32
        %broadcast_in_dim3A_98 = vector.broadcast %broadcast_in_dim3A_97 : i32 to vector<16xi32>
        %add3A_99 = arith.constant 32 : i32
        %add3A_100 = arith.addi %squeeze3A_72, %add3A_99 : i32
        %swap3A_101 = arith.index_cast %add3A_100 : i32 to index
        %swap3A_102 = tpu.vector_load %arg10[%swap3A_101] {strides = array<i32>} : memref<4784xi32, #tpu.memory_space<vmem>>, vector<16xi32>,
        tpu.vector_store %arg10[%swap3A_101], %broadcast_in_dim3A_98 {strides = array<i32>} : memref<4784xi32, #tpu.memory_space<vmem>>, vector<16xi32>,
        %broadcast_in_dim3A_103 = arith.constant 320 : i32
        %broadcast_in_dim3A_104 = vector.broadcast %broadcast_in_dim3A_103 : i32 to vector<16xi32>
        %add3A_105 = arith.constant 32 : i32
        %add3A_106 = arith.addi %squeeze3A_72, %add3A_105 : i32
        %swap3A_107 = arith.index_cast %add3A_106 : i32 to index
        %swap3A_108 = tpu.vector_load %arg11[%swap3A_107] {strides = array<i32>} : memref<4784xi32, #tpu.memory_space<vmem>>, vector<16xi32>,
        tpu.vector_store %arg11[%swap3A_107], %broadcast_in_dim3A_104 {strides = array<i32>} : memref<4784xi32, #tpu.memory_space<vmem>>, vector<16xi32>,
        %broadcast_in_dim3A_109 = arith.constant 0 : i32
        %broadcast_in_dim3A_110 = vector.broadcast %broadcast_in_dim3A_109 : i32 to vector<16xi32>
        %add3A_111 = arith.constant 48 : i32
        %add3A_112 = arith.addi %squeeze3A_72, %add3A_111 : i32
        %swap3A_113 = arith.index_cast %add3A_112 : i32 to index
        %swap3A_114 = tpu.vector_load %arg10[%swap3A_113] {strides = array<i32>} : memref<4784xi32, #tpu.memory_space<vmem>>, vector<16xi32>,
        tpu.vector_store %arg10[%swap3A_113], %broadcast_in_dim3A_110 {strides = array<i32>} : memref<4784xi32, #tpu.memory_space<vmem>>, vector<16xi32>,
        %broadcast_in_dim3A_115 = arith.constant 320 : i32
        %broadcast_in_dim3A_116 = vector.broadcast %broadcast_in_dim3A_115 : i32 to vector<16xi32>
        %add3A_117 = arith.constant 48 : i32
        %add3A_118 = arith.addi %squeeze3A_72, %add3A_117 : i32
        %swap3A_119 = arith.index_cast %add3A_118 : i32 to index
        %swap3A_120 = tpu.vector_load %arg11[%swap3A_119] {strides = array<i32>} : memref<4784xi32, #tpu.memory_space<vmem>>, vector<16xi32>,
        tpu.vector_store %arg11[%swap3A_119], %broadcast_in_dim3A_116 {strides = array<i32>} : memref<4784xi32, #tpu.memory_space<vmem>>, vector<16xi32>,
        %add3A_121 = arith.constant 64 : i32
        %add3A_122 = arith.addi %squeeze3A_72, %add3A_121 : i32
        %sub3A_123 = arith.constant 1 : i32
        %sub3A_124 = arith.subi %add3A_122, %sub3A_123 : i32
        %jit3A_125 = arith.constant 64 : i32
        %div3A_126 = arith.divsi %sub3A_124, %jit3A_125 : i32
        %sign3A_127 = arith.constant 0 : i32
        %sign3A_128 = arith.cmpi sgt, %sub3A_124, %sign3A_127 : i32
        %sign3A_129 = arith.extui %sign3A_128 : i1 to i32
        %sign3A_130 = arith.constant 0 : i32
        %sign3A_131 = arith.cmpi slt, %sub3A_124, %sign3A_130 : i32
        %sign3A_132 = arith.extui %sign3A_131 : i1 to i32
        %sign3A_133 = arith.subi %sign3A_129, %sign3A_132 : i32
        %sign3A_134 = arith.constant 0 : i32
        %sign3A_135 = arith.cmpi sgt, %jit3A_125, %sign3A_134 : i32
        %sign3A_136 = arith.extui %sign3A_135 : i1 to i32
        %sign3A_137 = arith.constant 0 : i32
        %sign3A_138 = arith.cmpi slt, %jit3A_125, %sign3A_137 : i32
        %sign3A_139 = arith.extui %sign3A_138 : i1 to i32
        %sign3A_140 = arith.subi %sign3A_136, %sign3A_139 : i32
        %ne3A_141 = arith.cmpi ne, %sign3A_133, %sign3A_140 : i32
        %rem3A_142 = arith.remsi %sub3A_124, %jit3A_125 : i32
        %ne3A_143 = arith.constant 0 : i32
        %ne3A_144 = arith.cmpi ne, %rem3A_142, %ne3A_143 : i32
        %and3A_145 = arith.andi %ne3A_141, %ne3A_144 : i1
        %sub3A_146 = arith.constant 1 : i32
        %sub3A_147 = arith.subi %div3A_126, %sub3A_146 : i32
        %select_n3A_148 = arith.select %and3A_145, %sub3A_147, %div3A_126 : i32
        %while3A_149 = arith.constant 0 : i32
        %while3A_150 = arith.constant 0 : i32
        %while3A_151 = arith.subi %select_n3A_148, %while3A_150 : i32
        %while3A_152 = arith.addi %while3A_150, %while3A_151 : i32
        %while3A_153 = arith.constant 1 : i32
        %while3A_154 = arith.divsi %while3A_151, %while3A_153 : i32
        %while3A_155 = arith.muli %while3A_154, %while3A_153 : i32
        %while3A_156 = arith.addi %while3A_150, %while3A_155 : i32
        %while3A_157 = arith.constant 1 : i32
        scf.for %while3A_159 = %while3A_150 to %while3A_156 step %while3A_157  : i32 {
          %mul3A_160 = arith.constant 64 : i32
          %mul3A_161 = arith.muli %while3A_159, %mul3A_160 : i32
          %dma_start3A = tpu.memref_slice %arg10[%mul3A_161] : memref<4784xi32, #tpu.memory_space<vmem>> -> memref<64xi32, #tpu.memory_space<vmem>>
          %dma_start3A_162 = arith.constant 0 : i32
          %dma_start3A_163 = arith.constant 0 : i32
          %dma_start3A_164 = tpu.memref_slice %arg2[%dma_start3A_162, %dma_start3A_163] : memref<102400x128xf32, #tpu.memory_space<hbm>> -> memref<102400x128xf32, #tpu.memory_space<hbm>>
          tpu.enqueue_indirect_dma source(%dma_start3A_164 : memref<102400x128xf32, #tpu.memory_space<hbm>>) target(%arg12 : memref<64x128xf32, #tpu.memory_space<vmem>>) offsets(%dma_start3A : memref<64xi32, #tpu.memory_space<vmem>>) semaphore(%arg16 : memref<!tpu.dma_semaphore, #tpu.memory_space<semaphore_mem>>)
          %dma_wait3A = tpu.memref_slice %arg10[%mul3A_161] : memref<4784xi32, #tpu.memory_space<vmem>> -> memref<64xi32, #tpu.memory_space<vmem>>
          %dma_wait3A_165 = arith.constant 0 : i32
          %dma_wait3A_166 = arith.constant 0 : i32
          %dma_wait3A_167 = tpu.memref_slice %arg2[%dma_wait3A_165, %dma_wait3A_166] : memref<102400x128xf32, #tpu.memory_space<hbm>> -> memref<102400x128xf32, #tpu.memory_space<hbm>>
          tpu.wait_indirect_dma semaphore(%arg16 : memref<!tpu.dma_semaphore, #tpu.memory_space<semaphore_mem>>) src(%dma_wait3A_167 : memref<102400x128xf32, #tpu.memory_space<hbm>>) dst(%arg12 : memref<64x128xf32, #tpu.memory_space<vmem>>)
          %scan3A_168 = arith.constant 0 : i32
          %scan3A_169 = arith.constant 0 : i32
          %scan3A_170 = arith.constant 64 : i32
          %scan3A_171 = arith.addi %scan3A_169, %scan3A_170 : i32
          %scan3A_172 = arith.constant 1 : i32
          scf.for %scan3A_174 = %scan3A_169 to %scan3A_171 step %scan3A_172  : i32 {
            %add3A_175 = arith.addi %mul3A_161, %scan3A_174 : i32
            %get3A_176 = arith.index_cast %add3A_175 : i32 to index
            %get3A_177 = tpu.vector_load %arg11[%get3A_176] {strides = array<i32>} : memref<4784xi32, #tpu.memory_space<vmem>>, vector<16xi32>,
            %slice3A_178 = vector.extract_strided_slice %get3A_177 {offsets = [0], sizes = [1], strides = [1]} : vector<16xi32> to vector<1xi32>
            %squeeze3A_179 = vector.extract %slice3A_178[0] : i32 from vector<1xi32>
            %get3A_180 = arith.index_cast %squeeze3A_179 : i32 to index
            %get3A_181 = arith.constant 0 : index
            %get3A_182 = tpu.vector_load %arg14[%get3A_180, %get3A_181] {strides = array<i32>} : memref<328x128xf32, #tpu.memory_space<vmem>>, vector<16xf32>,
            %get3A_183 = arith.index_cast %scan3A_174 : i32 to index
            %get3A_184 = arith.constant 0 : index
            %get3A_185 = tpu.vector_load %arg12[%get3A_183, %get3A_184] {strides = array<i32>} : memref<64x128xf32, #tpu.memory_space<vmem>>, vector<16xf32>,
            %add3A_186 = arith.addf %get3A_182, %get3A_185 : vector<16xf32>
            %swap3A_187 = arith.index_cast %squeeze3A_179 : i32 to index
            %swap3A_188 = arith.constant 0 : index
            %swap3A_189 = tpu.vector_load %arg14[%swap3A_187, %swap3A_188] {strides = array<i32>} : memref<328x128xf32, #tpu.memory_space<vmem>>, vector<16xf32>,
            tpu.vector_store %arg14[%swap3A_187, %swap3A_188], %add3A_186 {strides = array<i32>} : memref<328x128xf32, #tpu.memory_space<vmem>>, vector<16xf32>,
            %get3A_190 = arith.index_cast %squeeze3A_179 : i32 to index
            %get3A_191 = arith.constant 16 : index
            %get3A_192 = tpu.vector_load %arg14[%get3A_190, %get3A_191] {strides = array<i32>} : memref<328x128xf32, #tpu.memory_space<vmem>>, vector<16xf32>,
            %get3A_193 = arith.index_cast %scan3A_174 : i32 to index
            %get3A_194 = arith.constant 16 : index
            %get3A_195 = tpu.vector_load %arg12[%get3A_193, %get3A_194] {strides = array<i32>} : memref<64x128xf32, #tpu.memory_space<vmem>>, vector<16xf32>,
            %add3A_196 = arith.addf %get3A_192, %get3A_195 : vector<16xf32>
            %swap3A_197 = arith.index_cast %squeeze3A_179 : i32 to index
            %swap3A_198 = arith.constant 16 : index
            %swap3A_199 = tpu.vector_load %arg14[%swap3A_197, %swap3A_198] {strides = array<i32>} : memref<328x128xf32, #tpu.memory_space<vmem>>, vector<16xf32>,
            tpu.vector_store %arg14[%swap3A_197, %swap3A_198], %add3A_196 {strides = array<i32>} : memref<328x128xf32, #tpu.memory_space<vmem>>, vector<16xf32>,
            %get3A_200 = arith.index_cast %squeeze3A_179 : i32 to index
            %get3A_201 = arith.constant 32 : index
            %get3A_202 = tpu.vector_load %arg14[%get3A_200, %get3A_201] {strides = array<i32>} : memref<328x128xf32, #tpu.memory_space<vmem>>, vector<16xf32>,
            %get3A_203 = arith.index_cast %scan3A_174 : i32 to index
            %get3A_204 = arith.constant 32 : index
            %get3A_205 = tpu.vector_load %arg12[%get3A_203, %get3A_204] {strides = array<i32>} : memref<64x128xf32, #tpu.memory_space<vmem>>, vector<16xf32>,
            %add3A_206 = arith.addf %get3A_202, %get3A_205 : vector<16xf32>
            %swap3A_207 = arith.index_cast %squeeze3A_179 : i32 to index
            %swap3A_208 = arith.constant 32 : index
            %swap3A_209 = tpu.vector_load %arg14[%swap3A_207, %swap3A_208] {strides = array<i32>} : memref<328x128xf32, #tpu.memory_space<vmem>>, vector<16xf32>,
            tpu.vector_store %arg14[%swap3A_207, %swap3A_208], %add3A_206 {strides = array<i32>} : memref<328x128xf32, #tpu.memory_space<vmem>>, vector<16xf32>,
            %get3A_210 = arith.index_cast %squeeze3A_179 : i32 to index
            %get3A_211 = arith.constant 48 : index
            %get3A_212 = tpu.vector_load %arg14[%get3A_210, %get3A_211] {strides = array<i32>} : memref<328x128xf32, #tpu.memory_space<vmem>>, vector<16xf32>,
            %get3A_213 = arith.index_cast %scan3A_174 : i32 to index
            %get3A_214 = arith.constant 48 : index
            %get3A_215 = tpu.vector_load %arg12[%get3A_213, %get3A_214] {strides = array<i32>} : memref<64x128xf32, #tpu.memory_space<vmem>>, vector<16xf32>,
            %add3A_216 = arith.addf %get3A_212, %get3A_215 : vector<16xf32>
            %swap3A_217 = arith.index_cast %squeeze3A_179 : i32 to index
            %swap3A_218 = arith.constant 48 : index
            %swap3A_219 = tpu.vector_load %arg14[%swap3A_217, %swap3A_218] {strides = array<i32>} : memref<328x128xf32, #tpu.memory_space<vmem>>, vector<16xf32>,
            tpu.vector_store %arg14[%swap3A_217, %swap3A_218], %add3A_216 {strides = array<i32>} : memref<328x128xf32, #tpu.memory_space<vmem>>, vector<16xf32>,
            %get3A_220 = arith.index_cast %squeeze3A_179 : i32 to index
            %get3A_221 = arith.constant 64 : index
            %get3A_222 = tpu.vector_load %arg14[%get3A_220, %get3A_221] {strides = array<i32>} : memref<328x128xf32, #tpu.memory_space<vmem>>, vector<16xf32>,
            %get3A_223 = arith.index_cast %scan3A_174 : i32 to index
            %get3A_224 = arith.constant 64 : index
            %get3A_225 = tpu.vector_load %arg12[%get3A_223, %get3A_224] {strides = array<i32>} : memref<64x128xf32, #tpu.memory_space<vmem>>, vector<16xf32>,
            %add3A_226 = arith.addf %get3A_222, %get3A_225 : vector<16xf32>
            %swap3A_227 = arith.index_cast %squeeze3A_179 : i32 to index
            %swap3A_228 = arith.constant 64 : index
            %swap3A_229 = tpu.vector_load %arg14[%swap3A_227, %swap3A_228] {strides = array<i32>} : memref<328x128xf32, #tpu.memory_space<vmem>>, vector<16xf32>,
            tpu.vector_store %arg14[%swap3A_227, %swap3A_228], %add3A_226 {strides = array<i32>} : memref<328x128xf32, #tpu.memory_space<vmem>>, vector<16xf32>,
            %get3A_230 = arith.index_cast %squeeze3A_179 : i32 to index
            %get3A_231 = arith.constant 80 : index
            %get3A_232 = tpu.vector_load %arg14[%get3A_230, %get3A_231] {strides = array<i32>} : memref<328x128xf32, #tpu.memory_space<vmem>>, vector<16xf32>,
            %get3A_233 = arith.index_cast %scan3A_174 : i32 to index
            %get3A_234 = arith.constant 80 : index
            %get3A_235 = tpu.vector_load %arg12[%get3A_233, %get3A_234] {strides = array<i32>} : memref<64x128xf32, #tpu.memory_space<vmem>>, vector<16xf32>,
            %add3A_236 = arith.addf %get3A_232, %get3A_235 : vector<16xf32>
            %swap3A_237 = arith.index_cast %squeeze3A_179 : i32 to index
            %swap3A_238 = arith.constant 80 : index
            %swap3A_239 = tpu.vector_load %arg14[%swap3A_237, %swap3A_238] {strides = array<i32>} : memref<328x128xf32, #tpu.memory_space<vmem>>, vector<16xf32>,
            tpu.vector_store %arg14[%swap3A_237, %swap3A_238], %add3A_236 {strides = array<i32>} : memref<328x128xf32, #tpu.memory_space<vmem>>, vector<16xf32>,
            %get3A_240 = arith.index_cast %squeeze3A_179 : i32 to index
            %get3A_241 = arith.constant 96 : index
            %get3A_242 = tpu.vector_load %arg14[%get3A_240, %get3A_241] {strides = array<i32>} : memref<328x128xf32, #tpu.memory_space<vmem>>, vector<16xf32>,
            %get3A_243 = arith.index_cast %scan3A_174 : i32 to index
            %get3A_244 = arith.constant 96 : index
            %get3A_245 = tpu.vector_load %arg12[%get3A_243, %get3A_244] {strides = array<i32>} : memref<64x128xf32, #tpu.memory_space<vmem>>, vector<16xf32>,
            %add3A_246 = arith.addf %get3A_242, %get3A_245 : vector<16xf32>
            %swap3A_247 = arith.index_cast %squeeze3A_179 : i32 to index
            %swap3A_248 = arith.constant 96 : index
            %swap3A_249 = tpu.vector_load %arg14[%swap3A_247, %swap3A_248] {strides = array<i32>} : memref<328x128xf32, #tpu.memory_space<vmem>>, vector<16xf32>,
            tpu.vector_store %arg14[%swap3A_247, %swap3A_248], %add3A_246 {strides = array<i32>} : memref<328x128xf32, #tpu.memory_space<vmem>>, vector<16xf32>,
            %get3A_250 = arith.index_cast %squeeze3A_179 : i32 to index
            %get3A_251 = arith.constant 112 : index
            %get3A_252 = tpu.vector_load %arg14[%get3A_250, %get3A_251] {strides = array<i32>} : memref<328x128xf32, #tpu.memory_space<vmem>>, vector<16xf32>,
            %get3A_253 = arith.index_cast %scan3A_174 : i32 to index
            %get3A_254 = arith.constant 112 : index
            %get3A_255 = tpu.vector_load %arg12[%get3A_253, %get3A_254] {strides = array<i32>} : memref<64x128xf32, #tpu.memory_space<vmem>>, vector<16xf32>,
            %add3A_256 = arith.addf %get3A_252, %get3A_255 : vector<16xf32>
            %swap3A_257 = arith.index_cast %squeeze3A_179 : i32 to index
            %swap3A_258 = arith.constant 112 : index
            %swap3A_259 = tpu.vector_load %arg14[%swap3A_257, %swap3A_258] {strides = array<i32>} : memref<328x128xf32, #tpu.memory_space<vmem>>, vector<16xf32>,
            tpu.vector_store %arg14[%swap3A_257, %swap3A_258], %add3A_256 {strides = array<i32>} : memref<328x128xf32, #tpu.memory_space<vmem>>, vector<16xf32>,
            %get3A_260 = arith.index_cast %squeeze3A_179 : i32 to index
            %get3A_261 = arith.constant 0 : index
            %get3A_262 = tpu.vector_load %arg15[%get3A_260, %get3A_261] {strides = array<i32>} : memref<328x16xf32, #tpu.memory_space<vmem>>, vector<16xf32>,
            %broadcast_in_dim3A_263 = arith.constant 1.000000e+00 : f32
            %broadcast_in_dim3A_264 = vector.broadcast %broadcast_in_dim3A_263 : f32 to vector<16xf32>
            %add3A_265 = arith.addf %get3A_262, %broadcast_in_dim3A_264 : vector<16xf32>
            %swap3A_266 = arith.index_cast %squeeze3A_179 : i32 to index
            %swap3A_267 = arith.constant 0 : index
            %swap3A_268 = tpu.vector_load %arg15[%swap3A_266, %swap3A_267] {strides = array<i32>} : memref<328x16xf32, #tpu.memory_space<vmem>>, vector<16xf32>,
            tpu.vector_store %arg15[%swap3A_266, %swap3A_267], %add3A_265 {strides = array<i32>} : memref<328x16xf32, #tpu.memory_space<vmem>>, vector<16xf32>,
          }
          %scan3A_173 = arith.constant 64 : i32
        }
        %while3A_158 = arith.constant 1 : i32
        scf.for %while3A_159 = %while3A_156 to %while3A_152 step %while3A_158  : i32 {
          %mul3A_160 = arith.constant 64 : i32
          %mul3A_161 = arith.muli %while3A_159, %mul3A_160 : i32
          %dma_start3A = tpu.memref_slice %arg10[%mul3A_161] : memref<4784xi32, #tpu.memory_space<vmem>> -> memref<64xi32, #tpu.memory_space<vmem>>
          %dma_start3A_162 = arith.constant 0 : i32
          %dma_start3A_163 = arith.constant 0 : i32
          %dma_start3A_164 = tpu.memref_slice %arg2[%dma_start3A_162, %dma_start3A_163] : memref<102400x128xf32, #tpu.memory_space<hbm>> -> memref<102400x128xf32, #tpu.memory_space<hbm>>
          tpu.enqueue_indirect_dma source(%dma_start3A_164 : memref<102400x128xf32, #tpu.memory_space<hbm>>) target(%arg12 : memref<64x128xf32, #tpu.memory_space<vmem>>) offsets(%dma_start3A : memref<64xi32, #tpu.memory_space<vmem>>) semaphore(%arg16 : memref<!tpu.dma_semaphore, #tpu.memory_space<semaphore_mem>>)
          %dma_wait3A = tpu.memref_slice %arg10[%mul3A_161] : memref<4784xi32, #tpu.memory_space<vmem>> -> memref<64xi32, #tpu.memory_space<vmem>>
          %dma_wait3A_165 = arith.constant 0 : i32
          %dma_wait3A_166 = arith.constant 0 : i32
          %dma_wait3A_167 = tpu.memref_slice %arg2[%dma_wait3A_165, %dma_wait3A_166] : memref<102400x128xf32, #tpu.memory_space<hbm>> -> memref<102400x128xf32, #tpu.memory_space<hbm>>
          tpu.wait_indirect_dma semaphore(%arg16 : memref<!tpu.dma_semaphore, #tpu.memory_space<semaphore_mem>>) src(%dma_wait3A_167 : memref<102400x128xf32, #tpu.memory_space<hbm>>) dst(%arg12 : memref<64x128xf32, #tpu.memory_space<vmem>>)
          %scan3A_168 = arith.constant 0 : i32
          %scan3A_169 = arith.constant 0 : i32
          %scan3A_170 = arith.constant 64 : i32
          %scan3A_171 = arith.addi %scan3A_169, %scan3A_170 : i32
          %scan3A_172 = arith.constant 1 : i32
          scf.for %scan3A_174 = %scan3A_169 to %scan3A_171 step %scan3A_172  : i32 {
            %add3A_175 = arith.addi %mul3A_161, %scan3A_174 : i32
            %get3A_176 = arith.index_cast %add3A_175 : i32 to index
            %get3A_177 = tpu.vector_load %arg11[%get3A_176] {strides = array<i32>} : memref<4784xi32, #tpu.memory_space<vmem>>, vector<16xi32>,
            %slice3A_178 = vector.extract_strided_slice %get3A_177 {offsets = [0], sizes = [1], strides = [1]} : vector<16xi32> to vector<1xi32>
            %squeeze3A_179 = vector.extract %slice3A_178[0] : i32 from vector<1xi32>
            %get3A_180 = arith.index_cast %squeeze3A_179 : i32 to index
            %get3A_181 = arith.constant 0 : index
            %get3A_182 = tpu.vector_load %arg14[%get3A_180, %get3A_181] {strides = array<i32>} : memref<328x128xf32, #tpu.memory_space<vmem>>, vector<16xf32>,
            %get3A_183 = arith.index_cast %scan3A_174 : i32 to index
            %get3A_184 = arith.constant 0 : index
            %get3A_185 = tpu.vector_load %arg12[%get3A_183, %get3A_184] {strides = array<i32>} : memref<64x128xf32, #tpu.memory_space<vmem>>, vector<16xf32>,
            %add3A_186 = arith.addf %get3A_182, %get3A_185 : vector<16xf32>
            %swap3A_187 = arith.index_cast %squeeze3A_179 : i32 to index
            %swap3A_188 = arith.constant 0 : index
            %swap3A_189 = tpu.vector_load %arg14[%swap3A_187, %swap3A_188] {strides = array<i32>} : memref<328x128xf32, #tpu.memory_space<vmem>>, vector<16xf32>,
            tpu.vector_store %arg14[%swap3A_187, %swap3A_188], %add3A_186 {strides = array<i32>} : memref<328x128xf32, #tpu.memory_space<vmem>>, vector<16xf32>,
            %get3A_190 = arith.index_cast %squeeze3A_179 : i32 to index
            %get3A_191 = arith.constant 16 : index
            %get3A_192 = tpu.vector_load %arg14[%get3A_190, %get3A_191] {strides = array<i32>} : memref<328x128xf32, #tpu.memory_space<vmem>>, vector<16xf32>,
            %get3A_193 = arith.index_cast %scan3A_174 : i32 to index
            %get3A_194 = arith.constant 16 : index
            %get3A_195 = tpu.vector_load %arg12[%get3A_193, %get3A_194] {strides = array<i32>} : memref<64x128xf32, #tpu.memory_space<vmem>>, vector<16xf32>,
            %add3A_196 = arith.addf %get3A_192, %get3A_195 : vector<16xf32>
            %swap3A_197 = arith.index_cast %squeeze3A_179 : i32 to index
            %swap3A_198 = arith.constant 16 : index
            %swap3A_199 = tpu.vector_load %arg14[%swap3A_197, %swap3A_198] {strides = array<i32>} : memref<328x128xf32, #tpu.memory_space<vmem>>, vector<16xf32>,
            tpu.vector_store %arg14[%swap3A_197, %swap3A_198], %add3A_196 {strides = array<i32>} : memref<328x128xf32, #tpu.memory_space<vmem>>, vector<16xf32>,
            %get3A_200 = arith.index_cast %squeeze3A_179 : i32 to index
            %get3A_201 = arith.constant 32 : index
            %get3A_202 = tpu.vector_load %arg14[%get3A_200, %get3A_201] {strides = array<i32>} : memref<328x128xf32, #tpu.memory_space<vmem>>, vector<16xf32>,
            %get3A_203 = arith.index_cast %scan3A_174 : i32 to index
            %get3A_204 = arith.constant 32 : index
            %get3A_205 = tpu.vector_load %arg12[%get3A_203, %get3A_204] {strides = array<i32>} : memref<64x128xf32, #tpu.memory_space<vmem>>, vector<16xf32>,
            %add3A_206 = arith.addf %get3A_202, %get3A_205 : vector<16xf32>
            %swap3A_207 = arith.index_cast %squeeze3A_179 : i32 to index
            %swap3A_208 = arith.constant 32 : index
            %swap3A_209 = tpu.vector_load %arg14[%swap3A_207, %swap3A_208] {strides = array<i32>} : memref<328x128xf32, #tpu.memory_space<vmem>>, vector<16xf32>,
            tpu.vector_store %arg14[%swap3A_207, %swap3A_208], %add3A_206 {strides = array<i32>} : memref<328x128xf32, #tpu.memory_space<vmem>>, vector<16xf32>,
            %get3A_210 = arith.index_cast %squeeze3A_179 : i32 to index
            %get3A_211 = arith.constant 48 : index
            %get3A_212 = tpu.vector_load %arg14[%get3A_210, %get3A_211] {strides = array<i32>} : memref<328x128xf32, #tpu.memory_space<vmem>>, vector<16xf32>,
            %get3A_213 = arith.index_cast %scan3A_174 : i32 to index
            %get3A_214 = arith.constant 48 : index
            %get3A_215 = tpu.vector_load %arg12[%get3A_213, %get3A_214] {strides = array<i32>} : memref<64x128xf32, #tpu.memory_space<vmem>>, vector<16xf32>,
            %add3A_216 = arith.addf %get3A_212, %get3A_215 : vector<16xf32>
            %swap3A_217 = arith.index_cast %squeeze3A_179 : i32 to index
            %swap3A_218 = arith.constant 48 : index
            %swap3A_219 = tpu.vector_load %arg14[%swap3A_217, %swap3A_218] {strides = array<i32>} : memref<328x128xf32, #tpu.memory_space<vmem>>, vector<16xf32>,
            tpu.vector_store %arg14[%swap3A_217, %swap3A_218], %add3A_216 {strides = array<i32>} : memref<328x128xf32, #tpu.memory_space<vmem>>, vector<16xf32>,
            %get3A_220 = arith.index_cast %squeeze3A_179 : i32 to index
            %get3A_221 = arith.constant 64 : index
            %get3A_222 = tpu.vector_load %arg14[%get3A_220, %get3A_221] {strides = array<i32>} : memref<328x128xf32, #tpu.memory_space<vmem>>, vector<16xf32>,
            %get3A_223 = arith.index_cast %scan3A_174 : i32 to index
            %get3A_224 = arith.constant 64 : index
            %get3A_225 = tpu.vector_load %arg12[%get3A_223, %get3A_224] {strides = array<i32>} : memref<64x128xf32, #tpu.memory_space<vmem>>, vector<16xf32>,
            %add3A_226 = arith.addf %get3A_222, %get3A_225 : vector<16xf32>
            %swap3A_227 = arith.index_cast %squeeze3A_179 : i32 to index
            %swap3A_228 = arith.constant 64 : index
            %swap3A_229 = tpu.vector_load %arg14[%swap3A_227, %swap3A_228] {strides = array<i32>} : memref<328x128xf32, #tpu.memory_space<vmem>>, vector<16xf32>,
            tpu.vector_store %arg14[%swap3A_227, %swap3A_228], %add3A_226 {strides = array<i32>} : memref<328x128xf32, #tpu.memory_space<vmem>>, vector<16xf32>,
            %get3A_230 = arith.index_cast %squeeze3A_179 : i32 to index
            %get3A_231 = arith.constant 80 : index
            %get3A_232 = tpu.vector_load %arg14[%get3A_230, %get3A_231] {strides = array<i32>} : memref<328x128xf32, #tpu.memory_space<vmem>>, vector<16xf32>,
            %get3A_233 = arith.index_cast %scan3A_174 : i32 to index
            %get3A_234 = arith.constant 80 : index
            %get3A_235 = tpu.vector_load %arg12[%get3A_233, %get3A_234] {strides = array<i32>} : memref<64x128xf32, #tpu.memory_space<vmem>>, vector<16xf32>,
            %add3A_236 = arith.addf %get3A_232, %get3A_235 : vector<16xf32>
            %swap3A_237 = arith.index_cast %squeeze3A_179 : i32 to index
            %swap3A_238 = arith.constant 80 : index
            %swap3A_239 = tpu.vector_load %arg14[%swap3A_237, %swap3A_238] {strides = array<i32>} : memref<328x128xf32, #tpu.memory_space<vmem>>, vector<16xf32>,
            tpu.vector_store %arg14[%swap3A_237, %swap3A_238], %add3A_236 {strides = array<i32>} : memref<328x128xf32, #tpu.memory_space<vmem>>, vector<16xf32>,
            %get3A_240 = arith.index_cast %squeeze3A_179 : i32 to index
            %get3A_241 = arith.constant 96 : index
            %get3A_242 = tpu.vector_load %arg14[%get3A_240, %get3A_241] {strides = array<i32>} : memref<328x128xf32, #tpu.memory_space<vmem>>, vector<16xf32>,
            %get3A_243 = arith.index_cast %scan3A_174 : i32 to index
            %get3A_244 = arith.constant 96 : index
            %get3A_245 = tpu.vector_load %arg12[%get3A_243, %get3A_244] {strides = array<i32>} : memref<64x128xf32, #tpu.memory_space<vmem>>, vector<16xf32>,
            %add3A_246 = arith.addf %get3A_242, %get3A_245 : vector<16xf32>
            %swap3A_247 = arith.index_cast %squeeze3A_179 : i32 to index
            %swap3A_248 = arith.constant 96 : index
            %swap3A_249 = tpu.vector_load %arg14[%swap3A_247, %swap3A_248] {strides = array<i32>} : memref<328x128xf32, #tpu.memory_space<vmem>>, vector<16xf32>,
            tpu.vector_store %arg14[%swap3A_247, %swap3A_248], %add3A_246 {strides = array<i32>} : memref<328x128xf32, #tpu.memory_space<vmem>>, vector<16xf32>,
            %get3A_250 = arith.index_cast %squeeze3A_179 : i32 to index
            %get3A_251 = arith.constant 112 : index
            %get3A_252 = tpu.vector_load %arg14[%get3A_250, %get3A_251] {strides = array<i32>} : memref<328x128xf32, #tpu.memory_space<vmem>>, vector<16xf32>,
            %get3A_253 = arith.index_cast %scan3A_174 : i32 to index
            %get3A_254 = arith.constant 112 : index
            %get3A_255 = tpu.vector_load %arg12[%get3A_253, %get3A_254] {strides = array<i32>} : memref<64x128xf32, #tpu.memory_space<vmem>>, vector<16xf32>,
            %add3A_256 = arith.addf %get3A_252, %get3A_255 : vector<16xf32>
            %swap3A_257 = arith.index_cast %squeeze3A_179 : i32 to index
            %swap3A_258 = arith.constant 112 : index
            %swap3A_259 = tpu.vector_load %arg14[%swap3A_257, %swap3A_258] {strides = array<i32>} : memref<328x128xf32, #tpu.memory_space<vmem>>, vector<16xf32>,
            tpu.vector_store %arg14[%swap3A_257, %swap3A_258], %add3A_256 {strides = array<i32>} : memref<328x128xf32, #tpu.memory_space<vmem>>, vector<16xf32>,
            %get3A_260 = arith.index_cast %squeeze3A_179 : i32 to index
            %get3A_261 = arith.constant 0 : index
            %get3A_262 = tpu.vector_load %arg15[%get3A_260, %get3A_261] {strides = array<i32>} : memref<328x16xf32, #tpu.memory_space<vmem>>, vector<16xf32>,
            %broadcast_in_dim3A_263 = arith.constant 1.000000e+00 : f32
            %broadcast_in_dim3A_264 = vector.broadcast %broadcast_in_dim3A_263 : f32 to vector<16xf32>
            %add3A_265 = arith.addf %get3A_262, %broadcast_in_dim3A_264 : vector<16xf32>
            %swap3A_266 = arith.index_cast %squeeze3A_179 : i32 to index
            %swap3A_267 = arith.constant 0 : index
            %swap3A_268 = tpu.vector_load %arg15[%swap3A_266, %swap3A_267] {strides = array<i32>} : memref<328x16xf32, #tpu.memory_space<vmem>>, vector<16xf32>,
            tpu.vector_store %arg15[%swap3A_266, %swap3A_267], %add3A_265 {strides = array<i32>} : memref<328x16xf32, #tpu.memory_space<vmem>>, vector<16xf32>,
          }
          %scan3A_173 = arith.constant 64 : i32
        }
      }
      "tpu.region"() ({
        %run_scoped3A = tpu.sem_alloc : memref<!tpu.dma_semaphore, #tpu.memory_space<semaphore_mem>>
        %dma_start3A = arith.constant 0 : i32
        %dma_start3A_52 = arith.constant 0 : i32
        %dma_start3A_53 = tpu.memref_slice %arg14[%dma_start3A, %dma_start3A_52] : memref<328x128xf32, #tpu.memory_space<vmem>> -> memref<320x128xf32, #tpu.memory_space<vmem>>
        %dma_start3A_54 = arith.constant 0 : i32
        %dma_start3A_55 = tpu.memref_slice %arg6[%add3A_36, %dma_start3A_54] : memref<102400x128xf32, #tpu.memory_space<hbm>> -> memref<320x128xf32, #tpu.memory_space<hbm>>
        %dma_start3A_56 = arith.constant 0 : i32
        %dma_start3A_57 = tpu.memref_slice %arg6[%add3A_36, %dma_start3A_56] : memref<102400x128xf32, #tpu.memory_space<hbm>> -> memref<320x128xf32, #tpu.memory_space<hbm>>
        %dma_start3A_58 = arith.constant 0 : i32
        %dma_start3A_59 = arith.constant 0 : i32
        %dma_start3A_60 = tpu.memref_slice %arg14[%dma_start3A_58, %dma_start3A_59] : memref<328x128xf32, #tpu.memory_space<vmem>> -> memref<320x128xf32, #tpu.memory_space<vmem>>
        tpu.enqueue_dma source(%dma_start3A_60 : memref<320x128xf32, #tpu.memory_space<vmem>>) target(%dma_start3A_57 : memref<320x128xf32, #tpu.memory_space<hbm>>) target_semaphore(%run_scoped3A : memref<!tpu.dma_semaphore, #tpu.memory_space<semaphore_mem>>)
        %dma_wait3A = arith.constant 0 : i32
        %dma_wait3A_61 = arith.constant 0 : i32
        %dma_wait3A_62 = tpu.memref_slice %arg14[%dma_wait3A, %dma_wait3A_61] : memref<328x128xf32, #tpu.memory_space<vmem>> -> memref<320x128xf32, #tpu.memory_space<vmem>>
        %dma_wait3A_63 = arith.constant 0 : i32
        %dma_wait3A_64 = tpu.memref_slice %arg6[%add3A_36, %dma_wait3A_63] : memref<102400x128xf32, #tpu.memory_space<hbm>> -> memref<320x128xf32, #tpu.memory_space<hbm>>
        %dma_wait3A_65 = arith.constant 0 : i32
        %dma_wait3A_66 = tpu.memref_slice %arg6[%add3A_36, %dma_wait3A_65] : memref<102400x128xf32, #tpu.memory_space<hbm>> -> memref<320x128xf32, #tpu.memory_space<hbm>>
        %dma_wait3A_67 = arith.constant 0 : i32
        %dma_wait3A_68 = arith.constant 0 : i32
        %dma_wait3A_69 = tpu.memref_slice %arg14[%dma_wait3A_67, %dma_wait3A_68] : memref<328x128xf32, #tpu.memory_space<vmem>> -> memref<320x128xf32, #tpu.memory_space<vmem>>
        tpu.wait_dma2 semaphore(%run_scoped3A : memref<!tpu.dma_semaphore, #tpu.memory_space<semaphore_mem>>) src(%dma_wait3A_69 : memref<320x128xf32, #tpu.memory_space<vmem>>) dst(%dma_wait3A_66 : memref<320x128xf32, #tpu.memory_space<hbm>>)
        tpu.yield
      }) : () -> ()
      "tpu.region"() ({
        %run_scoped3A = tpu.sem_alloc : memref<!tpu.dma_semaphore, #tpu.memory_space<semaphore_mem>>
        %dma_start3A = arith.constant 0 : i32
        %dma_start3A_52 = arith.constant 0 : i32
        %dma_start3A_53 = tpu.memref_slice %arg15[%dma_start3A, %dma_start3A_52] : memref<328x16xf32, #tpu.memory_space<vmem>> -> memref<320x16xf32, #tpu.memory_space<vmem>>
        %dma_start3A_54 = arith.constant 0 : i32
        %dma_start3A_55 = tpu.memref_slice %arg7[%add3A_36, %dma_start3A_54] : memref<102400x16xf32, #tpu.memory_space<hbm>> -> memref<320x16xf32, #tpu.memory_space<hbm>>
        %dma_start3A_56 = arith.constant 0 : i32
        %dma_start3A_57 = tpu.memref_slice %arg7[%add3A_36, %dma_start3A_56] : memref<102400x16xf32, #tpu.memory_space<hbm>> -> memref<320x16xf32, #tpu.memory_space<hbm>>
        %dma_start3A_58 = arith.constant 0 : i32
        %dma_start3A_59 = arith.constant 0 : i32
        %dma_start3A_60 = tpu.memref_slice %arg15[%dma_start3A_58, %dma_start3A_59] : memref<328x16xf32, #tpu.memory_space<vmem>> -> memref<320x16xf32, #tpu.memory_space<vmem>>
        tpu.enqueue_dma source(%dma_start3A_60 : memref<320x16xf32, #tpu.memory_space<vmem>>) target(%dma_start3A_57 : memref<320x16xf32, #tpu.memory_space<hbm>>) target_semaphore(%run_scoped3A : memref<!tpu.dma_semaphore, #tpu.memory_space<semaphore_mem>>)
        %dma_wait3A = arith.constant 0 : i32
        %dma_wait3A_61 = arith.constant 0 : i32
        %dma_wait3A_62 = tpu.memref_slice %arg15[%dma_wait3A, %dma_wait3A_61] : memref<328x16xf32, #tpu.memory_space<vmem>> -> memref<320x16xf32, #tpu.memory_space<vmem>>
        %dma_wait3A_63 = arith.constant 0 : i32
        %dma_wait3A_64 = tpu.memref_slice %arg7[%add3A_36, %dma_wait3A_63] : memref<102400x16xf32, #tpu.memory_space<hbm>> -> memref<320x16xf32, #tpu.memory_space<hbm>>
        %dma_wait3A_65 = arith.constant 0 : i32
        %dma_wait3A_66 = tpu.memref_slice %arg7[%add3A_36, %dma_wait3A_65] : memref<102400x16xf32, #tpu.memory_space<hbm>> -> memref<320x16xf32, #tpu.memory_space<hbm>>
        %dma_wait3A_67 = arith.constant 0 : i32
        %dma_wait3A_68 = arith.constant 0 : i32
        %dma_wait3A_69 = tpu.memref_slice %arg15[%dma_wait3A_67, %dma_wait3A_68] : memref<328x16xf32, #tpu.memory_space<vmem>> -> memref<320x16xf32, #tpu.memory_space<vmem>>
        tpu.wait_dma2 semaphore(%run_scoped3A : memref<!tpu.dma_semaphore, #tpu.memory_space<semaphore_mem>>) src(%dma_wait3A_69 : memref<320x16xf32, #tpu.memory_space<vmem>>) dst(%dma_wait3A_66 : memref<320x16xf32, #tpu.memory_space<hbm>>)
        tpu.yield
      }) : () -> ()
    }
    %scan3A_30 = arith.constant 10 : i32
    return
  }
}

module attributes {stable_mosaic.version = 14 : i64} {
  func.func @_k0_body(%arg0: i32, %arg1: memref<128x64xf32, #tpu.memory_space<vmem>>, %arg2: memref<1x128x64xf32, #tpu.memory_space<vmem>>, %arg3: memref<1x128x128xf32, #tpu.memory_space<vmem>>) attributes {dimension_semantics = [#tpu.dimension_semantics<arbitrary>], iteration_bounds = array<i64: 9>, scalar_prefetch = 0 : i64, scratch_operands = 0 : i64, tpu.core_type = #tpu.core_type<tc>, window_params = [{pipeline_mode = #tpu.pipeline_mode<synchronous>, transform_indices = @transform_0, window_bounds = array<i64: 128, 64>}, {transform_indices = @transform_1, window_bounds = array<i64: 1, 128, 64>}, {transform_indices = @transform_2, window_bounds = array<i64: 1, 128, 128>}]} {
    %get3A = arith.constant 0 : index
    %get3A_0 = arith.constant 0 : index
    %get3A_1 = vector.load %arg1[%get3A, %get3A_0] : memref<128x64xf32, #tpu.memory_space<vmem>>, vector<128x64xf32>
    %get3A_2 = arith.constant 0 : index
    %get3A_3 = arith.constant 0 : index
    %get3A_4 = arith.constant 0 : index
    %get3A_5 = vector.load %arg2[%get3A_2, %get3A_3, %get3A_4] : memref<1x128x64xf32, #tpu.memory_space<vmem>>, vector<1x128x64xf32>
    %get3A_6 = vector.shape_cast %get3A_5 : vector<1x128x64xf32> to vector<128x64xf32>
    %dot_general3A = arith.constant dense<0.000000e+00> : vector<128x128xf32>
    %dot_general3A_7 = tpu.matmul %get3A_1, %get3A_6, %dot_general3A {dimension_numbers = #tpu.dot_dimension_numbers<[1], [1], [0], [0], [0, 0, 1, 0], [], []>, transpose_lhs_hint = false} : vector<128x64xf32>, vector<128x64xf32>, vector<128x128xf32> -> vector<128x128xf32>
    %swap3A = arith.constant 0 : index
    %swap3A_8 = arith.constant 0 : index
    %swap3A_9 = arith.constant 0 : index
    %swap3A_10 = vector.load %arg3[%swap3A, %swap3A_8, %swap3A_9] : memref<1x128x128xf32, #tpu.memory_space<vmem>>, vector<1x128x128xf32>
    %swap3A_11 = vector.shape_cast %swap3A_10 : vector<1x128x128xf32> to vector<128x128xf32>
    %swap3A_12 = vector.shape_cast %dot_general3A_7 : vector<128x128xf32> to vector<1x128x128xf32>
    tpu.vector_store %arg3[%swap3A, %swap3A_8, %swap3A_9], %swap3A_12 {strides = array<i32>} : memref<1x128x128xf32, #tpu.memory_space<vmem>>, vector<1x128x128xf32>,
    return
  }
  func.func @transform_0(%arg0: i32) -> (i32, i32) {
    %c0_i32 = arith.constant 0 : i32
    %c0_i32_0 = arith.constant 0 : i32
    %c0_i32_1 = arith.constant 0 : i32
    return %c0_i32, %c0_i32_0 : i32, i32
  }
  func.func @transform_1(%arg0: i32) -> (i32, i32, i32) {
    %c0_i32 = arith.constant 0 : i32
    %c0_i32_0 = arith.constant 0 : i32
    %c0_i32_1 = arith.constant 0 : i32
    return %arg0, %c0_i32, %c0_i32_0 : i32, i32, i32
  }
  func.func @transform_2(%arg0: i32) -> (i32, i32, i32) {
    %c0_i32 = arith.constant 0 : i32
    %c0_i32_0 = arith.constant 0 : i32
    %c0_i32_1 = arith.constant 0 : i32
    return %arg0, %c0_i32, %c0_i32_0 : i32, i32, i32
  }
}

module attributes {stable_mosaic.version = 14 : i64} {
  func.func @_k1_body(%arg0: i32, %arg1: i32, %arg2: memref<1x1x512xi32, #tpu.memory_space<vmem>>, %arg3: memref<1x1x512xi32, #tpu.memory_space<vmem>>, %arg4: memref<1x1x512xi32, #tpu.memory_space<vmem>>, %arg5: memref<3x128x128xf32, #tpu.memory_space<vmem>>, %arg6: memref<1x512x128xf32, #tpu.memory_space<vmem>>) attributes {dimension_semantics = [#tpu.dimension_semantics<arbitrary>, #tpu.dimension_semantics<arbitrary>], iteration_bounds = array<i64: 3, 98>, scalar_prefetch = 0 : i64, scratch_operands = 0 : i64, tpu.core_type = #tpu.core_type<tc>, window_params = [{transform_indices = @transform_0, window_bounds = array<i64: 1, 1, 512>}, {transform_indices = @transform_1, window_bounds = array<i64: 1, 1, 512>}, {transform_indices = @transform_2, window_bounds = array<i64: 1, 1, 512>}, {transform_indices = @transform_3, window_bounds = array<i64: 3, 128, 128>}, {transform_indices = @transform_4, window_bounds = array<i64: 1, 512, 128>}]} {
    %broadcast_in_dim3A = arith.constant 0.000000e+00 : f32
    %broadcast_in_dim3A_0 = vector.broadcast %broadcast_in_dim3A : f32 to vector<512x128xf32>
    %get3A = arith.constant 0 : index
    %get3A_1 = arith.constant 0 : index
    %get3A_2 = arith.constant 0 : index
    %get3A_3 = vector.load %arg2[%get3A, %get3A_1, %get3A_2] : memref<1x1x512xi32, #tpu.memory_space<vmem>>, vector<1x1x512xi32>
    %get3A_4 = vector.shape_cast %get3A_3 : vector<1x1x512xi32> to vector<512xi32>
    %iota3A = tpu.iota {dimensions = array<i32: 0>} : vector<128x512xi32>
    %broadcast_in_dim3A_5 = vector.shape_cast %get3A_4 : vector<512xi32> to vector<1x512xi32>
    %eq3A = vector.broadcast %broadcast_in_dim3A_5 : vector<1x512xi32> to vector<128x512xi32>
    %eq3A_6 = arith.cmpi eq, %iota3A, %eq3A : vector<128x512xi32>
    %convert_element_type3A = arith.extui %eq3A_6 : vector<128x512xi1> to vector<128x512xi32>
    %convert_element_type3A_7 = arith.sitofp %convert_element_type3A : vector<128x512xi32> to vector<128x512xf32>
    %get3A_8 = arith.constant 0 : index
    %get3A_9 = arith.constant 0 : index
    %get3A_10 = arith.constant 0 : index
    %get3A_11 = vector.load %arg5[%get3A_8, %get3A_9, %get3A_10] : memref<3x128x128xf32, #tpu.memory_space<vmem>>, vector<1x128x128xf32>
    %get3A_12 = vector.shape_cast %get3A_11 : vector<1x128x128xf32> to vector<128x128xf32>
    %dot_general3A = arith.constant dense<0.000000e+00> : vector<512x128xf32>
    %dot_general3A_13 = tpu.matmul %convert_element_type3A_7, %get3A_12, %dot_general3A {dimension_numbers = #tpu.dot_dimension_numbers<[0], [0], [1], [1], [0, 1, 1, 1], [], []>, transpose_lhs_hint = false} : vector<128x512xf32>, vector<128x128xf32>, vector<512x128xf32> -> vector<512x128xf32>
    %add3A = arith.addf %broadcast_in_dim3A_0, %dot_general3A_13 : vector<512x128xf32>
    %get3A_14 = arith.constant 0 : index
    %get3A_15 = arith.constant 0 : index
    %get3A_16 = arith.constant 0 : index
    %get3A_17 = vector.load %arg3[%get3A_14, %get3A_15, %get3A_16] : memref<1x1x512xi32, #tpu.memory_space<vmem>>, vector<1x1x512xi32>
    %get3A_18 = vector.shape_cast %get3A_17 : vector<1x1x512xi32> to vector<512xi32>
    %iota3A_19 = tpu.iota {dimensions = array<i32: 0>} : vector<128x512xi32>
    %broadcast_in_dim3A_20 = vector.shape_cast %get3A_18 : vector<512xi32> to vector<1x512xi32>
    %eq3A_21 = vector.broadcast %broadcast_in_dim3A_20 : vector<1x512xi32> to vector<128x512xi32>
    %eq3A_22 = arith.cmpi eq, %iota3A_19, %eq3A_21 : vector<128x512xi32>
    %convert_element_type3A_23 = arith.extui %eq3A_22 : vector<128x512xi1> to vector<128x512xi32>
    %convert_element_type3A_24 = arith.sitofp %convert_element_type3A_23 : vector<128x512xi32> to vector<128x512xf32>
    %get3A_25 = arith.constant 1 : index
    %get3A_26 = arith.constant 0 : index
    %get3A_27 = arith.constant 0 : index
    %get3A_28 = vector.load %arg5[%get3A_25, %get3A_26, %get3A_27] : memref<3x128x128xf32, #tpu.memory_space<vmem>>, vector<1x128x128xf32>
    %get3A_29 = vector.shape_cast %get3A_28 : vector<1x128x128xf32> to vector<128x128xf32>
    %dot_general3A_30 = arith.constant dense<0.000000e+00> : vector<512x128xf32>
    %dot_general3A_31 = tpu.matmul %convert_element_type3A_24, %get3A_29, %dot_general3A_30 {dimension_numbers = #tpu.dot_dimension_numbers<[0], [0], [1], [1], [0, 1, 1, 1], [], []>, transpose_lhs_hint = false} : vector<128x512xf32>, vector<128x128xf32>, vector<512x128xf32> -> vector<512x128xf32>
    %add3A_32 = arith.addf %add3A, %dot_general3A_31 : vector<512x128xf32>
    %get3A_33 = arith.constant 0 : index
    %get3A_34 = arith.constant 0 : index
    %get3A_35 = arith.constant 0 : index
    %get3A_36 = vector.load %arg4[%get3A_33, %get3A_34, %get3A_35] : memref<1x1x512xi32, #tpu.memory_space<vmem>>, vector<1x1x512xi32>
    %get3A_37 = vector.shape_cast %get3A_36 : vector<1x1x512xi32> to vector<512xi32>
    %iota3A_38 = tpu.iota {dimensions = array<i32: 0>} : vector<128x512xi32>
    %broadcast_in_dim3A_39 = vector.shape_cast %get3A_37 : vector<512xi32> to vector<1x512xi32>
    %eq3A_40 = vector.broadcast %broadcast_in_dim3A_39 : vector<1x512xi32> to vector<128x512xi32>
    %eq3A_41 = arith.cmpi eq, %iota3A_38, %eq3A_40 : vector<128x512xi32>
    %convert_element_type3A_42 = arith.extui %eq3A_41 : vector<128x512xi1> to vector<128x512xi32>
    %convert_element_type3A_43 = arith.sitofp %convert_element_type3A_42 : vector<128x512xi32> to vector<128x512xf32>
    %get3A_44 = arith.constant 2 : index
    %get3A_45 = arith.constant 0 : index
    %get3A_46 = arith.constant 0 : index
    %get3A_47 = vector.load %arg5[%get3A_44, %get3A_45, %get3A_46] : memref<3x128x128xf32, #tpu.memory_space<vmem>>, vector<1x128x128xf32>
    %get3A_48 = vector.shape_cast %get3A_47 : vector<1x128x128xf32> to vector<128x128xf32>
    %dot_general3A_49 = arith.constant dense<0.000000e+00> : vector<512x128xf32>
    %dot_general3A_50 = tpu.matmul %convert_element_type3A_43, %get3A_48, %dot_general3A_49 {dimension_numbers = #tpu.dot_dimension_numbers<[0], [0], [1], [1], [0, 1, 1, 1], [], []>, transpose_lhs_hint = false} : vector<128x512xf32>, vector<128x128xf32>, vector<512x128xf32> -> vector<512x128xf32>
    %add3A_51 = arith.addf %add3A_32, %dot_general3A_50 : vector<512x128xf32>
    %swap3A = arith.constant 0 : index
    %swap3A_52 = arith.constant 0 : index
    %swap3A_53 = arith.constant 0 : index
    %swap3A_54 = vector.load %arg6[%swap3A, %swap3A_52, %swap3A_53] : memref<1x512x128xf32, #tpu.memory_space<vmem>>, vector<1x512x128xf32>
    %swap3A_55 = vector.shape_cast %swap3A_54 : vector<1x512x128xf32> to vector<512x128xf32>
    %swap3A_56 = vector.shape_cast %add3A_51 : vector<512x128xf32> to vector<1x512x128xf32>
    tpu.vector_store %arg6[%swap3A, %swap3A_52, %swap3A_53], %swap3A_56 {strides = array<i32>} : memref<1x512x128xf32, #tpu.memory_space<vmem>>, vector<1x512x128xf32>,
    return
  }
  func.func @transform_0(%arg0: i32, %arg1: i32) -> (i32, i32, i32) {
    %c0_i32 = arith.constant 0 : i32
    %c0_i32_0 = arith.constant 0 : i32
    %c0_i32_1 = arith.constant 0 : i32
    return %arg1, %c0_i32, %c0_i32_0 : i32, i32, i32
  }
  func.func @transform_1(%arg0: i32, %arg1: i32) -> (i32, i32, i32) {
    %c0_i32 = arith.constant 0 : i32
    %c0_i32_0 = arith.constant 0 : i32
    %c0_i32_1 = arith.constant 0 : i32
    return %arg1, %c0_i32, %c0_i32_0 : i32, i32, i32
  }
  func.func @transform_2(%arg0: i32, %arg1: i32) -> (i32, i32, i32) {
    %c0_i32 = arith.constant 0 : i32
    %c0_i32_0 = arith.constant 0 : i32
    %c0_i32_1 = arith.constant 0 : i32
    return %arg1, %c0_i32, %c0_i32_0 : i32, i32, i32
  }
  func.func @transform_3(%arg0: i32, %arg1: i32) -> (i32, i32, i32) {
    %c0_i32 = arith.constant 0 : i32
    %c0_i32_0 = arith.constant 0 : i32
    %c0_i32_1 = arith.constant 0 : i32
    return %arg0, %c0_i32, %c0_i32_0 : i32, i32, i32
  }
  func.func @transform_4(%arg0: i32, %arg1: i32) -> (i32, i32, i32) {
    %c0_i32 = arith.constant 0 : i32
    %c0_i32_0 = arith.constant 0 : i32
    return %arg0, %arg1, %c0_i32 : i32, i32, i32
  }
}

module attributes {stable_mosaic.version = 14 : i64} {
  func.func @_k4_body(%arg0: i32, %arg1: memref<512x128xf32, #tpu.memory_space<vmem>>, %arg2: memref<512x128xf32, #tpu.memory_space<vmem>>, %arg3: memref<512x16xf32, #tpu.memory_space<vmem>>, %arg4: memref<128x128xf32, #tpu.memory_space<vmem>>, %arg5: memref<128x128xf32, #tpu.memory_space<vmem>>, %arg6: memref<1x128xf32, #tpu.memory_space<vmem>>, %arg7: memref<512x128xf32, #tpu.memory_space<vmem>>) attributes {dimension_semantics = [#tpu.dimension_semantics<arbitrary>], iteration_bounds = array<i64: 200>, scalar_prefetch = 0 : i64, scratch_operands = 0 : i64, tpu.core_type = #tpu.core_type<tc>, window_params = [{transform_indices = @transform_0, window_bounds = array<i64: 512, 128>}, {transform_indices = @transform_1, window_bounds = array<i64: 512, 128>}, {transform_indices = @transform_2, window_bounds = array<i64: 512, 16>}, {pipeline_mode = #tpu.pipeline_mode<synchronous>, transform_indices = @transform_3, window_bounds = array<i64: 128, 128>}, {pipeline_mode = #tpu.pipeline_mode<synchronous>, transform_indices = @transform_4, window_bounds = array<i64: 128, 128>}, {pipeline_mode = #tpu.pipeline_mode<synchronous>, transform_indices = @transform_5, window_bounds = array<i64: 1, 128>}, {transform_indices = @transform_6, window_bounds = array<i64: 512, 128>}]} {
    %get3A = arith.constant 0 : index
    %get3A_0 = arith.constant 0 : index
    %get3A_1 = vector.load %arg3[%get3A, %get3A_0] : memref<512x16xf32, #tpu.memory_space<vmem>>, vector<512x1xf32>
    %max3A = arith.constant 1.000000e+00 : f32
    %max3A_2 = vector.broadcast %max3A : f32 to vector<512x1xf32>
    %max3A_3 = arith.maximumf %get3A_1, %max3A_2 : vector<512x1xf32>
    %div3A = arith.constant 1.000000e+00 : f32
    %div3A_4 = vector.broadcast %div3A : f32 to vector<512x1xf32>
    %div3A_5 = arith.divf %div3A_4, %max3A_3 : vector<512x1xf32>
    %get3A_6 = arith.constant 0 : index
    %get3A_7 = arith.constant 0 : index
    %get3A_8 = vector.load %arg1[%get3A_6, %get3A_7] : memref<512x128xf32, #tpu.memory_space<vmem>>, vector<512x128xf32>
    %mul3A = vector.broadcast %div3A_5 : vector<512x1xf32> to vector<512x128xf32>
    %mul3A_9 = arith.mulf %get3A_8, %mul3A : vector<512x128xf32>
    %get3A_10 = arith.constant 0 : index
    %get3A_11 = arith.constant 0 : index
    %get3A_12 = vector.load %arg4[%get3A_10, %get3A_11] : memref<128x128xf32, #tpu.memory_space<vmem>>, vector<128x128xf32>
    %dot_general3A = arith.constant dense<0.000000e+00> : vector<512x128xf32>
    %dot_general3A_13 = tpu.matmul %mul3A_9, %get3A_12, %dot_general3A {dimension_numbers = #tpu.dot_dimension_numbers<[1], [0], [0], [1], [0, 0, 1, 1], [], []>, transpose_lhs_hint = false} : vector<512x128xf32>, vector<128x128xf32>, vector<512x128xf32> -> vector<512x128xf32>
    %get3A_14 = arith.constant 0 : index
    %get3A_15 = arith.constant 0 : index
    %get3A_16 = vector.load %arg2[%get3A_14, %get3A_15] : memref<512x128xf32, #tpu.memory_space<vmem>>, vector<512x128xf32>
    %get3A_17 = arith.constant 0 : index
    %get3A_18 = arith.constant 0 : index
    %get3A_19 = vector.load %arg5[%get3A_17, %get3A_18] : memref<128x128xf32, #tpu.memory_space<vmem>>, vector<128x128xf32>
    %dot_general3A_20 = arith.constant dense<0.000000e+00> : vector<512x128xf32>
    %dot_general3A_21 = tpu.matmul %get3A_16, %get3A_19, %dot_general3A_20 {dimension_numbers = #tpu.dot_dimension_numbers<[1], [0], [0], [1], [0, 0, 1, 1], [], []>, transpose_lhs_hint = false} : vector<512x128xf32>, vector<128x128xf32>, vector<512x128xf32> -> vector<512x128xf32>
    %add3A = arith.addf %dot_general3A_13, %dot_general3A_21 : vector<512x128xf32>
    %get3A_22 = arith.constant 0 : index
    %get3A_23 = arith.constant 0 : index
    %get3A_24 = vector.load %arg6[%get3A_22, %get3A_23] : memref<1x128xf32, #tpu.memory_space<vmem>>, vector<1x128xf32>
    %add3A_25 = vector.broadcast %get3A_24 : vector<1x128xf32> to vector<512x128xf32>
    %add3A_26 = arith.addf %add3A, %add3A_25 : vector<512x128xf32>
    %mul3A_27 = arith.constant 512 : i32
    %mul3A_28 = arith.muli %arg0, %mul3A_27 : i32
    %iota3A = tpu.iota {dimensions = array<i32: 0>} : vector<512x128xi32>
    %add3A_29 = vector.broadcast %mul3A_28 : i32 to vector<512x128xi32>
    %add3A_30 = arith.addi %add3A_29, %iota3A : vector<512x128xi32>
    %lt3A = arith.constant 100000 : i32
    %lt3A_31 = vector.broadcast %lt3A : i32 to vector<512x128xi32>
    %lt3A_32 = arith.cmpi slt, %add3A_30, %lt3A_31 : vector<512x128xi32>
    %jit3A = arith.constant 0.000000e+00 : f32
    %broadcast_in_dim3A = vector.broadcast %jit3A : f32 to vector<512x128xf32>
    %select_n3A = arith.select %lt3A_32, %add3A_26, %broadcast_in_dim3A : vector<512x128xi1>, vector<512x128xf32>
    %swap3A = arith.constant 0 : index
    %swap3A_33 = arith.constant 0 : index
    %swap3A_34 = vector.load %arg7[%swap3A, %swap3A_33] : memref<512x128xf32, #tpu.memory_space<vmem>>, vector<512x128xf32>
    tpu.vector_store %arg7[%swap3A, %swap3A_33], %select_n3A {strides = array<i32>} : memref<512x128xf32, #tpu.memory_space<vmem>>, vector<512x128xf32>,
    return
  }
  func.func @transform_0(%arg0: i32) -> (i32, i32) {
    %c0_i32 = arith.constant 0 : i32
    %c0_i32_0 = arith.constant 0 : i32
    return %arg0, %c0_i32 : i32, i32
  }
  func.func @transform_1(%arg0: i32) -> (i32, i32) {
    %c0_i32 = arith.constant 0 : i32
    %c0_i32_0 = arith.constant 0 : i32
    return %arg0, %c0_i32 : i32, i32
  }
  func.func @transform_2(%arg0: i32) -> (i32, i32) {
    %c0_i32 = arith.constant 0 : i32
    %c0_i32_0 = arith.constant 0 : i32
    return %arg0, %c0_i32 : i32, i32
  }
  func.func @transform_3(%arg0: i32) -> (i32, i32) {
    %c0_i32 = arith.constant 0 : i32
    %c0_i32_0 = arith.constant 0 : i32
    %c0_i32_1 = arith.constant 0 : i32
    return %c0_i32, %c0_i32_0 : i32, i32
  }
  func.func @transform_4(%arg0: i32) -> (i32, i32) {
    %c0_i32 = arith.constant 0 : i32
    %c0_i32_0 = arith.constant 0 : i32
    %c0_i32_1 = arith.constant 0 : i32
    return %c0_i32, %c0_i32_0 : i32, i32
  }
  func.func @transform_5(%arg0: i32) -> (i32, i32) {
    %c0_i32 = arith.constant 0 : i32
    %c0_i32_0 = arith.constant 0 : i32
    %c0_i32_1 = arith.constant 0 : i32
    return %c0_i32, %c0_i32_0 : i32, i32
  }
  func.func @transform_6(%arg0: i32) -> (i32, i32) {
    %c0_i32 = arith.constant 0 : i32
    %c0_i32_0 = arith.constant 0 : i32
    return %arg0, %c0_i32 : i32, i32
  }
}

</mosaic_0001>

<sc_bundles>
// kernel: kernel.10.cloned.1.call-start
scs
__scs_entry_jumppad:
0x0: {  	(pc) =	sbr.rel $0x88, $3  }
0x1: {  	(tag) =	ssettag $0x0;
	lr =	simm.s32 $0x1  }
0x2: {  	[smem:$0x3F95] =	sst lr;
	_ =	strace $0xD0000000  }
0x3: {  	_ = 	snop  }
0x4: {  	_ = 	snop  }
0x5: {  	_ = 	snop  }
0x6: {  	_ = 	snop  }
0x7: {  	_ = 	snop  }
__scs_overlays_trampoline_lowered:
0x8: {  	[smem:$0x3FA4] =	sst s0  }
0x9: {  	[smem:$0x3FA5] =	sst s1  }
0xa: {  	[smem:$0x3FA6] =	sst s2  }
0xb: {  	[smem:$0x3FA7] =	sst s3  }
0xc: {  	[smem:$0x3FA8] =	sst s4  }
0xd: {  	[smem:$0x3FA9] =	sst s5  }
0xe: {  	[smem:$0x3FAA] =	sst s6  }
0xf: {  	[smem:$0x3FAB] =	sst s7  }
0x10: {  	[smem:$0x3FAC] =	sst s8  }
0x11: {  	[smem:$0x3FAD] =	sst s9;
	s0 =	simm.s32 @!p0 $0x0  }
0x12: {  	s1 =	sld [smem:$0x3F93];
	s0 =	simm.s32 @p0 $0x1  }
0x13: {  	[smem:$0x3FAE] =	sst s0;
	s0 =	simm.s32 @!p1 $0x0  }
0x14: {  	s2 =	sld [smem:$0x3F92];
	s0 =	simm.s32 @p1 $0x1  }
0x15: {  	[smem:$0x3FAF] =	sst s0;
	s0 =	simm.s32 @!p2 $0x0  }
0x16: {  	s3 =	sld [smem:$0x3FDB];
	s0 =	simm.s32 @p2 $0x1  }
0x17: {  	s4 =	simm.s32 $0x1BF5;
	[smem:$0x3FB1] =	sst s0  }
0x18: {  	s0 =	sld [smem:$0x3F94];
	_ =	swait.ge [sflag:s4], $0x0  }
0x19: {  	s7 =	sld [smem:$0x3F95]  }
0x1a: {  	s8 =	sadd.s32 $0xFFFFE003, lr  }
0x1b: {  	s9 =	sadd.s32 $0xFFFFFEF7, lr;
	s5 =	simm.s32 $0xFFFFFFFF;
	p2 =	slt.u32 s8, $0xFFFFF086  }
0x1c: {  	p1 =	slt.u32 s9, $0xF7A;
	s5 =	simm.s32 @!p2 $0x0  }
0x1d: {  	s5 =	simm.s32 @p1 $0x1;
	p0 =	seq.s32 s7, s2  }
0x1e: {  	s7 =	smul.u32 @!p0 $0xF7A, s2;
	p2 =	seq.s32 @!p0 s5, $0x0  }
0x1f: {  	s9 =	smul.u32 $0xF7A, s1;
	s8 =	simm.s32 @!p0 $0x1BF5;
	p2 =	por !p2, p0  }
0x20: {  	[sflag:s8] =	ssyncset.s32 @!p0 $0xFFFFF086;
	s6 =	sadd.s32 @!p0 s3, s7;
	s7 =	simm.s32 @!p0 $0x108  }
0x21: {  	s3 =	sadd.s32 s3, s9;
	s6 =	sadd.s32 @!p0 $0x88, s6;
	s7 =	simm.s32 @p2 $0x1082  }
0x22: {  	[simem:s7], [sflag:s8] =	dma.local @!p0 [hbm:s6], $0xF7A  }
0x23: {  	s9 =	sor.u32 $0xD0000000, s2;
	s6 =	simm.s32 $0x108;
	_ =	swait.ge @!p0 [sflag:s8], $0x0  }
0x24: {  	s3 =	sadd.s32 $0x88, s3;
	s6 =	simm.s32 @!p1 $0x1082;
	[sflag:s4] =	ssyncset.s32 $0xFFFFF086  }
0x25: {  	[simem:s6], [sflag:s4] =	dma.local [hbm:s3], $0xF7A  }
0x26: {  	[smem:$0x3F95] =	sst s1;
	(tag) =	ssettag s2;
	_ =	strace s9  }
0x27: {  	s1 =	sld [smem:$0x3FA5]  }
0x28: {  	s2 =	sld [smem:$0x3FA6]  }
0x29: {  	s4 =	sld [smem:$0x3FA8]  }
0x2a: {  	p0 =	seq.s32 s5, $0x0;
	s5 =	sld [smem:$0x3FA9]  }
0x2b: {  	s6 =	sld [smem:$0x3FAA]  }
0x2c: {  	s7 =	sld [smem:$0x3FAB]  }
0x2d: {  	s3 =	simm.s32 $0x108;
	s8 =	sld [smem:$0x3FAC]  }
0x2e: {  	s3 =	simm.s32 @!p0 $0x1082;
	s9 =	sld [smem:$0x3FAD]  }
0x2f: {  	lr =	sadd.s32 s0, s3;
	s0 =	sld [smem:$0x3FA4]  }
0x30: {  	s3 =	sld [smem:$0x3FA7]  }
0x31: {  	[smem:$0x3FB0] =	sst s10  }
0x32: {  	s10 =	sld [smem:$0x3FAE];
	_ =	sdelay $0x3  }
0x33: {  	p0 =	seq.s32 s10, $0x1;
	s10 =	sld [smem:$0x3FB0];
	_ =	sdelay $0x3  }
0x34: {  	[smem:$0x3FB0] =	sst s10  }
0x35: {  	s10 =	sld [smem:$0x3FAF];
	_ =	sdelay $0x3  }
0x36: {  	p1 =	seq.s32 s10, $0x1;
	s10 =	sld [smem:$0x3FB0];
	_ =	sdelay $0x3  }
0x37: {  	[smem:$0x3FB0] =	sst s10  }
0x38: {  	s10 =	sld [smem:$0x3FB1]  }
0x39: {  	_ = 	snop;
	(pc) =	sbr.ind lr, $3  }
0x3a: {  	_ = 	snop  }
0x3b: {  	_ = 	snop  }
0x3c: {  	p2 =	seq.s32 s10, $0x1;
	s10 =	sld [smem:$0x3FB0]  }
0x3d: {  	_ =	shalt  }
0x3e: {  	_ =	shalt  }
0x3f: {  	_ =	shalt  }
0x40: {  	_ =	shalt  }
0x41: {  	_ =	shalt  }
0x42: {  	_ =	shalt  }
0x43: {  	_ =	shalt  }
0x44: {  	_ =	shalt  }
0x45: {  	_ =	shalt  }
0x46: {  	_ =	shalt  }
0x47: {  	_ =	shalt  }
0x48: {  	_ =	shalt  }
0x49: {  	_ =	shalt  }
0x4a: {  	_ =	shalt  }
0x4b: {  	_ =	shalt  }
0x4c: {  	_ =	shalt  }
0x4d: {  	_ =	shalt  }
0x4e: {  	_ =	shalt  }
0x4f: {  	_ =	shalt  }
0x50: {  	_ =	shalt  }
0x51: {  	_ =	shalt  }
0x52: {  	_ =	shalt  }
0x53: {  	_ =	shalt  }
0x54: {  	_ =	shalt  }
0x55: {  	_ =	shalt  }
0x56: {  	_ =	shalt  }
0x57: {  	_ =	shalt  }
0x58: {  	_ =	shalt  }
0x59: {  	_ =	shalt  }
0x5a: {  	_ =	shalt  }
0x5b: {  	_ =	shalt  }
0x5c: {  	_ =	shalt  }
0x5d: {  	_ =	shalt  }
0x5e: {  	_ =	shalt  }
0x5f: {  	_ =	shalt  }
0x60: {  	_ =	shalt  }
0x61: {  	_ =	shalt  }
0x62: {  	_ =	shalt  }
0x63: {  	_ =	shalt  }
0x64: {  	_ =	shalt  }
0x65: {  	_ =	shalt  }
0x66: {  	_ =	shalt  }
0x67: {  	_ =	shalt  }
0x68: {  	_ =	shalt  }
0x69: {  	_ =	shalt  }
0x6a: {  	_ =	shalt  }
0x6b: {  	_ =	shalt  }
0x6c: {  	_ =	shalt  }
0x6d: {  	_ =	shalt  }
0x6e: {  	_ =	shalt  }
0x6f: {  	_ =	shalt  }
0x70: {  	_ =	shalt  }
0x71: {  	_ =	shalt  }
0x72: {  	_ =	shalt  }
0x73: {  	_ =	shalt  }
0x74: {  	_ =	shalt  }
0x75: {  	_ =	shalt  }
0x76: {  	_ =	shalt  }
0x77: {  	_ =	shalt  }
0x78: {  	_ =	shalt  }
0x79: {  	_ =	shalt  }
0x7a: {  	_ =	shalt  }
0x7b: {  	_ =	shalt  }
0x7c: {  	_ =	shalt  }
0x7d: {  	_ =	shalt  }
0x7e: {  	_ =	shalt  }
0x7f: {  	_ =	shalt  }
0x80: {  	_ =	shalt  }
0x81: {  	_ =	shalt  }
0x82: {  	_ =	shalt  }
0x83: {  	_ =	shalt  }
0x84: {  	_ =	shalt  }
0x85: {  	_ =	shalt  }
0x86: {  	_ =	shalt  }
0x87: {  	_ =	shalt  }
.Lfunc_end0:
.L_simem_size_0:
called_computation_lowered:
.L_overlay_start_0:
0x88: {  	s2 =	sld [smem:$0x3FD9]  }
0x89: {  	s3 =	sld [smem:$0x3FFE];
	_ =	sdelay $0x1  }
0x8a: {  	s1 =	srdreg.scid  }
0x8b: {  	s0 =	sand.u32 $0x1, s1  }
0x8c: {  	s17 =	sshll.u32 s0, $0xA;
	s2 =	sadd.s32 s3, s2  }
0x8d: {  	s2 =	sadd.s32 s2, s17  }
0x8e: {  	[smem:$0x3FBC] =	sst s2  }
0x8f: {  	_ = 	snop  }
0x90: {  	s2 =	sld [smem:$0x3FC4];
	(tm) =	ssettm $0x1  }
0x91: {  	s18 =	sld [smem:$0x3FFB];
	_ =	sdelay $0x3  }
0x92: {  	_ =	strace s18  }
0x93: {  	s3 =	sld [smem:$0x3FFC];
	_ =	sdelay $0x3  }
0x94: {  	_ =	strace s3  }
0x95: {  	s3 =	sld [smem:$0x3FFD];
	_ =	sdelay $0x3  }
0x96: {  	_ =	strace s3  }
0x97: {  	_ =	strace $0x8FFFFFFF  }
0x98: {  	s19 =	sld [smem:$0x3FDB];
	_ =	sdelay $0x1  }
0x99: {  	s4 =	simm.s32 $_scs_section_size  }
0x9a: {  	s5 =	simm.s32 $_size__tile_overlayer_lowered;
	s6 =	simm.s32 $_tile_overlayer_lowered  }
0x9b: {  	s22 =	simm.s32 $0x1BFF;
	s21 =	sshll.u32 s6, $0x1;
	s3 =	sadd.s32 s4, s19  }
0x9c: {  	s7 =	simm.s32 $0x0;
	s20 =	sshll.u32 s5, $0x1;
	s5 =	sadd.s32 s21, s3  }
0x9d: {  	[timem:s7], [sflag:s22] =	dma.local [hbm:s5], s20  }
0x9e: {  	_ =	swait.ge [sflag:s22], s20  }
0x9f: {  	s4 =	ssub.s32 $0x0, s20;
	[sflag:s22] =	ssyncset.done $0x0  }
0xa0: {  	[sflag:s22] =	ssyncadd.s32 s4;
	_ =	sdelay $0x1  }
0xa1: {  	s23 =	simm.s32 $0x1B8B  }
0xa2: {  	_ =	swait.ge [sflag:s23], $0x1  }
0xa3: {  	[sflag:s23] =	ssyncset.done $0x0  }
0xa4: {  	s25 =	simm.s32 $0x1B8E;
	s24 =	sld [smem:$0x3FFE];
	[sflag:s23] =	ssyncadd.s32 $0xFFFFFFFF  }
0xa5: {  	s26 =	simm.s32 $execute0_lowered;
	[smem:$0x3FD2] =	sst s25  }
0xa6: {  	s5 =	sshll.u32 s26, $0x1;
	_ =	strace $0x80000046;
	[dreg:$0x1] =	wrdreg $0xFFFFFFFF  }
0xa7: {  	s28 =	simm.s32 $_size_execute0_lowered;
	s3 =	sadd.s32 s3, s5;
	[dreg:$0x0] =	wrdreg $0x0  }
0xa8: {  	s5 =	sshll.u32 s28, $0x1;
	[dreg:$0x2] =	wrdreg s3  }
0xa9: {  	[dreg:$0x3] =	wrdreg s5  }
0xaa: {  	[dreg:$0x4] =	wrdreg $0xC0  }
0xab: {  	_ =	task [dreg:s7], $0x5FFFF  }
0xac: {  	[dreg:$0x1] =	wrdreg $0xFFFFFFFF  }
0xad: {  	[dreg:$0x0] =	wrdreg $0x60  }
0xae: {  	[dreg:$0x2] =	wrdreg s24  }
0xaf: {  	[dreg:$0x3] =	wrdreg s2  }
0xb0: {  	[dreg:$0x4] =	wrdreg $0x9  }
0xb1: {  	_ =	task.clear_ibuf [dreg:s7], $0x5FFFF;
	_ =	strace $0x90000046  }
0xb2: {  	s29 =	simm.s32 $0x9;
	_ =	strace $0x80000048  }
0xb3: {  	_ =	swait.ge [sflag:s29], $0x1  }
0xb4: {  	[sflag:s29] =	ssyncadd.s32 $0xFFFFFFFF  }
0xb5: {  	_ =	strace $0x90000048  }
0xb6: {  	_ =	sfence  }
0xb7: {  	s30 =	sld [smem:$0x0];
	_ =	sdelay $0x2  }
0xb8: {  	s31 =	sshll.u32 s1, $0xD;
	s1 =	sshrl.u32 s1, $0x2  }
0xb9: {  	s3 =	sand.u32 $0x4000, s31;
	s1 =	sadd.s32 s1, s30  }
0xba: {  	s0 =	sor.u32 s3, s0;
	s1 =	sshll.u32 s1, $0x11  }
0xbb: {  	s0 =	sor.u32 s1, s0  }
0xbc: {  	s0 =	sadd.s32 $0x8F2B, s0  }
0xbd: {  	[sflag:s0] =	ssyncadd.remote.s32 $0x1  }
0xbe: {  	_ =	sfence.sel $0xFFFF  }
0xbf: {  	[dreg:$0x0] =	wrdreg $0xFFFFFFFF;
	(pc) =	sbr.abs _section_cstart, $3  }
0xc0: {  	[dreg:$0x1] =	wrdreg $0xFFFFFFFF  }
0xc1: {  	_ =	task.clear_ibuf [dreg:s7], $0x2FFFF;
	_ =	strace $0x9FFFFFFF  }
0xc2: {  	(tm) =	ssettm $0x7FFFFFFF  }
0xc3: {  	_ =	shalt  }
tec
execute0_lowered:
.L_overlay_start_1:
0x0: {  	(tag) =	ssettag $0x1  }
0x1: {  	s5 =	rddreg [dreg:$0x0]  }
0x2: {  	s1 =	srdreg.scid;
	s0 =	stileid.u32  }
0x3: {  	s2 =	rddreg [dreg:$0x1];
	s3 =	simm.s32 $0x0;
	s12 =	simm.s32 $0xC80  }
0x4: {  	s13 =	simm.s32 $0x1900;
	s14 =	simm.s32 $0x12580;
	s15 =	simm.s32 $0x80  }
0x5: {  	s16 =	simm.s32 $0x2580;
	s17 =	simm.s32 $0x6580;
	s18 =	simm.s32 $0xA580  }
0x6: {  	s19 =	simm.s32 $0x1;
	s20 =	simm.s32 $0x2;
	s21 =	simm.s32 $0x3  }
0x7: {  	s22 =	simm.s32 $0xE580;
	s4 =	sand.u32 $0x1, s1;
	s6 =	sshll.u32 s0, $0x1  }
0x8: {  	s23 =	simm.s32 $0x0;
	s1 =	rddreg [dreg:$0x2];
	s9 =	sor.u32 s4, s6  }
0x9: {  	[smem:$0x7FF] =	sst s3;
	s7 =	ssub.s32 $0x2, s4;
	s6 =	smul.u32 $0x190, s9  }
0xa: {  	_ =	strace $0x80000047;
	s4 =	sadd.s32 $0xC400, s5;
	s8 =	sshrl.u32 s7, $0x1  }
0xb: {  	s9 =	smul.u32 $0x64000, s9;
	s11 =	ssub.s32 s7, s8;
	s10 =	sadd.s32 s6, s5  }
0xc: {  	s5 =	sadd.s32 $0x258400, s5;
	s6 =	sadd.s32 $0x2E00, s10;
	s7 =	sadd.s32 $0x6000, s10  }
0xd: {  	s8 =	sadd.s32 $0x9200, s10;
	s10 =	smax.u32 s11, $0x1;
	s11 =	simm.s32 $0x4  }
.LBB2_1:
0xe: {  	[tilespmem:s3], [sflag:$0x4] =	stream.linear.gather [hbm4b:s6+s3], $0xC80, $0x38;
	[tilespmem:$0x12600] =	vst v63  }
0xf: {  	_ =	swait.ge [sflag:s11], $0xC80  }
0x10: {  	[sflag:s11] =	ssyncset.done $0x0  }
0x11: {  	[sflag:s11] =	ssyncadd.s32 $0xFFFFF380  }
0x12: {  	[tilespmem:s12], [sflag:$0x4] =	stream.linear.gather [hbm4b:s7+s3], $0xC80, $0x38;
	[tilespmem:$0x12600] =	vst v63  }
0x13: {  	_ =	swait.ge [sflag:s11], $0xC80  }
0x14: {  	[sflag:s11] =	ssyncset.done $0x0  }
0x15: {  	[sflag:s11] =	ssyncadd.s32 $0xFFFFF380  }
0x16: {  	[tilespmem:s13], [sflag:$0x4] =	stream.linear.gather [hbm4b:s8+s3], $0xC80, $0x38;
	[tilespmem:$0x12600] =	vst v63  }
0x17: {  	_ =	swait.ge [sflag:s11], $0xC80  }
0x18: {  	[sflag:s11] =	ssyncset.done $0x0  }
0x19: {  	[sflag:s11] =	ssyncadd.s32 $0xFFFFF380  }
0x1a: {  	[tilespmem:s14], [sflag:$0x4] =	stream.linear.gather [hbm4b:s2+s3], $0x80, $0x38;
	[tilespmem:$0x12600] =	vst v63  }
0x1b: {  	_ =	swait.ge [sflag:s11], $0x80  }
0x1c: {  	[sflag:s11] =	ssyncset.done $0x0  }
0x1d: {  	s24 =	simm.s32 $0x0;
	[sflag:s11] =	ssyncadd.s32 $0xFFFFFF80  }
.LBB2_2:
0x1e: {  	s25 =	sshll.u32 s24, $0x7  }
0x1f: {  	[tilespmem:s16], [sflag:$0x1] =	stream.indirect.gather [hbm4b:s4+s15], $0x80, s25, s15, $0xb8;
	[tilespmem:$0x12600] =	vst v63  }
0x20: {  	s26 =	sadd.s32 $0xC80, s25  }
0x21: {  	[tilespmem:s17], [sflag:$0x2] =	stream.indirect.gather [hbm4b:s4+s15], $0x80, s26, s15, $0xb8;
	[tilespmem:$0x12600] =	vst v63  }
0x22: {  	s25 =	sadd.s32 $0x1900, s25  }
0x23: {  	[tilespmem:s18], [sflag:$0x3] =	stream.indirect.gather [hbm4b:s4+s15], $0x80, s25, s15, $0xb8;
	[tilespmem:$0x12600] =	vst v63  }
0x24: {  	_ =	swait.ge [sflag:s19], $0x4000  }
0x25: {  	[sflag:s19] =	ssyncset.done $0x0  }
0x26: {  	[sflag:s19] =	ssyncadd.s32 $0xFFFFC000  }
0x27: {  	_ =	swait.ge [sflag:s20], $0x4000  }
0x28: {  	[sflag:s20] =	ssyncset.done $0x0  }
0x29: {  	[sflag:s20] =	ssyncadd.s32 $0xFFFFC000  }
0x2a: {  	_ =	swait.ge [sflag:s21], $0x4000  }
0x2b: {  	[sflag:s21] =	ssyncset.done $0x0  }
0x2c: {  	s25 =	simm.s32 $0x0;
	[sflag:s21] =	ssyncadd.s32 $0xFFFFC000  }
0x2d: {  	v0 =	vld [tilespmem:s25+$0x2580]  }
0x2e: {  	v1 =	vld [tilespmem:s25+$0x6580];
	_ =	sdelay $0x1  }
0x2f: {  	v2 =	vld [tilespmem:s25+$0xA580];
	_ =	sdelay $0x1  }
0x30: {  	v3 =	vld [tilespmem:$0x12580]  }
0x31: {  	v0 =	vadd.f32 v1, v0;
	_ =	sdelay $0x1  }
0x32: {  	v1 =	vld [tilespmem:s25+$0x2590];
	v0 =	vadd.f32 v2, v0  }
0x33: {  	v2 =	vld [tilespmem:s25+$0x6590]  }
0x34: {  	v0 =	vadd.f32 v3, v0  }
0x35: {  	v3 =	vld [tilespmem:s25+$0xA590]  }
0x36: {  	[tilespmem:s25+$0xE580] =	vst v0  }
0x37: {  	v0 =	vld [tilespmem:$0x12590]  }
0x38: {  	v1 =	vadd.f32 v2, v1;
	_ =	sdelay $0x1  }
0x39: {  	v2 =	vld [tilespmem:s25+$0x25A0];
	v1 =	vadd.f32 v3, v1  }
0x3a: {  	v3 =	vld [tilespmem:s25+$0x65A0]  }
0x3b: {  	v0 =	vadd.f32 v0, v1  }
0x3c: {  	v1 =	vld [tilespmem:s25+$0xA5A0]  }
0x3d: {  	[tilespmem:s25+$0xE590] =	vst v0  }
0x3e: {  	v0 =	vld [tilespmem:$0x125A0]  }
0x3f: {  	v2 =	vadd.f32 v3, v2;
	_ =	sdelay $0x1  }
0x40: {  	v3 =	vld [tilespmem:s25+$0x65B0];
	v1 =	vadd.f32 v1, v2  }
0x41: {  	v2 =	vld [tilespmem:s25+$0x25B0]  }
0x42: {  	v0 =	vadd.f32 v0, v1  }
0x43: {  	v1 =	vld [tilespmem:s25+$0xA5B0]  }
0x44: {  	[tilespmem:s25+$0xE5A0] =	vst v0  }
0x45: {  	v0 =	vld [tilespmem:$0x125B0]  }
0x46: {  	v2 =	vadd.f32 v3, v2;
	_ =	sdelay $0x1  }
0x47: {  	v3 =	vld [tilespmem:s25+$0x65C0];
	v1 =	vadd.f32 v1, v2  }
0x48: {  	v2 =	vld [tilespmem:s25+$0x25C0]  }
0x49: {  	v0 =	vadd.f32 v0, v1  }
0x4a: {  	v1 =	vld [tilespmem:s25+$0xA5C0]  }
0x4b: {  	[tilespmem:s25+$0xE5B0] =	vst v0  }
0x4c: {  	v0 =	vld [tilespmem:$0x125C0]  }
0x4d: {  	v2 =	vadd.f32 v3, v2;
	_ =	sdelay $0x1  }
0x4e: {  	v3 =	vld [tilespmem:s25+$0x65D0];
	v1 =	vadd.f32 v1, v2  }
0x4f: {  	v2 =	vld [tilespmem:s25+$0x25D0]  }
0x50: {  	v0 =	vadd.f32 v0, v1  }
0x51: {  	v1 =	vld [tilespmem:s25+$0xA5D0]  }
0x52: {  	[tilespmem:s25+$0xE5C0] =	vst v0  }
0x53: {  	v0 =	vld [tilespmem:$0x125D0]  }
0x54: {  	v2 =	vadd.f32 v3, v2;
	_ =	sdelay $0x1  }
0x55: {  	v3 =	vld [tilespmem:s25+$0x65E0];
	v1 =	vadd.f32 v1, v2  }
0x56: {  	v2 =	vld [tilespmem:s25+$0x25E0]  }
0x57: {  	v0 =	vadd.f32 v0, v1  }
0x58: {  	v1 =	vld [tilespmem:s25+$0xA5E0]  }
0x59: {  	[tilespmem:s25+$0xE5D0] =	vst v0  }
0x5a: {  	v0 =	vld [tilespmem:$0x125E0]  }
0x5b: {  	v2 =	vadd.f32 v3, v2;
	_ =	sdelay $0x1  }
0x5c: {  	v4 =	vld [tilespmem:s25+$0x65F0];
	v1 =	vadd.f32 v1, v2  }
0x5d: {  	v3 =	vld [tilespmem:s25+$0x25F0]  }
0x5e: {  	v0 =	vadd.f32 v0, v1  }
0x5f: {  	v2 =	vld [tilespmem:s25+$0xA5F0]  }
0x60: {  	[tilespmem:s25+$0xE5E0] =	vst v0  }
0x61: {  	v1 =	vld [tilespmem:$0x125F0]  }
0x62: {  	v3 =	vadd.f32 v4, v3  }
0x63: {  	s28 =	simm.s32 $0x80  }
0x64: {  	s26 =	simm.s32 $0x400;
	v2 =	vadd.f32 v2, v3;
	v0 =	vld [tilespmem:s28+$0x2580]  }
.LBB2_3:
0x65: {  	p0 =	sne.s32 s26, $0xFE00;
	v3 =	vld [tilespmem:s28+$0x6580]  }
0x66: {  	v1 =	vadd.f32 v1, v2  }
0x67: {  	v2 =	vld [tilespmem:s28+$0xA580]  }
0x68: {  	[tilespmem:s25+$0xE5F0] =	vst v1;
	s25 =	smov.u32 s28  }
0x69: {  	v1 =	vld [tilespmem:$0x12580]  }
0x6a: {  	v0 =	vadd.f32 v3, v0;
	_ =	sdelay $0x1  }
0x6b: {  	v0 =	vadd.f32 v2, v0;
	v2 =	vld [tilespmem:s25+$0x2590]  }
0x6c: {  	v3 =	vld [tilespmem:s25+$0x6590]  }
0x6d: {  	v0 =	vadd.f32 v1, v0  }
0x6e: {  	v1 =	vld [tilespmem:s25+$0xA590]  }
0x6f: {  	[tilespmem:s25+$0xE580] =	vst v0  }
0x70: {  	v0 =	vld [tilespmem:$0x12590]  }
0x71: {  	v2 =	vadd.f32 v3, v2;
	_ =	sdelay $0x1  }
0x72: {  	v1 =	vadd.f32 v1, v2;
	v2 =	vld [tilespmem:s25+$0x25A0]  }
0x73: {  	v3 =	vld [tilespmem:s25+$0x65A0]  }
0x74: {  	v0 =	vadd.f32 v0, v1  }
0x75: {  	v1 =	vld [tilespmem:s25+$0xA5A0]  }
0x76: {  	[tilespmem:s25+$0xE590] =	vst v0  }
0x77: {  	v0 =	vld [tilespmem:$0x125A0]  }
0x78: {  	v2 =	vadd.f32 v3, v2;
	_ =	sdelay $0x1  }
0x79: {  	v1 =	vadd.f32 v1, v2;
	v2 =	vld [tilespmem:s25+$0x25B0]  }
0x7a: {  	v3 =	vld [tilespmem:s25+$0x65B0]  }
0x7b: {  	v0 =	vadd.f32 v0, v1  }
0x7c: {  	v1 =	vld [tilespmem:s25+$0xA5B0]  }
0x7d: {  	[tilespmem:s25+$0xE5A0] =	vst v0  }
0x7e: {  	v0 =	vld [tilespmem:$0x125B0]  }
0x7f: {  	v2 =	vadd.f32 v3, v2;
	_ =	sdelay $0x1  }
0x80: {  	v1 =	vadd.f32 v1, v2;
	v2 =	vld [tilespmem:s25+$0x25C0]  }
0x81: {  	v3 =	vld [tilespmem:s25+$0x65C0]  }
0x82: {  	v0 =	vadd.f32 v0, v1  }
0x83: {  	v1 =	vld [tilespmem:s25+$0xA5C0]  }
0x84: {  	[tilespmem:s25+$0xE5B0] =	vst v0  }
0x85: {  	v0 =	vld [tilespmem:$0x125C0]  }
0x86: {  	v2 =	vadd.f32 v3, v2;
	_ =	sdelay $0x1  }
0x87: {  	v1 =	vadd.f32 v1, v2;
	v2 =	vld [tilespmem:s25+$0x25D0]  }
0x88: {  	v3 =	vld [tilespmem:s25+$0x65D0]  }
0x89: {  	v0 =	vadd.f32 v0, v1  }
0x8a: {  	v1 =	vld [tilespmem:s25+$0xA5D0]  }
0x8b: {  	[tilespmem:s25+$0xE5C0] =	vst v0  }
0x8c: {  	v0 =	vld [tilespmem:$0x125D0]  }
0x8d: {  	v2 =	vadd.f32 v3, v2;
	_ =	sdelay $0x1  }
0x8e: {  	v1 =	vadd.f32 v1, v2;
	v2 =	vld [tilespmem:s25+$0x25E0]  }
0x8f: {  	v3 =	vld [tilespmem:s25+$0x65E0]  }
0x90: {  	v0 =	vadd.f32 v0, v1  }
0x91: {  	v1 =	vld [tilespmem:s25+$0xA5E0]  }
0x92: {  	[tilespmem:s25+$0xE5D0] =	vst v0  }
0x93: {  	v0 =	vld [tilespmem:$0x125E0]  }
0x94: {  	v2 =	vadd.f32 v3, v2;
	_ =	sdelay $0x1  }
0x95: {  	v1 =	vadd.f32 v1, v2;
	v2 =	vld [tilespmem:s25+$0x25F0]  }
0x96: {  	v3 =	vld [tilespmem:s25+$0x65F0]  }
0x97: {  	v0 =	vadd.f32 v0, v1  }
0x98: {  	v4 =	vld [tilespmem:s25+$0xA5F0]  }
.Ltmp0:
0x99: {  	[tilespmem:s25+$0xE5E0] =	vst v0;
	(pc) =	sbr.rel @p0 .LBB2_3-.Ltmp0, $4  }
0x9a: {  	v1 =	vld [tilespmem:$0x125F0]  }
0x9b: {  	v2 =	vadd.f32 v3, v2  }
0x9c: {  	s28 =	sshra.s32 s26, $0x2  }
0x9d: {  	s26 =	sadd.s32 $0x200, s26;
	v0 =	vld [tilespmem:s28+$0x2580];
	v2 =	vadd.f32 v4, v2  }
0x9e: {  	v3 =	vld [tilespmem:s28+$0x6580]  }
0x9f: {  	v1 =	vadd.f32 v1, v2  }
0xa0: {  	v42 =	vld [tilespmem:s28+$0xA580]  }
0xa1: {  	[tilespmem:s25+$0xE5F0] =	vst v1  }
0xa2: {  	v1 =	vld [tilespmem:$0x12580]  }
0xa3: {  	v0 =	vadd.f32 v3, v0;
	_ =	sdelay $0x1  }
0xa4: {  	v43 =	vld [tilespmem:s28+$0x2590];
	v0 =	vadd.f32 v42, v0  }
0xa5: {  	v44 =	vld [tilespmem:s28+$0x6590]  }
0xa6: {  	v0 =	vadd.f32 v1, v0  }
0xa7: {  	v45 =	vld [tilespmem:s28+$0xA590]  }
0xa8: {  	[tilespmem:s28+$0xE580] =	vst v0  }
0xa9: {  	v0 =	vld [tilespmem:$0x12590]  }
0xaa: {  	v2 =	vadd.f32 v44, v43;
	_ =	sdelay $0x1  }
0xab: {  	v46 =	vld [tilespmem:s28+$0x25A0];
	v1 =	vadd.f32 v45, v2  }
0xac: {  	v47 =	vld [tilespmem:s28+$0x65A0]  }
0xad: {  	v0 =	vadd.f32 v0, v1  }
0xae: {  	v48 =	vld [tilespmem:s28+$0xA5A0]  }
0xaf: {  	[tilespmem:s28+$0xE590] =	vst v0  }
0xb0: {  	v0 =	vld [tilespmem:$0x125A0]  }
0xb1: {  	v2 =	vadd.f32 v47, v46;
	_ =	sdelay $0x1  }
0xb2: {  	v49 =	vld [tilespmem:s28+$0x25B0];
	v1 =	vadd.f32 v48, v2  }
0xb3: {  	v50 =	vld [tilespmem:s28+$0x65B0]  }
0xb4: {  	v0 =	vadd.f32 v0, v1  }
0xb5: {  	v51 =	vld [tilespmem:s28+$0xA5B0]  }
0xb6: {  	[tilespmem:s28+$0xE5A0] =	vst v0  }
0xb7: {  	v0 =	vld [tilespmem:$0x125B0]  }
0xb8: {  	v2 =	vadd.f32 v50, v49;
	_ =	sdelay $0x1  }
0xb9: {  	v52 =	vld [tilespmem:s28+$0x25C0];
	v1 =	vadd.f32 v51, v2  }
0xba: {  	v53 =	vld [tilespmem:s28+$0x65C0]  }
0xbb: {  	v0 =	vadd.f32 v0, v1  }
0xbc: {  	v54 =	vld [tilespmem:s28+$0xA5C0]  }
0xbd: {  	[tilespmem:s28+$0xE5B0] =	vst v0  }
0xbe: {  	v0 =	vld [tilespmem:$0x125C0]  }
0xbf: {  	v2 =	vadd.f32 v53, v52;
	_ =	sdelay $0x1  }
0xc0: {  	v55 =	vld [tilespmem:s28+$0x25D0];
	v1 =	vadd.f32 v54, v2  }
0xc1: {  	v56 =	vld [tilespmem:s28+$0x65D0]  }
0xc2: {  	v0 =	vadd.f32 v0, v1  }
0xc3: {  	v57 =	vld [tilespmem:s28+$0xA5D0]  }
0xc4: {  	[tilespmem:s28+$0xE5C0] =	vst v0  }
0xc5: {  	v0 =	vld [tilespmem:$0x125D0]  }
0xc6: {  	v2 =	vadd.f32 v56, v55;
	_ =	sdelay $0x1  }
0xc7: {  	v58 =	vld [tilespmem:s28+$0x25E0];
	v1 =	vadd.f32 v57, v2  }
0xc8: {  	v59 =	vld [tilespmem:s28+$0x65E0]  }
0xc9: {  	v0 =	vadd.f32 v0, v1  }
0xca: {  	v60 =	vld [tilespmem:s28+$0xA5E0]  }
0xcb: {  	[tilespmem:s28+$0xE5D0] =	vst v0  }
0xcc: {  	v0 =	vld [tilespmem:$0x125E0]  }
0xcd: {  	v2 =	vadd.f32 v59, v58;
	_ =	sdelay $0x1  }
0xce: {  	v61 =	vld [tilespmem:s28+$0x25F0];
	v1 =	vadd.f32 v60, v2  }
0xcf: {  	v62 =	vld [tilespmem:s28+$0x65F0]  }
0xd0: {  	v0 =	vadd.f32 v0, v1  }
0xd1: {  	v63 =	vld [tilespmem:s28+$0xA5F0]  }
0xd2: {  	[tilespmem:s28+$0xE5E0] =	vst v0  }
0xd3: {  	v0 =	vld [tilespmem:$0x125F0]  }
0xd4: {  	v2 =	vadd.f32 v62, v61;
	_ =	sdelay $0x1  }
0xd5: {  	v1 =	vadd.f32 v63, v2  }
0xd6: {  	s31 =	sshll.u32 s24, $0xE  }
0xd7: {  	s24 =	sadd.s32 $0x1, s24;
	s25 =	sadd.s32 s9, s31;
	v0 =	vadd.f32 v0, v1  }
0xd8: {  	p0 =	sne.s32 s24, $0x19;
	s25 =	sshrl.u32 s25, $0x3  }
.Ltmp1:
0xd9: {  	s25 =	sadd.s32 s5, s25;
	[tilespmem:s28+$0xE5F0] =	vst v0;
	(pc) =	sbr.rel @p0 .LBB2_2-.Ltmp1, $4  }
0xda: {  	[hbm4b:s25+s3] =	stream.linear.scatter [tilespmem:s22], [sflag:$0x4], $0x4000, $0x38;
	[tilespmem:$0x12600] =	vst v63  }
0xdb: {  	_ =	swait.ge [sflag:s11], $0x4000  }
0xdc: {  	[sflag:s11] =	ssyncset.done $0x0  }
0xdd: {  	[sflag:s11] =	ssyncadd.s32 $0xFFFFC000  }
0xde: {  	s23 =	sadd.s32 $0x1, s23  }
0xdf: {  	p0 =	sne.s32 s23, s10  }
.Ltmp2:
0xe0: {  	_ = 	snop;
	(pc) =	sbr.rel @p0 .LBB2_1-.Ltmp2, $1  }
0xe1: {  	_ =	sdelay $0x3  }
0xe2: {  	_ =	sfence.sel $0x180000  }
0xe3: {  	[bflag:$0x0] =	sbarrier.arrive $0xFFFF  }
0xe4: {  	p0 =	sne.s32 s0, $0x0;
	_ =	strace $0x90000047  }
0xe5: {  	s0 =	sadd.s32 @!p0 $0x100000, s1;
	[bflag:$0x2] =	sbarrier.arrive $0xFFFF  }
0xe6: {  	[sflag:s0] =	ssyncadd.tile.s32 @!p0 $0x1;
	_ =	shalt  }
.Lfunc_end2:
_tile_overlayer_lowered:
.L_overlay_start_2:
0xe7: {  	(tag) =	ssettag $0x2  }
0xe8: {  	s0 =	rddreg [dreg:$0x0];
	s2 =	stileid.u32  }
0xe9: {  	s1 =	rddreg [dreg:$0x1];
	p0 =	sne.s32 s2, $0x0  }
0xea: {  	s3 =	rddreg [dreg:$0x2];
	[bflag:$0x3] =	sbarrier.arrive $0xFFFF;
	s2 =	simm.s32 @!p0 $0x1C04  }
0xeb: {  	[timem:s3], [sflag:s2] =	dma.local @!p0 [hbm:s0], s1  }
0xec: {  	s0 =	simm.s32 @!p0 $0x4  }
0xed: {  	_ =	swait.ge @!p0 [sflag:s0], s1  }
0xee: {  	s1 =	ssub.s32 @!p0 $0x0, s1;
	[sflag:s0] =	ssyncset.done @!p0 $0x0  }
0xef: {  	[sflag:s0] =	ssyncadd.s32 @!p0 s1  }
0xf0: {  	[bflag:$0x3] =	sbarrier.arrive $0xFFFF  }
0xf1: {  	_ =	shalt  }

// kernel: kernel.13.cloned.1.call-start
scs
__scs_entry_jumppad:
0x0: {  	(pc) =	sbr.rel $0x88, $3  }
0x1: {  	(tag) =	ssettag $0x0;
	lr =	simm.s32 $0x1  }
0x2: {  	[smem:$0x3F95] =	sst lr;
	_ =	strace $0xD0000000  }
0x3: {  	_ = 	snop  }
0x4: {  	_ = 	snop  }
0x5: {  	_ = 	snop  }
0x6: {  	_ = 	snop  }
0x7: {  	_ = 	snop  }
__scs_overlays_trampoline_lowered:
0x8: {  	[smem:$0x3FA4] =	sst s0  }
0x9: {  	[smem:$0x3FA5] =	sst s1  }
0xa: {  	[smem:$0x3FA6] =	sst s2  }
0xb: {  	[smem:$0x3FA7] =	sst s3  }
0xc: {  	[smem:$0x3FA8] =	sst s4  }
0xd: {  	[smem:$0x3FA9] =	sst s5  }
0xe: {  	[smem:$0x3FAA] =	sst s6  }
0xf: {  	[smem:$0x3FAB] =	sst s7  }
0x10: {  	[smem:$0x3FAC] =	sst s8  }
0x11: {  	[smem:$0x3FAD] =	sst s9;
	s0 =	simm.s32 @!p0 $0x0  }
0x12: {  	s1 =	sld [smem:$0x3F93];
	s0 =	simm.s32 @p0 $0x1  }
0x13: {  	[smem:$0x3FAE] =	sst s0;
	s0 =	simm.s32 @!p1 $0x0  }
0x14: {  	s2 =	sld [smem:$0x3F92];
	s0 =	simm.s32 @p1 $0x1  }
0x15: {  	[smem:$0x3FAF] =	sst s0;
	s0 =	simm.s32 @!p2 $0x0  }
0x16: {  	s3 =	sld [smem:$0x3FDB];
	s0 =	simm.s32 @p2 $0x1  }
0x17: {  	s4 =	simm.s32 $0x1BF5;
	[smem:$0x3FB1] =	sst s0  }
0x18: {  	s0 =	sld [smem:$0x3F94];
	_ =	swait.ge [sflag:s4], $0x0  }
0x19: {  	s7 =	sld [smem:$0x3F95]  }
0x1a: {  	s8 =	sadd.s32 $0xFFFFE003, lr  }
0x1b: {  	s9 =	sadd.s32 $0xFFFFFEF7, lr;
	s5 =	simm.s32 $0xFFFFFFFF;
	p2 =	slt.u32 s8, $0xFFFFF086  }
0x1c: {  	p1 =	slt.u32 s9, $0xF7A;
	s5 =	simm.s32 @!p2 $0x0  }
0x1d: {  	s5 =	simm.s32 @p1 $0x1;
	p0 =	seq.s32 s7, s2  }
0x1e: {  	s7 =	smul.u32 @!p0 $0xF7A, s2;
	p2 =	seq.s32 @!p0 s5, $0x0  }
0x1f: {  	s9 =	smul.u32 $0xF7A, s1;
	s8 =	simm.s32 @!p0 $0x1BF5;
	p2 =	por !p2, p0  }
0x20: {  	[sflag:s8] =	ssyncset.s32 @!p0 $0xFFFFF086;
	s6 =	sadd.s32 @!p0 s3, s7;
	s7 =	simm.s32 @!p0 $0x108  }
0x21: {  	s3 =	sadd.s32 s3, s9;
	s6 =	sadd.s32 @!p0 $0x88, s6;
	s7 =	simm.s32 @p2 $0x1082  }
0x22: {  	[simem:s7], [sflag:s8] =	dma.local @!p0 [hbm:s6], $0xF7A  }
0x23: {  	s9 =	sor.u32 $0xD0000000, s2;
	s6 =	simm.s32 $0x108;
	_ =	swait.ge @!p0 [sflag:s8], $0x0  }
0x24: {  	s3 =	sadd.s32 $0x88, s3;
	s6 =	simm.s32 @!p1 $0x1082;
	[sflag:s4] =	ssyncset.s32 $0xFFFFF086  }
0x25: {  	[simem:s6], [sflag:s4] =	dma.local [hbm:s3], $0xF7A  }
0x26: {  	[smem:$0x3F95] =	sst s1;
	(tag) =	ssettag s2;
	_ =	strace s9  }
0x27: {  	s1 =	sld [smem:$0x3FA5]  }
0x28: {  	s2 =	sld [smem:$0x3FA6]  }
0x29: {  	s4 =	sld [smem:$0x3FA8]  }
0x2a: {  	p0 =	seq.s32 s5, $0x0;
	s5 =	sld [smem:$0x3FA9]  }
0x2b: {  	s6 =	sld [smem:$0x3FAA]  }
0x2c: {  	s7 =	sld [smem:$0x3FAB]  }
0x2d: {  	s3 =	simm.s32 $0x108;
	s8 =	sld [smem:$0x3FAC]  }
0x2e: {  	s3 =	simm.s32 @!p0 $0x1082;
	s9 =	sld [smem:$0x3FAD]  }
0x2f: {  	lr =	sadd.s32 s0, s3;
	s0 =	sld [smem:$0x3FA4]  }
0x30: {  	s3 =	sld [smem:$0x3FA7]  }
0x31: {  	[smem:$0x3FB0] =	sst s10  }
0x32: {  	s10 =	sld [smem:$0x3FAE];
	_ =	sdelay $0x3  }
0x33: {  	p0 =	seq.s32 s10, $0x1;
	s10 =	sld [smem:$0x3FB0];
	_ =	sdelay $0x3  }
0x34: {  	[smem:$0x3FB0] =	sst s10  }
0x35: {  	s10 =	sld [smem:$0x3FAF];
	_ =	sdelay $0x3  }
0x36: {  	p1 =	seq.s32 s10, $0x1;
	s10 =	sld [smem:$0x3FB0];
	_ =	sdelay $0x3  }
0x37: {  	[smem:$0x3FB0] =	sst s10  }
0x38: {  	s10 =	sld [smem:$0x3FB1]  }
0x39: {  	_ = 	snop;
	(pc) =	sbr.ind lr, $3  }
0x3a: {  	_ = 	snop  }
0x3b: {  	_ = 	snop  }
0x3c: {  	p2 =	seq.s32 s10, $0x1;
	s10 =	sld [smem:$0x3FB0]  }
0x3d: {  	_ =	shalt  }
0x3e: {  	_ =	shalt  }
0x3f: {  	_ =	shalt  }
0x40: {  	_ =	shalt  }
0x41: {  	_ =	shalt  }
0x42: {  	_ =	shalt  }
0x43: {  	_ =	shalt  }
0x44: {  	_ =	shalt  }
0x45: {  	_ =	shalt  }
0x46: {  	_ =	shalt  }
0x47: {  	_ =	shalt  }
0x48: {  	_ =	shalt  }
0x49: {  	_ =	shalt  }
0x4a: {  	_ =	shalt  }
0x4b: {  	_ =	shalt  }
0x4c: {  	_ =	shalt  }
0x4d: {  	_ =	shalt  }
0x4e: {  	_ =	shalt  }
0x4f: {  	_ =	shalt  }
0x50: {  	_ =	shalt  }
0x51: {  	_ =	shalt  }
0x52: {  	_ =	shalt  }
0x53: {  	_ =	shalt  }
0x54: {  	_ =	shalt  }
0x55: {  	_ =	shalt  }
0x56: {  	_ =	shalt  }
0x57: {  	_ =	shalt  }
0x58: {  	_ =	shalt  }
0x59: {  	_ =	shalt  }
0x5a: {  	_ =	shalt  }
0x5b: {  	_ =	shalt  }
0x5c: {  	_ =	shalt  }
0x5d: {  	_ =	shalt  }
0x5e: {  	_ =	shalt  }
0x5f: {  	_ =	shalt  }
0x60: {  	_ =	shalt  }
0x61: {  	_ =	shalt  }
0x62: {  	_ =	shalt  }
0x63: {  	_ =	shalt  }
0x64: {  	_ =	shalt  }
0x65: {  	_ =	shalt  }
0x66: {  	_ =	shalt  }
0x67: {  	_ =	shalt  }
0x68: {  	_ =	shalt  }
0x69: {  	_ =	shalt  }
0x6a: {  	_ =	shalt  }
0x6b: {  	_ =	shalt  }
0x6c: {  	_ =	shalt  }
0x6d: {  	_ =	shalt  }
0x6e: {  	_ =	shalt  }
0x6f: {  	_ =	shalt  }
0x70: {  	_ =	shalt  }
0x71: {  	_ =	shalt  }
0x72: {  	_ =	shalt  }
0x73: {  	_ =	shalt  }
0x74: {  	_ =	shalt  }
0x75: {  	_ =	shalt  }
0x76: {  	_ =	shalt  }
0x77: {  	_ =	shalt  }
0x78: {  	_ =	shalt  }
0x79: {  	_ =	shalt  }
0x7a: {  	_ =	shalt  }
0x7b: {  	_ =	shalt  }
0x7c: {  	_ =	shalt  }
0x7d: {  	_ =	shalt  }
0x7e: {  	_ =	shalt  }
0x7f: {  	_ =	shalt  }
0x80: {  	_ =	shalt  }
0x81: {  	_ =	shalt  }
0x82: {  	_ =	shalt  }
0x83: {  	_ =	shalt  }
0x84: {  	_ =	shalt  }
0x85: {  	_ =	shalt  }
0x86: {  	_ =	shalt  }
0x87: {  	_ =	shalt  }
.Lfunc_end0:
.L_simem_size_0:
called_computation.1_lowered:
.L_overlay_start_0:
0x88: {  	s2 =	sld [smem:$0x3FD9]  }
0x89: {  	s3 =	sld [smem:$0x3FFE];
	_ =	sdelay $0x1  }
0x8a: {  	s1 =	srdreg.scid  }
0x8b: {  	s0 =	sand.u32 $0x1, s1  }
0x8c: {  	s17 =	sshll.u32 s0, $0xA;
	s2 =	sadd.s32 s3, s2  }
0x8d: {  	s2 =	sadd.s32 s2, s17  }
0x8e: {  	[smem:$0x3FBC] =	sst s2  }
0x8f: {  	_ = 	snop  }
0x90: {  	s18 =	sld [smem:$0x3FD0];
	(tm) =	ssettm $0x1  }
0x91: {  	s19 =	sld [smem:$0x3FFB];
	_ =	sdelay $0x3  }
0x92: {  	_ =	strace s19  }
0x93: {  	s2 =	sld [smem:$0x3FFC];
	_ =	sdelay $0x3  }
0x94: {  	_ =	strace s2  }
0x95: {  	s2 =	sld [smem:$0x3FFD];
	_ =	sdelay $0x3  }
0x96: {  	_ =	strace s2  }
0x97: {  	_ =	strace $0x8FFFFFFF  }
0x98: {  	s20 =	sld [smem:$0x3FDB];
	_ =	sdelay $0x1  }
0x99: {  	s4 =	simm.s32 $_scs_section_size  }
0x9a: {  	s5 =	simm.s32 $_size__tile_overlayer_lowered;
	s6 =	simm.s32 $_tile_overlayer_lowered  }
0x9b: {  	s7 =	simm.s32 $0x1BFF;
	s21 =	sshll.u32 s6, $0x1;
	s4 =	sadd.s32 s4, s20  }
0x9c: {  	s22 =	simm.s32 $0x0;
	s5 =	sshll.u32 s5, $0x1;
	s6 =	sadd.s32 s21, s4  }
0x9d: {  	[timem:s22], [sflag:s7] =	dma.local [hbm:s6], s5  }
0x9e: {  	_ =	swait.ge [sflag:s7], s5  }
0x9f: {  	s5 =	ssub.s32 $0x0, s5;
	[sflag:s7] =	ssyncset.done $0x0  }
0xa0: {  	[sflag:s7] =	ssyncadd.s32 s5;
	_ =	sdelay $0x1  }
0xa1: {  	s23 =	simm.s32 $0x1B8B  }
0xa2: {  	_ =	swait.ge [sflag:s23], $0x1  }
0xa3: {  	[sflag:s23] =	ssyncset.done $0x0  }
0xa4: {  	[sflag:s23] =	ssyncadd.s32 $0xFFFFFFFF  }
0xa5: {  	s5 =	sld [smem:$0x0]  }
0xa6: {  	s6 =	sand.u32 $0xFFFFFFFE, s1  }
0xa7: {  	p0 =	sne.s32 s1, s6  }
0xa8: {  	s6 =	sshll.u32 @p0 s6, $0xE  }
0xa9: {  	s6 =	sadd.s32 @p0 $0x11B8D, s6;
	s7 =	sshll.u32 @p0 s5, $0x11  }
0xaa: {  	s6 =	sor.u32 @p0 s7, s6  }
0xab: {  	[sflag:s6] =	ssyncadd.remote.s32 @p0 $0x1;
	_ =	sdelay $0x1  }
0xac: {  	s6 =	simm.s32 @p0 $0x1B8D  }
0xad: {  	_ =	swait.eq @p0 [sflag:s6], $0x1  }
0xae: {  	[sflag:s6] =	ssyncadd.s32 @p0 $0xFFFFFFFF  }
0xaf: {  	s7 =	sshll.u32 @!p0 s1, $0xE  }
0xb0: {  	s7 =	sor.u32 @!p0 $0x4000, s7;
	s6 =	simm.s32 @!p0 $0x1B8D  }
0xb1: {  	s5 =	sshll.u32 @!p0 s5, $0x11;
	s7 =	sadd.s32 @!p0 $0x11B8D, s7;
	_ =	swait.eq @!p0 [sflag:s6], $0x1  }
0xb2: {  	s5 =	sor.u32 @!p0 s5, s7;
	[sflag:s6] =	ssyncadd.s32 @!p0 $0xFFFFFFFF  }
0xb3: {  	s25 =	simm.s32 $0x1B8E;
	s24 =	sld [smem:$0x3FFE];
	[sflag:s5] =	ssyncadd.remote.s32 @!p0 $0x1  }
0xb4: {  	s26 =	simm.s32 $execute0_lowered;
	[smem:$0x3FD2] =	sst s25  }
0xb5: {  	s6 =	sshll.u32 s26, $0x1;
	_ =	strace $0x80000049;
	[dreg:$0x1] =	wrdreg $0xFFFFFFFF  }
0xb6: {  	s28 =	simm.s32 $_size_execute0_lowered;
	s4 =	sadd.s32 s4, s6;
	[dreg:$0x0] =	wrdreg $0x0  }
0xb7: {  	s6 =	sshll.u32 s28, $0x1;
	[dreg:$0x2] =	wrdreg s4  }
0xb8: {  	[dreg:$0x3] =	wrdreg s6  }
0xb9: {  	[dreg:$0x4] =	wrdreg $0xC0  }
0xba: {  	_ =	task [dreg:s22], $0x5FFFF  }
0xbb: {  	[dreg:$0x1] =	wrdreg $0xFFFFFFFF  }
0xbc: {  	[dreg:$0x0] =	wrdreg $0x60  }
0xbd: {  	[dreg:$0x2] =	wrdreg s24  }
0xbe: {  	[dreg:$0x3] =	wrdreg s18  }
0xbf: {  	[dreg:$0x4] =	wrdreg $0xA  }
0xc0: {  	_ =	task.clear_ibuf [dreg:s22], $0x5FFFF;
	_ =	strace $0x90000049  }
0xc1: {  	s29 =	simm.s32 $0xA;
	_ =	strace $0x8000004B  }
0xc2: {  	_ =	swait.ge [sflag:s29], $0x1  }
0xc3: {  	[sflag:s29] =	ssyncadd.s32 $0xFFFFFFFF  }
0xc4: {  	_ =	strace $0x9000004B  }
0xc5: {  	_ =	sfence  }
0xc6: {  	s30 =	sld [smem:$0x0];
	_ =	sdelay $0x2  }
0xc7: {  	s31 =	sshll.u32 s1, $0xD;
	s1 =	sshrl.u32 s1, $0x2  }
0xc8: {  	s4 =	sand.u32 $0x4000, s31;
	s1 =	sadd.s32 s1, s30  }
0xc9: {  	s0 =	sor.u32 s4, s0;
	s1 =	sshll.u32 s1, $0x11  }
0xca: {  	s0 =	sor.u32 s1, s0  }
0xcb: {  	s0 =	sadd.s32 $0x8F2B, s0  }
0xcc: {  	[sflag:s0] =	ssyncadd.remote.s32 $0x1  }
0xcd: {  	_ =	sfence.sel $0xFFFF  }
0xce: {  	[dreg:$0x0] =	wrdreg $0xFFFFFFFF;
	(pc) =	sbr.abs _section_cstart, $3  }
0xcf: {  	[dreg:$0x1] =	wrdreg $0xFFFFFFFF  }
0xd0: {  	_ =	task.clear_ibuf [dreg:s22], $0x2FFFF;
	_ =	strace $0x9FFFFFFF  }
0xd1: {  	(tm) =	ssettm $0x7FFFFFFF  }
tec
execute0_lowered:
.L_overlay_start_1:
0x0: {  	(tag) =	ssettag $0x1  }
0x1: {  	s7 =	rddreg [dreg:$0x0]  }
0x2: {  	s2 =	rddreg [dreg:$0x1]  }
0x3: {  	s0 =	rddreg [dreg:$0x2]  }
0x4: {  	s3 =	simm.s32 $0x0;
	s4 =	srdreg.scid;
	s1 =	stileid.u32  }
0x5: {  	s14 =	simm.s32 $0x4B00;
	s15 =	simm.s32 $0x0;
	[smem:$0x7FF] =	sst s3  }
0x6: {  	s6 =	sand.u32 $0x1, s4;
	s5 =	sshll.u32 s1, $0x1;
	s4 =	sadd.s32 $0x3F1800, s7  }
0x7: {  	_ =	strace $0x8000004A;
	s8 =	sor.u32 s6, s5;
	s5 =	sadd.s32 $0x3E8400, s7  }
0x8: {  	s9 =	ssub.s32 $0x2, s6;
	s6 =	sadd.s32 $0x3FAC00, s7;
	s11 =	sshll.u32 s8, $0x1  }
0x9: {  	s10 =	smul.u32 $0xC80, s8;
	s12 =	sshrl.u32 s9, $0x1;
	s11 =	sadd.s32 s11, s7  }
0xa: {  	s9 =	ssub.s32 s9, s12;
	s7 =	smul.u32 $0x4A660, s8;
	s12 =	simm.s32 $0x2500  }
0xb: {  	v2 =	vimm.s32 $0x0;
	s13 =	sadd.s32 $0xC80, s10;
	s8 =	sadd.s32 $0x524600, s11;
	s9 =	smax.u32 s9, $0x1  }
0xc: {  	v3 =	vimm.s32 $0x19000;
	v0 =	vmov s10;
	s10 =	simm.s32 $0x1;
	s11 =	simm.s32 $0x1280;
	v1 =	vmov s13;
	s13 =	simm.s32 $0x3800  }
.LBB2_1:
.Ltmp0:
0xd: {  	(pc) =	sbr.rel .LBB2_2-.Ltmp0, $2  }
0xe: {  	_ =	sdelay $0x2  }
0xf: {  	s16 =	simm.s32 $0x0;
	s17 =	simm.s32 $0x0  }
.LBB2_7:
0x10: {  	s20 =	sadd.s32 s7, s16  }
0x11: {  	s20 =	sshrl.u32 s20, $0x3  }
0x12: {  	[tilespmem:s19+$0x3800] =	vst v3;
	s21 =	simm.s32 $0x0;
	s30 =	sadd.s32 s2, s20  }
0x13: {  	[hbm4b:s30+s21] =	stream.linear.scatter [tilespmem:s12], [sflag:$0x1], $0x1250, $0x38;
	[tilespmem:$0x4B80] =	vst v63  }
0x14: {  	s17 =	sadd.s32 $0x1, s17;
	_ =	swait.ge [sflag:s10], $0x1250  }
0x15: {  	p0 =	sne.s32 s17, $0x40;
	[sflag:s10] =	ssyncset.done $0x0  }
.Ltmp1:
0x16: {  	s31 =	sadd.s32 s6, s20;
	[sflag:s10] =	ssyncadd.s32 $0xFFFFEDB0;
	(pc) =	sbr.rel @!p0 .LBB2_8-.Ltmp1, $4  }
0x17: {  	[hbm4b:s31+s21] =	stream.linear.scatter [tilespmem:s13], [sflag:$0x1], $0x1250, $0x38;
	[tilespmem:$0x4B80] =	vst v63  }
0x18: {  	_ =	swait.ge [sflag:s10], $0x1250  }
0x19: {  	[sflag:s10] =	ssyncset.done $0x0  }
0x1a: {  	s16 =	sadd.s32 s16, s18;
	[sflag:s10] =	ssyncadd.s32 $0xFFFFEDB0  }
.LBB2_2:
0x1b: {  	s18 =	smul.u32 $0x24A, s17;
	_ =	sdelay $0x1  }
0x1c: {  	s20 =	simm.s32 $0x0;
	s19 =	sadd.s32 s4, s18  }
0x1d: {  	[tilespmem:s20], [sflag:$0x1] =	stream.linear.gather [hbm4b:s19+s20], $0x1250, $0x38;
	[tilespmem:$0x4B80] =	vst v63  }
0x1e: {  	_ =	swait.ge [sflag:s10], $0x1250  }
0x1f: {  	[sflag:s10] =	ssyncset.done $0x0  }
0x20: {  	s18 =	sadd.s32 s5, s18;
	[sflag:s10] =	ssyncadd.s32 $0xFFFFEDB0  }
0x21: {  	[tilespmem:s11], [sflag:$0x1] =	stream.linear.gather [hbm4b:s18+s20], $0x1250, $0x38;
	[tilespmem:$0x4B80] =	vst v63  }
0x22: {  	_ =	swait.ge [sflag:s10], $0x1250  }
0x23: {  	[sflag:s10] =	ssyncset.done $0x0  }
0x24: {  	s18 =	simm.s32 $0x0;
	[sflag:s10] =	ssyncadd.s32 $0xFFFFEDB0  }
0x25: {  	v6 =	vimm.s32 $0x0;
	v5 =	vimm.s32 $0x0;
	s19 =	simm.s32 $0x40;
	v4 =	vld [tilespmem:s18+$0x1280]  }
.LBB2_3:
0x26: {  	p0 =	sne.s32 s19, $0x4900;
	_ =	sdelay $0x3  }
0x27: {  	vm0 =	vge.s32 v4, v0;
	vm1 =	vlt.s32 v4, v1  }
0x28: {  	vm0 =	vmand vm0, vm1  }
0x29: {  	v7 =	vsel vm0, $0x1, v2;
	v8 =	vmpcnt.ones.xlane vm0  }
0x2a: {  	(xrf0) =	vadd.scan.msk.s32 $0xffff, v7  }
0x2b: {  	v6 =	vadd.s32 v6, v8;
	_ =	sdelay $0x4  }
0x2c: {  	v7, _, _ =	vpop (xrf0)  }
0x2d: {  	v7 =	vadd.s32 v7, v5;
	v5 =	vmov v6  }
0x2e: {  	v7 =	vadd.s32 $0xFFFFFFFF, v7  }
0x2f: {  	v8 =	vld [tilespmem:s18+$0x0];
	v7 =	vnsel vm0, $0x1290, v7;
	_ =	sdelay $0x2  }
.Ltmp2:
0x30: {  	(pc) =	sbr.rel @p0 .LBB2_3-.Ltmp2, $4  }
0x31: {  	_ = 	snop  }
0x32: {  	[tilespmem:v7+s12+$0x0] =	vst.idx.msk $0xffff, v8  }
0x33: {  	s18 =	sshra.s32 s19, $0x2;
	[tilespmem:v7+s13+$0x0] =	vst.idx.msk $0xffff, v4  }
0x34: {  	s19 =	sadd.s32 $0x40, s19;
	v4 =	vld [tilespmem:s18+$0x1280]  }
0x35: {  	_ =	sdelay $0x3  }
0x36: {  	vm0 =	vge.s32 v4, v0;
	vm1 =	vlt.s32 v4, v1  }
0x37: {  	vm0 =	vmand vm0, vm1  }
0x38: {  	v7 =	vmpcnt.ones.xlane vm0;
	_ =	sdelay $0x1  }
0x39: {  	v6 =	vadd.s32 v6, v7  }
0x3a: {  	(v2sf) =	vpush v6, $0x0;
	_ =	sdelay $0xd  }
0x3b: {  	v62 =	vsel vm0, $0x1, v2  }
0x3c: {  	(xrf0) =	vadd.scan.msk.s32 $0xffff, v62;
	s19 =	spop (v2sf)  }
0x3d: {  	s20 =	sadd.s32 $0xF, s19  }
0x3e: {  	s21 =	sand.u32 $0xF, s20  }
0x3f: {  	s29 =	sshra.s32 s20, $0x1F;
	p1 =	slt.s32 s20, $0x1;
	p0 =	sne.s32 s21, $0x0  }
0x40: {  	s21 =	sshrl.u32 s29, $0x1C;
	p0 =	por !p1, !p0  }
0x41: {  	s30 =	sadd.s32 s21, s20;
	s20 =	simm.s32 $0x1;
	p0 =	por !p0, !p0  }
0x42: {  	v63 =	vld [tilespmem:s18+$0x0];
	v7, _, _ =	vpop (xrf0);
	s18 =	sshra.s32 s30, $0x4;
	s20 =	simm.s32 @!p0 $0x0  }
0x43: {  	v5 =	vadd.s32 v7, v5;
	s20 =	ssub.s32 s18, s20  }
0x44: {  	v5 =	vadd.s32 $0xFFFFFFFF, v5;
	s18 =	sshll.u32 s20, $0x4  }
0x45: {  	v5 =	vnsel vm0, $0x1290, v5;
	s31 =	ssub.s32 $0x1250, s18  }
0x46: {  	s21 =	sshra.s32 s31, $0x4  }
0x47: {  	p0 =	slt.s32 s21, $0x0  }
.Ltmp3:
0x48: {  	_ = 	snop;
	(pc) =	sbr.rel @p0 .LBB2_7-.Ltmp3, $4  }
0x49: {  	_ = 	snop  }
0x4a: {  	[tilespmem:v5+s12+$0x0] =	vst.idx.msk $0xffff, v63  }
0x4b: {  	[tilespmem:v5+s13+$0x0] =	vst.idx.msk $0xffff, v4  }
0x4c: {  	[tilespmem:$0x4B00] =	vst v6  }
0x4d: {  	s21 =	sadd.s32 $0x1, s21  }
0x4e: {  	p0 =	sne.s32 s21, $0x1  }
.Ltmp4:
0x4f: {  	s20 =	sshll.u32 s20, $0x6;
	(pc) =	sbr.rel @!p0 .LBB2_7-.Ltmp4, $4  }
0x50: {  	s20 =	sshra.s32 s20, $0x2  }
0x51: {  	s22 =	sadd.s32 $0x2500, s20  }
0x52: {  	s20 =	sadd.s32 $0x3800, s20;
	[tilespmem:s22+$0x0] =	vst v2  }
0x53: {  	s21 =	sadd.s32 $0xFFFFFFFF, s21;
	s22 =	sadd.s32 $0x10, s22;
	[tilespmem:s20+$0x0] =	vst v3  }
.LBB2_6:
0x54: {  	[tilespmem:s22+$0x0] =	vst v2;
	s20 =	sadd.s32 $0x10, s20;
	p0 =	sne.s32 s21, $0x1  }
.Ltmp5:
0x55: {  	s21 =	sadd.s32 $0xFFFFFFFF, s21;
	[tilespmem:s20+$0x0] =	vst v3;
	(pc) =	sbr.rel @p0 .LBB2_6-.Ltmp5, $2  }
0x56: {  	_ =	sdelay $0x2  }
0x57: {  	s22 =	sadd.s32 $0x10, s22  }
.Ltmp6:
0x58: {  	_ = 	snop;
	(pc) =	sbr.rel .LBB2_7-.Ltmp6, $1  }
0x59: {  	_ =	sdelay $0x3  }
.LBB2_8:
0x5a: {  	s17 =	simm.s32 $0x40;
	s18 =	simm.s32 $0x0  }
.LBB2_9:
0x5b: {  	p0 =	sne.s32 s17, $0x4900;
	[tilespmem:s18+$0x3800] =	vst v3;
	s18 =	smov.u32 s17;
	s17 =	sadd.s32 $0x40, s17  }
.Ltmp7:
0x5c: {  	(pc) =	sbr.rel @p0 .LBB2_9-.Ltmp7, $2  }
0x5d: {  	_ =	sdelay $0x2  }
0x5e: {  	s18 =	sshra.s32 s18, $0x2  }
0x5f: {  	s17 =	sadd.s32 s7, s16  }
0x60: {  	s17 =	sshrl.u32 s17, $0x3  }
0x61: {  	[tilespmem:s18+$0x3800] =	vst v3;
	s17 =	sadd.s32 s6, s17  }
0x62: {  	[hbm4b:s17+s3] =	stream.linear.scatter [tilespmem:s13], [sflag:$0x1], $0x1250, $0x38;
	[tilespmem:$0x4B80] =	vst v63  }
0x63: {  	_ =	swait.ge [sflag:s10], $0x1250  }
0x64: {  	s15 =	sadd.s32 $0x1, s15;
	[sflag:s10] =	ssyncset.done $0x0  }
0x65: {  	v4 =	vmov s16;
	p0 =	sne.s32 s15, s9;
	[sflag:s10] =	ssyncadd.s32 $0xFFFFEDB0  }
.Ltmp8:
0x66: {  	[tilespmem:$0x4B00] =	vst v4;
	(pc) =	sbr.rel @p0 .LBB2_1-.Ltmp8, $4  }
0x67: {  	[hbm4b:s8+s3] =	stream.linear.scatter [tilespmem:s14], [sflag:$0x1], $0x10, $0x38;
	[tilespmem:$0x4B80] =	vst v63  }
0x68: {  	_ =	swait.ge [sflag:s10], $0x10  }
0x69: {  	[sflag:s10] =	ssyncset.done $0x0  }
0x6a: {  	[sflag:s10] =	ssyncadd.s32 $0xFFFFFFF0  }
0x6b: {  	_ =	sfence.sel $0x180000  }
0x6c: {  	[bflag:$0x0] =	sbarrier.arrive $0xFFFF  }
0x6d: {  	p0 =	sne.s32 s1, $0x0;
	_ =	strace $0x9000004A  }
0x6e: {  	s0 =	sadd.s32 @!p0 $0x100000, s0;
	[bflag:$0x2] =	sbarrier.arrive $0xFFFF  }
0x6f: {  	[sflag:s0] =	ssyncadd.tile.s32 @!p0 $0x1;
	_ =	shalt  }
.Lfunc_end2:
_tile_overlayer_lowered:
.L_overlay_start_2:
0x70: {  	(tag) =	ssettag $0x2  }
0x71: {  	s0 =	rddreg [dreg:$0x0];
	s2 =	stileid.u32  }
0x72: {  	s1 =	rddreg [dreg:$0x1];
	p0 =	sne.s32 s2, $0x0  }
0x73: {  	s3 =	rddreg [dreg:$0x2];
	[bflag:$0x3] =	sbarrier.arrive $0xFFFF;
	s2 =	simm.s32 @!p0 $0x1C01  }
0x74: {  	[timem:s3], [sflag:s2] =	dma.local @!p0 [hbm:s0], s1  }
0x75: {  	s0 =	simm.s32 @!p0 $0x1  }
0x76: {  	_ =	swait.ge @!p0 [sflag:s0], s1  }
0x77: {  	s1 =	ssub.s32 @!p0 $0x0, s1;
	[sflag:s0] =	ssyncset.done @!p0 $0x0  }
0x78: {  	[sflag:s0] =	ssyncadd.s32 @!p0 s1  }
0x79: {  	[bflag:$0x3] =	sbarrier.arrive $0xFFFF  }
0x7a: {  	_ =	shalt  }

// kernel: kernel.16.cloned.1.call-start
scs
__scs_entry_jumppad:
0x0: {  	(pc) =	sbr.rel $0x88, $3  }
0x1: {  	(tag) =	ssettag $0x0;
	lr =	simm.s32 $0x1  }
0x2: {  	[smem:$0x3F95] =	sst lr;
	_ =	strace $0xD0000000  }
0x3: {  	_ = 	snop  }
0x4: {  	_ = 	snop  }
0x5: {  	_ = 	snop  }
0x6: {  	_ = 	snop  }
0x7: {  	_ = 	snop  }
__scs_overlays_trampoline_lowered:
0x8: {  	[smem:$0x3FA4] =	sst s0  }
0x9: {  	[smem:$0x3FA5] =	sst s1  }
0xa: {  	[smem:$0x3FA6] =	sst s2  }
0xb: {  	[smem:$0x3FA7] =	sst s3  }
0xc: {  	[smem:$0x3FA8] =	sst s4  }
0xd: {  	[smem:$0x3FA9] =	sst s5  }
0xe: {  	[smem:$0x3FAA] =	sst s6  }
0xf: {  	[smem:$0x3FAB] =	sst s7  }
0x10: {  	[smem:$0x3FAC] =	sst s8  }
0x11: {  	[smem:$0x3FAD] =	sst s9;
	s0 =	simm.s32 @!p0 $0x0  }
0x12: {  	s1 =	sld [smem:$0x3F93];
	s0 =	simm.s32 @p0 $0x1  }
0x13: {  	[smem:$0x3FAE] =	sst s0;
	s0 =	simm.s32 @!p1 $0x0  }
0x14: {  	s2 =	sld [smem:$0x3F92];
	s0 =	simm.s32 @p1 $0x1  }
0x15: {  	[smem:$0x3FAF] =	sst s0;
	s0 =	simm.s32 @!p2 $0x0  }
0x16: {  	s3 =	sld [smem:$0x3FDB];
	s0 =	simm.s32 @p2 $0x1  }
0x17: {  	s4 =	simm.s32 $0x1BF5;
	[smem:$0x3FB1] =	sst s0  }
0x18: {  	s0 =	sld [smem:$0x3F94];
	_ =	swait.ge [sflag:s4], $0x0  }
0x19: {  	s7 =	sld [smem:$0x3F95]  }
0x1a: {  	s8 =	sadd.s32 $0xFFFFE003, lr  }
0x1b: {  	s9 =	sadd.s32 $0xFFFFFEF7, lr;
	s5 =	simm.s32 $0xFFFFFFFF;
	p2 =	slt.u32 s8, $0xFFFFF086  }
0x1c: {  	p1 =	slt.u32 s9, $0xF7A;
	s5 =	simm.s32 @!p2 $0x0  }
0x1d: {  	s5 =	simm.s32 @p1 $0x1;
	p0 =	seq.s32 s7, s2  }
0x1e: {  	s7 =	smul.u32 @!p0 $0xF7A, s2;
	p2 =	seq.s32 @!p0 s5, $0x0  }
0x1f: {  	s9 =	smul.u32 $0xF7A, s1;
	s8 =	simm.s32 @!p0 $0x1BF5;
	p2 =	por !p2, p0  }
0x20: {  	[sflag:s8] =	ssyncset.s32 @!p0 $0xFFFFF086;
	s6 =	sadd.s32 @!p0 s3, s7;
	s7 =	simm.s32 @!p0 $0x108  }
0x21: {  	s3 =	sadd.s32 s3, s9;
	s6 =	sadd.s32 @!p0 $0x88, s6;
	s7 =	simm.s32 @p2 $0x1082  }
0x22: {  	[simem:s7], [sflag:s8] =	dma.local @!p0 [hbm:s6], $0xF7A  }
0x23: {  	s9 =	sor.u32 $0xD0000000, s2;
	s6 =	simm.s32 $0x108;
	_ =	swait.ge @!p0 [sflag:s8], $0x0  }
0x24: {  	s3 =	sadd.s32 $0x88, s3;
	s6 =	simm.s32 @!p1 $0x1082;
	[sflag:s4] =	ssyncset.s32 $0xFFFFF086  }
0x25: {  	[simem:s6], [sflag:s4] =	dma.local [hbm:s3], $0xF7A  }
0x26: {  	[smem:$0x3F95] =	sst s1;
	(tag) =	ssettag s2;
	_ =	strace s9  }
0x27: {  	s1 =	sld [smem:$0x3FA5]  }
0x28: {  	s2 =	sld [smem:$0x3FA6]  }
0x29: {  	s4 =	sld [smem:$0x3FA8]  }
0x2a: {  	p0 =	seq.s32 s5, $0x0;
	s5 =	sld [smem:$0x3FA9]  }
0x2b: {  	s6 =	sld [smem:$0x3FAA]  }
0x2c: {  	s7 =	sld [smem:$0x3FAB]  }
0x2d: {  	s3 =	simm.s32 $0x108;
	s8 =	sld [smem:$0x3FAC]  }
0x2e: {  	s3 =	simm.s32 @!p0 $0x1082;
	s9 =	sld [smem:$0x3FAD]  }
0x2f: {  	lr =	sadd.s32 s0, s3;
	s0 =	sld [smem:$0x3FA4]  }
0x30: {  	s3 =	sld [smem:$0x3FA7]  }
0x31: {  	[smem:$0x3FB0] =	sst s10  }
0x32: {  	s10 =	sld [smem:$0x3FAE];
	_ =	sdelay $0x3  }
0x33: {  	p0 =	seq.s32 s10, $0x1;
	s10 =	sld [smem:$0x3FB0];
	_ =	sdelay $0x3  }
0x34: {  	[smem:$0x3FB0] =	sst s10  }
0x35: {  	s10 =	sld [smem:$0x3FAF];
	_ =	sdelay $0x3  }
0x36: {  	p1 =	seq.s32 s10, $0x1;
	s10 =	sld [smem:$0x3FB0];
	_ =	sdelay $0x3  }
0x37: {  	[smem:$0x3FB0] =	sst s10  }
0x38: {  	s10 =	sld [smem:$0x3FB1]  }
0x39: {  	_ = 	snop;
	(pc) =	sbr.ind lr, $3  }
0x3a: {  	_ = 	snop  }
0x3b: {  	_ = 	snop  }
0x3c: {  	p2 =	seq.s32 s10, $0x1;
	s10 =	sld [smem:$0x3FB0]  }
0x3d: {  	_ =	shalt  }
0x3e: {  	_ =	shalt  }
0x3f: {  	_ =	shalt  }
0x40: {  	_ =	shalt  }
0x41: {  	_ =	shalt  }
0x42: {  	_ =	shalt  }
0x43: {  	_ =	shalt  }
0x44: {  	_ =	shalt  }
0x45: {  	_ =	shalt  }
0x46: {  	_ =	shalt  }
0x47: {  	_ =	shalt  }
0x48: {  	_ =	shalt  }
0x49: {  	_ =	shalt  }
0x4a: {  	_ =	shalt  }
0x4b: {  	_ =	shalt  }
0x4c: {  	_ =	shalt  }
0x4d: {  	_ =	shalt  }
0x4e: {  	_ =	shalt  }
0x4f: {  	_ =	shalt  }
0x50: {  	_ =	shalt  }
0x51: {  	_ =	shalt  }
0x52: {  	_ =	shalt  }
0x53: {  	_ =	shalt  }
0x54: {  	_ =	shalt  }
0x55: {  	_ =	shalt  }
0x56: {  	_ =	shalt  }
0x57: {  	_ =	shalt  }
0x58: {  	_ =	shalt  }
0x59: {  	_ =	shalt  }
0x5a: {  	_ =	shalt  }
0x5b: {  	_ =	shalt  }
0x5c: {  	_ =	shalt  }
0x5d: {  	_ =	shalt  }
0x5e: {  	_ =	shalt  }
0x5f: {  	_ =	shalt  }
0x60: {  	_ =	shalt  }
0x61: {  	_ =	shalt  }
0x62: {  	_ =	shalt  }
0x63: {  	_ =	shalt  }
0x64: {  	_ =	shalt  }
0x65: {  	_ =	shalt  }
0x66: {  	_ =	shalt  }
0x67: {  	_ =	shalt  }
0x68: {  	_ =	shalt  }
0x69: {  	_ =	shalt  }
0x6a: {  	_ =	shalt  }
0x6b: {  	_ =	shalt  }
0x6c: {  	_ =	shalt  }
0x6d: {  	_ =	shalt  }
0x6e: {  	_ =	shalt  }
0x6f: {  	_ =	shalt  }
0x70: {  	_ =	shalt  }
0x71: {  	_ =	shalt  }
0x72: {  	_ =	shalt  }
0x73: {  	_ =	shalt  }
0x74: {  	_ =	shalt  }
0x75: {  	_ =	shalt  }
0x76: {  	_ =	shalt  }
0x77: {  	_ =	shalt  }
0x78: {  	_ =	shalt  }
0x79: {  	_ =	shalt  }
0x7a: {  	_ =	shalt  }
0x7b: {  	_ =	shalt  }
0x7c: {  	_ =	shalt  }
0x7d: {  	_ =	shalt  }
0x7e: {  	_ =	shalt  }
0x7f: {  	_ =	shalt  }
0x80: {  	_ =	shalt  }
0x81: {  	_ =	shalt  }
0x82: {  	_ =	shalt  }
0x83: {  	_ =	shalt  }
0x84: {  	_ =	shalt  }
0x85: {  	_ =	shalt  }
0x86: {  	_ =	shalt  }
0x87: {  	_ =	shalt  }
.Lfunc_end0:
.L_simem_size_0:
called_computation.2_lowered:
.L_overlay_start_0:
0x88: {  	s2 =	sld [smem:$0x3FD9]  }
0x89: {  	s3 =	sld [smem:$0x3FFE];
	_ =	sdelay $0x1  }
0x8a: {  	s1 =	srdreg.scid  }
0x8b: {  	s0 =	sand.u32 $0x1, s1  }
0x8c: {  	s17 =	sshll.u32 s0, $0xA;
	s2 =	sadd.s32 s3, s2  }
0x8d: {  	s2 =	sadd.s32 s2, s17  }
0x8e: {  	[smem:$0x3FBC] =	sst s2  }
0x8f: {  	_ = 	snop  }
0x90: {  	s2 =	sld [smem:$0x3FD0];
	(tm) =	ssettm $0x1  }
0x91: {  	s18 =	sld [smem:$0x3FFB];
	_ =	sdelay $0x3  }
0x92: {  	_ =	strace s18  }
0x93: {  	s3 =	sld [smem:$0x3FFC];
	_ =	sdelay $0x3  }
0x94: {  	_ =	strace s3  }
0x95: {  	s3 =	sld [smem:$0x3FFD];
	_ =	sdelay $0x3  }
0x96: {  	_ =	strace s3  }
0x97: {  	_ =	strace $0x8FFFFFFF  }
0x98: {  	s19 =	sld [smem:$0x3FDB];
	_ =	sdelay $0x1  }
0x99: {  	s4 =	simm.s32 $_scs_section_size  }
0x9a: {  	s5 =	simm.s32 $_size__tile_overlayer_lowered;
	s6 =	simm.s32 $_tile_overlayer_lowered  }
0x9b: {  	s22 =	simm.s32 $0x1BFF;
	s21 =	sshll.u32 s6, $0x1;
	s3 =	sadd.s32 s4, s19  }
0x9c: {  	s7 =	simm.s32 $0x0;
	s20 =	sshll.u32 s5, $0x1;
	s5 =	sadd.s32 s21, s3  }
0x9d: {  	[timem:s7], [sflag:s22] =	dma.local [hbm:s5], s20  }
0x9e: {  	_ =	swait.ge [sflag:s22], s20  }
0x9f: {  	s4 =	ssub.s32 $0x0, s20;
	[sflag:s22] =	ssyncset.done $0x0  }
0xa0: {  	[sflag:s22] =	ssyncadd.s32 s4;
	_ =	sdelay $0x1  }
0xa1: {  	s23 =	simm.s32 $0x1B8B  }
0xa2: {  	_ =	swait.ge [sflag:s23], $0x1  }
0xa3: {  	[sflag:s23] =	ssyncset.done $0x0  }
0xa4: {  	s25 =	simm.s32 $0x1B8E;
	s24 =	sld [smem:$0x3FFE];
	[sflag:s23] =	ssyncadd.s32 $0xFFFFFFFF  }
0xa5: {  	s26 =	simm.s32 $execute0_lowered;
	[smem:$0x3FD2] =	sst s25  }
0xa6: {  	s5 =	sshll.u32 s26, $0x1;
	_ =	strace $0x8000004C;
	[dreg:$0x1] =	wrdreg $0xFFFFFFFF  }
0xa7: {  	s28 =	simm.s32 $_size_execute0_lowered;
	s3 =	sadd.s32 s3, s5;
	[dreg:$0x0] =	wrdreg $0x0  }
0xa8: {  	s5 =	sshll.u32 s28, $0x1;
	[dreg:$0x2] =	wrdreg s3  }
0xa9: {  	[dreg:$0x3] =	wrdreg s5  }
0xaa: {  	[dreg:$0x4] =	wrdreg $0xC0  }
0xab: {  	_ =	task [dreg:s7], $0x5FFFF  }
0xac: {  	[dreg:$0x1] =	wrdreg $0xFFFFFFFF  }
0xad: {  	[dreg:$0x0] =	wrdreg $0x60  }
0xae: {  	[dreg:$0x2] =	wrdreg s24  }
0xaf: {  	[dreg:$0x3] =	wrdreg s2  }
0xb0: {  	[dreg:$0x4] =	wrdreg $0x9  }
0xb1: {  	_ =	task.clear_ibuf [dreg:s7], $0x5FFFF;
	_ =	strace $0x9000004C  }
0xb2: {  	s29 =	simm.s32 $0x9;
	_ =	strace $0x8000004E  }
0xb3: {  	_ =	swait.ge [sflag:s29], $0x1  }
0xb4: {  	[sflag:s29] =	ssyncadd.s32 $0xFFFFFFFF  }
0xb5: {  	_ =	strace $0x9000004E  }
0xb6: {  	_ =	sfence  }
0xb7: {  	s30 =	sld [smem:$0x0];
	_ =	sdelay $0x2  }
0xb8: {  	s31 =	sshll.u32 s1, $0xD;
	s1 =	sshrl.u32 s1, $0x2  }
0xb9: {  	s3 =	sand.u32 $0x4000, s31;
	s1 =	sadd.s32 s1, s30  }
0xba: {  	s0 =	sor.u32 s3, s0;
	s1 =	sshll.u32 s1, $0x11  }
0xbb: {  	s0 =	sor.u32 s1, s0  }
0xbc: {  	s0 =	sadd.s32 $0x8F2B, s0  }
0xbd: {  	[sflag:s0] =	ssyncadd.remote.s32 $0x1  }
0xbe: {  	_ =	sfence.sel $0xFFFF  }
0xbf: {  	[dreg:$0x0] =	wrdreg $0xFFFFFFFF;
	(pc) =	sbr.abs _section_cstart, $3  }
0xc0: {  	[dreg:$0x1] =	wrdreg $0xFFFFFFFF  }
0xc1: {  	_ =	task.clear_ibuf [dreg:s7], $0x2FFFF;
	_ =	strace $0x9FFFFFFF  }
0xc2: {  	(tm) =	ssettm $0x7FFFFFFF  }
0xc3: {  	_ =	shalt  }
tec
execute0_lowered:
.L_overlay_start_1:
0x0: {  	(tag) =	ssettag $0x1  }
0x1: {  	s0 =	rddreg [dreg:$0x0]  }
0x2: {  	s2 =	rddreg [dreg:$0x1];
	s3 =	simm.s32 $0x0  }
0x3: {  	s1 =	srdreg.scid;
	s4 =	stileid.u32;
	s13 =	simm.s32 $0x2  }
0x4: {  	s14 =	simm.s32 $0x1;
	s15 =	simm.s32 $0x1280;
	s16 =	simm.s32 $0x2500  }
0x5: {  	s17 =	simm.s32 $0x3800;
	s18 =	simm.s32 $0x40;
	s19 =	simm.s32 $0x4B00  }
0x6: {  	s20 =	simm.s32 $0x6B80;
	s21 =	simm.s32 $0x10F80;
	s22 =	simm.s32 $0x0  }
0x7: {  	s26 =	simm.s32 $0x0;
	[smem:$0x7FF] =	sst s3;
	s1 =	sand.u32 $0x1, s1  }
0x8: {  	s4 =	sshll.u32 s4, $0x1;
	s5 =	sadd.s32 $0x3FAC00, s0;
	s7 =	sadd.s32 $0x524800, s0  }
.Ltmp0:
0x9: {  	_ =	strace $0x8000004D;
	s9 =	sor.u32 s1, s4;
	(pc) =	sbr.rel .LBB2_1-.Ltmp0, $4  }
0xa: {  	s4 =	sadd.s32 $0x258400, s0;
	s1 =	ssub.s32 $0x2, s1;
	s6 =	sshll.u32 s9, $0x1  }
0xb: {  	s30 =	sshrl.u32 s1, $0x1;
	s8 =	smul.u32 $0x4A660, s9;
	s10 =	sadd.s32 s6, s0  }
0xc: {  	s6 =	sadd.s32 $0x2E00, s0;
	s0 =	ssub.s32 s1, s30;
	s31 =	sadd.s32 $0x524600, s10  }
0xd: {  	v0 =	vimm.f32 $0.0e+00;
	v1 =	vimm.s32 $0x0;
	v2 =	vimm.s32 $0x140;
	s10 =	smul.u32 $0xC80, s9;
	s11 =	smax.u32 s0, $0x1;
	[dreg:$0x3] =	wrdreg s31  }
.LBB2_14:
0xe: {  	s22 =	sadd.s32 $0x1, s22  }
0xf: {  	p0 =	sne.s32 s22, s11  }
.Ltmp1:
0x10: {  	_ = 	snop;
	(pc) =	sbr.rel @!p0 .LBB2_15-.Ltmp1, $1  }
0x11: {  	_ =	sdelay $0x3  }
.LBB2_1:
0x12: {  	s0 =	rddreg [dreg:$0x3];
	s1 =	simm.s32 $0x6B00  }
0x13: {  	[tilespmem:s1], [sflag:$0x2] =	stream.linear.gather [hbm4b:s0+s3], $0x10, $0x38;
	[tilespmem:$0x1B380] =	vst v63  }
0x14: {  	_ =	swait.ge [sflag:s13], $0x10  }
0x15: {  	[sflag:s13] =	ssyncset.done $0x0  }
0x16: {  	[sflag:s13] =	ssyncadd.s32 $0xFFFFFFF0  }
0x17: {  	v3 =	vld [tilespmem:$0x6B00];
	_ =	sdelay $0x4  }
0x18: {  	(v2sf) =	vpush v3, $0x0;
	_ =	sdelay $0xe  }
0x19: {  	s29 =	spop (v2sf)  }
0x1a: {  	s30 =	sadd.s32 $0x124F, s29  }
0x1b: {  	s9 =	smulhi.u32 $0xDFAC1F75, s30;
	s12 =	sshra.s32 s30, $0x1F  }
0x1c: {  	s0 =	ssub.s32 $0xFFFFEDB1, s29;
	s12 =	smul.u32 $0xDFAC1F75, s12  }
0x1d: {  	s9 =	sadd.s32 s0, s9  }
0x1e: {  	s9 =	sadd.s32 s12, s9  }
0x1f: {  	s9 =	sadd.s32 s30, s9  }
0x20: {  	s31 =	sshrl.u32 s9, $0x1F;
	s9 =	sshra.s32 s9, $0xC  }
0x21: {  	s9 =	sadd.s32 s31, s9  }
0x22: {  	s12 =	smul.u32 $0xFFFFEDB0, s9;
	_ =	sdelay $0x1  }
0x23: {  	p0 =	slt.s32 s30, $0x1;
	p1 =	sne.s32 s12, s0  }
.Ltmp2:
0x24: {  	p0 =	por !p0, !p1;
	(pc) =	sbr.rel .LBB2_2-.Ltmp2, $4  }
0x25: {  	s0 =	simm.s32 $0x1;
	p0 =	por !p0, !p0  }
0x26: {  	s0 =	simm.s32 @!p0 $0x0  }
0x27: {  	s23 =	ssub.s32 s9, s0  }
0x28: {  	s24 =	simm.s32 $0x0;
	p0 =	slt.s32 s23, $0x1  }
.LBB2_13:
0x29: {  	s0 =	sshll.u32 s25, $0x4  }
0x2a: {  	s1 =	sadd.s32 s6, s0  }
0x2b: {  	[hbm4b:s1+s3] =	stream.linear.scatter [tilespmem:s20], [sflag:$0x2], $0xA000, $0x38;
	[tilespmem:$0x1B380] =	vst v63  }
0x2c: {  	s24 =	sadd.s32 $0x1, s24;
	_ =	swait.ge [sflag:s13], $0xA000  }
0x2d: {  	p1 =	sne.s32 s24, $0xA;
	[sflag:s13] =	ssyncset.done $0x0  }
.Ltmp3:
0x2e: {  	s0 =	sadd.s32 s7, s0;
	[sflag:s13] =	ssyncadd.s32 $0xFFFF6000;
	(pc) =	sbr.rel @!p1 .LBB2_14-.Ltmp3, $4  }
0x2f: {  	[hbm4b:s0+s3] =	stream.linear.scatter [tilespmem:s21], [sflag:$0x2], $0xA000, $0x38;
	[tilespmem:$0x1B380] =	vst v63  }
0x30: {  	_ =	swait.ge [sflag:s13], $0xA000  }
0x31: {  	[sflag:s13] =	ssyncset.done $0x0  }
0x32: {  	[sflag:s13] =	ssyncadd.s32 $0xFFFF6000  }
.LBB2_2:
0x33: {  	s0 =	simm.s32 $0x0;
	s1 =	simm.s32 $0x200  }
.LBB2_3:
0x34: {  	p1 =	seq.s32 s1, $0x28E00;
	[tilespmem:s0+$0x10F80] =	vst v0  }
0x35: {  	[tilespmem:s0+$0x6B80] =	vst v0  }
0x36: {  	[tilespmem:s0+$0x6B90] =	vst v0  }
0x37: {  	[tilespmem:s0+$0x6BA0] =	vst v0  }
.Ltmp4:
0x38: {  	[tilespmem:s0+$0x6BB0] =	vst v0;
	(pc) =	sbr.rel @!p1 .LBB2_3-.Ltmp4, $4  }
0x39: {  	[tilespmem:s0+$0x6BC0] =	vst v0  }
0x3a: {  	[tilespmem:s0+$0x6BD0] =	vst v0  }
0x3b: {  	[tilespmem:s0+$0x6BE0] =	vst v0  }
0x3c: {  	[tilespmem:s0+$0x6BF0] =	vst v0;
	s0 =	sshra.s32 s1, $0x2;
	s1 =	sadd.s32 $0x200, s1  }
0x3d: {  	[tilespmem:s0+$0x10F80] =	vst v0  }
0x3e: {  	[tilespmem:s0+$0x6B80] =	vst v0  }
0x3f: {  	[tilespmem:s0+$0x6B90] =	vst v0  }
0x40: {  	[tilespmem:s0+$0x6BA0] =	vst v0  }
.Ltmp5:
0x41: {  	[tilespmem:s0+$0x6BB0] =	vst v0;
	(pc) =	sbr.rel @p0 .LBB2_13-.Ltmp5, $4  }
0x42: {  	[tilespmem:s0+$0x6BC0] =	vst v0  }
0x43: {  	[tilespmem:s0+$0x6BD0] =	vst v0;
	s31 =	smul.u32 $0x140, s24  }
0x44: {  	[tilespmem:s0+$0x6BE0] =	vst v0  }
0x45: {  	[tilespmem:s0+$0x6BF0] =	vst v0;
	s25 =	sadd.s32 s10, s31  }
.Ltmp6:
0x46: {  	(pc) =	sbr.rel .LBB2_6-.Ltmp6, $3  }
0x47: {  	_ =	sdelay $0x1  }
0x48: {  	s0 =	sadd.s32 $0x140, s25  }
0x49: {  	v3 =	vmov s25;
	s28 =	simm.s32 $0x0;
	v4 =	vmov s0  }
.LBB2_12:
0x4a: {  	s28 =	sadd.s32 $0x1, s28  }
0x4b: {  	p1 =	sne.s32 s28, s23  }
.Ltmp7:
0x4c: {  	_ = 	snop;
	(pc) =	sbr.rel @!p1 .LBB2_13-.Ltmp7, $1  }
0x4d: {  	_ =	sdelay $0x3  }
.LBB2_6:
0x4e: {  	s0 =	smul.u32 $0x1250, s28;
	_ =	sdelay $0x1  }
0x4f: {  	s0 =	sadd.s32 s8, s0  }
0x50: {  	s0 =	sshrl.u32 s0, $0x3  }
0x51: {  	s1 =	sadd.s32 s2, s0  }
0x52: {  	[tilespmem:s26], [sflag:$0x2] =	stream.linear.gather [hbm4b:s1+s26], $0x1250, $0x38;
	[tilespmem:$0x1B380] =	vst v63  }
0x53: {  	_ =	swait.ge [sflag:s13], $0x1250  }
0x54: {  	[sflag:s13] =	ssyncset.done $0x0  }
0x55: {  	s0 =	sadd.s32 s5, s0;
	[sflag:s13] =	ssyncadd.s32 $0xFFFFEDB0  }
0x56: {  	[tilespmem:s15], [sflag:$0x2] =	stream.linear.gather [hbm4b:s0+s26], $0x1250, $0x38;
	[tilespmem:$0x1B380] =	vst v63  }
0x57: {  	_ =	swait.ge [sflag:s13], $0x1250  }
0x58: {  	[sflag:s13] =	ssyncset.done $0x0  }
0x59: {  	s0 =	simm.s32 $0x0;
	[sflag:s13] =	ssyncadd.s32 $0xFFFFEDB0  }
0x5a: {  	v7 =	vimm.s32 $0x0;
	v6 =	vimm.s32 $0x0;
	s1 =	simm.s32 $0x40;
	v5 =	vld [tilespmem:s0+$0x1280]  }
.LBB2_7:
0x5b: {  	p1 =	sne.s32 s1, $0x4900;
	_ =	sdelay $0x3  }
0x5c: {  	vm0 =	vge.s32 v5, v3;
	vm1 =	vlt.s32 v5, v4  }
0x5d: {  	vm0 =	vmand vm0, vm1  }
0x5e: {  	v8 =	vsel vm0, $0x1, v1;
	v9 =	vmpcnt.ones.xlane vm0  }
0x5f: {  	(xrf0) =	vadd.scan.msk.s32 $0xffff, v8  }
0x60: {  	v7 =	vadd.s32 v7, v9;
	_ =	sdelay $0x4  }
0x61: {  	v8, _, _ =	vpop (xrf0)  }
0x62: {  	v8 =	vadd.s32 v8, v6;
	v6 =	vmov v7  }
0x63: {  	v8 =	vadd.s32 $0xFFFFFFFF, v8  }
0x64: {  	v9 =	vld [tilespmem:s0+$0x0];
	v8 =	vnsel vm0, $0x1290, v8;
	_ =	sdelay $0x2  }
.Ltmp8:
0x65: {  	(pc) =	sbr.rel @p1 .LBB2_7-.Ltmp8, $4  }
0x66: {  	_ = 	snop  }
0x67: {  	v5 =	vsub.s32 v5, v3;
	[tilespmem:v8+s16+$0x0] =	vst.idx.msk $0xffff, v9  }
0x68: {  	s0 =	sshra.s32 s1, $0x2;
	[tilespmem:v8+s17+$0x0] =	vst.idx.msk $0xffff, v5  }
0x69: {  	s1 =	sadd.s32 $0x40, s1;
	v5 =	vld [tilespmem:s0+$0x1280]  }
0x6a: {  	_ =	sdelay $0x3  }
0x6b: {  	vm0 =	vge.s32 v5, v3;
	vm1 =	vlt.s32 v5, v4  }
0x6c: {  	vm0 =	vmand vm0, vm1  }
0x6d: {  	v8 =	vmpcnt.ones.xlane vm0;
	_ =	sdelay $0x1  }
0x6e: {  	v7 =	vadd.s32 v7, v8  }
0x6f: {  	(v2sf) =	vpush v7, $0x0;
	_ =	sdelay $0x2  }
0x70: {  	v9 =	vsel vm0, $0x1, v1  }
0x71: {  	(xrf0) =	vadd.scan.msk.s32 $0xffff, v9;
	_ =	sdelay $0x5  }
0x72: {  	v62, _, _ =	vpop (xrf0)  }
0x73: {  	v6 =	vadd.s32 v62, v6  }
0x74: {  	v6 =	vadd.s32 $0xFFFFFFFF, v6  }
0x75: {  	v63 =	vld [tilespmem:s0+$0x0];
	v6 =	vnsel vm0, $0x1290, v6;
	_ =	sdelay $0x1  }
0x76: {  	s0 =	spop (v2sf)  }
0x77: {  	s1 =	sadd.s32 $0x3F, s0  }
0x78: {  	s9 =	sand.u32 $0x3F, s1  }
0x79: {  	v5 =	vsub.s32 v5, v3;
	[tilespmem:v6+s16+$0x0] =	vst.idx.msk $0xffff, v63;
	s12 =	sshra.s32 s1, $0x1F;
	p2 =	slt.s32 s1, $0x1;
	p1 =	sne.s32 s9, $0x0  }
0x7a: {  	[tilespmem:v6+s17+$0x0] =	vst.idx.msk $0xffff, v5;
	s9 =	sshrl.u32 s12, $0x1A;
	p1 =	por !p2, !p1  }
0x7b: {  	[tilespmem:$0x4A90] =	vst v7;
	s1 =	sadd.s32 s9, s1;
	s9 =	simm.s32 $0x1;
	p1 =	por !p1, !p1  }
0x7c: {  	[tilespmem:s0+$0x2500] =	vst v1;
	s1 =	sshra.s32 s1, $0x6;
	s9 =	simm.s32 @!p1 $0x0  }
0x7d: {  	[tilespmem:s0+$0x3800] =	vst v2;
	s29 =	ssub.s32 s1, s9  }
0x7e: {  	[tilespmem:s0+$0x2510] =	vst v1;
	p1 =	slt.s32 s29, $0x1  }
.Ltmp9:
0x7f: {  	[tilespmem:s0+$0x3810] =	vst v2;
	(pc) =	sbr.rel @p1 .LBB2_12-.Ltmp9, $4  }
0x80: {  	[tilespmem:s0+$0x2520] =	vst v1  }
0x81: {  	[tilespmem:s0+$0x3820] =	vst v2  }
0x82: {  	[tilespmem:s0+$0x2530] =	vst v1  }
0x83: {  	s30 =	simm.s32 $0x0;
	s31 =	simm.s32 $0x3800;
	[tilespmem:s0+$0x3830] =	vst v2  }
.LBB2_9:
0x84: {  	s0 =	sshll.u32 s30, $0x6  }
0x85: {  	v5 =	vmov s31;
	s0 =	sadd.s32 $0x2500, s0  }
0x86: {  	[tilespmem:s19], [sflag:$0x1] =	stream.indirect.gather [hbm4b:s4+s18], $0x80, s0, s18, $0xb8;
	[tilespmem:$0x1B380] =	vst v63  }
0x87: {  	_ =	swait.ge [sflag:s14], $0x2000  }
0x88: {  	[sflag:s14] =	ssyncset.done $0x0  }
0x89: {  	s12 =	simm.s32 $0x0;
	[sflag:s14] =	ssyncadd.s32 $0xFFFFE000  }
0x8a: {  	v6 =	vld.idx.msk [tilespmem:v5+s12+$0x0 ss:$0x1], $0xffff;
	_ =	sdelay $0x4  }
0x8b: {  	(v2sf) =	vpush v6, $0x0;
	_ =	sdelay $0xe  }
0x8c: {  	s0 =	simm.s32 $0x4B40;
	s1 =	spop (v2sf)  }
0x8d: {  	v6 =	vld [tilespmem:s0+$0xFFFFFFC0];
	s12 =	sshll.u32 s1, $0x7  }
0x8e: {  	v7 =	vld [tilespmem:s12+$0x6B80];
	_ =	sdelay $0x4  }
0x8f: {  	v6 =	vadd.f32 v6, v7;
	_ =	sdelay $0x1  }
0x90: {  	[tilespmem:s12+$0x6B80] =	vst v6;
	v6 =	vld [tilespmem:s12+$0x6B90]  }
0x91: {  	v7 =	vld [tilespmem:s0+$0xFFFFFFD0];
	_ =	sdelay $0x4  }
0x92: {  	v6 =	vadd.f32 v7, v6;
	_ =	sdelay $0x1  }
0x93: {  	[tilespmem:s12+$0x6B90] =	vst v6;
	v6 =	vld [tilespmem:s12+$0x6BA0]  }
0x94: {  	v7 =	vld [tilespmem:s0+$0xFFFFFFE0];
	_ =	sdelay $0x4  }
0x95: {  	v6 =	vadd.f32 v7, v6;
	_ =	sdelay $0x1  }
0x96: {  	[tilespmem:s12+$0x6BA0] =	vst v6;
	v6 =	vld [tilespmem:s12+$0x6BB0]  }
0x97: {  	v7 =	vld [tilespmem:s0+$0xFFFFFFF0];
	_ =	sdelay $0x4  }
0x98: {  	v6 =	vadd.f32 v7, v6;
	_ =	sdelay $0x1  }
0x99: {  	[tilespmem:s12+$0x6BB0] =	vst v6;
	v6 =	vld [tilespmem:s12+$0x6BC0]  }
0x9a: {  	v7 =	vld [tilespmem:s0+$0x0];
	_ =	sdelay $0x4  }
0x9b: {  	v6 =	vadd.f32 v7, v6;
	_ =	sdelay $0x1  }
0x9c: {  	[tilespmem:s12+$0x6BC0] =	vst v6;
	v6 =	vld [tilespmem:s12+$0x6BD0]  }
0x9d: {  	v7 =	vld [tilespmem:s0+$0x10];
	_ =	sdelay $0x4  }
0x9e: {  	v6 =	vadd.f32 v7, v6;
	_ =	sdelay $0x1  }
0x9f: {  	[tilespmem:s12+$0x6BD0] =	vst v6;
	v6 =	vld [tilespmem:s12+$0x6BE0]  }
0xa0: {  	v7 =	vld [tilespmem:s0+$0x20];
	_ =	sdelay $0x4  }
0xa1: {  	v6 =	vadd.f32 v7, v6  }
0xa2: {  	v7 =	vld [tilespmem:s12+$0x10F80]  }
0xa3: {  	[tilespmem:s12+$0x6BE0] =	vst v6;
	v6 =	vld [tilespmem:s12+$0x6BF0]  }
0xa4: {  	v8 =	vld [tilespmem:s0+$0x30];
	_ =	sdelay $0x3  }
0xa5: {  	v7 =	vadd.f32 $1.000000000e+00, v7  }
0xa6: {  	v6 =	vadd.f32 v8, v6  }
0xa7: {  	[tilespmem:s12+$0x10F80] =	vst v7  }
0xa8: {  	s9 =	simm.s32 $0x1;
	s1 =	simm.s32 $0x8;
	[tilespmem:s12+$0x6BF0] =	vst v6  }
.LBB2_10:
0xa9: {  	p1 =	sne.s32 s1, $0xFC;
	v6 =	vld.idx.msk [tilespmem:v5+s9+$0x0 ss:$0x1], $0xffff;
	_ =	sdelay $0x5  }
0xaa: {  	(v2sf) =	vpush v6, $0x0;
	_ =	sdelay $0xe  }
0xab: {  	s0 =	sadd.s32 $0x80, s0;
	s9 =	spop (v2sf)  }
0xac: {  	s12 =	sshll.u32 s9, $0x7;
	v6 =	vld [tilespmem:s0+$0xFFFFFFC0]  }
0xad: {  	v7 =	vld [tilespmem:s12+$0x6B80]  }
0xae: {  	v8 =	vld [tilespmem:s12+$0x10F80];
	_ =	sdelay $0x3  }
0xaf: {  	v6 =	vadd.f32 v6, v7  }
0xb0: {  	v7 =	vadd.f32 $1.000000000e+00, v8  }
0xb1: {  	[tilespmem:s12+$0x6B80] =	vst v6;
	v6 =	vld [tilespmem:s12+$0x6B90]  }
0xb2: {  	v8 =	vld [tilespmem:s0+$0xFFFFFFD0];
	_ =	sdelay $0x4  }
0xb3: {  	v6 =	vadd.f32 v8, v6;
	_ =	sdelay $0x1  }
0xb4: {  	[tilespmem:s12+$0x6B90] =	vst v6;
	v6 =	vld [tilespmem:s12+$0x6BA0]  }
0xb5: {  	v8 =	vld [tilespmem:s0+$0xFFFFFFE0];
	_ =	sdelay $0x4  }
0xb6: {  	v6 =	vadd.f32 v8, v6;
	_ =	sdelay $0x1  }
0xb7: {  	[tilespmem:s12+$0x6BA0] =	vst v6;
	v6 =	vld [tilespmem:s12+$0x6BB0]  }
0xb8: {  	v8 =	vld [tilespmem:s0+$0xFFFFFFF0];
	_ =	sdelay $0x4  }
0xb9: {  	v6 =	vadd.f32 v8, v6;
	_ =	sdelay $0x1  }
0xba: {  	[tilespmem:s12+$0x6BB0] =	vst v6;
	v6 =	vld [tilespmem:s12+$0x6BC0]  }
0xbb: {  	v8 =	vld [tilespmem:s0+$0x0];
	_ =	sdelay $0x4  }
0xbc: {  	v6 =	vadd.f32 v8, v6;
	_ =	sdelay $0x1  }
0xbd: {  	[tilespmem:s12+$0x6BC0] =	vst v6;
	v6 =	vld [tilespmem:s12+$0x6BD0]  }
0xbe: {  	v8 =	vld [tilespmem:s0+$0x10];
	_ =	sdelay $0x4  }
0xbf: {  	v6 =	vadd.f32 v8, v6;
	_ =	sdelay $0x1  }
0xc0: {  	[tilespmem:s12+$0x6BD0] =	vst v6;
	v6 =	vld [tilespmem:s12+$0x6BE0]  }
0xc1: {  	v8 =	vld [tilespmem:s0+$0x20];
	_ =	sdelay $0x4  }
0xc2: {  	v6 =	vadd.f32 v8, v6;
	_ =	sdelay $0x1  }
0xc3: {  	[tilespmem:s12+$0x6BE0] =	vst v6;
	v6 =	vld [tilespmem:s12+$0x6BF0]  }
0xc4: {  	v8 =	vld [tilespmem:s0+$0x30];
	[tilespmem:s12+$0x10F80] =	vst v7;
	_ =	sdelay $0x2  }
.Ltmp10:
0xc5: {  	(pc) =	sbr.rel @p1 .LBB2_10-.Ltmp10, $3  }
0xc6: {  	_ = 	snop  }
0xc7: {  	v6 =	vadd.f32 v8, v6;
	_ =	sdelay $0x1  }
0xc8: {  	s9 =	sshra.s32 s1, $0x2;
	s1 =	sadd.s32 $0x4, s1;
	[tilespmem:s12+$0x6BF0] =	vst v6  }
0xc9: {  	_ =	sdelay $0x3  }
0xca: {  	v5 =	vld.idx.msk [tilespmem:v5+s9+$0x0 ss:$0x1], $0xffff;
	_ =	sdelay $0x4  }
0xcb: {  	(v2sf) =	vpush v5, $0x0;
	_ =	sdelay $0xe  }
0xcc: {  	s0 =	sadd.s32 $0x80, s0;
	s1 =	spop (v2sf)  }
0xcd: {  	v5 =	vld [tilespmem:s0+$0xFFFFFFC0];
	s1 =	sshll.u32 s1, $0x7  }
0xce: {  	v6 =	vld [tilespmem:s1+$0x6B80];
	_ =	sdelay $0x4  }
0xcf: {  	v5 =	vadd.f32 v5, v6;
	_ =	sdelay $0x1  }
0xd0: {  	[tilespmem:s1+$0x6B80] =	vst v5;
	v5 =	vld [tilespmem:s1+$0x6B90]  }
0xd1: {  	v6 =	vld [tilespmem:s0+$0xFFFFFFD0];
	_ =	sdelay $0x4  }
0xd2: {  	v5 =	vadd.f32 v6, v5;
	_ =	sdelay $0x1  }
0xd3: {  	[tilespmem:s1+$0x6B90] =	vst v5;
	v5 =	vld [tilespmem:s1+$0x6BA0]  }
0xd4: {  	v6 =	vld [tilespmem:s0+$0xFFFFFFE0];
	_ =	sdelay $0x4  }
0xd5: {  	v5 =	vadd.f32 v6, v5;
	_ =	sdelay $0x1  }
0xd6: {  	[tilespmem:s1+$0x6BA0] =	vst v5;
	v5 =	vld [tilespmem:s1+$0x6BB0]  }
0xd7: {  	v6 =	vld [tilespmem:s0+$0xFFFFFFF0];
	_ =	sdelay $0x4  }
0xd8: {  	v5 =	vadd.f32 v6, v5;
	_ =	sdelay $0x1  }
0xd9: {  	[tilespmem:s1+$0x6BB0] =	vst v5;
	v5 =	vld [tilespmem:s1+$0x6BC0]  }
0xda: {  	v6 =	vld [tilespmem:s0+$0x0];
	_ =	sdelay $0x4  }
0xdb: {  	v5 =	vadd.f32 v6, v5;
	_ =	sdelay $0x1  }
0xdc: {  	[tilespmem:s1+$0x6BC0] =	vst v5;
	v5 =	vld [tilespmem:s1+$0x6BD0]  }
0xdd: {  	v6 =	vld [tilespmem:s0+$0x10];
	_ =	sdelay $0x4  }
0xde: {  	v5 =	vadd.f32 v6, v5;
	_ =	sdelay $0x1  }
0xdf: {  	[tilespmem:s1+$0x6BD0] =	vst v5;
	v5 =	vld [tilespmem:s1+$0x6BE0]  }
0xe0: {  	v6 =	vld [tilespmem:s0+$0x20];
	_ =	sdelay $0x4  }
0xe1: {  	v5 =	vadd.f32 v6, v5  }
0xe2: {  	v6 =	vld [tilespmem:s1+$0x10F80]  }
0xe3: {  	[tilespmem:s1+$0x6BE0] =	vst v5;
	v5 =	vld [tilespmem:s1+$0x6BF0]  }
0xe4: {  	v7 =	vld [tilespmem:s0+$0x30]  }
0xe5: {  	s30 =	sadd.s32 $0x1, s30  }
0xe6: {  	p1 =	sne.s32 s30, s29  }
.Ltmp11:
0xe7: {  	_ = 	snop;
	(pc) =	sbr.rel @p1 .LBB2_9-.Ltmp11, $4  }
.Ltmp12:
0xe8: {  	v6 =	vadd.f32 $1.000000000e+00, v6;
	(pc) =	sbr.rel @!p1 .LBB2_12-.Ltmp12, $4  }
0xe9: {  	v5 =	vadd.f32 v7, v5  }
0xea: {  	[tilespmem:s1+$0x10F80] =	vst v6  }
0xeb: {  	s31 =	sadd.s32 $0x40, s31;
	[tilespmem:s1+$0x6BF0] =	vst v5  }
0xec: {  	_ = 	snop  }
.LBB2_15:
0xed: {  	_ =	sfence.sel $0x180000  }
0xee: {  	[bflag:$0x0] =	sbarrier.arrive $0xFFFF  }
0xef: {  	_ =	strace $0x9000004D  }
0xf0: {  	s0 =	stileid.u32;
	[bflag:$0x2] =	sbarrier.arrive $0xFFFF  }
0xf1: {  	p0 =	sne.s32 s0, $0x0;
	s0 =	rddreg [dreg:$0x2]  }
0xf2: {  	s0 =	sadd.s32 @!p0 $0x100000, s0  }
0xf3: {  	[sflag:s0] =	ssyncadd.tile.s32 @!p0 $0x1;
	_ =	shalt  }
.Lfunc_end2:
_tile_overlayer_lowered:
.L_overlay_start_2:
0xf4: {  	(tag) =	ssettag $0x2  }
0xf5: {  	s0 =	rddreg [dreg:$0x0];
	s2 =	stileid.u32  }
0xf6: {  	s1 =	rddreg [dreg:$0x1];
	p0 =	sne.s32 s2, $0x0  }
0xf7: {  	s3 =	rddreg [dreg:$0x2];
	[bflag:$0x3] =	sbarrier.arrive $0xFFFF;
	s2 =	simm.s32 @!p0 $0x1C02  }
0xf8: {  	[timem:s3], [sflag:s2] =	dma.local @!p0 [hbm:s0], s1  }
0xf9: {  	s0 =	simm.s32 @!p0 $0x2  }
0xfa: {  	_ =	swait.ge @!p0 [sflag:s0], s1  }
0xfb: {  	s1 =	ssub.s32 @!p0 $0x0, s1;
	[sflag:s0] =	ssyncset.done @!p0 $0x0  }
0xfc: {  	[sflag:s0] =	ssyncadd.s32 @!p0 s1  }
0xfd: {  	[bflag:$0x3] =	sbarrier.arrive $0xFFFF  }
0xfe: {  	_ =	shalt  }

// kernel: kernel.19.cloned.1.call-start
scs
__scs_entry_jumppad:
0x0: {  	(pc) =	sbr.rel $0x88, $3  }
0x1: {  	(tag) =	ssettag $0x0;
	lr =	simm.s32 $0x1  }
0x2: {  	[smem:$0x3F95] =	sst lr;
	_ =	strace $0xD0000000  }
0x3: {  	_ = 	snop  }
0x4: {  	_ = 	snop  }
0x5: {  	_ = 	snop  }
0x6: {  	_ = 	snop  }
0x7: {  	_ = 	snop  }
__scs_overlays_trampoline_lowered:
0x8: {  	[smem:$0x3FA4] =	sst s0  }
0x9: {  	[smem:$0x3FA5] =	sst s1  }
0xa: {  	[smem:$0x3FA6] =	sst s2  }
0xb: {  	[smem:$0x3FA7] =	sst s3  }
0xc: {  	[smem:$0x3FA8] =	sst s4  }
0xd: {  	[smem:$0x3FA9] =	sst s5  }
0xe: {  	[smem:$0x3FAA] =	sst s6  }
0xf: {  	[smem:$0x3FAB] =	sst s7  }
0x10: {  	[smem:$0x3FAC] =	sst s8  }
0x11: {  	[smem:$0x3FAD] =	sst s9;
	s0 =	simm.s32 @!p0 $0x0  }
0x12: {  	s1 =	sld [smem:$0x3F93];
	s0 =	simm.s32 @p0 $0x1  }
0x13: {  	[smem:$0x3FAE] =	sst s0;
	s0 =	simm.s32 @!p1 $0x0  }
0x14: {  	s2 =	sld [smem:$0x3F92];
	s0 =	simm.s32 @p1 $0x1  }
0x15: {  	[smem:$0x3FAF] =	sst s0;
	s0 =	simm.s32 @!p2 $0x0  }
0x16: {  	s3 =	sld [smem:$0x3FDB];
	s0 =	simm.s32 @p2 $0x1  }
0x17: {  	s4 =	simm.s32 $0x1BF5;
	[smem:$0x3FB1] =	sst s0  }
0x18: {  	s0 =	sld [smem:$0x3F94];
	_ =	swait.ge [sflag:s4], $0x0  }
0x19: {  	s7 =	sld [smem:$0x3F95]  }
0x1a: {  	s8 =	sadd.s32 $0xFFFFE003, lr  }
0x1b: {  	s9 =	sadd.s32 $0xFFFFFEF7, lr;
	s5 =	simm.s32 $0xFFFFFFFF;
	p2 =	slt.u32 s8, $0xFFFFF086  }
0x1c: {  	p1 =	slt.u32 s9, $0xF7A;
	s5 =	simm.s32 @!p2 $0x0  }
0x1d: {  	s5 =	simm.s32 @p1 $0x1;
	p0 =	seq.s32 s7, s2  }
0x1e: {  	s7 =	smul.u32 @!p0 $0xF7A, s2;
	p2 =	seq.s32 @!p0 s5, $0x0  }
0x1f: {  	s9 =	smul.u32 $0xF7A, s1;
	s8 =	simm.s32 @!p0 $0x1BF5;
	p2 =	por !p2, p0  }
0x20: {  	[sflag:s8] =	ssyncset.s32 @!p0 $0xFFFFF086;
	s6 =	sadd.s32 @!p0 s3, s7;
	s7 =	simm.s32 @!p0 $0x108  }
0x21: {  	s3 =	sadd.s32 s3, s9;
	s6 =	sadd.s32 @!p0 $0x88, s6;
	s7 =	simm.s32 @p2 $0x1082  }
0x22: {  	[simem:s7], [sflag:s8] =	dma.local @!p0 [hbm:s6], $0xF7A  }
0x23: {  	s9 =	sor.u32 $0xD0000000, s2;
	s6 =	simm.s32 $0x108;
	_ =	swait.ge @!p0 [sflag:s8], $0x0  }
0x24: {  	s3 =	sadd.s32 $0x88, s3;
	s6 =	simm.s32 @!p1 $0x1082;
	[sflag:s4] =	ssyncset.s32 $0xFFFFF086  }
0x25: {  	[simem:s6], [sflag:s4] =	dma.local [hbm:s3], $0xF7A  }
0x26: {  	[smem:$0x3F95] =	sst s1;
	(tag) =	ssettag s2;
	_ =	strace s9  }
0x27: {  	s1 =	sld [smem:$0x3FA5]  }
0x28: {  	s2 =	sld [smem:$0x3FA6]  }
0x29: {  	s4 =	sld [smem:$0x3FA8]  }
0x2a: {  	p0 =	seq.s32 s5, $0x0;
	s5 =	sld [smem:$0x3FA9]  }
0x2b: {  	s6 =	sld [smem:$0x3FAA]  }
0x2c: {  	s7 =	sld [smem:$0x3FAB]  }
0x2d: {  	s3 =	simm.s32 $0x108;
	s8 =	sld [smem:$0x3FAC]  }
0x2e: {  	s3 =	simm.s32 @!p0 $0x1082;
	s9 =	sld [smem:$0x3FAD]  }
0x2f: {  	lr =	sadd.s32 s0, s3;
	s0 =	sld [smem:$0x3FA4]  }
0x30: {  	s3 =	sld [smem:$0x3FA7]  }
0x31: {  	[smem:$0x3FB0] =	sst s10  }
0x32: {  	s10 =	sld [smem:$0x3FAE];
	_ =	sdelay $0x3  }
0x33: {  	p0 =	seq.s32 s10, $0x1;
	s10 =	sld [smem:$0x3FB0];
	_ =	sdelay $0x3  }
0x34: {  	[smem:$0x3FB0] =	sst s10  }
0x35: {  	s10 =	sld [smem:$0x3FAF];
	_ =	sdelay $0x3  }
0x36: {  	p1 =	seq.s32 s10, $0x1;
	s10 =	sld [smem:$0x3FB0];
	_ =	sdelay $0x3  }
0x37: {  	[smem:$0x3FB0] =	sst s10  }
0x38: {  	s10 =	sld [smem:$0x3FB1]  }
0x39: {  	_ = 	snop;
	(pc) =	sbr.ind lr, $3  }
0x3a: {  	_ = 	snop  }
0x3b: {  	_ = 	snop  }
0x3c: {  	p2 =	seq.s32 s10, $0x1;
	s10 =	sld [smem:$0x3FB0]  }
0x3d: {  	_ =	shalt  }
0x3e: {  	_ =	shalt  }
0x3f: {  	_ =	shalt  }
0x40: {  	_ =	shalt  }
0x41: {  	_ =	shalt  }
0x42: {  	_ =	shalt  }
0x43: {  	_ =	shalt  }
0x44: {  	_ =	shalt  }
0x45: {  	_ =	shalt  }
0x46: {  	_ =	shalt  }
0x47: {  	_ =	shalt  }
0x48: {  	_ =	shalt  }
0x49: {  	_ =	shalt  }
0x4a: {  	_ =	shalt  }
0x4b: {  	_ =	shalt  }
0x4c: {  	_ =	shalt  }
0x4d: {  	_ =	shalt  }
0x4e: {  	_ =	shalt  }
0x4f: {  	_ =	shalt  }
0x50: {  	_ =	shalt  }
0x51: {  	_ =	shalt  }
0x52: {  	_ =	shalt  }
0x53: {  	_ =	shalt  }
0x54: {  	_ =	shalt  }
0x55: {  	_ =	shalt  }
0x56: {  	_ =	shalt  }
0x57: {  	_ =	shalt  }
0x58: {  	_ =	shalt  }
0x59: {  	_ =	shalt  }
0x5a: {  	_ =	shalt  }
0x5b: {  	_ =	shalt  }
0x5c: {  	_ =	shalt  }
0x5d: {  	_ =	shalt  }
0x5e: {  	_ =	shalt  }
0x5f: {  	_ =	shalt  }
0x60: {  	_ =	shalt  }
0x61: {  	_ =	shalt  }
0x62: {  	_ =	shalt  }
0x63: {  	_ =	shalt  }
0x64: {  	_ =	shalt  }
0x65: {  	_ =	shalt  }
0x66: {  	_ =	shalt  }
0x67: {  	_ =	shalt  }
0x68: {  	_ =	shalt  }
0x69: {  	_ =	shalt  }
0x6a: {  	_ =	shalt  }
0x6b: {  	_ =	shalt  }
0x6c: {  	_ =	shalt  }
0x6d: {  	_ =	shalt  }
0x6e: {  	_ =	shalt  }
0x6f: {  	_ =	shalt  }
0x70: {  	_ =	shalt  }
0x71: {  	_ =	shalt  }
0x72: {  	_ =	shalt  }
0x73: {  	_ =	shalt  }
0x74: {  	_ =	shalt  }
0x75: {  	_ =	shalt  }
0x76: {  	_ =	shalt  }
0x77: {  	_ =	shalt  }
0x78: {  	_ =	shalt  }
0x79: {  	_ =	shalt  }
0x7a: {  	_ =	shalt  }
0x7b: {  	_ =	shalt  }
0x7c: {  	_ =	shalt  }
0x7d: {  	_ =	shalt  }
0x7e: {  	_ =	shalt  }
0x7f: {  	_ =	shalt  }
0x80: {  	_ =	shalt  }
0x81: {  	_ =	shalt  }
0x82: {  	_ =	shalt  }
0x83: {  	_ =	shalt  }
0x84: {  	_ =	shalt  }
0x85: {  	_ =	shalt  }
0x86: {  	_ =	shalt  }
0x87: {  	_ =	shalt  }
.Lfunc_end0:
.L_simem_size_0:
called_computation.3_lowered:
.L_overlay_start_0:
0x88: {  	s2 =	sld [smem:$0x3FD9]  }
0x89: {  	s3 =	sld [smem:$0x3FFE];
	_ =	sdelay $0x1  }
0x8a: {  	s1 =	srdreg.scid  }
0x8b: {  	s0 =	sand.u32 $0x1, s1  }
0x8c: {  	s17 =	sshll.u32 s0, $0xA;
	s2 =	sadd.s32 s3, s2  }
0x8d: {  	s2 =	sadd.s32 s2, s17  }
0x8e: {  	[smem:$0x3FBC] =	sst s2  }
0x8f: {  	_ = 	snop  }
0x90: {  	s2 =	sld [smem:$0x3FD0];
	(tm) =	ssettm $0x1  }
0x91: {  	s18 =	sld [smem:$0x3FFB];
	_ =	sdelay $0x3  }
0x92: {  	_ =	strace s18  }
0x93: {  	s3 =	sld [smem:$0x3FFC];
	_ =	sdelay $0x3  }
0x94: {  	_ =	strace s3  }
0x95: {  	s3 =	sld [smem:$0x3FFD];
	_ =	sdelay $0x3  }
0x96: {  	_ =	strace s3  }
0x97: {  	_ =	strace $0x8FFFFFFF  }
0x98: {  	s19 =	sld [smem:$0x3FDB];
	_ =	sdelay $0x1  }
0x99: {  	s4 =	simm.s32 $_scs_section_size  }
0x9a: {  	s5 =	simm.s32 $_size__tile_overlayer_lowered;
	s6 =	simm.s32 $_tile_overlayer_lowered  }
0x9b: {  	s22 =	simm.s32 $0x1BFF;
	s21 =	sshll.u32 s6, $0x1;
	s3 =	sadd.s32 s4, s19  }
0x9c: {  	s7 =	simm.s32 $0x0;
	s20 =	sshll.u32 s5, $0x1;
	s5 =	sadd.s32 s21, s3  }
0x9d: {  	[timem:s7], [sflag:s22] =	dma.local [hbm:s5], s20  }
0x9e: {  	_ =	swait.ge [sflag:s22], s20  }
0x9f: {  	s4 =	ssub.s32 $0x0, s20;
	[sflag:s22] =	ssyncset.done $0x0  }
0xa0: {  	[sflag:s22] =	ssyncadd.s32 s4;
	_ =	sdelay $0x1  }
0xa1: {  	s23 =	simm.s32 $0x1B8B  }
0xa2: {  	_ =	swait.ge [sflag:s23], $0x1  }
0xa3: {  	[sflag:s23] =	ssyncset.done $0x0  }
0xa4: {  	s25 =	simm.s32 $0x1B8E;
	s24 =	sld [smem:$0x3FFE];
	[sflag:s23] =	ssyncadd.s32 $0xFFFFFFFF  }
0xa5: {  	s26 =	simm.s32 $execute0_lowered;
	[smem:$0x3FD2] =	sst s25  }
0xa6: {  	s5 =	sshll.u32 s26, $0x1;
	_ =	strace $0x8000004F;
	[dreg:$0x1] =	wrdreg $0xFFFFFFFF  }
0xa7: {  	s28 =	simm.s32 $_size_execute0_lowered;
	s3 =	sadd.s32 s3, s5;
	[dreg:$0x0] =	wrdreg $0x0  }
0xa8: {  	s5 =	sshll.u32 s28, $0x1;
	[dreg:$0x2] =	wrdreg s3  }
0xa9: {  	[dreg:$0x3] =	wrdreg s5  }
0xaa: {  	[dreg:$0x4] =	wrdreg $0xC0  }
0xab: {  	_ =	task [dreg:s7], $0x5FFFF  }
0xac: {  	[dreg:$0x1] =	wrdreg $0xFFFFFFFF  }
0xad: {  	[dreg:$0x0] =	wrdreg $0x60  }
0xae: {  	[dreg:$0x2] =	wrdreg s24  }
0xaf: {  	[dreg:$0x3] =	wrdreg s2  }
0xb0: {  	[dreg:$0x4] =	wrdreg $0x9  }
0xb1: {  	_ =	task.clear_ibuf [dreg:s7], $0x5FFFF;
	_ =	strace $0x9000004F  }
0xb2: {  	s29 =	simm.s32 $0x9;
	_ =	strace $0x80000051  }
0xb3: {  	_ =	swait.ge [sflag:s29], $0x1  }
0xb4: {  	[sflag:s29] =	ssyncadd.s32 $0xFFFFFFFF  }
0xb5: {  	_ =	strace $0x90000051  }
0xb6: {  	_ =	sfence  }
0xb7: {  	s30 =	sld [smem:$0x0];
	_ =	sdelay $0x2  }
0xb8: {  	s31 =	sshll.u32 s1, $0xD;
	s1 =	sshrl.u32 s1, $0x2  }
0xb9: {  	s3 =	sand.u32 $0x4000, s31;
	s1 =	sadd.s32 s1, s30  }
0xba: {  	s0 =	sor.u32 s3, s0;
	s1 =	sshll.u32 s1, $0x11  }
0xbb: {  	s0 =	sor.u32 s1, s0  }
0xbc: {  	s0 =	sadd.s32 $0x8F2B, s0  }
0xbd: {  	[sflag:s0] =	ssyncadd.remote.s32 $0x1  }
0xbe: {  	_ =	sfence.sel $0xFFFF  }
0xbf: {  	[dreg:$0x0] =	wrdreg $0xFFFFFFFF;
	(pc) =	sbr.abs _section_cstart, $3  }
0xc0: {  	[dreg:$0x1] =	wrdreg $0xFFFFFFFF  }
0xc1: {  	_ =	task.clear_ibuf [dreg:s7], $0x2FFFF;
	_ =	strace $0x9FFFFFFF  }
0xc2: {  	(tm) =	ssettm $0x7FFFFFFF  }
0xc3: {  	_ =	shalt  }
tec
execute0_lowered:
.L_overlay_start_1:
0x0: {  	(tag) =	ssettag $0x1  }
0x1: {  	s0 =	rddreg [dreg:$0x0]  }
0x2: {  	s2 =	rddreg [dreg:$0x1];
	s3 =	simm.s32 $0x0  }
0x3: {  	s1 =	srdreg.scid;
	s4 =	stileid.u32;
	s13 =	simm.s32 $0x2  }
0x4: {  	s14 =	simm.s32 $0x1;
	s15 =	simm.s32 $0x1280;
	s16 =	simm.s32 $0x2500  }
0x5: {  	s17 =	simm.s32 $0x3800;
	s18 =	simm.s32 $0x40;
	s19 =	simm.s32 $0x4B00  }
0x6: {  	s20 =	simm.s32 $0x6B80;
	s21 =	simm.s32 $0x10F80;
	s22 =	simm.s32 $0x0  }
0x7: {  	s26 =	simm.s32 $0x0;
	[smem:$0x7FF] =	sst s3;
	s1 =	sand.u32 $0x1, s1  }
0x8: {  	s4 =	sshll.u32 s4, $0x1;
	s5 =	sadd.s32 $0x3FAC00, s0;
	s7 =	sadd.s32 $0x2E00, s0  }
.Ltmp0:
0x9: {  	_ =	strace $0x80000050;
	s9 =	sor.u32 s1, s4;
	(pc) =	sbr.rel .LBB2_1-.Ltmp0, $4  }
0xa: {  	s4 =	sadd.s32 $0x6B4800, s0;
	s1 =	ssub.s32 $0x2, s1;
	s6 =	sshll.u32 s9, $0x1  }
0xb: {  	s30 =	sshrl.u32 s1, $0x1;
	s8 =	smul.u32 $0x4A660, s9;
	s10 =	sadd.s32 s6, s0  }
0xc: {  	s6 =	sadd.s32 $0x192E00, s0;
	s0 =	ssub.s32 s1, s30;
	s31 =	sadd.s32 $0x524600, s10  }
0xd: {  	v0 =	vimm.f32 $0.0e+00;
	v1 =	vimm.s32 $0x0;
	v2 =	vimm.s32 $0x140;
	s10 =	smul.u32 $0xC80, s9;
	s11 =	smax.u32 s0, $0x1;
	[dreg:$0x3] =	wrdreg s31  }
.LBB2_14:
0xe: {  	s22 =	sadd.s32 $0x1, s22  }
0xf: {  	p0 =	sne.s32 s22, s11  }
.Ltmp1:
0x10: {  	_ = 	snop;
	(pc) =	sbr.rel @!p0 .LBB2_15-.Ltmp1, $1  }
0x11: {  	_ =	sdelay $0x3  }
.LBB2_1:
0x12: {  	s0 =	rddreg [dreg:$0x3];
	s1 =	simm.s32 $0x6B00  }
0x13: {  	[tilespmem:s1], [sflag:$0x2] =	stream.linear.gather [hbm4b:s0+s3], $0x10, $0x38;
	[tilespmem:$0x1B380] =	vst v63  }
0x14: {  	_ =	swait.ge [sflag:s13], $0x10  }
0x15: {  	[sflag:s13] =	ssyncset.done $0x0  }
0x16: {  	[sflag:s13] =	ssyncadd.s32 $0xFFFFFFF0  }
0x17: {  	v3 =	vld [tilespmem:$0x6B00];
	_ =	sdelay $0x4  }
0x18: {  	(v2sf) =	vpush v3, $0x0;
	_ =	sdelay $0xe  }
0x19: {  	s29 =	spop (v2sf)  }
0x1a: {  	s30 =	sadd.s32 $0x124F, s29  }
0x1b: {  	s9 =	smulhi.u32 $0xDFAC1F75, s30;
	s12 =	sshra.s32 s30, $0x1F  }
0x1c: {  	s0 =	ssub.s32 $0xFFFFEDB1, s29;
	s12 =	smul.u32 $0xDFAC1F75, s12  }
0x1d: {  	s9 =	sadd.s32 s0, s9  }
0x1e: {  	s9 =	sadd.s32 s12, s9  }
0x1f: {  	s9 =	sadd.s32 s30, s9  }
0x20: {  	s31 =	sshrl.u32 s9, $0x1F;
	s9 =	sshra.s32 s9, $0xC  }
0x21: {  	s9 =	sadd.s32 s31, s9  }
0x22: {  	s12 =	smul.u32 $0xFFFFEDB0, s9;
	_ =	sdelay $0x1  }
0x23: {  	p0 =	slt.s32 s30, $0x1;
	p1 =	sne.s32 s12, s0  }
.Ltmp2:
0x24: {  	p0 =	por !p0, !p1;
	(pc) =	sbr.rel .LBB2_2-.Ltmp2, $4  }
0x25: {  	s0 =	simm.s32 $0x1;
	p0 =	por !p0, !p0  }
0x26: {  	s0 =	simm.s32 @!p0 $0x0  }
0x27: {  	s23 =	ssub.s32 s9, s0  }
0x28: {  	s24 =	simm.s32 $0x0;
	p0 =	slt.s32 s23, $0x1  }
.LBB2_13:
0x29: {  	s0 =	sshll.u32 s25, $0x4  }
0x2a: {  	s1 =	sadd.s32 s6, s0  }
0x2b: {  	[hbm4b:s1+s3] =	stream.linear.scatter [tilespmem:s20], [sflag:$0x2], $0xA000, $0x38;
	[tilespmem:$0x1B380] =	vst v63  }
0x2c: {  	s24 =	sadd.s32 $0x1, s24;
	_ =	swait.ge [sflag:s13], $0xA000  }
0x2d: {  	p1 =	sne.s32 s24, $0xA;
	[sflag:s13] =	ssyncset.done $0x0  }
.Ltmp3:
0x2e: {  	s0 =	sadd.s32 s7, s0;
	[sflag:s13] =	ssyncadd.s32 $0xFFFF6000;
	(pc) =	sbr.rel @!p1 .LBB2_14-.Ltmp3, $4  }
0x2f: {  	[hbm4b:s0+s3] =	stream.linear.scatter [tilespmem:s21], [sflag:$0x2], $0xA000, $0x38;
	[tilespmem:$0x1B380] =	vst v63  }
0x30: {  	_ =	swait.ge [sflag:s13], $0xA000  }
0x31: {  	[sflag:s13] =	ssyncset.done $0x0  }
0x32: {  	[sflag:s13] =	ssyncadd.s32 $0xFFFF6000  }
.LBB2_2:
0x33: {  	s0 =	simm.s32 $0x0;
	s1 =	simm.s32 $0x200  }
.LBB2_3:
0x34: {  	p1 =	seq.s32 s1, $0x28E00;
	[tilespmem:s0+$0x10F80] =	vst v0  }
0x35: {  	[tilespmem:s0+$0x6B80] =	vst v0  }
0x36: {  	[tilespmem:s0+$0x6B90] =	vst v0  }
0x37: {  	[tilespmem:s0+$0x6BA0] =	vst v0  }
.Ltmp4:
0x38: {  	[tilespmem:s0+$0x6BB0] =	vst v0;
	(pc) =	sbr.rel @!p1 .LBB2_3-.Ltmp4, $4  }
0x39: {  	[tilespmem:s0+$0x6BC0] =	vst v0  }
0x3a: {  	[tilespmem:s0+$0x6BD0] =	vst v0  }
0x3b: {  	[tilespmem:s0+$0x6BE0] =	vst v0  }
0x3c: {  	[tilespmem:s0+$0x6BF0] =	vst v0;
	s0 =	sshra.s32 s1, $0x2;
	s1 =	sadd.s32 $0x200, s1  }
0x3d: {  	[tilespmem:s0+$0x10F80] =	vst v0  }
0x3e: {  	[tilespmem:s0+$0x6B80] =	vst v0  }
0x3f: {  	[tilespmem:s0+$0x6B90] =	vst v0  }
0x40: {  	[tilespmem:s0+$0x6BA0] =	vst v0  }
.Ltmp5:
0x41: {  	[tilespmem:s0+$0x6BB0] =	vst v0;
	(pc) =	sbr.rel @p0 .LBB2_13-.Ltmp5, $4  }
0x42: {  	[tilespmem:s0+$0x6BC0] =	vst v0  }
0x43: {  	[tilespmem:s0+$0x6BD0] =	vst v0;
	s31 =	smul.u32 $0x140, s24  }
0x44: {  	[tilespmem:s0+$0x6BE0] =	vst v0  }
0x45: {  	[tilespmem:s0+$0x6BF0] =	vst v0;
	s25 =	sadd.s32 s10, s31  }
.Ltmp6:
0x46: {  	(pc) =	sbr.rel .LBB2_6-.Ltmp6, $3  }
0x47: {  	_ =	sdelay $0x1  }
0x48: {  	s0 =	sadd.s32 $0x140, s25  }
0x49: {  	v3 =	vmov s25;
	s28 =	simm.s32 $0x0;
	v4 =	vmov s0  }
.LBB2_12:
0x4a: {  	s28 =	sadd.s32 $0x1, s28  }
0x4b: {  	p1 =	sne.s32 s28, s23  }
.Ltmp7:
0x4c: {  	_ = 	snop;
	(pc) =	sbr.rel @!p1 .LBB2_13-.Ltmp7, $1  }
0x4d: {  	_ =	sdelay $0x3  }
.LBB2_6:
0x4e: {  	s0 =	smul.u32 $0x1250, s28;
	_ =	sdelay $0x1  }
0x4f: {  	s0 =	sadd.s32 s8, s0  }
0x50: {  	s0 =	sshrl.u32 s0, $0x3  }
0x51: {  	s1 =	sadd.s32 s2, s0  }
0x52: {  	[tilespmem:s26], [sflag:$0x2] =	stream.linear.gather [hbm4b:s1+s26], $0x1250, $0x38;
	[tilespmem:$0x1B380] =	vst v63  }
0x53: {  	_ =	swait.ge [sflag:s13], $0x1250  }
0x54: {  	[sflag:s13] =	ssyncset.done $0x0  }
0x55: {  	s0 =	sadd.s32 s5, s0;
	[sflag:s13] =	ssyncadd.s32 $0xFFFFEDB0  }
0x56: {  	[tilespmem:s15], [sflag:$0x2] =	stream.linear.gather [hbm4b:s0+s26], $0x1250, $0x38;
	[tilespmem:$0x1B380] =	vst v63  }
0x57: {  	_ =	swait.ge [sflag:s13], $0x1250  }
0x58: {  	[sflag:s13] =	ssyncset.done $0x0  }
0x59: {  	s0 =	simm.s32 $0x0;
	[sflag:s13] =	ssyncadd.s32 $0xFFFFEDB0  }
0x5a: {  	v7 =	vimm.s32 $0x0;
	v6 =	vimm.s32 $0x0;
	s1 =	simm.s32 $0x40;
	v5 =	vld [tilespmem:s0+$0x1280]  }
.LBB2_7:
0x5b: {  	p1 =	sne.s32 s1, $0x4900;
	_ =	sdelay $0x3  }
0x5c: {  	vm0 =	vge.s32 v5, v3;
	vm1 =	vlt.s32 v5, v4  }
0x5d: {  	vm0 =	vmand vm0, vm1  }
0x5e: {  	v8 =	vsel vm0, $0x1, v1;
	v9 =	vmpcnt.ones.xlane vm0  }
0x5f: {  	(xrf0) =	vadd.scan.msk.s32 $0xffff, v8  }
0x60: {  	v7 =	vadd.s32 v7, v9;
	_ =	sdelay $0x4  }
0x61: {  	v8, _, _ =	vpop (xrf0)  }
0x62: {  	v8 =	vadd.s32 v8, v6;
	v6 =	vmov v7  }
0x63: {  	v8 =	vadd.s32 $0xFFFFFFFF, v8  }
0x64: {  	v9 =	vld [tilespmem:s0+$0x0];
	v8 =	vnsel vm0, $0x1290, v8;
	_ =	sdelay $0x2  }
.Ltmp8:
0x65: {  	(pc) =	sbr.rel @p1 .LBB2_7-.Ltmp8, $4  }
0x66: {  	_ = 	snop  }
0x67: {  	v5 =	vsub.s32 v5, v3;
	[tilespmem:v8+s16+$0x0] =	vst.idx.msk $0xffff, v9  }
0x68: {  	s0 =	sshra.s32 s1, $0x2;
	[tilespmem:v8+s17+$0x0] =	vst.idx.msk $0xffff, v5  }
0x69: {  	s1 =	sadd.s32 $0x40, s1;
	v5 =	vld [tilespmem:s0+$0x1280]  }
0x6a: {  	_ =	sdelay $0x3  }
0x6b: {  	vm0 =	vge.s32 v5, v3;
	vm1 =	vlt.s32 v5, v4  }
0x6c: {  	vm0 =	vmand vm0, vm1  }
0x6d: {  	v8 =	vmpcnt.ones.xlane vm0;
	_ =	sdelay $0x1  }
0x6e: {  	v7 =	vadd.s32 v7, v8  }
0x6f: {  	(v2sf) =	vpush v7, $0x0;
	_ =	sdelay $0x2  }
0x70: {  	v9 =	vsel vm0, $0x1, v1  }
0x71: {  	(xrf0) =	vadd.scan.msk.s32 $0xffff, v9;
	_ =	sdelay $0x5  }
0x72: {  	v62, _, _ =	vpop (xrf0)  }
0x73: {  	v6 =	vadd.s32 v62, v6  }
0x74: {  	v6 =	vadd.s32 $0xFFFFFFFF, v6  }
0x75: {  	v63 =	vld [tilespmem:s0+$0x0];
	v6 =	vnsel vm0, $0x1290, v6;
	_ =	sdelay $0x1  }
0x76: {  	s0 =	spop (v2sf)  }
0x77: {  	s1 =	sadd.s32 $0x3F, s0  }
0x78: {  	s9 =	sand.u32 $0x3F, s1  }
0x79: {  	v5 =	vsub.s32 v5, v3;
	[tilespmem:v6+s16+$0x0] =	vst.idx.msk $0xffff, v63;
	s12 =	sshra.s32 s1, $0x1F;
	p2 =	slt.s32 s1, $0x1;
	p1 =	sne.s32 s9, $0x0  }
0x7a: {  	[tilespmem:v6+s17+$0x0] =	vst.idx.msk $0xffff, v5;
	s9 =	sshrl.u32 s12, $0x1A;
	p1 =	por !p2, !p1  }
0x7b: {  	[tilespmem:$0x4A90] =	vst v7;
	s1 =	sadd.s32 s9, s1;
	s9 =	simm.s32 $0x1;
	p1 =	por !p1, !p1  }
0x7c: {  	[tilespmem:s0+$0x2500] =	vst v1;
	s1 =	sshra.s32 s1, $0x6;
	s9 =	simm.s32 @!p1 $0x0  }
0x7d: {  	[tilespmem:s0+$0x3800] =	vst v2;
	s29 =	ssub.s32 s1, s9  }
0x7e: {  	[tilespmem:s0+$0x2510] =	vst v1;
	p1 =	slt.s32 s29, $0x1  }
.Ltmp9:
0x7f: {  	[tilespmem:s0+$0x3810] =	vst v2;
	(pc) =	sbr.rel @p1 .LBB2_12-.Ltmp9, $4  }
0x80: {  	[tilespmem:s0+$0x2520] =	vst v1  }
0x81: {  	[tilespmem:s0+$0x3820] =	vst v2  }
0x82: {  	[tilespmem:s0+$0x2530] =	vst v1  }
0x83: {  	s30 =	simm.s32 $0x0;
	s31 =	simm.s32 $0x3800;
	[tilespmem:s0+$0x3830] =	vst v2  }
.LBB2_9:
0x84: {  	s0 =	sshll.u32 s30, $0x6  }
0x85: {  	v5 =	vmov s31;
	s0 =	sadd.s32 $0x2500, s0  }
0x86: {  	[tilespmem:s19], [sflag:$0x1] =	stream.indirect.gather [hbm4b:s4+s18], $0x80, s0, s18, $0xb8;
	[tilespmem:$0x1B380] =	vst v63  }
0x87: {  	_ =	swait.ge [sflag:s14], $0x2000  }
0x88: {  	[sflag:s14] =	ssyncset.done $0x0  }
0x89: {  	s12 =	simm.s32 $0x0;
	[sflag:s14] =	ssyncadd.s32 $0xFFFFE000  }
0x8a: {  	v6 =	vld.idx.msk [tilespmem:v5+s12+$0x0 ss:$0x1], $0xffff;
	_ =	sdelay $0x4  }
0x8b: {  	(v2sf) =	vpush v6, $0x0;
	_ =	sdelay $0xe  }
0x8c: {  	s0 =	simm.s32 $0x4B40;
	s1 =	spop (v2sf)  }
0x8d: {  	v6 =	vld [tilespmem:s0+$0xFFFFFFC0];
	s12 =	sshll.u32 s1, $0x7  }
0x8e: {  	v7 =	vld [tilespmem:s12+$0x6B80];
	_ =	sdelay $0x4  }
0x8f: {  	v6 =	vadd.f32 v6, v7;
	_ =	sdelay $0x1  }
0x90: {  	[tilespmem:s12+$0x6B80] =	vst v6;
	v6 =	vld [tilespmem:s12+$0x6B90]  }
0x91: {  	v7 =	vld [tilespmem:s0+$0xFFFFFFD0];
	_ =	sdelay $0x4  }
0x92: {  	v6 =	vadd.f32 v7, v6;
	_ =	sdelay $0x1  }
0x93: {  	[tilespmem:s12+$0x6B90] =	vst v6;
	v6 =	vld [tilespmem:s12+$0x6BA0]  }
0x94: {  	v7 =	vld [tilespmem:s0+$0xFFFFFFE0];
	_ =	sdelay $0x4  }
0x95: {  	v6 =	vadd.f32 v7, v6;
	_ =	sdelay $0x1  }
0x96: {  	[tilespmem:s12+$0x6BA0] =	vst v6;
	v6 =	vld [tilespmem:s12+$0x6BB0]  }
0x97: {  	v7 =	vld [tilespmem:s0+$0xFFFFFFF0];
	_ =	sdelay $0x4  }
0x98: {  	v6 =	vadd.f32 v7, v6;
	_ =	sdelay $0x1  }
0x99: {  	[tilespmem:s12+$0x6BB0] =	vst v6;
	v6 =	vld [tilespmem:s12+$0x6BC0]  }
0x9a: {  	v7 =	vld [tilespmem:s0+$0x0];
	_ =	sdelay $0x4  }
0x9b: {  	v6 =	vadd.f32 v7, v6;
	_ =	sdelay $0x1  }
0x9c: {  	[tilespmem:s12+$0x6BC0] =	vst v6;
	v6 =	vld [tilespmem:s12+$0x6BD0]  }
0x9d: {  	v7 =	vld [tilespmem:s0+$0x10];
	_ =	sdelay $0x4  }
0x9e: {  	v6 =	vadd.f32 v7, v6;
	_ =	sdelay $0x1  }
0x9f: {  	[tilespmem:s12+$0x6BD0] =	vst v6;
	v6 =	vld [tilespmem:s12+$0x6BE0]  }
0xa0: {  	v7 =	vld [tilespmem:s0+$0x20];
	_ =	sdelay $0x4  }
0xa1: {  	v6 =	vadd.f32 v7, v6  }
0xa2: {  	v7 =	vld [tilespmem:s12+$0x10F80]  }
0xa3: {  	[tilespmem:s12+$0x6BE0] =	vst v6;
	v6 =	vld [tilespmem:s12+$0x6BF0]  }
0xa4: {  	v8 =	vld [tilespmem:s0+$0x30];
	_ =	sdelay $0x3  }
0xa5: {  	v7 =	vadd.f32 $1.000000000e+00, v7  }
0xa6: {  	v6 =	vadd.f32 v8, v6  }
0xa7: {  	[tilespmem:s12+$0x10F80] =	vst v7  }
0xa8: {  	s9 =	simm.s32 $0x1;
	s1 =	simm.s32 $0x8;
	[tilespmem:s12+$0x6BF0] =	vst v6  }
.LBB2_10:
0xa9: {  	p1 =	sne.s32 s1, $0xFC;
	v6 =	vld.idx.msk [tilespmem:v5+s9+$0x0 ss:$0x1], $0xffff;
	_ =	sdelay $0x5  }
0xaa: {  	(v2sf) =	vpush v6, $0x0;
	_ =	sdelay $0xe  }
0xab: {  	s0 =	sadd.s32 $0x80, s0;
	s9 =	spop (v2sf)  }
0xac: {  	s12 =	sshll.u32 s9, $0x7;
	v6 =	vld [tilespmem:s0+$0xFFFFFFC0]  }
0xad: {  	v7 =	vld [tilespmem:s12+$0x6B80]  }
0xae: {  	v8 =	vld [tilespmem:s12+$0x10F80];
	_ =	sdelay $0x3  }
0xaf: {  	v6 =	vadd.f32 v6, v7  }
0xb0: {  	v7 =	vadd.f32 $1.000000000e+00, v8  }
0xb1: {  	[tilespmem:s12+$0x6B80] =	vst v6;
	v6 =	vld [tilespmem:s12+$0x6B90]  }
0xb2: {  	v8 =	vld [tilespmem:s0+$0xFFFFFFD0];
	_ =	sdelay $0x4  }
0xb3: {  	v6 =	vadd.f32 v8, v6;
	_ =	sdelay $0x1  }
0xb4: {  	[tilespmem:s12+$0x6B90] =	vst v6;
	v6 =	vld [tilespmem:s12+$0x6BA0]  }
0xb5: {  	v8 =	vld [tilespmem:s0+$0xFFFFFFE0];
	_ =	sdelay $0x4  }
0xb6: {  	v6 =	vadd.f32 v8, v6;
	_ =	sdelay $0x1  }
0xb7: {  	[tilespmem:s12+$0x6BA0] =	vst v6;
	v6 =	vld [tilespmem:s12+$0x6BB0]  }
0xb8: {  	v8 =	vld [tilespmem:s0+$0xFFFFFFF0];
	_ =	sdelay $0x4  }
0xb9: {  	v6 =	vadd.f32 v8, v6;
	_ =	sdelay $0x1  }
0xba: {  	[tilespmem:s12+$0x6BB0] =	vst v6;
	v6 =	vld [tilespmem:s12+$0x6BC0]  }
0xbb: {  	v8 =	vld [tilespmem:s0+$0x0];
	_ =	sdelay $0x4  }
0xbc: {  	v6 =	vadd.f32 v8, v6;
	_ =	sdelay $0x1  }
0xbd: {  	[tilespmem:s12+$0x6BC0] =	vst v6;
	v6 =	vld [tilespmem:s12+$0x6BD0]  }
0xbe: {  	v8 =	vld [tilespmem:s0+$0x10];
	_ =	sdelay $0x4  }
0xbf: {  	v6 =	vadd.f32 v8, v6;
	_ =	sdelay $0x1  }
0xc0: {  	[tilespmem:s12+$0x6BD0] =	vst v6;
	v6 =	vld [tilespmem:s12+$0x6BE0]  }
0xc1: {  	v8 =	vld [tilespmem:s0+$0x20];
	_ =	sdelay $0x4  }
0xc2: {  	v6 =	vadd.f32 v8, v6;
	_ =	sdelay $0x1  }
0xc3: {  	[tilespmem:s12+$0x6BE0] =	vst v6;
	v6 =	vld [tilespmem:s12+$0x6BF0]  }
0xc4: {  	v8 =	vld [tilespmem:s0+$0x30];
	[tilespmem:s12+$0x10F80] =	vst v7;
	_ =	sdelay $0x2  }
.Ltmp10:
0xc5: {  	(pc) =	sbr.rel @p1 .LBB2_10-.Ltmp10, $3  }
0xc6: {  	_ = 	snop  }
0xc7: {  	v6 =	vadd.f32 v8, v6;
	_ =	sdelay $0x1  }
0xc8: {  	s9 =	sshra.s32 s1, $0x2;
	s1 =	sadd.s32 $0x4, s1;
	[tilespmem:s12+$0x6BF0] =	vst v6  }
0xc9: {  	_ =	sdelay $0x3  }
0xca: {  	v5 =	vld.idx.msk [tilespmem:v5+s9+$0x0 ss:$0x1], $0xffff;
	_ =	sdelay $0x4  }
0xcb: {  	(v2sf) =	vpush v5, $0x0;
	_ =	sdelay $0xe  }
0xcc: {  	s0 =	sadd.s32 $0x80, s0;
	s1 =	spop (v2sf)  }
0xcd: {  	v5 =	vld [tilespmem:s0+$0xFFFFFFC0];
	s1 =	sshll.u32 s1, $0x7  }
0xce: {  	v6 =	vld [tilespmem:s1+$0x6B80];
	_ =	sdelay $0x4  }
0xcf: {  	v5 =	vadd.f32 v5, v6;
	_ =	sdelay $0x1  }
0xd0: {  	[tilespmem:s1+$0x6B80] =	vst v5;
	v5 =	vld [tilespmem:s1+$0x6B90]  }
0xd1: {  	v6 =	vld [tilespmem:s0+$0xFFFFFFD0];
	_ =	sdelay $0x4  }
0xd2: {  	v5 =	vadd.f32 v6, v5;
	_ =	sdelay $0x1  }
0xd3: {  	[tilespmem:s1+$0x6B90] =	vst v5;
	v5 =	vld [tilespmem:s1+$0x6BA0]  }
0xd4: {  	v6 =	vld [tilespmem:s0+$0xFFFFFFE0];
	_ =	sdelay $0x4  }
0xd5: {  	v5 =	vadd.f32 v6, v5;
	_ =	sdelay $0x1  }
0xd6: {  	[tilespmem:s1+$0x6BA0] =	vst v5;
	v5 =	vld [tilespmem:s1+$0x6BB0]  }
0xd7: {  	v6 =	vld [tilespmem:s0+$0xFFFFFFF0];
	_ =	sdelay $0x4  }
0xd8: {  	v5 =	vadd.f32 v6, v5;
	_ =	sdelay $0x1  }
0xd9: {  	[tilespmem:s1+$0x6BB0] =	vst v5;
	v5 =	vld [tilespmem:s1+$0x6BC0]  }
0xda: {  	v6 =	vld [tilespmem:s0+$0x0];
	_ =	sdelay $0x4  }
0xdb: {  	v5 =	vadd.f32 v6, v5;
	_ =	sdelay $0x1  }
0xdc: {  	[tilespmem:s1+$0x6BC0] =	vst v5;
	v5 =	vld [tilespmem:s1+$0x6BD0]  }
0xdd: {  	v6 =	vld [tilespmem:s0+$0x10];
	_ =	sdelay $0x4  }
0xde: {  	v5 =	vadd.f32 v6, v5;
	_ =	sdelay $0x1  }
0xdf: {  	[tilespmem:s1+$0x6BD0] =	vst v5;
	v5 =	vld [tilespmem:s1+$0x6BE0]  }
0xe0: {  	v6 =	vld [tilespmem:s0+$0x20];
	_ =	sdelay $0x4  }
0xe1: {  	v5 =	vadd.f32 v6, v5  }
0xe2: {  	v6 =	vld [tilespmem:s1+$0x10F80]  }
0xe3: {  	[tilespmem:s1+$0x6BE0] =	vst v5;
	v5 =	vld [tilespmem:s1+$0x6BF0]  }
0xe4: {  	v7 =	vld [tilespmem:s0+$0x30]  }
0xe5: {  	s30 =	sadd.s32 $0x1, s30  }
0xe6: {  	p1 =	sne.s32 s30, s29  }
.Ltmp11:
0xe7: {  	_ = 	snop;
	(pc) =	sbr.rel @p1 .LBB2_9-.Ltmp11, $4  }
.Ltmp12:
0xe8: {  	v6 =	vadd.f32 $1.000000000e+00, v6;
	(pc) =	sbr.rel @!p1 .LBB2_12-.Ltmp12, $4  }
0xe9: {  	v5 =	vadd.f32 v7, v5  }
0xea: {  	[tilespmem:s1+$0x10F80] =	vst v6  }
0xeb: {  	s31 =	sadd.s32 $0x40, s31;
	[tilespmem:s1+$0x6BF0] =	vst v5  }
0xec: {  	_ = 	snop  }
.LBB2_15:
0xed: {  	_ =	sfence.sel $0x180000  }
0xee: {  	[bflag:$0x0] =	sbarrier.arrive $0xFFFF  }
0xef: {  	_ =	strace $0x90000050  }
0xf0: {  	s0 =	stileid.u32;
	[bflag:$0x2] =	sbarrier.arrive $0xFFFF  }
0xf1: {  	p0 =	sne.s32 s0, $0x0;
	s0 =	rddreg [dreg:$0x2]  }
0xf2: {  	s0 =	sadd.s32 @!p0 $0x100000, s0  }
0xf3: {  	[sflag:s0] =	ssyncadd.tile.s32 @!p0 $0x1;
	_ =	shalt  }
.Lfunc_end2:
_tile_overlayer_lowered:
.L_overlay_start_2:
0xf4: {  	(tag) =	ssettag $0x2  }
0xf5: {  	s0 =	rddreg [dreg:$0x0];
	s2 =	stileid.u32  }
0xf6: {  	s1 =	rddreg [dreg:$0x1];
	p0 =	sne.s32 s2, $0x0  }
0xf7: {  	s3 =	rddreg [dreg:$0x2];
	[bflag:$0x3] =	sbarrier.arrive $0xFFFF;
	s2 =	simm.s32 @!p0 $0x1C02  }
0xf8: {  	[timem:s3], [sflag:s2] =	dma.local @!p0 [hbm:s0], s1  }
0xf9: {  	s0 =	simm.s32 @!p0 $0x2  }
0xfa: {  	_ =	swait.ge @!p0 [sflag:s0], s1  }
0xfb: {  	s1 =	ssub.s32 @!p0 $0x0, s1;
	[sflag:s0] =	ssyncset.done @!p0 $0x0  }
0xfc: {  	[sflag:s0] =	ssyncadd.s32 @!p0 s1  }
0xfd: {  	[bflag:$0x3] =	sbarrier.arrive $0xFFFF  }
0xfe: {  	_ =	shalt  }

</sc_bundles>
